<compile_context>
chip_gen: v7x
topology: tpu7x:2x2x1
jax: 0.10.2.dev20260603
libtpu: 0.0.44.dev20260713+nightly
codegen_flags: <defaults>
</compile_context>

<pallas_src>
import functools

import jax
import jax.numpy as jnp
from jax import lax
from jax.experimental import pallas as pl
from jax.experimental.pallas import tpu as pltpu
from jax.experimental.pallas import tpu_sc as plsc

_B = 4096
_M = 10
_K = 128
_VROWS = 1001
_NS = 8
_ND = 4
_F = _NS * _M
_FP = 88

_NC = 2
_NSUB = 16
_NW = _NC * _NSUB
_BPW = _B // _NW
_L = 16
_KV = _K // _L

_VP = 1000
_ZROW = _NS * _VP
_SCROWS = _ZROW + 8
_CHUNK = 64
_NST = 15
_LCHUNK = _VP - _NST * _CHUNK

_mesh = plsc.VectorSubcoreMesh(core_axis_name="c", subcore_axis_name="s")


@functools.partial(
    pl.kernel,
    mesh=_mesh,
    compiler_params=pltpu.CompilerParams(needs_layout_passes=False),
    out_type=(
        jax.ShapeDtypeStruct((_B,), jnp.float32),
        jax.ShapeDtypeStruct((_NC * _SCROWS, _K), jnp.float32),
    ),
    scratch_types=[
        pltpu.VMEM((_BPW * _FP + _L,), jnp.int32),
        pltpu.VMEM((_F, _K), jnp.float32),
        pltpu.VMEM((_F, _K), jnp.float32),
        pltpu.VMEM((_F, _K), jnp.float32),
        pltpu.VMEM((_F, _K), jnp.float32),
        pltpu.VMEM((_F, _K), jnp.float32),
        pltpu.VMEM((_F, _K), jnp.float32),
        pltpu.VMEM((_F, _K), jnp.float32),
        pltpu.VMEM((_F, _K), jnp.float32),
        pltpu.VMEM((_ND * _K,), jnp.float32),
        pltpu.VMEM((_BPW * _L,), jnp.float32),
        pltpu.VMEM((_BPW,), jnp.float32),
        pltpu.VMEM((8, _K), jnp.float32),
        pltpu.SemaphoreType.DMA,
        pltpu.SemaphoreType.DMA,
        pltpu.SemaphoreType.DMA,
        pltpu.SemaphoreType.DMA,
        pltpu.SemaphoreType.DMA,
        pltpu.SemaphoreType.DMA,
        pltpu.SemaphoreType.DMA,
        pltpu.SemaphoreType.DMA,
    ],
)
def _fm_sc(e0, e1, e2, e3, e4, e5, e6, e7, pk_hbm, v_hbm,
           out_hbm, stag,
           gidx, buf0, buf1, buf2, buf3, buf4, buf5, buf6, buf7,
           vtab, totb, outv, zrow,
           sem0, sem1, sem2, sem3, sem4, sem5, sem6, sem7):
    cid = lax.axis_index("c")
    sid = lax.axis_index("s")
    wid = sid * _NC + cid
    cbase = cid * _SCROWS

    embs = (e0, e1, e2, e3, e4, e5, e6, e7)
    bufs = (buf0, buf1, buf2, buf3, buf4, buf5, buf6, buf7)
    sems = (sem0, sem1, sem2, sem3, sem4, sem5, sem6, sem7)

    pltpu.sync_copy(pk_hbm.at[pl.ds(wid * (_BPW * _FP), _BPW * _FP)],
                    gidx.at[pl.ds(0, _BPW * _FP)])
    pltpu.sync_copy(v_hbm, vtab)

    zero = jnp.zeros((_L,), jnp.float32)

    def _stage_read(i, n):
        return pltpu.make_async_copy(
            embs[i].at[pl.ds(sid * _CHUNK, n)],
            bufs[i].at[pl.ds(0, n)], sems[i])

    def _stage_write(i, n):
        return pltpu.make_async_copy(
            bufs[i].at[pl.ds(0, n)],
            stag.at[pl.ds(cbase + i * _VP + sid * _CHUNK, n)], sems[i])

    for i in range(_NS):
        @pl.when(sid < _NST)
        def _():
            _stage_read(i, _CHUNK).start()

        @pl.when(sid == _NST)
        def _():
            _stage_read(i, _LCHUNK).start()

    for i in range(_NS):
        @pl.when(sid < _NST)
        def _():
            _stage_read(i, _CHUNK).wait()
            _stage_write(i, _CHUNK).start()

        @pl.when(sid == _NST)
        def _():
            _stage_read(i, _LCHUNK).wait()
            _stage_write(i, _LCHUNK).start()

    @pl.when(sid == _NSUB - 1)
    def _():
        for r in range(8):
            for jj in range(_KV):
                zrow[r, pl.ds(_L * jj, _L)] = zero
        pltpu.sync_copy(zrow, stag.at[pl.ds(cbase + _ZROW, 8)])

    lanes = lax.iota(jnp.int32, _L)
    offv = [((lanes + _L * j) // _M) * _VP for j in range(_F // _L)]

    def _remap(b, carry):
        base = b * _FP
        for j in range(_F // _L):
            sl = pl.ds(base + _L * j, _L)
            s = gidx[sl]
            gidx[sl] = cbase + jnp.where(s == 0, _ZROW, s + offv[j])
        return carry

    lax.fori_loop(0, _BPW, _remap, 0, unroll=4)

    lane_ids = lax.iota(jnp.int32, _L)

    for i in range(_NS):
        @pl.when(sid < _NST)
        def _():
            _stage_write(i, _CHUNK).wait()

        @pl.when(sid == _NST)
        def _():
            _stage_write(i, _LCHUNK).wait()

    plsc.subcore_barrier()

    def _gather_start(b, buf, sem):
        pltpu.make_async_copy(
            stag.at[gidx.at[pl.ds(b * _FP, _F)]], buf, sem).start()

    def _gather_wait(b, buf, sem):
        pltpu.make_async_copy(
            stag.at[gidx.at[pl.ds(b * _FP, _F)]], buf, sem).wait()

    def _process(b, buf):
        def _row(r, carry):
            acc, qq = carry
            acc = list(acc)
            qq = list(qq)
            for jj in range(_KV):
                x = buf[r, pl.ds(_L * jj, _L)]
                acc[jj] = acc[jj] + x
                qq[jj] = qq[jj] + x * x
            return (tuple(acc), tuple(qq))

        init = (tuple([zero] * _KV), tuple([zero] * _KV))
        acc, qq = lax.fori_loop(0, _F, _row, init, unroll=4)
        acc = list(acc)
        qq = list(qq)
        dv = plsc.bitcast(gidx[pl.ds(b * _FP + _F, _L)], jnp.float32)
        for j in range(_ND):
            dj = jnp.full((_L,), dv[j], jnp.float32)
            for jj in range(_KV):
                t = dj * vtab[pl.ds(j * _K + _L * jj, _L)]
                acc[jj] = acc[jj] + t
                qq[jj] = qq[jj] + t * t
        tot = zero
        for jj in range(_KV):
            tot = tot + (acc[jj] * acc[jj] - qq[jj])
        totb[pl.ds(b * _L, _L)] = tot

    for j in range(3):
        _gather_start(j, bufs[j], sems[j])

    def _step(i, carry):
        for k in range(4):
            b = i * 4 + k
            nk = (k + 3) % 4

            @pl.when(b + 3 < _BPW)
            def _():
                _gather_start(b + 3, bufs[nk], sems[nk])

            _gather_wait(b, bufs[k], sems[k])
            _process(b, bufs[k])
        return carry

    lax.fori_loop(0, _BPW // 4, _step, 0)

    def _reduce_group(g, carry):
        acc = zero
        for j in range(_L):
            col = plsc.load_gather(totb, [g * (_L * _L) + lane_ids * _L + j])
            acc = acc + col
        outv[pl.ds(g * _L, _L)] = 0.5 * acc
        return carry

    lax.fori_loop(0, _BPW // _L, _reduce_group, 0)

    pltpu.sync_copy(outv, out_hbm.at[pl.ds(wid * _BPW, _BPW)])


def kernel(s0, s1, s2, s3, s4, s5, s6, s7, d0, d1, d2, d3,
           emb0, emb1, emb2, emb3, emb4, emb5, emb6, emb7, v):
    db = [jax.lax.bitcast_convert_type(d, jnp.int32) for d in (d0, d1, d2, d3)]
    pad = jnp.zeros((_B, _FP - _F - _ND), jnp.int32)
    pack = jnp.concatenate(
        [s0, s1, s2, s3, s4, s5, s6, s7] + db + [pad], axis=1).reshape(-1)
    res, _ = _fm_sc(emb0, emb1, emb2, emb3, emb4, emb5, emb6, emb7,
                    pack, v.reshape(-1))
    return res

# --- scband reference (transcript-rebuilt; emitter-appended) ---
"""Pipeline reference for scband-mixed-v-45818711113996 (READ-ONLY COPY).

The authoritative reference and input builder live on the scoring server;
editing this copy changes nothing except your own understanding.
"""

import jax, jax.numpy as jnp
import numpy as np

B = 4096
M = 10
K = 128
V = 1000
NS = 8
ND = 4

def setup_inputs(seed: int = 0) -> dict:
    key = jax.random.key(seed)
    inp = {}
    for i in range(NS):
        key, k1 = jax.random.split(key)
        inp[f"s{i}"] = jax.random.randint(k1, (B, M), 0, V, dtype=jnp.int32)
    for i in range(ND):
        key, k1 = jax.random.split(key)
        inp[f"d{i}"] = jax.random.normal(k1, (B, 1), dtype=jnp.float32)
    for i in range(NS):
        key, k1 = jax.random.split(key)
        inp[f"emb{i}"] = jax.random.normal(k1, (V + 1, K), dtype=jnp.float32) * 0.05
    key, k1 = jax.random.split(key)
    inp["v"] = jax.random.normal(k1, (ND, K), dtype=jnp.float32) * 0.05
    return inp

def reference(s0, s1, s2, s3, s4, s5, s6, s7, d0, d1, d2, d3,
              emb0, emb1, emb2, emb3, emb4, emb5, emb6, emb7, v):
    sparse_idx = [s0, s1, s2, s3, s4, s5, s6, s7]
    tables = [emb0, emb1, emb2, emb3, emb4, emb5, emb6, emb7]
    es = []
    for idx, tab in zip(sparse_idx, tables):
        e = jnp.take(tab, idx, axis=0)  # [B, M, K] embedding gather
        # MaskEmbedding: zero out padding index 0
        mask = (idx != 0).astype(jnp.float32)[..., None]
        es.append(e * mask)
    v_sparse = jnp.concatenate(es, axis=1)  # [B, NS*M, K]
    dense = jnp.concatenate([d0, d1, d2, d3], axis=1)  # [B, ND]
    eye = jnp.eye(ND, dtype=jnp.float32)
    dense_mat = dense[:, :, None] * eye[None, :, :]  # [B, ND, ND]
    v_dense = jnp.matmul(dense_mat, v)  # [B, ND, K]
    global_v = jnp.concatenate([v_sparse, v_dense], axis=1)  # [B, NS*M+ND, K]
    rows_sum = jnp.sum(global_v, axis=1) ** 2  # [B, K]
    squared_rows_sum = jnp.sum(global_v * global_v, axis=1)  # [B, K]
    all_interactions = 0.5 * jnp.sum(rows_sum - squared_rows_sum, axis=1)  # [B]
    return all_interactions

if __name__ == "__main__":
    import jax
    _d = setup_inputs()
    print(jax.jit(kernel)(*tuple(_d.values())))

</pallas_src>

<mosaic_0001>
#map = affine_map<(d0, d1) -> (0, 0)>
#map1 = affine_map<(d0, d1) -> (0)>
module attributes {stable_mosaic.version = 14 : i64} {
  func.func @_fm_sc(%arg0: i32, %arg1: i32, %arg2: memref<1001x128xf32, #tpu.memory_space<hbm>>, %arg3: memref<1001x128xf32, #tpu.memory_space<hbm>>, %arg4: memref<1001x128xf32, #tpu.memory_space<hbm>>, %arg5: memref<1001x128xf32, #tpu.memory_space<hbm>>, %arg6: memref<1001x128xf32, #tpu.memory_space<hbm>>, %arg7: memref<1001x128xf32, #tpu.memory_space<hbm>>, %arg8: memref<1001x128xf32, #tpu.memory_space<hbm>>, %arg9: memref<1001x128xf32, #tpu.memory_space<hbm>>, %arg10: memref<360448xi32, #tpu.memory_space<hbm>>, %arg11: memref<512xf32, #tpu.memory_space<hbm>>, %arg12: memref<4096xf32, #tpu.memory_space<hbm>>, %arg13: memref<16016x128xf32, #tpu.memory_space<hbm>>, %arg14: memref<11280xi32, #tpu.memory_space<vmem>>, %arg15: memref<80x128xf32, #tpu.memory_space<vmem>>, %arg16: memref<80x128xf32, #tpu.memory_space<vmem>>, %arg17: memref<80x128xf32, #tpu.memory_space<vmem>>, %arg18: memref<80x128xf32, #tpu.memory_space<vmem>>, %arg19: memref<80x128xf32, #tpu.memory_space<vmem>>, %arg20: memref<80x128xf32, #tpu.memory_space<vmem>>, %arg21: memref<80x128xf32, #tpu.memory_space<vmem>>, %arg22: memref<80x128xf32, #tpu.memory_space<vmem>>, %arg23: memref<512xf32, #tpu.memory_space<vmem>>, %arg24: memref<2048xf32, #tpu.memory_space<vmem>>, %arg25: memref<128xf32, #tpu.memory_space<vmem>>, %arg26: memref<8x128xf32, #tpu.memory_space<vmem>>, %arg27: memref<!tpu.dma_semaphore, #tpu.memory_space<semaphore_mem>>, %arg28: memref<!tpu.dma_semaphore, #tpu.memory_space<semaphore_mem>>, %arg29: memref<!tpu.dma_semaphore, #tpu.memory_space<semaphore_mem>>, %arg30: memref<!tpu.dma_semaphore, #tpu.memory_space<semaphore_mem>>, %arg31: memref<!tpu.dma_semaphore, #tpu.memory_space<semaphore_mem>>, %arg32: memref<!tpu.dma_semaphore, #tpu.memory_space<semaphore_mem>>, %arg33: memref<!tpu.dma_semaphore, #tpu.memory_space<semaphore_mem>>, %arg34: memref<!tpu.dma_semaphore, #tpu.memory_space<semaphore_mem>>) attributes {dimension_semantics = [#tpu.dimension_semantics<core_parallel>, #tpu.dimension_semantics<subcore_parallel>], iteration_bounds = array<i64: 2, 16>, scalar_prefetch = 0 : i64, scratch_operands = 21 : i64, tpu.core_type = #tpu.core_type<sc_vector_subcore>, window_params = [{transform_indices = #map}, {transform_indices = #map}, {transform_indices = #map}, {transform_indices = #map}, {transform_indices = #map}, {transform_indices = #map}, {transform_indices = #map}, {transform_indices = #map}, {transform_indices = #map1}, {transform_indices = #map1}, {transform_indices = #map1}, {transform_indices = #map}]} {
    %mul3A = arith.constant 2 : i32
    %mul3A_0 = arith.muli %arg1, %mul3A : i32
    %add3A = arith.addi %mul3A_0, %arg0 : i32
    %mul3A_1 = arith.constant 8008 : i32
    %mul3A_2 = arith.muli %arg0, %mul3A_1 : i32
    %mul3A_3 = arith.constant 11264 : i32
    %mul3A_4 = arith.muli %add3A, %mul3A_3 : i32
    "tpu.region"() ({
      %run_scoped3A = tpu.sem_alloc : memref<!tpu.dma_semaphore, #tpu.memory_space<semaphore_mem>>
      %dma_start3A_458 = arith.constant 0 : i32
      %dma_start3A_459 = tpu.memref_slice %arg14[%dma_start3A_458] : memref<11280xi32, #tpu.memory_space<vmem>> -> memref<11264xi32, #tpu.memory_space<vmem>>
      %dma_start3A_460 = tpu.memref_slice %arg10[%mul3A_4] : memref<360448xi32, #tpu.memory_space<hbm>> -> memref<11264xi32, #tpu.memory_space<hbm>>
      %dma_start3A_461 = arith.constant 0 : i32
      %dma_start3A_462 = tpu.memref_slice %arg14[%dma_start3A_461] : memref<11280xi32, #tpu.memory_space<vmem>> -> memref<11264xi32, #tpu.memory_space<vmem>>
      %dma_start3A_463 = tpu.memref_slice %arg10[%mul3A_4] : memref<360448xi32, #tpu.memory_space<hbm>> -> memref<11264xi32, #tpu.memory_space<hbm>>
      tpu.enqueue_dma source(%dma_start3A_463 : memref<11264xi32, #tpu.memory_space<hbm>>) target(%dma_start3A_462 : memref<11264xi32, #tpu.memory_space<vmem>>) target_semaphore(%run_scoped3A : memref<!tpu.dma_semaphore, #tpu.memory_space<semaphore_mem>>)
      %dma_wait3A = arith.constant 0 : i32
      %dma_wait3A_464 = tpu.memref_slice %arg14[%dma_wait3A] : memref<11280xi32, #tpu.memory_space<vmem>> -> memref<11264xi32, #tpu.memory_space<vmem>>
      %dma_wait3A_465 = tpu.memref_slice %arg10[%mul3A_4] : memref<360448xi32, #tpu.memory_space<hbm>> -> memref<11264xi32, #tpu.memory_space<hbm>>
      %dma_wait3A_466 = arith.constant 0 : i32
      %dma_wait3A_467 = tpu.memref_slice %arg14[%dma_wait3A_466] : memref<11280xi32, #tpu.memory_space<vmem>> -> memref<11264xi32, #tpu.memory_space<vmem>>
      %dma_wait3A_468 = tpu.memref_slice %arg10[%mul3A_4] : memref<360448xi32, #tpu.memory_space<hbm>> -> memref<11264xi32, #tpu.memory_space<hbm>>
      tpu.wait_dma2 semaphore(%run_scoped3A : memref<!tpu.dma_semaphore, #tpu.memory_space<semaphore_mem>>) src(%dma_wait3A_468 : memref<11264xi32, #tpu.memory_space<hbm>>) dst(%dma_wait3A_467 : memref<11264xi32, #tpu.memory_space<vmem>>)
      tpu.yield
    }) : () -> ()
    "tpu.region"() ({
      %run_scoped3A = tpu.sem_alloc : memref<!tpu.dma_semaphore, #tpu.memory_space<semaphore_mem>>
      tpu.enqueue_dma source(%arg11 : memref<512xf32, #tpu.memory_space<hbm>>) target(%arg23 : memref<512xf32, #tpu.memory_space<vmem>>) target_semaphore(%run_scoped3A : memref<!tpu.dma_semaphore, #tpu.memory_space<semaphore_mem>>)
      tpu.wait_dma2 semaphore(%run_scoped3A : memref<!tpu.dma_semaphore, #tpu.memory_space<semaphore_mem>>) src(%arg11 : memref<512xf32, #tpu.memory_space<hbm>>) dst(%arg23 : memref<512xf32, #tpu.memory_space<vmem>>)
      tpu.yield
    }) : () -> ()
    %broadcast_in_dim3A = arith.constant 0.000000e+00 : f32
    %broadcast_in_dim3A_5 = vector.broadcast %broadcast_in_dim3A : f32 to vector<16xf32>
    %lt3A = arith.constant 15 : i32
    %lt3A_6 = arith.cmpi slt, %arg1, %lt3A : i32
    %convert_element_type3A = arith.extui %lt3A_6 : i1 to i32
    %cond3A = arith.constant 0 : i32
    %cond3A_7 = arith.cmpi ne, %convert_element_type3A, %cond3A : i32
    scf.if %cond3A_7 {
      %mul3A_458 = arith.constant 64 : i32
      %mul3A_459 = arith.muli %arg1, %mul3A_458 : i32
      %dma_start3A_460 = arith.constant 0 : i32
      %dma_start3A_461 = arith.constant 0 : i32
      %dma_start3A_462 = tpu.memref_slice %arg15[%dma_start3A_460, %dma_start3A_461] : memref<80x128xf32, #tpu.memory_space<vmem>> -> memref<64x128xf32, #tpu.memory_space<vmem>>
      %dma_start3A_463 = arith.constant 0 : i32
      %dma_start3A_464 = tpu.memref_slice %arg2[%mul3A_459, %dma_start3A_463] : memref<1001x128xf32, #tpu.memory_space<hbm>> -> memref<64x128xf32, #tpu.memory_space<hbm>>
      %dma_start3A_465 = arith.constant 0 : i32
      %dma_start3A_466 = arith.constant 0 : i32
      %dma_start3A_467 = tpu.memref_slice %arg15[%dma_start3A_465, %dma_start3A_466] : memref<80x128xf32, #tpu.memory_space<vmem>> -> memref<64x128xf32, #tpu.memory_space<vmem>>
      %dma_start3A_468 = arith.constant 0 : i32
      %dma_start3A_469 = tpu.memref_slice %arg2[%mul3A_459, %dma_start3A_468] : memref<1001x128xf32, #tpu.memory_space<hbm>> -> memref<64x128xf32, #tpu.memory_space<hbm>>
      tpu.enqueue_dma source(%dma_start3A_469 : memref<64x128xf32, #tpu.memory_space<hbm>>) target(%dma_start3A_467 : memref<64x128xf32, #tpu.memory_space<vmem>>) target_semaphore(%arg27 : memref<!tpu.dma_semaphore, #tpu.memory_space<semaphore_mem>>)
    } else {
    }
    %eq3A = arith.constant 15 : i32
    %eq3A_8 = arith.cmpi eq, %arg1, %eq3A : i32
    %convert_element_type3A_9 = arith.extui %eq3A_8 : i1 to i32
    %cond3A_10 = arith.constant 0 : i32
    %cond3A_11 = arith.cmpi ne, %convert_element_type3A_9, %cond3A_10 : i32
    scf.if %cond3A_11 {
      %mul3A_458 = arith.constant 64 : i32
      %mul3A_459 = arith.muli %arg1, %mul3A_458 : i32
      %dma_start3A_460 = arith.constant 0 : i32
      %dma_start3A_461 = arith.constant 0 : i32
      %dma_start3A_462 = tpu.memref_slice %arg15[%dma_start3A_460, %dma_start3A_461] : memref<80x128xf32, #tpu.memory_space<vmem>> -> memref<40x128xf32, #tpu.memory_space<vmem>>
      %dma_start3A_463 = arith.constant 0 : i32
      %dma_start3A_464 = tpu.memref_slice %arg2[%mul3A_459, %dma_start3A_463] : memref<1001x128xf32, #tpu.memory_space<hbm>> -> memref<40x128xf32, #tpu.memory_space<hbm>>
      %dma_start3A_465 = arith.constant 0 : i32
      %dma_start3A_466 = arith.constant 0 : i32
      %dma_start3A_467 = tpu.memref_slice %arg15[%dma_start3A_465, %dma_start3A_466] : memref<80x128xf32, #tpu.memory_space<vmem>> -> memref<40x128xf32, #tpu.memory_space<vmem>>
      %dma_start3A_468 = arith.constant 0 : i32
      %dma_start3A_469 = tpu.memref_slice %arg2[%mul3A_459, %dma_start3A_468] : memref<1001x128xf32, #tpu.memory_space<hbm>> -> memref<40x128xf32, #tpu.memory_space<hbm>>
      tpu.enqueue_dma source(%dma_start3A_469 : memref<40x128xf32, #tpu.memory_space<hbm>>) target(%dma_start3A_467 : memref<40x128xf32, #tpu.memory_space<vmem>>) target_semaphore(%arg27 : memref<!tpu.dma_semaphore, #tpu.memory_space<semaphore_mem>>)
    } else {
    }
    %lt3A_12 = arith.constant 15 : i32
    %lt3A_13 = arith.cmpi slt, %arg1, %lt3A_12 : i32
    %convert_element_type3A_14 = arith.extui %lt3A_13 : i1 to i32
    %cond3A_15 = arith.constant 0 : i32
    %cond3A_16 = arith.cmpi ne, %convert_element_type3A_14, %cond3A_15 : i32
    scf.if %cond3A_16 {
      %mul3A_458 = arith.constant 64 : i32
      %mul3A_459 = arith.muli %arg1, %mul3A_458 : i32
      %dma_start3A_460 = arith.constant 0 : i32
      %dma_start3A_461 = arith.constant 0 : i32
      %dma_start3A_462 = tpu.memref_slice %arg16[%dma_start3A_460, %dma_start3A_461] : memref<80x128xf32, #tpu.memory_space<vmem>> -> memref<64x128xf32, #tpu.memory_space<vmem>>
      %dma_start3A_463 = arith.constant 0 : i32
      %dma_start3A_464 = tpu.memref_slice %arg3[%mul3A_459, %dma_start3A_463] : memref<1001x128xf32, #tpu.memory_space<hbm>> -> memref<64x128xf32, #tpu.memory_space<hbm>>
      %dma_start3A_465 = arith.constant 0 : i32
      %dma_start3A_466 = arith.constant 0 : i32
      %dma_start3A_467 = tpu.memref_slice %arg16[%dma_start3A_465, %dma_start3A_466] : memref<80x128xf32, #tpu.memory_space<vmem>> -> memref<64x128xf32, #tpu.memory_space<vmem>>
      %dma_start3A_468 = arith.constant 0 : i32
      %dma_start3A_469 = tpu.memref_slice %arg3[%mul3A_459, %dma_start3A_468] : memref<1001x128xf32, #tpu.memory_space<hbm>> -> memref<64x128xf32, #tpu.memory_space<hbm>>
      tpu.enqueue_dma source(%dma_start3A_469 : memref<64x128xf32, #tpu.memory_space<hbm>>) target(%dma_start3A_467 : memref<64x128xf32, #tpu.memory_space<vmem>>) target_semaphore(%arg28 : memref<!tpu.dma_semaphore, #tpu.memory_space<semaphore_mem>>)
    } else {
    }
    %eq3A_17 = arith.constant 15 : i32
    %eq3A_18 = arith.cmpi eq, %arg1, %eq3A_17 : i32
    %convert_element_type3A_19 = arith.extui %eq3A_18 : i1 to i32
    %cond3A_20 = arith.constant 0 : i32
    %cond3A_21 = arith.cmpi ne, %convert_element_type3A_19, %cond3A_20 : i32
    scf.if %cond3A_21 {
      %mul3A_458 = arith.constant 64 : i32
      %mul3A_459 = arith.muli %arg1, %mul3A_458 : i32
      %dma_start3A_460 = arith.constant 0 : i32
      %dma_start3A_461 = arith.constant 0 : i32
      %dma_start3A_462 = tpu.memref_slice %arg16[%dma_start3A_460, %dma_start3A_461] : memref<80x128xf32, #tpu.memory_space<vmem>> -> memref<40x128xf32, #tpu.memory_space<vmem>>
      %dma_start3A_463 = arith.constant 0 : i32
      %dma_start3A_464 = tpu.memref_slice %arg3[%mul3A_459, %dma_start3A_463] : memref<1001x128xf32, #tpu.memory_space<hbm>> -> memref<40x128xf32, #tpu.memory_space<hbm>>
      %dma_start3A_465 = arith.constant 0 : i32
      %dma_start3A_466 = arith.constant 0 : i32
      %dma_start3A_467 = tpu.memref_slice %arg16[%dma_start3A_465, %dma_start3A_466] : memref<80x128xf32, #tpu.memory_space<vmem>> -> memref<40x128xf32, #tpu.memory_space<vmem>>
      %dma_start3A_468 = arith.constant 0 : i32
      %dma_start3A_469 = tpu.memref_slice %arg3[%mul3A_459, %dma_start3A_468] : memref<1001x128xf32, #tpu.memory_space<hbm>> -> memref<40x128xf32, #tpu.memory_space<hbm>>
      tpu.enqueue_dma source(%dma_start3A_469 : memref<40x128xf32, #tpu.memory_space<hbm>>) target(%dma_start3A_467 : memref<40x128xf32, #tpu.memory_space<vmem>>) target_semaphore(%arg28 : memref<!tpu.dma_semaphore, #tpu.memory_space<semaphore_mem>>)
    } else {
    }
    %lt3A_22 = arith.constant 15 : i32
    %lt3A_23 = arith.cmpi slt, %arg1, %lt3A_22 : i32
    %convert_element_type3A_24 = arith.extui %lt3A_23 : i1 to i32
    %cond3A_25 = arith.constant 0 : i32
    %cond3A_26 = arith.cmpi ne, %convert_element_type3A_24, %cond3A_25 : i32
    scf.if %cond3A_26 {
      %mul3A_458 = arith.constant 64 : i32
      %mul3A_459 = arith.muli %arg1, %mul3A_458 : i32
      %dma_start3A_460 = arith.constant 0 : i32
      %dma_start3A_461 = arith.constant 0 : i32
      %dma_start3A_462 = tpu.memref_slice %arg17[%dma_start3A_460, %dma_start3A_461] : memref<80x128xf32, #tpu.memory_space<vmem>> -> memref<64x128xf32, #tpu.memory_space<vmem>>
      %dma_start3A_463 = arith.constant 0 : i32
      %dma_start3A_464 = tpu.memref_slice %arg4[%mul3A_459, %dma_start3A_463] : memref<1001x128xf32, #tpu.memory_space<hbm>> -> memref<64x128xf32, #tpu.memory_space<hbm>>
      %dma_start3A_465 = arith.constant 0 : i32
      %dma_start3A_466 = arith.constant 0 : i32
      %dma_start3A_467 = tpu.memref_slice %arg17[%dma_start3A_465, %dma_start3A_466] : memref<80x128xf32, #tpu.memory_space<vmem>> -> memref<64x128xf32, #tpu.memory_space<vmem>>
      %dma_start3A_468 = arith.constant 0 : i32
      %dma_start3A_469 = tpu.memref_slice %arg4[%mul3A_459, %dma_start3A_468] : memref<1001x128xf32, #tpu.memory_space<hbm>> -> memref<64x128xf32, #tpu.memory_space<hbm>>
      tpu.enqueue_dma source(%dma_start3A_469 : memref<64x128xf32, #tpu.memory_space<hbm>>) target(%dma_start3A_467 : memref<64x128xf32, #tpu.memory_space<vmem>>) target_semaphore(%arg29 : memref<!tpu.dma_semaphore, #tpu.memory_space<semaphore_mem>>)
    } else {
    }
    %eq3A_27 = arith.constant 15 : i32
    %eq3A_28 = arith.cmpi eq, %arg1, %eq3A_27 : i32
    %convert_element_type3A_29 = arith.extui %eq3A_28 : i1 to i32
    %cond3A_30 = arith.constant 0 : i32
    %cond3A_31 = arith.cmpi ne, %convert_element_type3A_29, %cond3A_30 : i32
    scf.if %cond3A_31 {
      %mul3A_458 = arith.constant 64 : i32
      %mul3A_459 = arith.muli %arg1, %mul3A_458 : i32
      %dma_start3A_460 = arith.constant 0 : i32
      %dma_start3A_461 = arith.constant 0 : i32
      %dma_start3A_462 = tpu.memref_slice %arg17[%dma_start3A_460, %dma_start3A_461] : memref<80x128xf32, #tpu.memory_space<vmem>> -> memref<40x128xf32, #tpu.memory_space<vmem>>
      %dma_start3A_463 = arith.constant 0 : i32
      %dma_start3A_464 = tpu.memref_slice %arg4[%mul3A_459, %dma_start3A_463] : memref<1001x128xf32, #tpu.memory_space<hbm>> -> memref<40x128xf32, #tpu.memory_space<hbm>>
      %dma_start3A_465 = arith.constant 0 : i32
      %dma_start3A_466 = arith.constant 0 : i32
      %dma_start3A_467 = tpu.memref_slice %arg17[%dma_start3A_465, %dma_start3A_466] : memref<80x128xf32, #tpu.memory_space<vmem>> -> memref<40x128xf32, #tpu.memory_space<vmem>>
      %dma_start3A_468 = arith.constant 0 : i32
      %dma_start3A_469 = tpu.memref_slice %arg4[%mul3A_459, %dma_start3A_468] : memref<1001x128xf32, #tpu.memory_space<hbm>> -> memref<40x128xf32, #tpu.memory_space<hbm>>
      tpu.enqueue_dma source(%dma_start3A_469 : memref<40x128xf32, #tpu.memory_space<hbm>>) target(%dma_start3A_467 : memref<40x128xf32, #tpu.memory_space<vmem>>) target_semaphore(%arg29 : memref<!tpu.dma_semaphore, #tpu.memory_space<semaphore_mem>>)
    } else {
    }
    %lt3A_32 = arith.constant 15 : i32
    %lt3A_33 = arith.cmpi slt, %arg1, %lt3A_32 : i32
    %convert_element_type3A_34 = arith.extui %lt3A_33 : i1 to i32
    %cond3A_35 = arith.constant 0 : i32
    %cond3A_36 = arith.cmpi ne, %convert_element_type3A_34, %cond3A_35 : i32
    scf.if %cond3A_36 {
      %mul3A_458 = arith.constant 64 : i32
      %mul3A_459 = arith.muli %arg1, %mul3A_458 : i32
      %dma_start3A_460 = arith.constant 0 : i32
      %dma_start3A_461 = arith.constant 0 : i32
      %dma_start3A_462 = tpu.memref_slice %arg18[%dma_start3A_460, %dma_start3A_461] : memref<80x128xf32, #tpu.memory_space<vmem>> -> memref<64x128xf32, #tpu.memory_space<vmem>>
      %dma_start3A_463 = arith.constant 0 : i32
      %dma_start3A_464 = tpu.memref_slice %arg5[%mul3A_459, %dma_start3A_463] : memref<1001x128xf32, #tpu.memory_space<hbm>> -> memref<64x128xf32, #tpu.memory_space<hbm>>
      %dma_start3A_465 = arith.constant 0 : i32
      %dma_start3A_466 = arith.constant 0 : i32
      %dma_start3A_467 = tpu.memref_slice %arg18[%dma_start3A_465, %dma_start3A_466] : memref<80x128xf32, #tpu.memory_space<vmem>> -> memref<64x128xf32, #tpu.memory_space<vmem>>
      %dma_start3A_468 = arith.constant 0 : i32
      %dma_start3A_469 = tpu.memref_slice %arg5[%mul3A_459, %dma_start3A_468] : memref<1001x128xf32, #tpu.memory_space<hbm>> -> memref<64x128xf32, #tpu.memory_space<hbm>>
      tpu.enqueue_dma source(%dma_start3A_469 : memref<64x128xf32, #tpu.memory_space<hbm>>) target(%dma_start3A_467 : memref<64x128xf32, #tpu.memory_space<vmem>>) target_semaphore(%arg30 : memref<!tpu.dma_semaphore, #tpu.memory_space<semaphore_mem>>)
    } else {
    }
    %eq3A_37 = arith.constant 15 : i32
    %eq3A_38 = arith.cmpi eq, %arg1, %eq3A_37 : i32
    %convert_element_type3A_39 = arith.extui %eq3A_38 : i1 to i32
    %cond3A_40 = arith.constant 0 : i32
    %cond3A_41 = arith.cmpi ne, %convert_element_type3A_39, %cond3A_40 : i32
    scf.if %cond3A_41 {
      %mul3A_458 = arith.constant 64 : i32
      %mul3A_459 = arith.muli %arg1, %mul3A_458 : i32
      %dma_start3A_460 = arith.constant 0 : i32
      %dma_start3A_461 = arith.constant 0 : i32
      %dma_start3A_462 = tpu.memref_slice %arg18[%dma_start3A_460, %dma_start3A_461] : memref<80x128xf32, #tpu.memory_space<vmem>> -> memref<40x128xf32, #tpu.memory_space<vmem>>
      %dma_start3A_463 = arith.constant 0 : i32
      %dma_start3A_464 = tpu.memref_slice %arg5[%mul3A_459, %dma_start3A_463] : memref<1001x128xf32, #tpu.memory_space<hbm>> -> memref<40x128xf32, #tpu.memory_space<hbm>>
      %dma_start3A_465 = arith.constant 0 : i32
      %dma_start3A_466 = arith.constant 0 : i32
      %dma_start3A_467 = tpu.memref_slice %arg18[%dma_start3A_465, %dma_start3A_466] : memref<80x128xf32, #tpu.memory_space<vmem>> -> memref<40x128xf32, #tpu.memory_space<vmem>>
      %dma_start3A_468 = arith.constant 0 : i32
      %dma_start3A_469 = tpu.memref_slice %arg5[%mul3A_459, %dma_start3A_468] : memref<1001x128xf32, #tpu.memory_space<hbm>> -> memref<40x128xf32, #tpu.memory_space<hbm>>
      tpu.enqueue_dma source(%dma_start3A_469 : memref<40x128xf32, #tpu.memory_space<hbm>>) target(%dma_start3A_467 : memref<40x128xf32, #tpu.memory_space<vmem>>) target_semaphore(%arg30 : memref<!tpu.dma_semaphore, #tpu.memory_space<semaphore_mem>>)
    } else {
    }
    %lt3A_42 = arith.constant 15 : i32
    %lt3A_43 = arith.cmpi slt, %arg1, %lt3A_42 : i32
    %convert_element_type3A_44 = arith.extui %lt3A_43 : i1 to i32
    %cond3A_45 = arith.constant 0 : i32
    %cond3A_46 = arith.cmpi ne, %convert_element_type3A_44, %cond3A_45 : i32
    scf.if %cond3A_46 {
      %mul3A_458 = arith.constant 64 : i32
      %mul3A_459 = arith.muli %arg1, %mul3A_458 : i32
      %dma_start3A_460 = arith.constant 0 : i32
      %dma_start3A_461 = arith.constant 0 : i32
      %dma_start3A_462 = tpu.memref_slice %arg19[%dma_start3A_460, %dma_start3A_461] : memref<80x128xf32, #tpu.memory_space<vmem>> -> memref<64x128xf32, #tpu.memory_space<vmem>>
      %dma_start3A_463 = arith.constant 0 : i32
      %dma_start3A_464 = tpu.memref_slice %arg6[%mul3A_459, %dma_start3A_463] : memref<1001x128xf32, #tpu.memory_space<hbm>> -> memref<64x128xf32, #tpu.memory_space<hbm>>
      %dma_start3A_465 = arith.constant 0 : i32
      %dma_start3A_466 = arith.constant 0 : i32
      %dma_start3A_467 = tpu.memref_slice %arg19[%dma_start3A_465, %dma_start3A_466] : memref<80x128xf32, #tpu.memory_space<vmem>> -> memref<64x128xf32, #tpu.memory_space<vmem>>
      %dma_start3A_468 = arith.constant 0 : i32
      %dma_start3A_469 = tpu.memref_slice %arg6[%mul3A_459, %dma_start3A_468] : memref<1001x128xf32, #tpu.memory_space<hbm>> -> memref<64x128xf32, #tpu.memory_space<hbm>>
      tpu.enqueue_dma source(%dma_start3A_469 : memref<64x128xf32, #tpu.memory_space<hbm>>) target(%dma_start3A_467 : memref<64x128xf32, #tpu.memory_space<vmem>>) target_semaphore(%arg31 : memref<!tpu.dma_semaphore, #tpu.memory_space<semaphore_mem>>)
    } else {
    }
    %eq3A_47 = arith.constant 15 : i32
    %eq3A_48 = arith.cmpi eq, %arg1, %eq3A_47 : i32
    %convert_element_type3A_49 = arith.extui %eq3A_48 : i1 to i32
    %cond3A_50 = arith.constant 0 : i32
    %cond3A_51 = arith.cmpi ne, %convert_element_type3A_49, %cond3A_50 : i32
    scf.if %cond3A_51 {
      %mul3A_458 = arith.constant 64 : i32
      %mul3A_459 = arith.muli %arg1, %mul3A_458 : i32
      %dma_start3A_460 = arith.constant 0 : i32
      %dma_start3A_461 = arith.constant 0 : i32
      %dma_start3A_462 = tpu.memref_slice %arg19[%dma_start3A_460, %dma_start3A_461] : memref<80x128xf32, #tpu.memory_space<vmem>> -> memref<40x128xf32, #tpu.memory_space<vmem>>
      %dma_start3A_463 = arith.constant 0 : i32
      %dma_start3A_464 = tpu.memref_slice %arg6[%mul3A_459, %dma_start3A_463] : memref<1001x128xf32, #tpu.memory_space<hbm>> -> memref<40x128xf32, #tpu.memory_space<hbm>>
      %dma_start3A_465 = arith.constant 0 : i32
      %dma_start3A_466 = arith.constant 0 : i32
      %dma_start3A_467 = tpu.memref_slice %arg19[%dma_start3A_465, %dma_start3A_466] : memref<80x128xf32, #tpu.memory_space<vmem>> -> memref<40x128xf32, #tpu.memory_space<vmem>>
      %dma_start3A_468 = arith.constant 0 : i32
      %dma_start3A_469 = tpu.memref_slice %arg6[%mul3A_459, %dma_start3A_468] : memref<1001x128xf32, #tpu.memory_space<hbm>> -> memref<40x128xf32, #tpu.memory_space<hbm>>
      tpu.enqueue_dma source(%dma_start3A_469 : memref<40x128xf32, #tpu.memory_space<hbm>>) target(%dma_start3A_467 : memref<40x128xf32, #tpu.memory_space<vmem>>) target_semaphore(%arg31 : memref<!tpu.dma_semaphore, #tpu.memory_space<semaphore_mem>>)
    } else {
    }
    %lt3A_52 = arith.constant 15 : i32
    %lt3A_53 = arith.cmpi slt, %arg1, %lt3A_52 : i32
    %convert_element_type3A_54 = arith.extui %lt3A_53 : i1 to i32
    %cond3A_55 = arith.constant 0 : i32
    %cond3A_56 = arith.cmpi ne, %convert_element_type3A_54, %cond3A_55 : i32
    scf.if %cond3A_56 {
      %mul3A_458 = arith.constant 64 : i32
      %mul3A_459 = arith.muli %arg1, %mul3A_458 : i32
      %dma_start3A_460 = arith.constant 0 : i32
      %dma_start3A_461 = arith.constant 0 : i32
      %dma_start3A_462 = tpu.memref_slice %arg20[%dma_start3A_460, %dma_start3A_461] : memref<80x128xf32, #tpu.memory_space<vmem>> -> memref<64x128xf32, #tpu.memory_space<vmem>>
      %dma_start3A_463 = arith.constant 0 : i32
      %dma_start3A_464 = tpu.memref_slice %arg7[%mul3A_459, %dma_start3A_463] : memref<1001x128xf32, #tpu.memory_space<hbm>> -> memref<64x128xf32, #tpu.memory_space<hbm>>
      %dma_start3A_465 = arith.constant 0 : i32
      %dma_start3A_466 = arith.constant 0 : i32
      %dma_start3A_467 = tpu.memref_slice %arg20[%dma_start3A_465, %dma_start3A_466] : memref<80x128xf32, #tpu.memory_space<vmem>> -> memref<64x128xf32, #tpu.memory_space<vmem>>
      %dma_start3A_468 = arith.constant 0 : i32
      %dma_start3A_469 = tpu.memref_slice %arg7[%mul3A_459, %dma_start3A_468] : memref<1001x128xf32, #tpu.memory_space<hbm>> -> memref<64x128xf32, #tpu.memory_space<hbm>>
      tpu.enqueue_dma source(%dma_start3A_469 : memref<64x128xf32, #tpu.memory_space<hbm>>) target(%dma_start3A_467 : memref<64x128xf32, #tpu.memory_space<vmem>>) target_semaphore(%arg32 : memref<!tpu.dma_semaphore, #tpu.memory_space<semaphore_mem>>)
    } else {
    }
    %eq3A_57 = arith.constant 15 : i32
    %eq3A_58 = arith.cmpi eq, %arg1, %eq3A_57 : i32
    %convert_element_type3A_59 = arith.extui %eq3A_58 : i1 to i32
    %cond3A_60 = arith.constant 0 : i32
    %cond3A_61 = arith.cmpi ne, %convert_element_type3A_59, %cond3A_60 : i32
    scf.if %cond3A_61 {
      %mul3A_458 = arith.constant 64 : i32
      %mul3A_459 = arith.muli %arg1, %mul3A_458 : i32
      %dma_start3A_460 = arith.constant 0 : i32
      %dma_start3A_461 = arith.constant 0 : i32
      %dma_start3A_462 = tpu.memref_slice %arg20[%dma_start3A_460, %dma_start3A_461] : memref<80x128xf32, #tpu.memory_space<vmem>> -> memref<40x128xf32, #tpu.memory_space<vmem>>
      %dma_start3A_463 = arith.constant 0 : i32
      %dma_start3A_464 = tpu.memref_slice %arg7[%mul3A_459, %dma_start3A_463] : memref<1001x128xf32, #tpu.memory_space<hbm>> -> memref<40x128xf32, #tpu.memory_space<hbm>>
      %dma_start3A_465 = arith.constant 0 : i32
      %dma_start3A_466 = arith.constant 0 : i32
      %dma_start3A_467 = tpu.memref_slice %arg20[%dma_start3A_465, %dma_start3A_466] : memref<80x128xf32, #tpu.memory_space<vmem>> -> memref<40x128xf32, #tpu.memory_space<vmem>>
      %dma_start3A_468 = arith.constant 0 : i32
      %dma_start3A_469 = tpu.memref_slice %arg7[%mul3A_459, %dma_start3A_468] : memref<1001x128xf32, #tpu.memory_space<hbm>> -> memref<40x128xf32, #tpu.memory_space<hbm>>
      tpu.enqueue_dma source(%dma_start3A_469 : memref<40x128xf32, #tpu.memory_space<hbm>>) target(%dma_start3A_467 : memref<40x128xf32, #tpu.memory_space<vmem>>) target_semaphore(%arg32 : memref<!tpu.dma_semaphore, #tpu.memory_space<semaphore_mem>>)
    } else {
    }
    %lt3A_62 = arith.constant 15 : i32
    %lt3A_63 = arith.cmpi slt, %arg1, %lt3A_62 : i32
    %convert_element_type3A_64 = arith.extui %lt3A_63 : i1 to i32
    %cond3A_65 = arith.constant 0 : i32
    %cond3A_66 = arith.cmpi ne, %convert_element_type3A_64, %cond3A_65 : i32
    scf.if %cond3A_66 {
      %mul3A_458 = arith.constant 64 : i32
      %mul3A_459 = arith.muli %arg1, %mul3A_458 : i32
      %dma_start3A_460 = arith.constant 0 : i32
      %dma_start3A_461 = arith.constant 0 : i32
      %dma_start3A_462 = tpu.memref_slice %arg21[%dma_start3A_460, %dma_start3A_461] : memref<80x128xf32, #tpu.memory_space<vmem>> -> memref<64x128xf32, #tpu.memory_space<vmem>>
      %dma_start3A_463 = arith.constant 0 : i32
      %dma_start3A_464 = tpu.memref_slice %arg8[%mul3A_459, %dma_start3A_463] : memref<1001x128xf32, #tpu.memory_space<hbm>> -> memref<64x128xf32, #tpu.memory_space<hbm>>
      %dma_start3A_465 = arith.constant 0 : i32
      %dma_start3A_466 = arith.constant 0 : i32
      %dma_start3A_467 = tpu.memref_slice %arg21[%dma_start3A_465, %dma_start3A_466] : memref<80x128xf32, #tpu.memory_space<vmem>> -> memref<64x128xf32, #tpu.memory_space<vmem>>
      %dma_start3A_468 = arith.constant 0 : i32
      %dma_start3A_469 = tpu.memref_slice %arg8[%mul3A_459, %dma_start3A_468] : memref<1001x128xf32, #tpu.memory_space<hbm>> -> memref<64x128xf32, #tpu.memory_space<hbm>>
      tpu.enqueue_dma source(%dma_start3A_469 : memref<64x128xf32, #tpu.memory_space<hbm>>) target(%dma_start3A_467 : memref<64x128xf32, #tpu.memory_space<vmem>>) target_semaphore(%arg33 : memref<!tpu.dma_semaphore, #tpu.memory_space<semaphore_mem>>)
    } else {
    }
    %eq3A_67 = arith.constant 15 : i32
    %eq3A_68 = arith.cmpi eq, %arg1, %eq3A_67 : i32
    %convert_element_type3A_69 = arith.extui %eq3A_68 : i1 to i32
    %cond3A_70 = arith.constant 0 : i32
    %cond3A_71 = arith.cmpi ne, %convert_element_type3A_69, %cond3A_70 : i32
    scf.if %cond3A_71 {
      %mul3A_458 = arith.constant 64 : i32
      %mul3A_459 = arith.muli %arg1, %mul3A_458 : i32
      %dma_start3A_460 = arith.constant 0 : i32
      %dma_start3A_461 = arith.constant 0 : i32
      %dma_start3A_462 = tpu.memref_slice %arg21[%dma_start3A_460, %dma_start3A_461] : memref<80x128xf32, #tpu.memory_space<vmem>> -> memref<40x128xf32, #tpu.memory_space<vmem>>
      %dma_start3A_463 = arith.constant 0 : i32
      %dma_start3A_464 = tpu.memref_slice %arg8[%mul3A_459, %dma_start3A_463] : memref<1001x128xf32, #tpu.memory_space<hbm>> -> memref<40x128xf32, #tpu.memory_space<hbm>>
      %dma_start3A_465 = arith.constant 0 : i32
      %dma_start3A_466 = arith.constant 0 : i32
      %dma_start3A_467 = tpu.memref_slice %arg21[%dma_start3A_465, %dma_start3A_466] : memref<80x128xf32, #tpu.memory_space<vmem>> -> memref<40x128xf32, #tpu.memory_space<vmem>>
      %dma_start3A_468 = arith.constant 0 : i32
      %dma_start3A_469 = tpu.memref_slice %arg8[%mul3A_459, %dma_start3A_468] : memref<1001x128xf32, #tpu.memory_space<hbm>> -> memref<40x128xf32, #tpu.memory_space<hbm>>
      tpu.enqueue_dma source(%dma_start3A_469 : memref<40x128xf32, #tpu.memory_space<hbm>>) target(%dma_start3A_467 : memref<40x128xf32, #tpu.memory_space<vmem>>) target_semaphore(%arg33 : memref<!tpu.dma_semaphore, #tpu.memory_space<semaphore_mem>>)
    } else {
    }
    %lt3A_72 = arith.constant 15 : i32
    %lt3A_73 = arith.cmpi slt, %arg1, %lt3A_72 : i32
    %convert_element_type3A_74 = arith.extui %lt3A_73 : i1 to i32
    %cond3A_75 = arith.constant 0 : i32
    %cond3A_76 = arith.cmpi ne, %convert_element_type3A_74, %cond3A_75 : i32
    scf.if %cond3A_76 {
      %mul3A_458 = arith.constant 64 : i32
      %mul3A_459 = arith.muli %arg1, %mul3A_458 : i32
      %dma_start3A_460 = arith.constant 0 : i32
      %dma_start3A_461 = arith.constant 0 : i32
      %dma_start3A_462 = tpu.memref_slice %arg22[%dma_start3A_460, %dma_start3A_461] : memref<80x128xf32, #tpu.memory_space<vmem>> -> memref<64x128xf32, #tpu.memory_space<vmem>>
      %dma_start3A_463 = arith.constant 0 : i32
      %dma_start3A_464 = tpu.memref_slice %arg9[%mul3A_459, %dma_start3A_463] : memref<1001x128xf32, #tpu.memory_space<hbm>> -> memref<64x128xf32, #tpu.memory_space<hbm>>
      %dma_start3A_465 = arith.constant 0 : i32
      %dma_start3A_466 = arith.constant 0 : i32
      %dma_start3A_467 = tpu.memref_slice %arg22[%dma_start3A_465, %dma_start3A_466] : memref<80x128xf32, #tpu.memory_space<vmem>> -> memref<64x128xf32, #tpu.memory_space<vmem>>
      %dma_start3A_468 = arith.constant 0 : i32
      %dma_start3A_469 = tpu.memref_slice %arg9[%mul3A_459, %dma_start3A_468] : memref<1001x128xf32, #tpu.memory_space<hbm>> -> memref<64x128xf32, #tpu.memory_space<hbm>>
      tpu.enqueue_dma source(%dma_start3A_469 : memref<64x128xf32, #tpu.memory_space<hbm>>) target(%dma_start3A_467 : memref<64x128xf32, #tpu.memory_space<vmem>>) target_semaphore(%arg34 : memref<!tpu.dma_semaphore, #tpu.memory_space<semaphore_mem>>)
    } else {
    }
    %eq3A_77 = arith.constant 15 : i32
    %eq3A_78 = arith.cmpi eq, %arg1, %eq3A_77 : i32
    %convert_element_type3A_79 = arith.extui %eq3A_78 : i1 to i32
    %cond3A_80 = arith.constant 0 : i32
    %cond3A_81 = arith.cmpi ne, %convert_element_type3A_79, %cond3A_80 : i32
    scf.if %cond3A_81 {
      %mul3A_458 = arith.constant 64 : i32
      %mul3A_459 = arith.muli %arg1, %mul3A_458 : i32
      %dma_start3A_460 = arith.constant 0 : i32
      %dma_start3A_461 = arith.constant 0 : i32
      %dma_start3A_462 = tpu.memref_slice %arg22[%dma_start3A_460, %dma_start3A_461] : memref<80x128xf32, #tpu.memory_space<vmem>> -> memref<40x128xf32, #tpu.memory_space<vmem>>
      %dma_start3A_463 = arith.constant 0 : i32
      %dma_start3A_464 = tpu.memref_slice %arg9[%mul3A_459, %dma_start3A_463] : memref<1001x128xf32, #tpu.memory_space<hbm>> -> memref<40x128xf32, #tpu.memory_space<hbm>>
      %dma_start3A_465 = arith.constant 0 : i32
      %dma_start3A_466 = arith.constant 0 : i32
      %dma_start3A_467 = tpu.memref_slice %arg22[%dma_start3A_465, %dma_start3A_466] : memref<80x128xf32, #tpu.memory_space<vmem>> -> memref<40x128xf32, #tpu.memory_space<vmem>>
      %dma_start3A_468 = arith.constant 0 : i32
      %dma_start3A_469 = tpu.memref_slice %arg9[%mul3A_459, %dma_start3A_468] : memref<1001x128xf32, #tpu.memory_space<hbm>> -> memref<40x128xf32, #tpu.memory_space<hbm>>
      tpu.enqueue_dma source(%dma_start3A_469 : memref<40x128xf32, #tpu.memory_space<hbm>>) target(%dma_start3A_467 : memref<40x128xf32, #tpu.memory_space<vmem>>) target_semaphore(%arg34 : memref<!tpu.dma_semaphore, #tpu.memory_space<semaphore_mem>>)
    } else {
    }
    %lt3A_82 = arith.constant 15 : i32
    %lt3A_83 = arith.cmpi slt, %arg1, %lt3A_82 : i32
    %convert_element_type3A_84 = arith.extui %lt3A_83 : i1 to i32
    %cond3A_85 = arith.constant 0 : i32
    %cond3A_86 = arith.cmpi ne, %convert_element_type3A_84, %cond3A_85 : i32
    scf.if %cond3A_86 {
      %mul3A_458 = arith.constant 64 : i32
      %mul3A_459 = arith.muli %arg1, %mul3A_458 : i32
      %dma_wait3A = arith.constant 0 : i32
      %dma_wait3A_460 = arith.constant 0 : i32
      %dma_wait3A_461 = tpu.memref_slice %arg15[%dma_wait3A, %dma_wait3A_460] : memref<80x128xf32, #tpu.memory_space<vmem>> -> memref<64x128xf32, #tpu.memory_space<vmem>>
      %dma_wait3A_462 = arith.constant 0 : i32
      %dma_wait3A_463 = tpu.memref_slice %arg2[%mul3A_459, %dma_wait3A_462] : memref<1001x128xf32, #tpu.memory_space<hbm>> -> memref<64x128xf32, #tpu.memory_space<hbm>>
      %dma_wait3A_464 = arith.constant 0 : i32
      %dma_wait3A_465 = arith.constant 0 : i32
      %dma_wait3A_466 = tpu.memref_slice %arg15[%dma_wait3A_464, %dma_wait3A_465] : memref<80x128xf32, #tpu.memory_space<vmem>> -> memref<64x128xf32, #tpu.memory_space<vmem>>
      %dma_wait3A_467 = arith.constant 0 : i32
      %dma_wait3A_468 = tpu.memref_slice %arg2[%mul3A_459, %dma_wait3A_467] : memref<1001x128xf32, #tpu.memory_space<hbm>> -> memref<64x128xf32, #tpu.memory_space<hbm>>
      tpu.wait_dma2 semaphore(%arg27 : memref<!tpu.dma_semaphore, #tpu.memory_space<semaphore_mem>>) src(%dma_wait3A_468 : memref<64x128xf32, #tpu.memory_space<hbm>>) dst(%dma_wait3A_466 : memref<64x128xf32, #tpu.memory_space<vmem>>)
      %add3A_469 = arith.constant 0 : i32
      %add3A_470 = arith.addi %mul3A_2, %add3A_469 : i32
      %mul3A_471 = arith.constant 64 : i32
      %mul3A_472 = arith.muli %arg1, %mul3A_471 : i32
      %add3A_473 = arith.addi %add3A_470, %mul3A_472 : i32
      %dma_start3A_474 = arith.constant 0 : i32
      %dma_start3A_475 = arith.constant 0 : i32
      %dma_start3A_476 = tpu.memref_slice %arg15[%dma_start3A_474, %dma_start3A_475] : memref<80x128xf32, #tpu.memory_space<vmem>> -> memref<64x128xf32, #tpu.memory_space<vmem>>
      %dma_start3A_477 = arith.constant 0 : i32
      %dma_start3A_478 = tpu.memref_slice %arg13[%add3A_473, %dma_start3A_477] : memref<16016x128xf32, #tpu.memory_space<hbm>> -> memref<64x128xf32, #tpu.memory_space<hbm>>
      %dma_start3A_479 = arith.constant 0 : i32
      %dma_start3A_480 = tpu.memref_slice %arg13[%add3A_473, %dma_start3A_479] : memref<16016x128xf32, #tpu.memory_space<hbm>> -> memref<64x128xf32, #tpu.memory_space<hbm>>
      %dma_start3A_481 = arith.constant 0 : i32
      %dma_start3A_482 = arith.constant 0 : i32
      %dma_start3A_483 = tpu.memref_slice %arg15[%dma_start3A_481, %dma_start3A_482] : memref<80x128xf32, #tpu.memory_space<vmem>> -> memref<64x128xf32, #tpu.memory_space<vmem>>
      tpu.enqueue_dma source(%dma_start3A_483 : memref<64x128xf32, #tpu.memory_space<vmem>>) target(%dma_start3A_480 : memref<64x128xf32, #tpu.memory_space<hbm>>) target_semaphore(%arg27 : memref<!tpu.dma_semaphore, #tpu.memory_space<semaphore_mem>>)
    } else {
    }
    %eq3A_87 = arith.constant 15 : i32
    %eq3A_88 = arith.cmpi eq, %arg1, %eq3A_87 : i32
    %convert_element_type3A_89 = arith.extui %eq3A_88 : i1 to i32
    %cond3A_90 = arith.constant 0 : i32
    %cond3A_91 = arith.cmpi ne, %convert_element_type3A_89, %cond3A_90 : i32
    scf.if %cond3A_91 {
      %mul3A_458 = arith.constant 64 : i32
      %mul3A_459 = arith.muli %arg1, %mul3A_458 : i32
      %dma_wait3A = arith.constant 0 : i32
      %dma_wait3A_460 = arith.constant 0 : i32
      %dma_wait3A_461 = tpu.memref_slice %arg15[%dma_wait3A, %dma_wait3A_460] : memref<80x128xf32, #tpu.memory_space<vmem>> -> memref<40x128xf32, #tpu.memory_space<vmem>>
      %dma_wait3A_462 = arith.constant 0 : i32
      %dma_wait3A_463 = tpu.memref_slice %arg2[%mul3A_459, %dma_wait3A_462] : memref<1001x128xf32, #tpu.memory_space<hbm>> -> memref<40x128xf32, #tpu.memory_space<hbm>>
      %dma_wait3A_464 = arith.constant 0 : i32
      %dma_wait3A_465 = arith.constant 0 : i32
      %dma_wait3A_466 = tpu.memref_slice %arg15[%dma_wait3A_464, %dma_wait3A_465] : memref<80x128xf32, #tpu.memory_space<vmem>> -> memref<40x128xf32, #tpu.memory_space<vmem>>
      %dma_wait3A_467 = arith.constant 0 : i32
      %dma_wait3A_468 = tpu.memref_slice %arg2[%mul3A_459, %dma_wait3A_467] : memref<1001x128xf32, #tpu.memory_space<hbm>> -> memref<40x128xf32, #tpu.memory_space<hbm>>
      tpu.wait_dma2 semaphore(%arg27 : memref<!tpu.dma_semaphore, #tpu.memory_space<semaphore_mem>>) src(%dma_wait3A_468 : memref<40x128xf32, #tpu.memory_space<hbm>>) dst(%dma_wait3A_466 : memref<40x128xf32, #tpu.memory_space<vmem>>)
      %add3A_469 = arith.constant 0 : i32
      %add3A_470 = arith.addi %mul3A_2, %add3A_469 : i32
      %mul3A_471 = arith.constant 64 : i32
      %mul3A_472 = arith.muli %arg1, %mul3A_471 : i32
      %add3A_473 = arith.addi %add3A_470, %mul3A_472 : i32
      %dma_start3A_474 = arith.constant 0 : i32
      %dma_start3A_475 = arith.constant 0 : i32
      %dma_start3A_476 = tpu.memref_slice %arg15[%dma_start3A_474, %dma_start3A_475] : memref<80x128xf32, #tpu.memory_space<vmem>> -> memref<40x128xf32, #tpu.memory_space<vmem>>
      %dma_start3A_477 = arith.constant 0 : i32
      %dma_start3A_478 = tpu.memref_slice %arg13[%add3A_473, %dma_start3A_477] : memref<16016x128xf32, #tpu.memory_space<hbm>> -> memref<40x128xf32, #tpu.memory_space<hbm>>
      %dma_start3A_479 = arith.constant 0 : i32
      %dma_start3A_480 = tpu.memref_slice %arg13[%add3A_473, %dma_start3A_479] : memref<16016x128xf32, #tpu.memory_space<hbm>> -> memref<40x128xf32, #tpu.memory_space<hbm>>
      %dma_start3A_481 = arith.constant 0 : i32
      %dma_start3A_482 = arith.constant 0 : i32
      %dma_start3A_483 = tpu.memref_slice %arg15[%dma_start3A_481, %dma_start3A_482] : memref<80x128xf32, #tpu.memory_space<vmem>> -> memref<40x128xf32, #tpu.memory_space<vmem>>
      tpu.enqueue_dma source(%dma_start3A_483 : memref<40x128xf32, #tpu.memory_space<vmem>>) target(%dma_start3A_480 : memref<40x128xf32, #tpu.memory_space<hbm>>) target_semaphore(%arg27 : memref<!tpu.dma_semaphore, #tpu.memory_space<semaphore_mem>>)
    } else {
    }
    %lt3A_92 = arith.constant 15 : i32
    %lt3A_93 = arith.cmpi slt, %arg1, %lt3A_92 : i32
    %convert_element_type3A_94 = arith.extui %lt3A_93 : i1 to i32
    %cond3A_95 = arith.constant 0 : i32
    %cond3A_96 = arith.cmpi ne, %convert_element_type3A_94, %cond3A_95 : i32
    scf.if %cond3A_96 {
      %mul3A_458 = arith.constant 64 : i32
      %mul3A_459 = arith.muli %arg1, %mul3A_458 : i32
      %dma_wait3A = arith.constant 0 : i32
      %dma_wait3A_460 = arith.constant 0 : i32
      %dma_wait3A_461 = tpu.memref_slice %arg16[%dma_wait3A, %dma_wait3A_460] : memref<80x128xf32, #tpu.memory_space<vmem>> -> memref<64x128xf32, #tpu.memory_space<vmem>>
      %dma_wait3A_462 = arith.constant 0 : i32
      %dma_wait3A_463 = tpu.memref_slice %arg3[%mul3A_459, %dma_wait3A_462] : memref<1001x128xf32, #tpu.memory_space<hbm>> -> memref<64x128xf32, #tpu.memory_space<hbm>>
      %dma_wait3A_464 = arith.constant 0 : i32
      %dma_wait3A_465 = arith.constant 0 : i32
      %dma_wait3A_466 = tpu.memref_slice %arg16[%dma_wait3A_464, %dma_wait3A_465] : memref<80x128xf32, #tpu.memory_space<vmem>> -> memref<64x128xf32, #tpu.memory_space<vmem>>
      %dma_wait3A_467 = arith.constant 0 : i32
      %dma_wait3A_468 = tpu.memref_slice %arg3[%mul3A_459, %dma_wait3A_467] : memref<1001x128xf32, #tpu.memory_space<hbm>> -> memref<64x128xf32, #tpu.memory_space<hbm>>
      tpu.wait_dma2 semaphore(%arg28 : memref<!tpu.dma_semaphore, #tpu.memory_space<semaphore_mem>>) src(%dma_wait3A_468 : memref<64x128xf32, #tpu.memory_space<hbm>>) dst(%dma_wait3A_466 : memref<64x128xf32, #tpu.memory_space<vmem>>)
      %add3A_469 = arith.constant 1000 : i32
      %add3A_470 = arith.addi %mul3A_2, %add3A_469 : i32
      %mul3A_471 = arith.constant 64 : i32
      %mul3A_472 = arith.muli %arg1, %mul3A_471 : i32
      %add3A_473 = arith.addi %add3A_470, %mul3A_472 : i32
      %dma_start3A_474 = arith.constant 0 : i32
      %dma_start3A_475 = arith.constant 0 : i32
      %dma_start3A_476 = tpu.memref_slice %arg16[%dma_start3A_474, %dma_start3A_475] : memref<80x128xf32, #tpu.memory_space<vmem>> -> memref<64x128xf32, #tpu.memory_space<vmem>>
      %dma_start3A_477 = arith.constant 0 : i32
      %dma_start3A_478 = tpu.memref_slice %arg13[%add3A_473, %dma_start3A_477] : memref<16016x128xf32, #tpu.memory_space<hbm>> -> memref<64x128xf32, #tpu.memory_space<hbm>>
      %dma_start3A_479 = arith.constant 0 : i32
      %dma_start3A_480 = tpu.memref_slice %arg13[%add3A_473, %dma_start3A_479] : memref<16016x128xf32, #tpu.memory_space<hbm>> -> memref<64x128xf32, #tpu.memory_space<hbm>>
      %dma_start3A_481 = arith.constant 0 : i32
      %dma_start3A_482 = arith.constant 0 : i32
      %dma_start3A_483 = tpu.memref_slice %arg16[%dma_start3A_481, %dma_start3A_482] : memref<80x128xf32, #tpu.memory_space<vmem>> -> memref<64x128xf32, #tpu.memory_space<vmem>>
      tpu.enqueue_dma source(%dma_start3A_483 : memref<64x128xf32, #tpu.memory_space<vmem>>) target(%dma_start3A_480 : memref<64x128xf32, #tpu.memory_space<hbm>>) target_semaphore(%arg28 : memref<!tpu.dma_semaphore, #tpu.memory_space<semaphore_mem>>)
    } else {
    }
    %eq3A_97 = arith.constant 15 : i32
    %eq3A_98 = arith.cmpi eq, %arg1, %eq3A_97 : i32
    %convert_element_type3A_99 = arith.extui %eq3A_98 : i1 to i32
    %cond3A_100 = arith.constant 0 : i32
    %cond3A_101 = arith.cmpi ne, %convert_element_type3A_99, %cond3A_100 : i32
    scf.if %cond3A_101 {
      %mul3A_458 = arith.constant 64 : i32
      %mul3A_459 = arith.muli %arg1, %mul3A_458 : i32
      %dma_wait3A = arith.constant 0 : i32
      %dma_wait3A_460 = arith.constant 0 : i32
      %dma_wait3A_461 = tpu.memref_slice %arg16[%dma_wait3A, %dma_wait3A_460] : memref<80x128xf32, #tpu.memory_space<vmem>> -> memref<40x128xf32, #tpu.memory_space<vmem>>
      %dma_wait3A_462 = arith.constant 0 : i32
      %dma_wait3A_463 = tpu.memref_slice %arg3[%mul3A_459, %dma_wait3A_462] : memref<1001x128xf32, #tpu.memory_space<hbm>> -> memref<40x128xf32, #tpu.memory_space<hbm>>
      %dma_wait3A_464 = arith.constant 0 : i32
      %dma_wait3A_465 = arith.constant 0 : i32
      %dma_wait3A_466 = tpu.memref_slice %arg16[%dma_wait3A_464, %dma_wait3A_465] : memref<80x128xf32, #tpu.memory_space<vmem>> -> memref<40x128xf32, #tpu.memory_space<vmem>>
      %dma_wait3A_467 = arith.constant 0 : i32
      %dma_wait3A_468 = tpu.memref_slice %arg3[%mul3A_459, %dma_wait3A_467] : memref<1001x128xf32, #tpu.memory_space<hbm>> -> memref<40x128xf32, #tpu.memory_space<hbm>>
      tpu.wait_dma2 semaphore(%arg28 : memref<!tpu.dma_semaphore, #tpu.memory_space<semaphore_mem>>) src(%dma_wait3A_468 : memref<40x128xf32, #tpu.memory_space<hbm>>) dst(%dma_wait3A_466 : memref<40x128xf32, #tpu.memory_space<vmem>>)
      %add3A_469 = arith.constant 1000 : i32
      %add3A_470 = arith.addi %mul3A_2, %add3A_469 : i32
      %mul3A_471 = arith.constant 64 : i32
      %mul3A_472 = arith.muli %arg1, %mul3A_471 : i32
      %add3A_473 = arith.addi %add3A_470, %mul3A_472 : i32
      %dma_start3A_474 = arith.constant 0 : i32
      %dma_start3A_475 = arith.constant 0 : i32
      %dma_start3A_476 = tpu.memref_slice %arg16[%dma_start3A_474, %dma_start3A_475] : memref<80x128xf32, #tpu.memory_space<vmem>> -> memref<40x128xf32, #tpu.memory_space<vmem>>
      %dma_start3A_477 = arith.constant 0 : i32
      %dma_start3A_478 = tpu.memref_slice %arg13[%add3A_473, %dma_start3A_477] : memref<16016x128xf32, #tpu.memory_space<hbm>> -> memref<40x128xf32, #tpu.memory_space<hbm>>
      %dma_start3A_479 = arith.constant 0 : i32
      %dma_start3A_480 = tpu.memref_slice %arg13[%add3A_473, %dma_start3A_479] : memref<16016x128xf32, #tpu.memory_space<hbm>> -> memref<40x128xf32, #tpu.memory_space<hbm>>
      %dma_start3A_481 = arith.constant 0 : i32
      %dma_start3A_482 = arith.constant 0 : i32
      %dma_start3A_483 = tpu.memref_slice %arg16[%dma_start3A_481, %dma_start3A_482] : memref<80x128xf32, #tpu.memory_space<vmem>> -> memref<40x128xf32, #tpu.memory_space<vmem>>
      tpu.enqueue_dma source(%dma_start3A_483 : memref<40x128xf32, #tpu.memory_space<vmem>>) target(%dma_start3A_480 : memref<40x128xf32, #tpu.memory_space<hbm>>) target_semaphore(%arg28 : memref<!tpu.dma_semaphore, #tpu.memory_space<semaphore_mem>>)
    } else {
    }
    %lt3A_102 = arith.constant 15 : i32
    %lt3A_103 = arith.cmpi slt, %arg1, %lt3A_102 : i32
    %convert_element_type3A_104 = arith.extui %lt3A_103 : i1 to i32
    %cond3A_105 = arith.constant 0 : i32
    %cond3A_106 = arith.cmpi ne, %convert_element_type3A_104, %cond3A_105 : i32
    scf.if %cond3A_106 {
      %mul3A_458 = arith.constant 64 : i32
      %mul3A_459 = arith.muli %arg1, %mul3A_458 : i32
      %dma_wait3A = arith.constant 0 : i32
      %dma_wait3A_460 = arith.constant 0 : i32
      %dma_wait3A_461 = tpu.memref_slice %arg17[%dma_wait3A, %dma_wait3A_460] : memref<80x128xf32, #tpu.memory_space<vmem>> -> memref<64x128xf32, #tpu.memory_space<vmem>>
      %dma_wait3A_462 = arith.constant 0 : i32
      %dma_wait3A_463 = tpu.memref_slice %arg4[%mul3A_459, %dma_wait3A_462] : memref<1001x128xf32, #tpu.memory_space<hbm>> -> memref<64x128xf32, #tpu.memory_space<hbm>>
      %dma_wait3A_464 = arith.constant 0 : i32
      %dma_wait3A_465 = arith.constant 0 : i32
      %dma_wait3A_466 = tpu.memref_slice %arg17[%dma_wait3A_464, %dma_wait3A_465] : memref<80x128xf32, #tpu.memory_space<vmem>> -> memref<64x128xf32, #tpu.memory_space<vmem>>
      %dma_wait3A_467 = arith.constant 0 : i32
      %dma_wait3A_468 = tpu.memref_slice %arg4[%mul3A_459, %dma_wait3A_467] : memref<1001x128xf32, #tpu.memory_space<hbm>> -> memref<64x128xf32, #tpu.memory_space<hbm>>
      tpu.wait_dma2 semaphore(%arg29 : memref<!tpu.dma_semaphore, #tpu.memory_space<semaphore_mem>>) src(%dma_wait3A_468 : memref<64x128xf32, #tpu.memory_space<hbm>>) dst(%dma_wait3A_466 : memref<64x128xf32, #tpu.memory_space<vmem>>)
      %add3A_469 = arith.constant 2000 : i32
      %add3A_470 = arith.addi %mul3A_2, %add3A_469 : i32
      %mul3A_471 = arith.constant 64 : i32
      %mul3A_472 = arith.muli %arg1, %mul3A_471 : i32
      %add3A_473 = arith.addi %add3A_470, %mul3A_472 : i32
      %dma_start3A_474 = arith.constant 0 : i32
      %dma_start3A_475 = arith.constant 0 : i32
      %dma_start3A_476 = tpu.memref_slice %arg17[%dma_start3A_474, %dma_start3A_475] : memref<80x128xf32, #tpu.memory_space<vmem>> -> memref<64x128xf32, #tpu.memory_space<vmem>>
      %dma_start3A_477 = arith.constant 0 : i32
      %dma_start3A_478 = tpu.memref_slice %arg13[%add3A_473, %dma_start3A_477] : memref<16016x128xf32, #tpu.memory_space<hbm>> -> memref<64x128xf32, #tpu.memory_space<hbm>>
      %dma_start3A_479 = arith.constant 0 : i32
      %dma_start3A_480 = tpu.memref_slice %arg13[%add3A_473, %dma_start3A_479] : memref<16016x128xf32, #tpu.memory_space<hbm>> -> memref<64x128xf32, #tpu.memory_space<hbm>>
      %dma_start3A_481 = arith.constant 0 : i32
      %dma_start3A_482 = arith.constant 0 : i32
      %dma_start3A_483 = tpu.memref_slice %arg17[%dma_start3A_481, %dma_start3A_482] : memref<80x128xf32, #tpu.memory_space<vmem>> -> memref<64x128xf32, #tpu.memory_space<vmem>>
      tpu.enqueue_dma source(%dma_start3A_483 : memref<64x128xf32, #tpu.memory_space<vmem>>) target(%dma_start3A_480 : memref<64x128xf32, #tpu.memory_space<hbm>>) target_semaphore(%arg29 : memref<!tpu.dma_semaphore, #tpu.memory_space<semaphore_mem>>)
    } else {
    }
    %eq3A_107 = arith.constant 15 : i32
    %eq3A_108 = arith.cmpi eq, %arg1, %eq3A_107 : i32
    %convert_element_type3A_109 = arith.extui %eq3A_108 : i1 to i32
    %cond3A_110 = arith.constant 0 : i32
    %cond3A_111 = arith.cmpi ne, %convert_element_type3A_109, %cond3A_110 : i32
    scf.if %cond3A_111 {
      %mul3A_458 = arith.constant 64 : i32
      %mul3A_459 = arith.muli %arg1, %mul3A_458 : i32
      %dma_wait3A = arith.constant 0 : i32
      %dma_wait3A_460 = arith.constant 0 : i32
      %dma_wait3A_461 = tpu.memref_slice %arg17[%dma_wait3A, %dma_wait3A_460] : memref<80x128xf32, #tpu.memory_space<vmem>> -> memref<40x128xf32, #tpu.memory_space<vmem>>
      %dma_wait3A_462 = arith.constant 0 : i32
      %dma_wait3A_463 = tpu.memref_slice %arg4[%mul3A_459, %dma_wait3A_462] : memref<1001x128xf32, #tpu.memory_space<hbm>> -> memref<40x128xf32, #tpu.memory_space<hbm>>
      %dma_wait3A_464 = arith.constant 0 : i32
      %dma_wait3A_465 = arith.constant 0 : i32
      %dma_wait3A_466 = tpu.memref_slice %arg17[%dma_wait3A_464, %dma_wait3A_465] : memref<80x128xf32, #tpu.memory_space<vmem>> -> memref<40x128xf32, #tpu.memory_space<vmem>>
      %dma_wait3A_467 = arith.constant 0 : i32
      %dma_wait3A_468 = tpu.memref_slice %arg4[%mul3A_459, %dma_wait3A_467] : memref<1001x128xf32, #tpu.memory_space<hbm>> -> memref<40x128xf32, #tpu.memory_space<hbm>>
      tpu.wait_dma2 semaphore(%arg29 : memref<!tpu.dma_semaphore, #tpu.memory_space<semaphore_mem>>) src(%dma_wait3A_468 : memref<40x128xf32, #tpu.memory_space<hbm>>) dst(%dma_wait3A_466 : memref<40x128xf32, #tpu.memory_space<vmem>>)
      %add3A_469 = arith.constant 2000 : i32
      %add3A_470 = arith.addi %mul3A_2, %add3A_469 : i32
      %mul3A_471 = arith.constant 64 : i32
      %mul3A_472 = arith.muli %arg1, %mul3A_471 : i32
      %add3A_473 = arith.addi %add3A_470, %mul3A_472 : i32
      %dma_start3A_474 = arith.constant 0 : i32
      %dma_start3A_475 = arith.constant 0 : i32
      %dma_start3A_476 = tpu.memref_slice %arg17[%dma_start3A_474, %dma_start3A_475] : memref<80x128xf32, #tpu.memory_space<vmem>> -> memref<40x128xf32, #tpu.memory_space<vmem>>
      %dma_start3A_477 = arith.constant 0 : i32
      %dma_start3A_478 = tpu.memref_slice %arg13[%add3A_473, %dma_start3A_477] : memref<16016x128xf32, #tpu.memory_space<hbm>> -> memref<40x128xf32, #tpu.memory_space<hbm>>
      %dma_start3A_479 = arith.constant 0 : i32
      %dma_start3A_480 = tpu.memref_slice %arg13[%add3A_473, %dma_start3A_479] : memref<16016x128xf32, #tpu.memory_space<hbm>> -> memref<40x128xf32, #tpu.memory_space<hbm>>
      %dma_start3A_481 = arith.constant 0 : i32
      %dma_start3A_482 = arith.constant 0 : i32
      %dma_start3A_483 = tpu.memref_slice %arg17[%dma_start3A_481, %dma_start3A_482] : memref<80x128xf32, #tpu.memory_space<vmem>> -> memref<40x128xf32, #tpu.memory_space<vmem>>
      tpu.enqueue_dma source(%dma_start3A_483 : memref<40x128xf32, #tpu.memory_space<vmem>>) target(%dma_start3A_480 : memref<40x128xf32, #tpu.memory_space<hbm>>) target_semaphore(%arg29 : memref<!tpu.dma_semaphore, #tpu.memory_space<semaphore_mem>>)
    } else {
    }
    %lt3A_112 = arith.constant 15 : i32
    %lt3A_113 = arith.cmpi slt, %arg1, %lt3A_112 : i32
    %convert_element_type3A_114 = arith.extui %lt3A_113 : i1 to i32
    %cond3A_115 = arith.constant 0 : i32
    %cond3A_116 = arith.cmpi ne, %convert_element_type3A_114, %cond3A_115 : i32
    scf.if %cond3A_116 {
      %mul3A_458 = arith.constant 64 : i32
      %mul3A_459 = arith.muli %arg1, %mul3A_458 : i32
      %dma_wait3A = arith.constant 0 : i32
      %dma_wait3A_460 = arith.constant 0 : i32
      %dma_wait3A_461 = tpu.memref_slice %arg18[%dma_wait3A, %dma_wait3A_460] : memref<80x128xf32, #tpu.memory_space<vmem>> -> memref<64x128xf32, #tpu.memory_space<vmem>>
      %dma_wait3A_462 = arith.constant 0 : i32
      %dma_wait3A_463 = tpu.memref_slice %arg5[%mul3A_459, %dma_wait3A_462] : memref<1001x128xf32, #tpu.memory_space<hbm>> -> memref<64x128xf32, #tpu.memory_space<hbm>>
      %dma_wait3A_464 = arith.constant 0 : i32
      %dma_wait3A_465 = arith.constant 0 : i32
      %dma_wait3A_466 = tpu.memref_slice %arg18[%dma_wait3A_464, %dma_wait3A_465] : memref<80x128xf32, #tpu.memory_space<vmem>> -> memref<64x128xf32, #tpu.memory_space<vmem>>
      %dma_wait3A_467 = arith.constant 0 : i32
      %dma_wait3A_468 = tpu.memref_slice %arg5[%mul3A_459, %dma_wait3A_467] : memref<1001x128xf32, #tpu.memory_space<hbm>> -> memref<64x128xf32, #tpu.memory_space<hbm>>
      tpu.wait_dma2 semaphore(%arg30 : memref<!tpu.dma_semaphore, #tpu.memory_space<semaphore_mem>>) src(%dma_wait3A_468 : memref<64x128xf32, #tpu.memory_space<hbm>>) dst(%dma_wait3A_466 : memref<64x128xf32, #tpu.memory_space<vmem>>)
      %add3A_469 = arith.constant 3000 : i32
      %add3A_470 = arith.addi %mul3A_2, %add3A_469 : i32
      %mul3A_471 = arith.constant 64 : i32
      %mul3A_472 = arith.muli %arg1, %mul3A_471 : i32
      %add3A_473 = arith.addi %add3A_470, %mul3A_472 : i32
      %dma_start3A_474 = arith.constant 0 : i32
      %dma_start3A_475 = arith.constant 0 : i32
      %dma_start3A_476 = tpu.memref_slice %arg18[%dma_start3A_474, %dma_start3A_475] : memref<80x128xf32, #tpu.memory_space<vmem>> -> memref<64x128xf32, #tpu.memory_space<vmem>>
      %dma_start3A_477 = arith.constant 0 : i32
      %dma_start3A_478 = tpu.memref_slice %arg13[%add3A_473, %dma_start3A_477] : memref<16016x128xf32, #tpu.memory_space<hbm>> -> memref<64x128xf32, #tpu.memory_space<hbm>>
      %dma_start3A_479 = arith.constant 0 : i32
      %dma_start3A_480 = tpu.memref_slice %arg13[%add3A_473, %dma_start3A_479] : memref<16016x128xf32, #tpu.memory_space<hbm>> -> memref<64x128xf32, #tpu.memory_space<hbm>>
      %dma_start3A_481 = arith.constant 0 : i32
      %dma_start3A_482 = arith.constant 0 : i32
      %dma_start3A_483 = tpu.memref_slice %arg18[%dma_start3A_481, %dma_start3A_482] : memref<80x128xf32, #tpu.memory_space<vmem>> -> memref<64x128xf32, #tpu.memory_space<vmem>>
      tpu.enqueue_dma source(%dma_start3A_483 : memref<64x128xf32, #tpu.memory_space<vmem>>) target(%dma_start3A_480 : memref<64x128xf32, #tpu.memory_space<hbm>>) target_semaphore(%arg30 : memref<!tpu.dma_semaphore, #tpu.memory_space<semaphore_mem>>)
    } else {
    }
    %eq3A_117 = arith.constant 15 : i32
    %eq3A_118 = arith.cmpi eq, %arg1, %eq3A_117 : i32
    %convert_element_type3A_119 = arith.extui %eq3A_118 : i1 to i32
    %cond3A_120 = arith.constant 0 : i32
    %cond3A_121 = arith.cmpi ne, %convert_element_type3A_119, %cond3A_120 : i32
    scf.if %cond3A_121 {
      %mul3A_458 = arith.constant 64 : i32
      %mul3A_459 = arith.muli %arg1, %mul3A_458 : i32
      %dma_wait3A = arith.constant 0 : i32
      %dma_wait3A_460 = arith.constant 0 : i32
      %dma_wait3A_461 = tpu.memref_slice %arg18[%dma_wait3A, %dma_wait3A_460] : memref<80x128xf32, #tpu.memory_space<vmem>> -> memref<40x128xf32, #tpu.memory_space<vmem>>
      %dma_wait3A_462 = arith.constant 0 : i32
      %dma_wait3A_463 = tpu.memref_slice %arg5[%mul3A_459, %dma_wait3A_462] : memref<1001x128xf32, #tpu.memory_space<hbm>> -> memref<40x128xf32, #tpu.memory_space<hbm>>
      %dma_wait3A_464 = arith.constant 0 : i32
      %dma_wait3A_465 = arith.constant 0 : i32
      %dma_wait3A_466 = tpu.memref_slice %arg18[%dma_wait3A_464, %dma_wait3A_465] : memref<80x128xf32, #tpu.memory_space<vmem>> -> memref<40x128xf32, #tpu.memory_space<vmem>>
      %dma_wait3A_467 = arith.constant 0 : i32
      %dma_wait3A_468 = tpu.memref_slice %arg5[%mul3A_459, %dma_wait3A_467] : memref<1001x128xf32, #tpu.memory_space<hbm>> -> memref<40x128xf32, #tpu.memory_space<hbm>>
      tpu.wait_dma2 semaphore(%arg30 : memref<!tpu.dma_semaphore, #tpu.memory_space<semaphore_mem>>) src(%dma_wait3A_468 : memref<40x128xf32, #tpu.memory_space<hbm>>) dst(%dma_wait3A_466 : memref<40x128xf32, #tpu.memory_space<vmem>>)
      %add3A_469 = arith.constant 3000 : i32
      %add3A_470 = arith.addi %mul3A_2, %add3A_469 : i32
      %mul3A_471 = arith.constant 64 : i32
      %mul3A_472 = arith.muli %arg1, %mul3A_471 : i32
      %add3A_473 = arith.addi %add3A_470, %mul3A_472 : i32
      %dma_start3A_474 = arith.constant 0 : i32
      %dma_start3A_475 = arith.constant 0 : i32
      %dma_start3A_476 = tpu.memref_slice %arg18[%dma_start3A_474, %dma_start3A_475] : memref<80x128xf32, #tpu.memory_space<vmem>> -> memref<40x128xf32, #tpu.memory_space<vmem>>
      %dma_start3A_477 = arith.constant 0 : i32
      %dma_start3A_478 = tpu.memref_slice %arg13[%add3A_473, %dma_start3A_477] : memref<16016x128xf32, #tpu.memory_space<hbm>> -> memref<40x128xf32, #tpu.memory_space<hbm>>
      %dma_start3A_479 = arith.constant 0 : i32
      %dma_start3A_480 = tpu.memref_slice %arg13[%add3A_473, %dma_start3A_479] : memref<16016x128xf32, #tpu.memory_space<hbm>> -> memref<40x128xf32, #tpu.memory_space<hbm>>
      %dma_start3A_481 = arith.constant 0 : i32
      %dma_start3A_482 = arith.constant 0 : i32
      %dma_start3A_483 = tpu.memref_slice %arg18[%dma_start3A_481, %dma_start3A_482] : memref<80x128xf32, #tpu.memory_space<vmem>> -> memref<40x128xf32, #tpu.memory_space<vmem>>
      tpu.enqueue_dma source(%dma_start3A_483 : memref<40x128xf32, #tpu.memory_space<vmem>>) target(%dma_start3A_480 : memref<40x128xf32, #tpu.memory_space<hbm>>) target_semaphore(%arg30 : memref<!tpu.dma_semaphore, #tpu.memory_space<semaphore_mem>>)
    } else {
    }
    %lt3A_122 = arith.constant 15 : i32
    %lt3A_123 = arith.cmpi slt, %arg1, %lt3A_122 : i32
    %convert_element_type3A_124 = arith.extui %lt3A_123 : i1 to i32
    %cond3A_125 = arith.constant 0 : i32
    %cond3A_126 = arith.cmpi ne, %convert_element_type3A_124, %cond3A_125 : i32
    scf.if %cond3A_126 {
      %mul3A_458 = arith.constant 64 : i32
      %mul3A_459 = arith.muli %arg1, %mul3A_458 : i32
      %dma_wait3A = arith.constant 0 : i32
      %dma_wait3A_460 = arith.constant 0 : i32
      %dma_wait3A_461 = tpu.memref_slice %arg19[%dma_wait3A, %dma_wait3A_460] : memref<80x128xf32, #tpu.memory_space<vmem>> -> memref<64x128xf32, #tpu.memory_space<vmem>>
      %dma_wait3A_462 = arith.constant 0 : i32
      %dma_wait3A_463 = tpu.memref_slice %arg6[%mul3A_459, %dma_wait3A_462] : memref<1001x128xf32, #tpu.memory_space<hbm>> -> memref<64x128xf32, #tpu.memory_space<hbm>>
      %dma_wait3A_464 = arith.constant 0 : i32
      %dma_wait3A_465 = arith.constant 0 : i32
      %dma_wait3A_466 = tpu.memref_slice %arg19[%dma_wait3A_464, %dma_wait3A_465] : memref<80x128xf32, #tpu.memory_space<vmem>> -> memref<64x128xf32, #tpu.memory_space<vmem>>
      %dma_wait3A_467 = arith.constant 0 : i32
      %dma_wait3A_468 = tpu.memref_slice %arg6[%mul3A_459, %dma_wait3A_467] : memref<1001x128xf32, #tpu.memory_space<hbm>> -> memref<64x128xf32, #tpu.memory_space<hbm>>
      tpu.wait_dma2 semaphore(%arg31 : memref<!tpu.dma_semaphore, #tpu.memory_space<semaphore_mem>>) src(%dma_wait3A_468 : memref<64x128xf32, #tpu.memory_space<hbm>>) dst(%dma_wait3A_466 : memref<64x128xf32, #tpu.memory_space<vmem>>)
      %add3A_469 = arith.constant 4000 : i32
      %add3A_470 = arith.addi %mul3A_2, %add3A_469 : i32
      %mul3A_471 = arith.constant 64 : i32
      %mul3A_472 = arith.muli %arg1, %mul3A_471 : i32
      %add3A_473 = arith.addi %add3A_470, %mul3A_472 : i32
      %dma_start3A_474 = arith.constant 0 : i32
      %dma_start3A_475 = arith.constant 0 : i32
      %dma_start3A_476 = tpu.memref_slice %arg19[%dma_start3A_474, %dma_start3A_475] : memref<80x128xf32, #tpu.memory_space<vmem>> -> memref<64x128xf32, #tpu.memory_space<vmem>>
      %dma_start3A_477 = arith.constant 0 : i32
      %dma_start3A_478 = tpu.memref_slice %arg13[%add3A_473, %dma_start3A_477] : memref<16016x128xf32, #tpu.memory_space<hbm>> -> memref<64x128xf32, #tpu.memory_space<hbm>>
      %dma_start3A_479 = arith.constant 0 : i32
      %dma_start3A_480 = tpu.memref_slice %arg13[%add3A_473, %dma_start3A_479] : memref<16016x128xf32, #tpu.memory_space<hbm>> -> memref<64x128xf32, #tpu.memory_space<hbm>>
      %dma_start3A_481 = arith.constant 0 : i32
      %dma_start3A_482 = arith.constant 0 : i32
      %dma_start3A_483 = tpu.memref_slice %arg19[%dma_start3A_481, %dma_start3A_482] : memref<80x128xf32, #tpu.memory_space<vmem>> -> memref<64x128xf32, #tpu.memory_space<vmem>>
      tpu.enqueue_dma source(%dma_start3A_483 : memref<64x128xf32, #tpu.memory_space<vmem>>) target(%dma_start3A_480 : memref<64x128xf32, #tpu.memory_space<hbm>>) target_semaphore(%arg31 : memref<!tpu.dma_semaphore, #tpu.memory_space<semaphore_mem>>)
    } else {
    }
    %eq3A_127 = arith.constant 15 : i32
    %eq3A_128 = arith.cmpi eq, %arg1, %eq3A_127 : i32
    %convert_element_type3A_129 = arith.extui %eq3A_128 : i1 to i32
    %cond3A_130 = arith.constant 0 : i32
    %cond3A_131 = arith.cmpi ne, %convert_element_type3A_129, %cond3A_130 : i32
    scf.if %cond3A_131 {
      %mul3A_458 = arith.constant 64 : i32
      %mul3A_459 = arith.muli %arg1, %mul3A_458 : i32
      %dma_wait3A = arith.constant 0 : i32
      %dma_wait3A_460 = arith.constant 0 : i32
      %dma_wait3A_461 = tpu.memref_slice %arg19[%dma_wait3A, %dma_wait3A_460] : memref<80x128xf32, #tpu.memory_space<vmem>> -> memref<40x128xf32, #tpu.memory_space<vmem>>
      %dma_wait3A_462 = arith.constant 0 : i32
      %dma_wait3A_463 = tpu.memref_slice %arg6[%mul3A_459, %dma_wait3A_462] : memref<1001x128xf32, #tpu.memory_space<hbm>> -> memref<40x128xf32, #tpu.memory_space<hbm>>
      %dma_wait3A_464 = arith.constant 0 : i32
      %dma_wait3A_465 = arith.constant 0 : i32
      %dma_wait3A_466 = tpu.memref_slice %arg19[%dma_wait3A_464, %dma_wait3A_465] : memref<80x128xf32, #tpu.memory_space<vmem>> -> memref<40x128xf32, #tpu.memory_space<vmem>>
      %dma_wait3A_467 = arith.constant 0 : i32
      %dma_wait3A_468 = tpu.memref_slice %arg6[%mul3A_459, %dma_wait3A_467] : memref<1001x128xf32, #tpu.memory_space<hbm>> -> memref<40x128xf32, #tpu.memory_space<hbm>>
      tpu.wait_dma2 semaphore(%arg31 : memref<!tpu.dma_semaphore, #tpu.memory_space<semaphore_mem>>) src(%dma_wait3A_468 : memref<40x128xf32, #tpu.memory_space<hbm>>) dst(%dma_wait3A_466 : memref<40x128xf32, #tpu.memory_space<vmem>>)
      %add3A_469 = arith.constant 4000 : i32
      %add3A_470 = arith.addi %mul3A_2, %add3A_469 : i32
      %mul3A_471 = arith.constant 64 : i32
      %mul3A_472 = arith.muli %arg1, %mul3A_471 : i32
      %add3A_473 = arith.addi %add3A_470, %mul3A_472 : i32
      %dma_start3A_474 = arith.constant 0 : i32
      %dma_start3A_475 = arith.constant 0 : i32
      %dma_start3A_476 = tpu.memref_slice %arg19[%dma_start3A_474, %dma_start3A_475] : memref<80x128xf32, #tpu.memory_space<vmem>> -> memref<40x128xf32, #tpu.memory_space<vmem>>
      %dma_start3A_477 = arith.constant 0 : i32
      %dma_start3A_478 = tpu.memref_slice %arg13[%add3A_473, %dma_start3A_477] : memref<16016x128xf32, #tpu.memory_space<hbm>> -> memref<40x128xf32, #tpu.memory_space<hbm>>
      %dma_start3A_479 = arith.constant 0 : i32
      %dma_start3A_480 = tpu.memref_slice %arg13[%add3A_473, %dma_start3A_479] : memref<16016x128xf32, #tpu.memory_space<hbm>> -> memref<40x128xf32, #tpu.memory_space<hbm>>
      %dma_start3A_481 = arith.constant 0 : i32
      %dma_start3A_482 = arith.constant 0 : i32
      %dma_start3A_483 = tpu.memref_slice %arg19[%dma_start3A_481, %dma_start3A_482] : memref<80x128xf32, #tpu.memory_space<vmem>> -> memref<40x128xf32, #tpu.memory_space<vmem>>
      tpu.enqueue_dma source(%dma_start3A_483 : memref<40x128xf32, #tpu.memory_space<vmem>>) target(%dma_start3A_480 : memref<40x128xf32, #tpu.memory_space<hbm>>) target_semaphore(%arg31 : memref<!tpu.dma_semaphore, #tpu.memory_space<semaphore_mem>>)
    } else {
    }
    %lt3A_132 = arith.constant 15 : i32
    %lt3A_133 = arith.cmpi slt, %arg1, %lt3A_132 : i32
    %convert_element_type3A_134 = arith.extui %lt3A_133 : i1 to i32
    %cond3A_135 = arith.constant 0 : i32
    %cond3A_136 = arith.cmpi ne, %convert_element_type3A_134, %cond3A_135 : i32
    scf.if %cond3A_136 {
      %mul3A_458 = arith.constant 64 : i32
      %mul3A_459 = arith.muli %arg1, %mul3A_458 : i32
      %dma_wait3A = arith.constant 0 : i32
      %dma_wait3A_460 = arith.constant 0 : i32
      %dma_wait3A_461 = tpu.memref_slice %arg20[%dma_wait3A, %dma_wait3A_460] : memref<80x128xf32, #tpu.memory_space<vmem>> -> memref<64x128xf32, #tpu.memory_space<vmem>>
      %dma_wait3A_462 = arith.constant 0 : i32
      %dma_wait3A_463 = tpu.memref_slice %arg7[%mul3A_459, %dma_wait3A_462] : memref<1001x128xf32, #tpu.memory_space<hbm>> -> memref<64x128xf32, #tpu.memory_space<hbm>>
      %dma_wait3A_464 = arith.constant 0 : i32
      %dma_wait3A_465 = arith.constant 0 : i32
      %dma_wait3A_466 = tpu.memref_slice %arg20[%dma_wait3A_464, %dma_wait3A_465] : memref<80x128xf32, #tpu.memory_space<vmem>> -> memref<64x128xf32, #tpu.memory_space<vmem>>
      %dma_wait3A_467 = arith.constant 0 : i32
      %dma_wait3A_468 = tpu.memref_slice %arg7[%mul3A_459, %dma_wait3A_467] : memref<1001x128xf32, #tpu.memory_space<hbm>> -> memref<64x128xf32, #tpu.memory_space<hbm>>
      tpu.wait_dma2 semaphore(%arg32 : memref<!tpu.dma_semaphore, #tpu.memory_space<semaphore_mem>>) src(%dma_wait3A_468 : memref<64x128xf32, #tpu.memory_space<hbm>>) dst(%dma_wait3A_466 : memref<64x128xf32, #tpu.memory_space<vmem>>)
      %add3A_469 = arith.constant 5000 : i32
      %add3A_470 = arith.addi %mul3A_2, %add3A_469 : i32
      %mul3A_471 = arith.constant 64 : i32
      %mul3A_472 = arith.muli %arg1, %mul3A_471 : i32
      %add3A_473 = arith.addi %add3A_470, %mul3A_472 : i32
      %dma_start3A_474 = arith.constant 0 : i32
      %dma_start3A_475 = arith.constant 0 : i32
      %dma_start3A_476 = tpu.memref_slice %arg20[%dma_start3A_474, %dma_start3A_475] : memref<80x128xf32, #tpu.memory_space<vmem>> -> memref<64x128xf32, #tpu.memory_space<vmem>>
      %dma_start3A_477 = arith.constant 0 : i32
      %dma_start3A_478 = tpu.memref_slice %arg13[%add3A_473, %dma_start3A_477] : memref<16016x128xf32, #tpu.memory_space<hbm>> -> memref<64x128xf32, #tpu.memory_space<hbm>>
      %dma_start3A_479 = arith.constant 0 : i32
      %dma_start3A_480 = tpu.memref_slice %arg13[%add3A_473, %dma_start3A_479] : memref<16016x128xf32, #tpu.memory_space<hbm>> -> memref<64x128xf32, #tpu.memory_space<hbm>>
      %dma_start3A_481 = arith.constant 0 : i32
      %dma_start3A_482 = arith.constant 0 : i32
      %dma_start3A_483 = tpu.memref_slice %arg20[%dma_start3A_481, %dma_start3A_482] : memref<80x128xf32, #tpu.memory_space<vmem>> -> memref<64x128xf32, #tpu.memory_space<vmem>>
      tpu.enqueue_dma source(%dma_start3A_483 : memref<64x128xf32, #tpu.memory_space<vmem>>) target(%dma_start3A_480 : memref<64x128xf32, #tpu.memory_space<hbm>>) target_semaphore(%arg32 : memref<!tpu.dma_semaphore, #tpu.memory_space<semaphore_mem>>)
    } else {
    }
    %eq3A_137 = arith.constant 15 : i32
    %eq3A_138 = arith.cmpi eq, %arg1, %eq3A_137 : i32
    %convert_element_type3A_139 = arith.extui %eq3A_138 : i1 to i32
    %cond3A_140 = arith.constant 0 : i32
    %cond3A_141 = arith.cmpi ne, %convert_element_type3A_139, %cond3A_140 : i32
    scf.if %cond3A_141 {
      %mul3A_458 = arith.constant 64 : i32
      %mul3A_459 = arith.muli %arg1, %mul3A_458 : i32
      %dma_wait3A = arith.constant 0 : i32
      %dma_wait3A_460 = arith.constant 0 : i32
      %dma_wait3A_461 = tpu.memref_slice %arg20[%dma_wait3A, %dma_wait3A_460] : memref<80x128xf32, #tpu.memory_space<vmem>> -> memref<40x128xf32, #tpu.memory_space<vmem>>
      %dma_wait3A_462 = arith.constant 0 : i32
      %dma_wait3A_463 = tpu.memref_slice %arg7[%mul3A_459, %dma_wait3A_462] : memref<1001x128xf32, #tpu.memory_space<hbm>> -> memref<40x128xf32, #tpu.memory_space<hbm>>
      %dma_wait3A_464 = arith.constant 0 : i32
      %dma_wait3A_465 = arith.constant 0 : i32
      %dma_wait3A_466 = tpu.memref_slice %arg20[%dma_wait3A_464, %dma_wait3A_465] : memref<80x128xf32, #tpu.memory_space<vmem>> -> memref<40x128xf32, #tpu.memory_space<vmem>>
      %dma_wait3A_467 = arith.constant 0 : i32
      %dma_wait3A_468 = tpu.memref_slice %arg7[%mul3A_459, %dma_wait3A_467] : memref<1001x128xf32, #tpu.memory_space<hbm>> -> memref<40x128xf32, #tpu.memory_space<hbm>>
      tpu.wait_dma2 semaphore(%arg32 : memref<!tpu.dma_semaphore, #tpu.memory_space<semaphore_mem>>) src(%dma_wait3A_468 : memref<40x128xf32, #tpu.memory_space<hbm>>) dst(%dma_wait3A_466 : memref<40x128xf32, #tpu.memory_space<vmem>>)
      %add3A_469 = arith.constant 5000 : i32
      %add3A_470 = arith.addi %mul3A_2, %add3A_469 : i32
      %mul3A_471 = arith.constant 64 : i32
      %mul3A_472 = arith.muli %arg1, %mul3A_471 : i32
      %add3A_473 = arith.addi %add3A_470, %mul3A_472 : i32
      %dma_start3A_474 = arith.constant 0 : i32
      %dma_start3A_475 = arith.constant 0 : i32
      %dma_start3A_476 = tpu.memref_slice %arg20[%dma_start3A_474, %dma_start3A_475] : memref<80x128xf32, #tpu.memory_space<vmem>> -> memref<40x128xf32, #tpu.memory_space<vmem>>
      %dma_start3A_477 = arith.constant 0 : i32
      %dma_start3A_478 = tpu.memref_slice %arg13[%add3A_473, %dma_start3A_477] : memref<16016x128xf32, #tpu.memory_space<hbm>> -> memref<40x128xf32, #tpu.memory_space<hbm>>
      %dma_start3A_479 = arith.constant 0 : i32
      %dma_start3A_480 = tpu.memref_slice %arg13[%add3A_473, %dma_start3A_479] : memref<16016x128xf32, #tpu.memory_space<hbm>> -> memref<40x128xf32, #tpu.memory_space<hbm>>
      %dma_start3A_481 = arith.constant 0 : i32
      %dma_start3A_482 = arith.constant 0 : i32
      %dma_start3A_483 = tpu.memref_slice %arg20[%dma_start3A_481, %dma_start3A_482] : memref<80x128xf32, #tpu.memory_space<vmem>> -> memref<40x128xf32, #tpu.memory_space<vmem>>
      tpu.enqueue_dma source(%dma_start3A_483 : memref<40x128xf32, #tpu.memory_space<vmem>>) target(%dma_start3A_480 : memref<40x128xf32, #tpu.memory_space<hbm>>) target_semaphore(%arg32 : memref<!tpu.dma_semaphore, #tpu.memory_space<semaphore_mem>>)
    } else {
    }
    %lt3A_142 = arith.constant 15 : i32
    %lt3A_143 = arith.cmpi slt, %arg1, %lt3A_142 : i32
    %convert_element_type3A_144 = arith.extui %lt3A_143 : i1 to i32
    %cond3A_145 = arith.constant 0 : i32
    %cond3A_146 = arith.cmpi ne, %convert_element_type3A_144, %cond3A_145 : i32
    scf.if %cond3A_146 {
      %mul3A_458 = arith.constant 64 : i32
      %mul3A_459 = arith.muli %arg1, %mul3A_458 : i32
      %dma_wait3A = arith.constant 0 : i32
      %dma_wait3A_460 = arith.constant 0 : i32
      %dma_wait3A_461 = tpu.memref_slice %arg21[%dma_wait3A, %dma_wait3A_460] : memref<80x128xf32, #tpu.memory_space<vmem>> -> memref<64x128xf32, #tpu.memory_space<vmem>>
      %dma_wait3A_462 = arith.constant 0 : i32
      %dma_wait3A_463 = tpu.memref_slice %arg8[%mul3A_459, %dma_wait3A_462] : memref<1001x128xf32, #tpu.memory_space<hbm>> -> memref<64x128xf32, #tpu.memory_space<hbm>>
      %dma_wait3A_464 = arith.constant 0 : i32
      %dma_wait3A_465 = arith.constant 0 : i32
      %dma_wait3A_466 = tpu.memref_slice %arg21[%dma_wait3A_464, %dma_wait3A_465] : memref<80x128xf32, #tpu.memory_space<vmem>> -> memref<64x128xf32, #tpu.memory_space<vmem>>
      %dma_wait3A_467 = arith.constant 0 : i32
      %dma_wait3A_468 = tpu.memref_slice %arg8[%mul3A_459, %dma_wait3A_467] : memref<1001x128xf32, #tpu.memory_space<hbm>> -> memref<64x128xf32, #tpu.memory_space<hbm>>
      tpu.wait_dma2 semaphore(%arg33 : memref<!tpu.dma_semaphore, #tpu.memory_space<semaphore_mem>>) src(%dma_wait3A_468 : memref<64x128xf32, #tpu.memory_space<hbm>>) dst(%dma_wait3A_466 : memref<64x128xf32, #tpu.memory_space<vmem>>)
      %add3A_469 = arith.constant 6000 : i32
      %add3A_470 = arith.addi %mul3A_2, %add3A_469 : i32
      %mul3A_471 = arith.constant 64 : i32
      %mul3A_472 = arith.muli %arg1, %mul3A_471 : i32
      %add3A_473 = arith.addi %add3A_470, %mul3A_472 : i32
      %dma_start3A_474 = arith.constant 0 : i32
      %dma_start3A_475 = arith.constant 0 : i32
      %dma_start3A_476 = tpu.memref_slice %arg21[%dma_start3A_474, %dma_start3A_475] : memref<80x128xf32, #tpu.memory_space<vmem>> -> memref<64x128xf32, #tpu.memory_space<vmem>>
      %dma_start3A_477 = arith.constant 0 : i32
      %dma_start3A_478 = tpu.memref_slice %arg13[%add3A_473, %dma_start3A_477] : memref<16016x128xf32, #tpu.memory_space<hbm>> -> memref<64x128xf32, #tpu.memory_space<hbm>>
      %dma_start3A_479 = arith.constant 0 : i32
      %dma_start3A_480 = tpu.memref_slice %arg13[%add3A_473, %dma_start3A_479] : memref<16016x128xf32, #tpu.memory_space<hbm>> -> memref<64x128xf32, #tpu.memory_space<hbm>>
      %dma_start3A_481 = arith.constant 0 : i32
      %dma_start3A_482 = arith.constant 0 : i32
      %dma_start3A_483 = tpu.memref_slice %arg21[%dma_start3A_481, %dma_start3A_482] : memref<80x128xf32, #tpu.memory_space<vmem>> -> memref<64x128xf32, #tpu.memory_space<vmem>>
      tpu.enqueue_dma source(%dma_start3A_483 : memref<64x128xf32, #tpu.memory_space<vmem>>) target(%dma_start3A_480 : memref<64x128xf32, #tpu.memory_space<hbm>>) target_semaphore(%arg33 : memref<!tpu.dma_semaphore, #tpu.memory_space<semaphore_mem>>)
    } else {
    }
    %eq3A_147 = arith.constant 15 : i32
    %eq3A_148 = arith.cmpi eq, %arg1, %eq3A_147 : i32
    %convert_element_type3A_149 = arith.extui %eq3A_148 : i1 to i32
    %cond3A_150 = arith.constant 0 : i32
    %cond3A_151 = arith.cmpi ne, %convert_element_type3A_149, %cond3A_150 : i32
    scf.if %cond3A_151 {
      %mul3A_458 = arith.constant 64 : i32
      %mul3A_459 = arith.muli %arg1, %mul3A_458 : i32
      %dma_wait3A = arith.constant 0 : i32
      %dma_wait3A_460 = arith.constant 0 : i32
      %dma_wait3A_461 = tpu.memref_slice %arg21[%dma_wait3A, %dma_wait3A_460] : memref<80x128xf32, #tpu.memory_space<vmem>> -> memref<40x128xf32, #tpu.memory_space<vmem>>
      %dma_wait3A_462 = arith.constant 0 : i32
      %dma_wait3A_463 = tpu.memref_slice %arg8[%mul3A_459, %dma_wait3A_462] : memref<1001x128xf32, #tpu.memory_space<hbm>> -> memref<40x128xf32, #tpu.memory_space<hbm>>
      %dma_wait3A_464 = arith.constant 0 : i32
      %dma_wait3A_465 = arith.constant 0 : i32
      %dma_wait3A_466 = tpu.memref_slice %arg21[%dma_wait3A_464, %dma_wait3A_465] : memref<80x128xf32, #tpu.memory_space<vmem>> -> memref<40x128xf32, #tpu.memory_space<vmem>>
      %dma_wait3A_467 = arith.constant 0 : i32
      %dma_wait3A_468 = tpu.memref_slice %arg8[%mul3A_459, %dma_wait3A_467] : memref<1001x128xf32, #tpu.memory_space<hbm>> -> memref<40x128xf32, #tpu.memory_space<hbm>>
      tpu.wait_dma2 semaphore(%arg33 : memref<!tpu.dma_semaphore, #tpu.memory_space<semaphore_mem>>) src(%dma_wait3A_468 : memref<40x128xf32, #tpu.memory_space<hbm>>) dst(%dma_wait3A_466 : memref<40x128xf32, #tpu.memory_space<vmem>>)
      %add3A_469 = arith.constant 6000 : i32
      %add3A_470 = arith.addi %mul3A_2, %add3A_469 : i32
      %mul3A_471 = arith.constant 64 : i32
      %mul3A_472 = arith.muli %arg1, %mul3A_471 : i32
      %add3A_473 = arith.addi %add3A_470, %mul3A_472 : i32
      %dma_start3A_474 = arith.constant 0 : i32
      %dma_start3A_475 = arith.constant 0 : i32
      %dma_start3A_476 = tpu.memref_slice %arg21[%dma_start3A_474, %dma_start3A_475] : memref<80x128xf32, #tpu.memory_space<vmem>> -> memref<40x128xf32, #tpu.memory_space<vmem>>
      %dma_start3A_477 = arith.constant 0 : i32
      %dma_start3A_478 = tpu.memref_slice %arg13[%add3A_473, %dma_start3A_477] : memref<16016x128xf32, #tpu.memory_space<hbm>> -> memref<40x128xf32, #tpu.memory_space<hbm>>
      %dma_start3A_479 = arith.constant 0 : i32
      %dma_start3A_480 = tpu.memref_slice %arg13[%add3A_473, %dma_start3A_479] : memref<16016x128xf32, #tpu.memory_space<hbm>> -> memref<40x128xf32, #tpu.memory_space<hbm>>
      %dma_start3A_481 = arith.constant 0 : i32
      %dma_start3A_482 = arith.constant 0 : i32
      %dma_start3A_483 = tpu.memref_slice %arg21[%dma_start3A_481, %dma_start3A_482] : memref<80x128xf32, #tpu.memory_space<vmem>> -> memref<40x128xf32, #tpu.memory_space<vmem>>
      tpu.enqueue_dma source(%dma_start3A_483 : memref<40x128xf32, #tpu.memory_space<vmem>>) target(%dma_start3A_480 : memref<40x128xf32, #tpu.memory_space<hbm>>) target_semaphore(%arg33 : memref<!tpu.dma_semaphore, #tpu.memory_space<semaphore_mem>>)
    } else {
    }
    %lt3A_152 = arith.constant 15 : i32
    %lt3A_153 = arith.cmpi slt, %arg1, %lt3A_152 : i32
    %convert_element_type3A_154 = arith.extui %lt3A_153 : i1 to i32
    %cond3A_155 = arith.constant 0 : i32
    %cond3A_156 = arith.cmpi ne, %convert_element_type3A_154, %cond3A_155 : i32
    scf.if %cond3A_156 {
      %mul3A_458 = arith.constant 64 : i32
      %mul3A_459 = arith.muli %arg1, %mul3A_458 : i32
      %dma_wait3A = arith.constant 0 : i32
      %dma_wait3A_460 = arith.constant 0 : i32
      %dma_wait3A_461 = tpu.memref_slice %arg22[%dma_wait3A, %dma_wait3A_460] : memref<80x128xf32, #tpu.memory_space<vmem>> -> memref<64x128xf32, #tpu.memory_space<vmem>>
      %dma_wait3A_462 = arith.constant 0 : i32
      %dma_wait3A_463 = tpu.memref_slice %arg9[%mul3A_459, %dma_wait3A_462] : memref<1001x128xf32, #tpu.memory_space<hbm>> -> memref<64x128xf32, #tpu.memory_space<hbm>>
      %dma_wait3A_464 = arith.constant 0 : i32
      %dma_wait3A_465 = arith.constant 0 : i32
      %dma_wait3A_466 = tpu.memref_slice %arg22[%dma_wait3A_464, %dma_wait3A_465] : memref<80x128xf32, #tpu.memory_space<vmem>> -> memref<64x128xf32, #tpu.memory_space<vmem>>
      %dma_wait3A_467 = arith.constant 0 : i32
      %dma_wait3A_468 = tpu.memref_slice %arg9[%mul3A_459, %dma_wait3A_467] : memref<1001x128xf32, #tpu.memory_space<hbm>> -> memref<64x128xf32, #tpu.memory_space<hbm>>
      tpu.wait_dma2 semaphore(%arg34 : memref<!tpu.dma_semaphore, #tpu.memory_space<semaphore_mem>>) src(%dma_wait3A_468 : memref<64x128xf32, #tpu.memory_space<hbm>>) dst(%dma_wait3A_466 : memref<64x128xf32, #tpu.memory_space<vmem>>)
      %add3A_469 = arith.constant 7000 : i32
      %add3A_470 = arith.addi %mul3A_2, %add3A_469 : i32
      %mul3A_471 = arith.constant 64 : i32
      %mul3A_472 = arith.muli %arg1, %mul3A_471 : i32
      %add3A_473 = arith.addi %add3A_470, %mul3A_472 : i32
      %dma_start3A_474 = arith.constant 0 : i32
      %dma_start3A_475 = arith.constant 0 : i32
      %dma_start3A_476 = tpu.memref_slice %arg22[%dma_start3A_474, %dma_start3A_475] : memref<80x128xf32, #tpu.memory_space<vmem>> -> memref<64x128xf32, #tpu.memory_space<vmem>>
      %dma_start3A_477 = arith.constant 0 : i32
      %dma_start3A_478 = tpu.memref_slice %arg13[%add3A_473, %dma_start3A_477] : memref<16016x128xf32, #tpu.memory_space<hbm>> -> memref<64x128xf32, #tpu.memory_space<hbm>>
      %dma_start3A_479 = arith.constant 0 : i32
      %dma_start3A_480 = tpu.memref_slice %arg13[%add3A_473, %dma_start3A_479] : memref<16016x128xf32, #tpu.memory_space<hbm>> -> memref<64x128xf32, #tpu.memory_space<hbm>>
      %dma_start3A_481 = arith.constant 0 : i32
      %dma_start3A_482 = arith.constant 0 : i32
      %dma_start3A_483 = tpu.memref_slice %arg22[%dma_start3A_481, %dma_start3A_482] : memref<80x128xf32, #tpu.memory_space<vmem>> -> memref<64x128xf32, #tpu.memory_space<vmem>>
      tpu.enqueue_dma source(%dma_start3A_483 : memref<64x128xf32, #tpu.memory_space<vmem>>) target(%dma_start3A_480 : memref<64x128xf32, #tpu.memory_space<hbm>>) target_semaphore(%arg34 : memref<!tpu.dma_semaphore, #tpu.memory_space<semaphore_mem>>)
    } else {
    }
    %eq3A_157 = arith.constant 15 : i32
    %eq3A_158 = arith.cmpi eq, %arg1, %eq3A_157 : i32
    %convert_element_type3A_159 = arith.extui %eq3A_158 : i1 to i32
    %cond3A_160 = arith.constant 0 : i32
    %cond3A_161 = arith.cmpi ne, %convert_element_type3A_159, %cond3A_160 : i32
    scf.if %cond3A_161 {
      %mul3A_458 = arith.constant 64 : i32
      %mul3A_459 = arith.muli %arg1, %mul3A_458 : i32
      %dma_wait3A = arith.constant 0 : i32
      %dma_wait3A_460 = arith.constant 0 : i32
      %dma_wait3A_461 = tpu.memref_slice %arg22[%dma_wait3A, %dma_wait3A_460] : memref<80x128xf32, #tpu.memory_space<vmem>> -> memref<40x128xf32, #tpu.memory_space<vmem>>
      %dma_wait3A_462 = arith.constant 0 : i32
      %dma_wait3A_463 = tpu.memref_slice %arg9[%mul3A_459, %dma_wait3A_462] : memref<1001x128xf32, #tpu.memory_space<hbm>> -> memref<40x128xf32, #tpu.memory_space<hbm>>
      %dma_wait3A_464 = arith.constant 0 : i32
      %dma_wait3A_465 = arith.constant 0 : i32
      %dma_wait3A_466 = tpu.memref_slice %arg22[%dma_wait3A_464, %dma_wait3A_465] : memref<80x128xf32, #tpu.memory_space<vmem>> -> memref<40x128xf32, #tpu.memory_space<vmem>>
      %dma_wait3A_467 = arith.constant 0 : i32
      %dma_wait3A_468 = tpu.memref_slice %arg9[%mul3A_459, %dma_wait3A_467] : memref<1001x128xf32, #tpu.memory_space<hbm>> -> memref<40x128xf32, #tpu.memory_space<hbm>>
      tpu.wait_dma2 semaphore(%arg34 : memref<!tpu.dma_semaphore, #tpu.memory_space<semaphore_mem>>) src(%dma_wait3A_468 : memref<40x128xf32, #tpu.memory_space<hbm>>) dst(%dma_wait3A_466 : memref<40x128xf32, #tpu.memory_space<vmem>>)
      %add3A_469 = arith.constant 7000 : i32
      %add3A_470 = arith.addi %mul3A_2, %add3A_469 : i32
      %mul3A_471 = arith.constant 64 : i32
      %mul3A_472 = arith.muli %arg1, %mul3A_471 : i32
      %add3A_473 = arith.addi %add3A_470, %mul3A_472 : i32
      %dma_start3A_474 = arith.constant 0 : i32
      %dma_start3A_475 = arith.constant 0 : i32
      %dma_start3A_476 = tpu.memref_slice %arg22[%dma_start3A_474, %dma_start3A_475] : memref<80x128xf32, #tpu.memory_space<vmem>> -> memref<40x128xf32, #tpu.memory_space<vmem>>
      %dma_start3A_477 = arith.constant 0 : i32
      %dma_start3A_478 = tpu.memref_slice %arg13[%add3A_473, %dma_start3A_477] : memref<16016x128xf32, #tpu.memory_space<hbm>> -> memref<40x128xf32, #tpu.memory_space<hbm>>
      %dma_start3A_479 = arith.constant 0 : i32
      %dma_start3A_480 = tpu.memref_slice %arg13[%add3A_473, %dma_start3A_479] : memref<16016x128xf32, #tpu.memory_space<hbm>> -> memref<40x128xf32, #tpu.memory_space<hbm>>
      %dma_start3A_481 = arith.constant 0 : i32
      %dma_start3A_482 = arith.constant 0 : i32
      %dma_start3A_483 = tpu.memref_slice %arg22[%dma_start3A_481, %dma_start3A_482] : memref<80x128xf32, #tpu.memory_space<vmem>> -> memref<40x128xf32, #tpu.memory_space<vmem>>
      tpu.enqueue_dma source(%dma_start3A_483 : memref<40x128xf32, #tpu.memory_space<vmem>>) target(%dma_start3A_480 : memref<40x128xf32, #tpu.memory_space<hbm>>) target_semaphore(%arg34 : memref<!tpu.dma_semaphore, #tpu.memory_space<semaphore_mem>>)
    } else {
    }
    %eq3A_162 = arith.constant 15 : i32
    %eq3A_163 = arith.cmpi eq, %arg1, %eq3A_162 : i32
    %convert_element_type3A_164 = arith.extui %eq3A_163 : i1 to i32
    %cond3A_165 = arith.constant 0 : i32
    %cond3A_166 = arith.cmpi ne, %convert_element_type3A_164, %cond3A_165 : i32
    scf.if %cond3A_166 {
      %swap3A = arith.constant 0 : i32
      %swap3A_458 = arith.index_cast %swap3A : i32 to index
      %swap3A_459 = arith.constant 0 : index
      %swap3A_460 = tpu.vector_load %arg26[%swap3A_458, %swap3A_459] {strides = array<i32>} : memref<8x128xf32, #tpu.memory_space<vmem>>, vector<16xf32>,
      tpu.vector_store %arg26[%swap3A_458, %swap3A_459], %broadcast_in_dim3A_5 {strides = array<i32>} : memref<8x128xf32, #tpu.memory_space<vmem>>, vector<16xf32>,
      %swap3A_461 = arith.constant 0 : i32
      %swap3A_462 = arith.index_cast %swap3A_461 : i32 to index
      %swap3A_463 = arith.constant 16 : index
      %swap3A_464 = tpu.vector_load %arg26[%swap3A_462, %swap3A_463] {strides = array<i32>} : memref<8x128xf32, #tpu.memory_space<vmem>>, vector<16xf32>,
      tpu.vector_store %arg26[%swap3A_462, %swap3A_463], %broadcast_in_dim3A_5 {strides = array<i32>} : memref<8x128xf32, #tpu.memory_space<vmem>>, vector<16xf32>,
      %swap3A_465 = arith.constant 0 : i32
      %swap3A_466 = arith.index_cast %swap3A_465 : i32 to index
      %swap3A_467 = arith.constant 32 : index
      %swap3A_468 = tpu.vector_load %arg26[%swap3A_466, %swap3A_467] {strides = array<i32>} : memref<8x128xf32, #tpu.memory_space<vmem>>, vector<16xf32>,
      tpu.vector_store %arg26[%swap3A_466, %swap3A_467], %broadcast_in_dim3A_5 {strides = array<i32>} : memref<8x128xf32, #tpu.memory_space<vmem>>, vector<16xf32>,
      %swap3A_469 = arith.constant 0 : i32
      %swap3A_470 = arith.index_cast %swap3A_469 : i32 to index
      %swap3A_471 = arith.constant 48 : index
      %swap3A_472 = tpu.vector_load %arg26[%swap3A_470, %swap3A_471] {strides = array<i32>} : memref<8x128xf32, #tpu.memory_space<vmem>>, vector<16xf32>,
      tpu.vector_store %arg26[%swap3A_470, %swap3A_471], %broadcast_in_dim3A_5 {strides = array<i32>} : memref<8x128xf32, #tpu.memory_space<vmem>>, vector<16xf32>,
      %swap3A_473 = arith.constant 0 : i32
      %swap3A_474 = arith.index_cast %swap3A_473 : i32 to index
      %swap3A_475 = arith.constant 64 : index
      %swap3A_476 = tpu.vector_load %arg26[%swap3A_474, %swap3A_475] {strides = array<i32>} : memref<8x128xf32, #tpu.memory_space<vmem>>, vector<16xf32>,
      tpu.vector_store %arg26[%swap3A_474, %swap3A_475], %broadcast_in_dim3A_5 {strides = array<i32>} : memref<8x128xf32, #tpu.memory_space<vmem>>, vector<16xf32>,
      %swap3A_477 = arith.constant 0 : i32
      %swap3A_478 = arith.index_cast %swap3A_477 : i32 to index
      %swap3A_479 = arith.constant 80 : index
      %swap3A_480 = tpu.vector_load %arg26[%swap3A_478, %swap3A_479] {strides = array<i32>} : memref<8x128xf32, #tpu.memory_space<vmem>>, vector<16xf32>,
      tpu.vector_store %arg26[%swap3A_478, %swap3A_479], %broadcast_in_dim3A_5 {strides = array<i32>} : memref<8x128xf32, #tpu.memory_space<vmem>>, vector<16xf32>,
      %swap3A_481 = arith.constant 0 : i32
      %swap3A_482 = arith.index_cast %swap3A_481 : i32 to index
      %swap3A_483 = arith.constant 96 : index
      %swap3A_484 = tpu.vector_load %arg26[%swap3A_482, %swap3A_483] {strides = array<i32>} : memref<8x128xf32, #tpu.memory_space<vmem>>, vector<16xf32>,
      tpu.vector_store %arg26[%swap3A_482, %swap3A_483], %broadcast_in_dim3A_5 {strides = array<i32>} : memref<8x128xf32, #tpu.memory_space<vmem>>, vector<16xf32>,
      %swap3A_485 = arith.constant 0 : i32
      %swap3A_486 = arith.index_cast %swap3A_485 : i32 to index
      %swap3A_487 = arith.constant 112 : index
      %swap3A_488 = tpu.vector_load %arg26[%swap3A_486, %swap3A_487] {strides = array<i32>} : memref<8x128xf32, #tpu.memory_space<vmem>>, vector<16xf32>,
      tpu.vector_store %arg26[%swap3A_486, %swap3A_487], %broadcast_in_dim3A_5 {strides = array<i32>} : memref<8x128xf32, #tpu.memory_space<vmem>>, vector<16xf32>,
      %swap3A_489 = arith.constant 1 : i32
      %swap3A_490 = arith.index_cast %swap3A_489 : i32 to index
      %swap3A_491 = arith.constant 0 : index
      %swap3A_492 = tpu.vector_load %arg26[%swap3A_490, %swap3A_491] {strides = array<i32>} : memref<8x128xf32, #tpu.memory_space<vmem>>, vector<16xf32>,
      tpu.vector_store %arg26[%swap3A_490, %swap3A_491], %broadcast_in_dim3A_5 {strides = array<i32>} : memref<8x128xf32, #tpu.memory_space<vmem>>, vector<16xf32>,
      %swap3A_493 = arith.constant 1 : i32
      %swap3A_494 = arith.index_cast %swap3A_493 : i32 to index
      %swap3A_495 = arith.constant 16 : index
      %swap3A_496 = tpu.vector_load %arg26[%swap3A_494, %swap3A_495] {strides = array<i32>} : memref<8x128xf32, #tpu.memory_space<vmem>>, vector<16xf32>,
      tpu.vector_store %arg26[%swap3A_494, %swap3A_495], %broadcast_in_dim3A_5 {strides = array<i32>} : memref<8x128xf32, #tpu.memory_space<vmem>>, vector<16xf32>,
      %swap3A_497 = arith.constant 1 : i32
      %swap3A_498 = arith.index_cast %swap3A_497 : i32 to index
      %swap3A_499 = arith.constant 32 : index
      %swap3A_500 = tpu.vector_load %arg26[%swap3A_498, %swap3A_499] {strides = array<i32>} : memref<8x128xf32, #tpu.memory_space<vmem>>, vector<16xf32>,
      tpu.vector_store %arg26[%swap3A_498, %swap3A_499], %broadcast_in_dim3A_5 {strides = array<i32>} : memref<8x128xf32, #tpu.memory_space<vmem>>, vector<16xf32>,
      %swap3A_501 = arith.constant 1 : i32
      %swap3A_502 = arith.index_cast %swap3A_501 : i32 to index
      %swap3A_503 = arith.constant 48 : index
      %swap3A_504 = tpu.vector_load %arg26[%swap3A_502, %swap3A_503] {strides = array<i32>} : memref<8x128xf32, #tpu.memory_space<vmem>>, vector<16xf32>,
      tpu.vector_store %arg26[%swap3A_502, %swap3A_503], %broadcast_in_dim3A_5 {strides = array<i32>} : memref<8x128xf32, #tpu.memory_space<vmem>>, vector<16xf32>,
      %swap3A_505 = arith.constant 1 : i32
      %swap3A_506 = arith.index_cast %swap3A_505 : i32 to index
      %swap3A_507 = arith.constant 64 : index
      %swap3A_508 = tpu.vector_load %arg26[%swap3A_506, %swap3A_507] {strides = array<i32>} : memref<8x128xf32, #tpu.memory_space<vmem>>, vector<16xf32>,
      tpu.vector_store %arg26[%swap3A_506, %swap3A_507], %broadcast_in_dim3A_5 {strides = array<i32>} : memref<8x128xf32, #tpu.memory_space<vmem>>, vector<16xf32>,
      %swap3A_509 = arith.constant 1 : i32
      %swap3A_510 = arith.index_cast %swap3A_509 : i32 to index
      %swap3A_511 = arith.constant 80 : index
      %swap3A_512 = tpu.vector_load %arg26[%swap3A_510, %swap3A_511] {strides = array<i32>} : memref<8x128xf32, #tpu.memory_space<vmem>>, vector<16xf32>,
      tpu.vector_store %arg26[%swap3A_510, %swap3A_511], %broadcast_in_dim3A_5 {strides = array<i32>} : memref<8x128xf32, #tpu.memory_space<vmem>>, vector<16xf32>,
      %swap3A_513 = arith.constant 1 : i32
      %swap3A_514 = arith.index_cast %swap3A_513 : i32 to index
      %swap3A_515 = arith.constant 96 : index
      %swap3A_516 = tpu.vector_load %arg26[%swap3A_514, %swap3A_515] {strides = array<i32>} : memref<8x128xf32, #tpu.memory_space<vmem>>, vector<16xf32>,
      tpu.vector_store %arg26[%swap3A_514, %swap3A_515], %broadcast_in_dim3A_5 {strides = array<i32>} : memref<8x128xf32, #tpu.memory_space<vmem>>, vector<16xf32>,
      %swap3A_517 = arith.constant 1 : i32
      %swap3A_518 = arith.index_cast %swap3A_517 : i32 to index
      %swap3A_519 = arith.constant 112 : index
      %swap3A_520 = tpu.vector_load %arg26[%swap3A_518, %swap3A_519] {strides = array<i32>} : memref<8x128xf32, #tpu.memory_space<vmem>>, vector<16xf32>,
      tpu.vector_store %arg26[%swap3A_518, %swap3A_519], %broadcast_in_dim3A_5 {strides = array<i32>} : memref<8x128xf32, #tpu.memory_space<vmem>>, vector<16xf32>,
      %swap3A_521 = arith.constant 2 : i32
      %swap3A_522 = arith.index_cast %swap3A_521 : i32 to index
      %swap3A_523 = arith.constant 0 : index
      %swap3A_524 = tpu.vector_load %arg26[%swap3A_522, %swap3A_523] {strides = array<i32>} : memref<8x128xf32, #tpu.memory_space<vmem>>, vector<16xf32>,
      tpu.vector_store %arg26[%swap3A_522, %swap3A_523], %broadcast_in_dim3A_5 {strides = array<i32>} : memref<8x128xf32, #tpu.memory_space<vmem>>, vector<16xf32>,
      %swap3A_525 = arith.constant 2 : i32
      %swap3A_526 = arith.index_cast %swap3A_525 : i32 to index
      %swap3A_527 = arith.constant 16 : index
      %swap3A_528 = tpu.vector_load %arg26[%swap3A_526, %swap3A_527] {strides = array<i32>} : memref<8x128xf32, #tpu.memory_space<vmem>>, vector<16xf32>,
      tpu.vector_store %arg26[%swap3A_526, %swap3A_527], %broadcast_in_dim3A_5 {strides = array<i32>} : memref<8x128xf32, #tpu.memory_space<vmem>>, vector<16xf32>,
      %swap3A_529 = arith.constant 2 : i32
      %swap3A_530 = arith.index_cast %swap3A_529 : i32 to index
      %swap3A_531 = arith.constant 32 : index
      %swap3A_532 = tpu.vector_load %arg26[%swap3A_530, %swap3A_531] {strides = array<i32>} : memref<8x128xf32, #tpu.memory_space<vmem>>, vector<16xf32>,
      tpu.vector_store %arg26[%swap3A_530, %swap3A_531], %broadcast_in_dim3A_5 {strides = array<i32>} : memref<8x128xf32, #tpu.memory_space<vmem>>, vector<16xf32>,
      %swap3A_533 = arith.constant 2 : i32
      %swap3A_534 = arith.index_cast %swap3A_533 : i32 to index
      %swap3A_535 = arith.constant 48 : index
      %swap3A_536 = tpu.vector_load %arg26[%swap3A_534, %swap3A_535] {strides = array<i32>} : memref<8x128xf32, #tpu.memory_space<vmem>>, vector<16xf32>,
      tpu.vector_store %arg26[%swap3A_534, %swap3A_535], %broadcast_in_dim3A_5 {strides = array<i32>} : memref<8x128xf32, #tpu.memory_space<vmem>>, vector<16xf32>,
      %swap3A_537 = arith.constant 2 : i32
      %swap3A_538 = arith.index_cast %swap3A_537 : i32 to index
      %swap3A_539 = arith.constant 64 : index
      %swap3A_540 = tpu.vector_load %arg26[%swap3A_538, %swap3A_539] {strides = array<i32>} : memref<8x128xf32, #tpu.memory_space<vmem>>, vector<16xf32>,
      tpu.vector_store %arg26[%swap3A_538, %swap3A_539], %broadcast_in_dim3A_5 {strides = array<i32>} : memref<8x128xf32, #tpu.memory_space<vmem>>, vector<16xf32>,
      %swap3A_541 = arith.constant 2 : i32
      %swap3A_542 = arith.index_cast %swap3A_541 : i32 to index
      %swap3A_543 = arith.constant 80 : index
      %swap3A_544 = tpu.vector_load %arg26[%swap3A_542, %swap3A_543] {strides = array<i32>} : memref<8x128xf32, #tpu.memory_space<vmem>>, vector<16xf32>,
      tpu.vector_store %arg26[%swap3A_542, %swap3A_543], %broadcast_in_dim3A_5 {strides = array<i32>} : memref<8x128xf32, #tpu.memory_space<vmem>>, vector<16xf32>,
      %swap3A_545 = arith.constant 2 : i32
      %swap3A_546 = arith.index_cast %swap3A_545 : i32 to index
      %swap3A_547 = arith.constant 96 : index
      %swap3A_548 = tpu.vector_load %arg26[%swap3A_546, %swap3A_547] {strides = array<i32>} : memref<8x128xf32, #tpu.memory_space<vmem>>, vector<16xf32>,
      tpu.vector_store %arg26[%swap3A_546, %swap3A_547], %broadcast_in_dim3A_5 {strides = array<i32>} : memref<8x128xf32, #tpu.memory_space<vmem>>, vector<16xf32>,
      %swap3A_549 = arith.constant 2 : i32
      %swap3A_550 = arith.index_cast %swap3A_549 : i32 to index
      %swap3A_551 = arith.constant 112 : index
      %swap3A_552 = tpu.vector_load %arg26[%swap3A_550, %swap3A_551] {strides = array<i32>} : memref<8x128xf32, #tpu.memory_space<vmem>>, vector<16xf32>,
      tpu.vector_store %arg26[%swap3A_550, %swap3A_551], %broadcast_in_dim3A_5 {strides = array<i32>} : memref<8x128xf32, #tpu.memory_space<vmem>>, vector<16xf32>,
      %swap3A_553 = arith.constant 3 : i32
      %swap3A_554 = arith.index_cast %swap3A_553 : i32 to index
      %swap3A_555 = arith.constant 0 : index
      %swap3A_556 = tpu.vector_load %arg26[%swap3A_554, %swap3A_555] {strides = array<i32>} : memref<8x128xf32, #tpu.memory_space<vmem>>, vector<16xf32>,
      tpu.vector_store %arg26[%swap3A_554, %swap3A_555], %broadcast_in_dim3A_5 {strides = array<i32>} : memref<8x128xf32, #tpu.memory_space<vmem>>, vector<16xf32>,
      %swap3A_557 = arith.constant 3 : i32
      %swap3A_558 = arith.index_cast %swap3A_557 : i32 to index
      %swap3A_559 = arith.constant 16 : index
      %swap3A_560 = tpu.vector_load %arg26[%swap3A_558, %swap3A_559] {strides = array<i32>} : memref<8x128xf32, #tpu.memory_space<vmem>>, vector<16xf32>,
      tpu.vector_store %arg26[%swap3A_558, %swap3A_559], %broadcast_in_dim3A_5 {strides = array<i32>} : memref<8x128xf32, #tpu.memory_space<vmem>>, vector<16xf32>,
      %swap3A_561 = arith.constant 3 : i32
      %swap3A_562 = arith.index_cast %swap3A_561 : i32 to index
      %swap3A_563 = arith.constant 32 : index
      %swap3A_564 = tpu.vector_load %arg26[%swap3A_562, %swap3A_563] {strides = array<i32>} : memref<8x128xf32, #tpu.memory_space<vmem>>, vector<16xf32>,
      tpu.vector_store %arg26[%swap3A_562, %swap3A_563], %broadcast_in_dim3A_5 {strides = array<i32>} : memref<8x128xf32, #tpu.memory_space<vmem>>, vector<16xf32>,
      %swap3A_565 = arith.constant 3 : i32
      %swap3A_566 = arith.index_cast %swap3A_565 : i32 to index
      %swap3A_567 = arith.constant 48 : index
      %swap3A_568 = tpu.vector_load %arg26[%swap3A_566, %swap3A_567] {strides = array<i32>} : memref<8x128xf32, #tpu.memory_space<vmem>>, vector<16xf32>,
      tpu.vector_store %arg26[%swap3A_566, %swap3A_567], %broadcast_in_dim3A_5 {strides = array<i32>} : memref<8x128xf32, #tpu.memory_space<vmem>>, vector<16xf32>,
      %swap3A_569 = arith.constant 3 : i32
      %swap3A_570 = arith.index_cast %swap3A_569 : i32 to index
      %swap3A_571 = arith.constant 64 : index
      %swap3A_572 = tpu.vector_load %arg26[%swap3A_570, %swap3A_571] {strides = array<i32>} : memref<8x128xf32, #tpu.memory_space<vmem>>, vector<16xf32>,
      tpu.vector_store %arg26[%swap3A_570, %swap3A_571], %broadcast_in_dim3A_5 {strides = array<i32>} : memref<8x128xf32, #tpu.memory_space<vmem>>, vector<16xf32>,
      %swap3A_573 = arith.constant 3 : i32
      %swap3A_574 = arith.index_cast %swap3A_573 : i32 to index
      %swap3A_575 = arith.constant 80 : index
      %swap3A_576 = tpu.vector_load %arg26[%swap3A_574, %swap3A_575] {strides = array<i32>} : memref<8x128xf32, #tpu.memory_space<vmem>>, vector<16xf32>,
      tpu.vector_store %arg26[%swap3A_574, %swap3A_575], %broadcast_in_dim3A_5 {strides = array<i32>} : memref<8x128xf32, #tpu.memory_space<vmem>>, vector<16xf32>,
      %swap3A_577 = arith.constant 3 : i32
      %swap3A_578 = arith.index_cast %swap3A_577 : i32 to index
      %swap3A_579 = arith.constant 96 : index
      %swap3A_580 = tpu.vector_load %arg26[%swap3A_578, %swap3A_579] {strides = array<i32>} : memref<8x128xf32, #tpu.memory_space<vmem>>, vector<16xf32>,
      tpu.vector_store %arg26[%swap3A_578, %swap3A_579], %broadcast_in_dim3A_5 {strides = array<i32>} : memref<8x128xf32, #tpu.memory_space<vmem>>, vector<16xf32>,
      %swap3A_581 = arith.constant 3 : i32
      %swap3A_582 = arith.index_cast %swap3A_581 : i32 to index
      %swap3A_583 = arith.constant 112 : index
      %swap3A_584 = tpu.vector_load %arg26[%swap3A_582, %swap3A_583] {strides = array<i32>} : memref<8x128xf32, #tpu.memory_space<vmem>>, vector<16xf32>,
      tpu.vector_store %arg26[%swap3A_582, %swap3A_583], %broadcast_in_dim3A_5 {strides = array<i32>} : memref<8x128xf32, #tpu.memory_space<vmem>>, vector<16xf32>,
      %swap3A_585 = arith.constant 4 : i32
      %swap3A_586 = arith.index_cast %swap3A_585 : i32 to index
      %swap3A_587 = arith.constant 0 : index
      %swap3A_588 = tpu.vector_load %arg26[%swap3A_586, %swap3A_587] {strides = array<i32>} : memref<8x128xf32, #tpu.memory_space<vmem>>, vector<16xf32>,
      tpu.vector_store %arg26[%swap3A_586, %swap3A_587], %broadcast_in_dim3A_5 {strides = array<i32>} : memref<8x128xf32, #tpu.memory_space<vmem>>, vector<16xf32>,
      %swap3A_589 = arith.constant 4 : i32
      %swap3A_590 = arith.index_cast %swap3A_589 : i32 to index
      %swap3A_591 = arith.constant 16 : index
      %swap3A_592 = tpu.vector_load %arg26[%swap3A_590, %swap3A_591] {strides = array<i32>} : memref<8x128xf32, #tpu.memory_space<vmem>>, vector<16xf32>,
      tpu.vector_store %arg26[%swap3A_590, %swap3A_591], %broadcast_in_dim3A_5 {strides = array<i32>} : memref<8x128xf32, #tpu.memory_space<vmem>>, vector<16xf32>,
      %swap3A_593 = arith.constant 4 : i32
      %swap3A_594 = arith.index_cast %swap3A_593 : i32 to index
      %swap3A_595 = arith.constant 32 : index
      %swap3A_596 = tpu.vector_load %arg26[%swap3A_594, %swap3A_595] {strides = array<i32>} : memref<8x128xf32, #tpu.memory_space<vmem>>, vector<16xf32>,
      tpu.vector_store %arg26[%swap3A_594, %swap3A_595], %broadcast_in_dim3A_5 {strides = array<i32>} : memref<8x128xf32, #tpu.memory_space<vmem>>, vector<16xf32>,
      %swap3A_597 = arith.constant 4 : i32
      %swap3A_598 = arith.index_cast %swap3A_597 : i32 to index
      %swap3A_599 = arith.constant 48 : index
      %swap3A_600 = tpu.vector_load %arg26[%swap3A_598, %swap3A_599] {strides = array<i32>} : memref<8x128xf32, #tpu.memory_space<vmem>>, vector<16xf32>,
      tpu.vector_store %arg26[%swap3A_598, %swap3A_599], %broadcast_in_dim3A_5 {strides = array<i32>} : memref<8x128xf32, #tpu.memory_space<vmem>>, vector<16xf32>,
      %swap3A_601 = arith.constant 4 : i32
      %swap3A_602 = arith.index_cast %swap3A_601 : i32 to index
      %swap3A_603 = arith.constant 64 : index
      %swap3A_604 = tpu.vector_load %arg26[%swap3A_602, %swap3A_603] {strides = array<i32>} : memref<8x128xf32, #tpu.memory_space<vmem>>, vector<16xf32>,
      tpu.vector_store %arg26[%swap3A_602, %swap3A_603], %broadcast_in_dim3A_5 {strides = array<i32>} : memref<8x128xf32, #tpu.memory_space<vmem>>, vector<16xf32>,
      %swap3A_605 = arith.constant 4 : i32
      %swap3A_606 = arith.index_cast %swap3A_605 : i32 to index
      %swap3A_607 = arith.constant 80 : index
      %swap3A_608 = tpu.vector_load %arg26[%swap3A_606, %swap3A_607] {strides = array<i32>} : memref<8x128xf32, #tpu.memory_space<vmem>>, vector<16xf32>,
      tpu.vector_store %arg26[%swap3A_606, %swap3A_607], %broadcast_in_dim3A_5 {strides = array<i32>} : memref<8x128xf32, #tpu.memory_space<vmem>>, vector<16xf32>,
      %swap3A_609 = arith.constant 4 : i32
      %swap3A_610 = arith.index_cast %swap3A_609 : i32 to index
      %swap3A_611 = arith.constant 96 : index
      %swap3A_612 = tpu.vector_load %arg26[%swap3A_610, %swap3A_611] {strides = array<i32>} : memref<8x128xf32, #tpu.memory_space<vmem>>, vector<16xf32>,
      tpu.vector_store %arg26[%swap3A_610, %swap3A_611], %broadcast_in_dim3A_5 {strides = array<i32>} : memref<8x128xf32, #tpu.memory_space<vmem>>, vector<16xf32>,
      %swap3A_613 = arith.constant 4 : i32
      %swap3A_614 = arith.index_cast %swap3A_613 : i32 to index
      %swap3A_615 = arith.constant 112 : index
      %swap3A_616 = tpu.vector_load %arg26[%swap3A_614, %swap3A_615] {strides = array<i32>} : memref<8x128xf32, #tpu.memory_space<vmem>>, vector<16xf32>,
      tpu.vector_store %arg26[%swap3A_614, %swap3A_615], %broadcast_in_dim3A_5 {strides = array<i32>} : memref<8x128xf32, #tpu.memory_space<vmem>>, vector<16xf32>,
      %swap3A_617 = arith.constant 5 : i32
      %swap3A_618 = arith.index_cast %swap3A_617 : i32 to index
      %swap3A_619 = arith.constant 0 : index
      %swap3A_620 = tpu.vector_load %arg26[%swap3A_618, %swap3A_619] {strides = array<i32>} : memref<8x128xf32, #tpu.memory_space<vmem>>, vector<16xf32>,
      tpu.vector_store %arg26[%swap3A_618, %swap3A_619], %broadcast_in_dim3A_5 {strides = array<i32>} : memref<8x128xf32, #tpu.memory_space<vmem>>, vector<16xf32>,
      %swap3A_621 = arith.constant 5 : i32
      %swap3A_622 = arith.index_cast %swap3A_621 : i32 to index
      %swap3A_623 = arith.constant 16 : index
      %swap3A_624 = tpu.vector_load %arg26[%swap3A_622, %swap3A_623] {strides = array<i32>} : memref<8x128xf32, #tpu.memory_space<vmem>>, vector<16xf32>,
      tpu.vector_store %arg26[%swap3A_622, %swap3A_623], %broadcast_in_dim3A_5 {strides = array<i32>} : memref<8x128xf32, #tpu.memory_space<vmem>>, vector<16xf32>,
      %swap3A_625 = arith.constant 5 : i32
      %swap3A_626 = arith.index_cast %swap3A_625 : i32 to index
      %swap3A_627 = arith.constant 32 : index
      %swap3A_628 = tpu.vector_load %arg26[%swap3A_626, %swap3A_627] {strides = array<i32>} : memref<8x128xf32, #tpu.memory_space<vmem>>, vector<16xf32>,
      tpu.vector_store %arg26[%swap3A_626, %swap3A_627], %broadcast_in_dim3A_5 {strides = array<i32>} : memref<8x128xf32, #tpu.memory_space<vmem>>, vector<16xf32>,
      %swap3A_629 = arith.constant 5 : i32
      %swap3A_630 = arith.index_cast %swap3A_629 : i32 to index
      %swap3A_631 = arith.constant 48 : index
      %swap3A_632 = tpu.vector_load %arg26[%swap3A_630, %swap3A_631] {strides = array<i32>} : memref<8x128xf32, #tpu.memory_space<vmem>>, vector<16xf32>,
      tpu.vector_store %arg26[%swap3A_630, %swap3A_631], %broadcast_in_dim3A_5 {strides = array<i32>} : memref<8x128xf32, #tpu.memory_space<vmem>>, vector<16xf32>,
      %swap3A_633 = arith.constant 5 : i32
      %swap3A_634 = arith.index_cast %swap3A_633 : i32 to index
      %swap3A_635 = arith.constant 64 : index
      %swap3A_636 = tpu.vector_load %arg26[%swap3A_634, %swap3A_635] {strides = array<i32>} : memref<8x128xf32, #tpu.memory_space<vmem>>, vector<16xf32>,
      tpu.vector_store %arg26[%swap3A_634, %swap3A_635], %broadcast_in_dim3A_5 {strides = array<i32>} : memref<8x128xf32, #tpu.memory_space<vmem>>, vector<16xf32>,
      %swap3A_637 = arith.constant 5 : i32
      %swap3A_638 = arith.index_cast %swap3A_637 : i32 to index
      %swap3A_639 = arith.constant 80 : index
      %swap3A_640 = tpu.vector_load %arg26[%swap3A_638, %swap3A_639] {strides = array<i32>} : memref<8x128xf32, #tpu.memory_space<vmem>>, vector<16xf32>,
      tpu.vector_store %arg26[%swap3A_638, %swap3A_639], %broadcast_in_dim3A_5 {strides = array<i32>} : memref<8x128xf32, #tpu.memory_space<vmem>>, vector<16xf32>,
      %swap3A_641 = arith.constant 5 : i32
      %swap3A_642 = arith.index_cast %swap3A_641 : i32 to index
      %swap3A_643 = arith.constant 96 : index
      %swap3A_644 = tpu.vector_load %arg26[%swap3A_642, %swap3A_643] {strides = array<i32>} : memref<8x128xf32, #tpu.memory_space<vmem>>, vector<16xf32>,
      tpu.vector_store %arg26[%swap3A_642, %swap3A_643], %broadcast_in_dim3A_5 {strides = array<i32>} : memref<8x128xf32, #tpu.memory_space<vmem>>, vector<16xf32>,
      %swap3A_645 = arith.constant 5 : i32
      %swap3A_646 = arith.index_cast %swap3A_645 : i32 to index
      %swap3A_647 = arith.constant 112 : index
      %swap3A_648 = tpu.vector_load %arg26[%swap3A_646, %swap3A_647] {strides = array<i32>} : memref<8x128xf32, #tpu.memory_space<vmem>>, vector<16xf32>,
      tpu.vector_store %arg26[%swap3A_646, %swap3A_647], %broadcast_in_dim3A_5 {strides = array<i32>} : memref<8x128xf32, #tpu.memory_space<vmem>>, vector<16xf32>,
      %swap3A_649 = arith.constant 6 : i32
      %swap3A_650 = arith.index_cast %swap3A_649 : i32 to index
      %swap3A_651 = arith.constant 0 : index
      %swap3A_652 = tpu.vector_load %arg26[%swap3A_650, %swap3A_651] {strides = array<i32>} : memref<8x128xf32, #tpu.memory_space<vmem>>, vector<16xf32>,
      tpu.vector_store %arg26[%swap3A_650, %swap3A_651], %broadcast_in_dim3A_5 {strides = array<i32>} : memref<8x128xf32, #tpu.memory_space<vmem>>, vector<16xf32>,
      %swap3A_653 = arith.constant 6 : i32
      %swap3A_654 = arith.index_cast %swap3A_653 : i32 to index
      %swap3A_655 = arith.constant 16 : index
      %swap3A_656 = tpu.vector_load %arg26[%swap3A_654, %swap3A_655] {strides = array<i32>} : memref<8x128xf32, #tpu.memory_space<vmem>>, vector<16xf32>,
      tpu.vector_store %arg26[%swap3A_654, %swap3A_655], %broadcast_in_dim3A_5 {strides = array<i32>} : memref<8x128xf32, #tpu.memory_space<vmem>>, vector<16xf32>,
      %swap3A_657 = arith.constant 6 : i32
      %swap3A_658 = arith.index_cast %swap3A_657 : i32 to index
      %swap3A_659 = arith.constant 32 : index
      %swap3A_660 = tpu.vector_load %arg26[%swap3A_658, %swap3A_659] {strides = array<i32>} : memref<8x128xf32, #tpu.memory_space<vmem>>, vector<16xf32>,
      tpu.vector_store %arg26[%swap3A_658, %swap3A_659], %broadcast_in_dim3A_5 {strides = array<i32>} : memref<8x128xf32, #tpu.memory_space<vmem>>, vector<16xf32>,
      %swap3A_661 = arith.constant 6 : i32
      %swap3A_662 = arith.index_cast %swap3A_661 : i32 to index
      %swap3A_663 = arith.constant 48 : index
      %swap3A_664 = tpu.vector_load %arg26[%swap3A_662, %swap3A_663] {strides = array<i32>} : memref<8x128xf32, #tpu.memory_space<vmem>>, vector<16xf32>,
      tpu.vector_store %arg26[%swap3A_662, %swap3A_663], %broadcast_in_dim3A_5 {strides = array<i32>} : memref<8x128xf32, #tpu.memory_space<vmem>>, vector<16xf32>,
      %swap3A_665 = arith.constant 6 : i32
      %swap3A_666 = arith.index_cast %swap3A_665 : i32 to index
      %swap3A_667 = arith.constant 64 : index
      %swap3A_668 = tpu.vector_load %arg26[%swap3A_666, %swap3A_667] {strides = array<i32>} : memref<8x128xf32, #tpu.memory_space<vmem>>, vector<16xf32>,
      tpu.vector_store %arg26[%swap3A_666, %swap3A_667], %broadcast_in_dim3A_5 {strides = array<i32>} : memref<8x128xf32, #tpu.memory_space<vmem>>, vector<16xf32>,
      %swap3A_669 = arith.constant 6 : i32
      %swap3A_670 = arith.index_cast %swap3A_669 : i32 to index
      %swap3A_671 = arith.constant 80 : index
      %swap3A_672 = tpu.vector_load %arg26[%swap3A_670, %swap3A_671] {strides = array<i32>} : memref<8x128xf32, #tpu.memory_space<vmem>>, vector<16xf32>,
      tpu.vector_store %arg26[%swap3A_670, %swap3A_671], %broadcast_in_dim3A_5 {strides = array<i32>} : memref<8x128xf32, #tpu.memory_space<vmem>>, vector<16xf32>,
      %swap3A_673 = arith.constant 6 : i32
      %swap3A_674 = arith.index_cast %swap3A_673 : i32 to index
      %swap3A_675 = arith.constant 96 : index
      %swap3A_676 = tpu.vector_load %arg26[%swap3A_674, %swap3A_675] {strides = array<i32>} : memref<8x128xf32, #tpu.memory_space<vmem>>, vector<16xf32>,
      tpu.vector_store %arg26[%swap3A_674, %swap3A_675], %broadcast_in_dim3A_5 {strides = array<i32>} : memref<8x128xf32, #tpu.memory_space<vmem>>, vector<16xf32>,
      %swap3A_677 = arith.constant 6 : i32
      %swap3A_678 = arith.index_cast %swap3A_677 : i32 to index
      %swap3A_679 = arith.constant 112 : index
      %swap3A_680 = tpu.vector_load %arg26[%swap3A_678, %swap3A_679] {strides = array<i32>} : memref<8x128xf32, #tpu.memory_space<vmem>>, vector<16xf32>,
      tpu.vector_store %arg26[%swap3A_678, %swap3A_679], %broadcast_in_dim3A_5 {strides = array<i32>} : memref<8x128xf32, #tpu.memory_space<vmem>>, vector<16xf32>,
      %swap3A_681 = arith.constant 7 : i32
      %swap3A_682 = arith.index_cast %swap3A_681 : i32 to index
      %swap3A_683 = arith.constant 0 : index
      %swap3A_684 = tpu.vector_load %arg26[%swap3A_682, %swap3A_683] {strides = array<i32>} : memref<8x128xf32, #tpu.memory_space<vmem>>, vector<16xf32>,
      tpu.vector_store %arg26[%swap3A_682, %swap3A_683], %broadcast_in_dim3A_5 {strides = array<i32>} : memref<8x128xf32, #tpu.memory_space<vmem>>, vector<16xf32>,
      %swap3A_685 = arith.constant 7 : i32
      %swap3A_686 = arith.index_cast %swap3A_685 : i32 to index
      %swap3A_687 = arith.constant 16 : index
      %swap3A_688 = tpu.vector_load %arg26[%swap3A_686, %swap3A_687] {strides = array<i32>} : memref<8x128xf32, #tpu.memory_space<vmem>>, vector<16xf32>,
      tpu.vector_store %arg26[%swap3A_686, %swap3A_687], %broadcast_in_dim3A_5 {strides = array<i32>} : memref<8x128xf32, #tpu.memory_space<vmem>>, vector<16xf32>,
      %swap3A_689 = arith.constant 7 : i32
      %swap3A_690 = arith.index_cast %swap3A_689 : i32 to index
      %swap3A_691 = arith.constant 32 : index
      %swap3A_692 = tpu.vector_load %arg26[%swap3A_690, %swap3A_691] {strides = array<i32>} : memref<8x128xf32, #tpu.memory_space<vmem>>, vector<16xf32>,
      tpu.vector_store %arg26[%swap3A_690, %swap3A_691], %broadcast_in_dim3A_5 {strides = array<i32>} : memref<8x128xf32, #tpu.memory_space<vmem>>, vector<16xf32>,
      %swap3A_693 = arith.constant 7 : i32
      %swap3A_694 = arith.index_cast %swap3A_693 : i32 to index
      %swap3A_695 = arith.constant 48 : index
      %swap3A_696 = tpu.vector_load %arg26[%swap3A_694, %swap3A_695] {strides = array<i32>} : memref<8x128xf32, #tpu.memory_space<vmem>>, vector<16xf32>,
      tpu.vector_store %arg26[%swap3A_694, %swap3A_695], %broadcast_in_dim3A_5 {strides = array<i32>} : memref<8x128xf32, #tpu.memory_space<vmem>>, vector<16xf32>,
      %swap3A_697 = arith.constant 7 : i32
      %swap3A_698 = arith.index_cast %swap3A_697 : i32 to index
      %swap3A_699 = arith.constant 64 : index
      %swap3A_700 = tpu.vector_load %arg26[%swap3A_698, %swap3A_699] {strides = array<i32>} : memref<8x128xf32, #tpu.memory_space<vmem>>, vector<16xf32>,
      tpu.vector_store %arg26[%swap3A_698, %swap3A_699], %broadcast_in_dim3A_5 {strides = array<i32>} : memref<8x128xf32, #tpu.memory_space<vmem>>, vector<16xf32>,
      %swap3A_701 = arith.constant 7 : i32
      %swap3A_702 = arith.index_cast %swap3A_701 : i32 to index
      %swap3A_703 = arith.constant 80 : index
      %swap3A_704 = tpu.vector_load %arg26[%swap3A_702, %swap3A_703] {strides = array<i32>} : memref<8x128xf32, #tpu.memory_space<vmem>>, vector<16xf32>,
      tpu.vector_store %arg26[%swap3A_702, %swap3A_703], %broadcast_in_dim3A_5 {strides = array<i32>} : memref<8x128xf32, #tpu.memory_space<vmem>>, vector<16xf32>,
      %swap3A_705 = arith.constant 7 : i32
      %swap3A_706 = arith.index_cast %swap3A_705 : i32 to index
      %swap3A_707 = arith.constant 96 : index
      %swap3A_708 = tpu.vector_load %arg26[%swap3A_706, %swap3A_707] {strides = array<i32>} : memref<8x128xf32, #tpu.memory_space<vmem>>, vector<16xf32>,
      tpu.vector_store %arg26[%swap3A_706, %swap3A_707], %broadcast_in_dim3A_5 {strides = array<i32>} : memref<8x128xf32, #tpu.memory_space<vmem>>, vector<16xf32>,
      %swap3A_709 = arith.constant 7 : i32
      %swap3A_710 = arith.index_cast %swap3A_709 : i32 to index
      %swap3A_711 = arith.constant 112 : index
      %swap3A_712 = tpu.vector_load %arg26[%swap3A_710, %swap3A_711] {strides = array<i32>} : memref<8x128xf32, #tpu.memory_space<vmem>>, vector<16xf32>,
      tpu.vector_store %arg26[%swap3A_710, %swap3A_711], %broadcast_in_dim3A_5 {strides = array<i32>} : memref<8x128xf32, #tpu.memory_space<vmem>>, vector<16xf32>,
      %add3A_713 = arith.constant 8000 : i32
      %add3A_714 = arith.addi %mul3A_2, %add3A_713 : i32
      "tpu.region"() ({
        %run_scoped3A = tpu.sem_alloc : memref<!tpu.dma_semaphore, #tpu.memory_space<semaphore_mem>>
        %dma_start3A_715 = arith.constant 0 : i32
        %dma_start3A_716 = tpu.memref_slice %arg13[%add3A_714, %dma_start3A_715] : memref<16016x128xf32, #tpu.memory_space<hbm>> -> memref<8x128xf32, #tpu.memory_space<hbm>>
        %dma_start3A_717 = arith.constant 0 : i32
        %dma_start3A_718 = tpu.memref_slice %arg13[%add3A_714, %dma_start3A_717] : memref<16016x128xf32, #tpu.memory_space<hbm>> -> memref<8x128xf32, #tpu.memory_space<hbm>>
        tpu.enqueue_dma source(%arg26 : memref<8x128xf32, #tpu.memory_space<vmem>>) target(%dma_start3A_718 : memref<8x128xf32, #tpu.memory_space<hbm>>) target_semaphore(%run_scoped3A : memref<!tpu.dma_semaphore, #tpu.memory_space<semaphore_mem>>)
        %dma_wait3A = arith.constant 0 : i32
        %dma_wait3A_719 = tpu.memref_slice %arg13[%add3A_714, %dma_wait3A] : memref<16016x128xf32, #tpu.memory_space<hbm>> -> memref<8x128xf32, #tpu.memory_space<hbm>>
        %dma_wait3A_720 = arith.constant 0 : i32
        %dma_wait3A_721 = tpu.memref_slice %arg13[%add3A_714, %dma_wait3A_720] : memref<16016x128xf32, #tpu.memory_space<hbm>> -> memref<8x128xf32, #tpu.memory_space<hbm>>
        tpu.wait_dma2 semaphore(%run_scoped3A : memref<!tpu.dma_semaphore, #tpu.memory_space<semaphore_mem>>) src(%arg26 : memref<8x128xf32, #tpu.memory_space<vmem>>) dst(%dma_wait3A_721 : memref<8x128xf32, #tpu.memory_space<hbm>>)
        tpu.yield
      }) : () -> ()
    } else {
    }
    %iota3A = tpu.iota {dimensions = array<i32: 0>} : vector<16xi32>
    %add3A_167 = arith.constant 0 : i32
    %add3A_168 = vector.broadcast %add3A_167 : i32 to vector<16xi32>
    %add3A_169 = arith.addi %iota3A, %add3A_168 : vector<16xi32>
    %jit3A = arith.constant 10 : i32
    %div3A = vector.broadcast %jit3A : i32 to vector<16xi32>
    %div3A_170 = arith.divsi %add3A_169, %div3A : vector<16xi32>
    %sign3A = arith.constant 0 : i32
    %sign3A_171 = vector.broadcast %sign3A : i32 to vector<16xi32>
    %sign3A_172 = arith.cmpi sgt, %add3A_169, %sign3A_171 : vector<16xi32>
    %sign3A_173 = arith.extui %sign3A_172 : vector<16xi1> to vector<16xi32>
    %sign3A_174 = arith.constant 0 : i32
    %sign3A_175 = vector.broadcast %sign3A_174 : i32 to vector<16xi32>
    %sign3A_176 = arith.cmpi slt, %add3A_169, %sign3A_175 : vector<16xi32>
    %sign3A_177 = arith.extui %sign3A_176 : vector<16xi1> to vector<16xi32>
    %sign3A_178 = arith.subi %sign3A_173, %sign3A_177 : vector<16xi32>
    %sign3A_179 = arith.constant 0 : i32
    %sign3A_180 = arith.cmpi sgt, %jit3A, %sign3A_179 : i32
    %sign3A_181 = arith.extui %sign3A_180 : i1 to i32
    %sign3A_182 = arith.constant 0 : i32
    %sign3A_183 = arith.cmpi slt, %jit3A, %sign3A_182 : i32
    %sign3A_184 = arith.extui %sign3A_183 : i1 to i32
    %sign3A_185 = arith.subi %sign3A_181, %sign3A_184 : i32
    %ne3A = vector.broadcast %sign3A_185 : i32 to vector<16xi32>
    %ne3A_186 = arith.cmpi ne, %sign3A_178, %ne3A : vector<16xi32>
    %rem3A = vector.broadcast %jit3A : i32 to vector<16xi32>
    %rem3A_187 = arith.remsi %add3A_169, %rem3A : vector<16xi32>
    %ne3A_188 = arith.constant 0 : i32
    %ne3A_189 = vector.broadcast %ne3A_188 : i32 to vector<16xi32>
    %ne3A_190 = arith.cmpi ne, %rem3A_187, %ne3A_189 : vector<16xi32>
    %and3A = arith.andi %ne3A_186, %ne3A_190 : vector<16xi1>
    %sub3A = arith.constant 1 : i32
    %sub3A_191 = vector.broadcast %sub3A : i32 to vector<16xi32>
    %sub3A_192 = arith.subi %div3A_170, %sub3A_191 : vector<16xi32>
    %select_n3A = arith.select %and3A, %sub3A_192, %div3A_170 : vector<16xi1>, vector<16xi32>
    %mul3A_193 = arith.constant 1000 : i32
    %mul3A_194 = vector.broadcast %mul3A_193 : i32 to vector<16xi32>
    %mul3A_195 = arith.muli %select_n3A, %mul3A_194 : vector<16xi32>
    %add3A_196 = arith.constant 16 : i32
    %add3A_197 = vector.broadcast %add3A_196 : i32 to vector<16xi32>
    %add3A_198 = arith.addi %iota3A, %add3A_197 : vector<16xi32>
    %jit3A_199 = arith.constant 10 : i32
    %div3A_200 = vector.broadcast %jit3A_199 : i32 to vector<16xi32>
    %div3A_201 = arith.divsi %add3A_198, %div3A_200 : vector<16xi32>
    %sign3A_202 = arith.constant 0 : i32
    %sign3A_203 = vector.broadcast %sign3A_202 : i32 to vector<16xi32>
    %sign3A_204 = arith.cmpi sgt, %add3A_198, %sign3A_203 : vector<16xi32>
    %sign3A_205 = arith.extui %sign3A_204 : vector<16xi1> to vector<16xi32>
    %sign3A_206 = arith.constant 0 : i32
    %sign3A_207 = vector.broadcast %sign3A_206 : i32 to vector<16xi32>
    %sign3A_208 = arith.cmpi slt, %add3A_198, %sign3A_207 : vector<16xi32>
    %sign3A_209 = arith.extui %sign3A_208 : vector<16xi1> to vector<16xi32>
    %sign3A_210 = arith.subi %sign3A_205, %sign3A_209 : vector<16xi32>
    %sign3A_211 = arith.constant 0 : i32
    %sign3A_212 = arith.cmpi sgt, %jit3A_199, %sign3A_211 : i32
    %sign3A_213 = arith.extui %sign3A_212 : i1 to i32
    %sign3A_214 = arith.constant 0 : i32
    %sign3A_215 = arith.cmpi slt, %jit3A_199, %sign3A_214 : i32
    %sign3A_216 = arith.extui %sign3A_215 : i1 to i32
    %sign3A_217 = arith.subi %sign3A_213, %sign3A_216 : i32
    %ne3A_218 = vector.broadcast %sign3A_217 : i32 to vector<16xi32>
    %ne3A_219 = arith.cmpi ne, %sign3A_210, %ne3A_218 : vector<16xi32>
    %rem3A_220 = vector.broadcast %jit3A_199 : i32 to vector<16xi32>
    %rem3A_221 = arith.remsi %add3A_198, %rem3A_220 : vector<16xi32>
    %ne3A_222 = arith.constant 0 : i32
    %ne3A_223 = vector.broadcast %ne3A_222 : i32 to vector<16xi32>
    %ne3A_224 = arith.cmpi ne, %rem3A_221, %ne3A_223 : vector<16xi32>
    %and3A_225 = arith.andi %ne3A_219, %ne3A_224 : vector<16xi1>
    %sub3A_226 = arith.constant 1 : i32
    %sub3A_227 = vector.broadcast %sub3A_226 : i32 to vector<16xi32>
    %sub3A_228 = arith.subi %div3A_201, %sub3A_227 : vector<16xi32>
    %select_n3A_229 = arith.select %and3A_225, %sub3A_228, %div3A_201 : vector<16xi1>, vector<16xi32>
    %mul3A_230 = arith.constant 1000 : i32
    %mul3A_231 = vector.broadcast %mul3A_230 : i32 to vector<16xi32>
    %mul3A_232 = arith.muli %select_n3A_229, %mul3A_231 : vector<16xi32>
    %add3A_233 = arith.constant 32 : i32
    %add3A_234 = vector.broadcast %add3A_233 : i32 to vector<16xi32>
    %add3A_235 = arith.addi %iota3A, %add3A_234 : vector<16xi32>
    %jit3A_236 = arith.constant 10 : i32
    %div3A_237 = vector.broadcast %jit3A_236 : i32 to vector<16xi32>
    %div3A_238 = arith.divsi %add3A_235, %div3A_237 : vector<16xi32>
    %sign3A_239 = arith.constant 0 : i32
    %sign3A_240 = vector.broadcast %sign3A_239 : i32 to vector<16xi32>
    %sign3A_241 = arith.cmpi sgt, %add3A_235, %sign3A_240 : vector<16xi32>
    %sign3A_242 = arith.extui %sign3A_241 : vector<16xi1> to vector<16xi32>
    %sign3A_243 = arith.constant 0 : i32
    %sign3A_244 = vector.broadcast %sign3A_243 : i32 to vector<16xi32>
    %sign3A_245 = arith.cmpi slt, %add3A_235, %sign3A_244 : vector<16xi32>
    %sign3A_246 = arith.extui %sign3A_245 : vector<16xi1> to vector<16xi32>
    %sign3A_247 = arith.subi %sign3A_242, %sign3A_246 : vector<16xi32>
    %sign3A_248 = arith.constant 0 : i32
    %sign3A_249 = arith.cmpi sgt, %jit3A_236, %sign3A_248 : i32
    %sign3A_250 = arith.extui %sign3A_249 : i1 to i32
    %sign3A_251 = arith.constant 0 : i32
    %sign3A_252 = arith.cmpi slt, %jit3A_236, %sign3A_251 : i32
    %sign3A_253 = arith.extui %sign3A_252 : i1 to i32
    %sign3A_254 = arith.subi %sign3A_250, %sign3A_253 : i32
    %ne3A_255 = vector.broadcast %sign3A_254 : i32 to vector<16xi32>
    %ne3A_256 = arith.cmpi ne, %sign3A_247, %ne3A_255 : vector<16xi32>
    %rem3A_257 = vector.broadcast %jit3A_236 : i32 to vector<16xi32>
    %rem3A_258 = arith.remsi %add3A_235, %rem3A_257 : vector<16xi32>
    %ne3A_259 = arith.constant 0 : i32
    %ne3A_260 = vector.broadcast %ne3A_259 : i32 to vector<16xi32>
    %ne3A_261 = arith.cmpi ne, %rem3A_258, %ne3A_260 : vector<16xi32>
    %and3A_262 = arith.andi %ne3A_256, %ne3A_261 : vector<16xi1>
    %sub3A_263 = arith.constant 1 : i32
    %sub3A_264 = vector.broadcast %sub3A_263 : i32 to vector<16xi32>
    %sub3A_265 = arith.subi %div3A_238, %sub3A_264 : vector<16xi32>
    %select_n3A_266 = arith.select %and3A_262, %sub3A_265, %div3A_238 : vector<16xi1>, vector<16xi32>
    %mul3A_267 = arith.constant 1000 : i32
    %mul3A_268 = vector.broadcast %mul3A_267 : i32 to vector<16xi32>
    %mul3A_269 = arith.muli %select_n3A_266, %mul3A_268 : vector<16xi32>
    %add3A_270 = arith.constant 48 : i32
    %add3A_271 = vector.broadcast %add3A_270 : i32 to vector<16xi32>
    %add3A_272 = arith.addi %iota3A, %add3A_271 : vector<16xi32>
    %jit3A_273 = arith.constant 10 : i32
    %div3A_274 = vector.broadcast %jit3A_273 : i32 to vector<16xi32>
    %div3A_275 = arith.divsi %add3A_272, %div3A_274 : vector<16xi32>
    %sign3A_276 = arith.constant 0 : i32
    %sign3A_277 = vector.broadcast %sign3A_276 : i32 to vector<16xi32>
    %sign3A_278 = arith.cmpi sgt, %add3A_272, %sign3A_277 : vector<16xi32>
    %sign3A_279 = arith.extui %sign3A_278 : vector<16xi1> to vector<16xi32>
    %sign3A_280 = arith.constant 0 : i32
    %sign3A_281 = vector.broadcast %sign3A_280 : i32 to vector<16xi32>
    %sign3A_282 = arith.cmpi slt, %add3A_272, %sign3A_281 : vector<16xi32>
    %sign3A_283 = arith.extui %sign3A_282 : vector<16xi1> to vector<16xi32>
    %sign3A_284 = arith.subi %sign3A_279, %sign3A_283 : vector<16xi32>
    %sign3A_285 = arith.constant 0 : i32
    %sign3A_286 = arith.cmpi sgt, %jit3A_273, %sign3A_285 : i32
    %sign3A_287 = arith.extui %sign3A_286 : i1 to i32
    %sign3A_288 = arith.constant 0 : i32
    %sign3A_289 = arith.cmpi slt, %jit3A_273, %sign3A_288 : i32
    %sign3A_290 = arith.extui %sign3A_289 : i1 to i32
    %sign3A_291 = arith.subi %sign3A_287, %sign3A_290 : i32
    %ne3A_292 = vector.broadcast %sign3A_291 : i32 to vector<16xi32>
    %ne3A_293 = arith.cmpi ne, %sign3A_284, %ne3A_292 : vector<16xi32>
    %rem3A_294 = vector.broadcast %jit3A_273 : i32 to vector<16xi32>
    %rem3A_295 = arith.remsi %add3A_272, %rem3A_294 : vector<16xi32>
    %ne3A_296 = arith.constant 0 : i32
    %ne3A_297 = vector.broadcast %ne3A_296 : i32 to vector<16xi32>
    %ne3A_298 = arith.cmpi ne, %rem3A_295, %ne3A_297 : vector<16xi32>
    %and3A_299 = arith.andi %ne3A_293, %ne3A_298 : vector<16xi1>
    %sub3A_300 = arith.constant 1 : i32
    %sub3A_301 = vector.broadcast %sub3A_300 : i32 to vector<16xi32>
    %sub3A_302 = arith.subi %div3A_275, %sub3A_301 : vector<16xi32>
    %select_n3A_303 = arith.select %and3A_299, %sub3A_302, %div3A_275 : vector<16xi1>, vector<16xi32>
    %mul3A_304 = arith.constant 1000 : i32
    %mul3A_305 = vector.broadcast %mul3A_304 : i32 to vector<16xi32>
    %mul3A_306 = arith.muli %select_n3A_303, %mul3A_305 : vector<16xi32>
    %add3A_307 = arith.constant 64 : i32
    %add3A_308 = vector.broadcast %add3A_307 : i32 to vector<16xi32>
    %add3A_309 = arith.addi %iota3A, %add3A_308 : vector<16xi32>
    %jit3A_310 = arith.constant 10 : i32
    %div3A_311 = vector.broadcast %jit3A_310 : i32 to vector<16xi32>
    %div3A_312 = arith.divsi %add3A_309, %div3A_311 : vector<16xi32>
    %sign3A_313 = arith.constant 0 : i32
    %sign3A_314 = vector.broadcast %sign3A_313 : i32 to vector<16xi32>
    %sign3A_315 = arith.cmpi sgt, %add3A_309, %sign3A_314 : vector<16xi32>
    %sign3A_316 = arith.extui %sign3A_315 : vector<16xi1> to vector<16xi32>
    %sign3A_317 = arith.constant 0 : i32
    %sign3A_318 = vector.broadcast %sign3A_317 : i32 to vector<16xi32>
    %sign3A_319 = arith.cmpi slt, %add3A_309, %sign3A_318 : vector<16xi32>
    %sign3A_320 = arith.extui %sign3A_319 : vector<16xi1> to vector<16xi32>
    %sign3A_321 = arith.subi %sign3A_316, %sign3A_320 : vector<16xi32>
    %sign3A_322 = arith.constant 0 : i32
    %sign3A_323 = arith.cmpi sgt, %jit3A_310, %sign3A_322 : i32
    %sign3A_324 = arith.extui %sign3A_323 : i1 to i32
    %sign3A_325 = arith.constant 0 : i32
    %sign3A_326 = arith.cmpi slt, %jit3A_310, %sign3A_325 : i32
    %sign3A_327 = arith.extui %sign3A_326 : i1 to i32
    %sign3A_328 = arith.subi %sign3A_324, %sign3A_327 : i32
    %ne3A_329 = vector.broadcast %sign3A_328 : i32 to vector<16xi32>
    %ne3A_330 = arith.cmpi ne, %sign3A_321, %ne3A_329 : vector<16xi32>
    %rem3A_331 = vector.broadcast %jit3A_310 : i32 to vector<16xi32>
    %rem3A_332 = arith.remsi %add3A_309, %rem3A_331 : vector<16xi32>
    %ne3A_333 = arith.constant 0 : i32
    %ne3A_334 = vector.broadcast %ne3A_333 : i32 to vector<16xi32>
    %ne3A_335 = arith.cmpi ne, %rem3A_332, %ne3A_334 : vector<16xi32>
    %and3A_336 = arith.andi %ne3A_330, %ne3A_335 : vector<16xi1>
    %sub3A_337 = arith.constant 1 : i32
    %sub3A_338 = vector.broadcast %sub3A_337 : i32 to vector<16xi32>
    %sub3A_339 = arith.subi %div3A_312, %sub3A_338 : vector<16xi32>
    %select_n3A_340 = arith.select %and3A_336, %sub3A_339, %div3A_312 : vector<16xi1>, vector<16xi32>
    %mul3A_341 = arith.constant 1000 : i32
    %mul3A_342 = vector.broadcast %mul3A_341 : i32 to vector<16xi32>
    %mul3A_343 = arith.muli %select_n3A_340, %mul3A_342 : vector<16xi32>
    %scan3A = arith.constant 0 : i32
    %scan3A_344 = arith.constant 0 : i32
    %scan3A_345 = arith.constant 128 : i32
    %scan3A_346 = arith.addi %scan3A_344, %scan3A_345 : i32
    %scan3A_347 = arith.constant 4 : i32
    scf.for %scan3A_458 = %scan3A_344 to %scan3A_346 step %scan3A_347  : i32 {
      %mul3A_459 = arith.constant 88 : i32
      %mul3A_460 = arith.muli %scan3A_458, %mul3A_459 : i32
      %add3A_461 = arith.constant 0 : i32
      %add3A_462 = arith.addi %mul3A_460, %add3A_461 : i32
      %get3A = arith.index_cast %add3A_462 : i32 to index
      %get3A_463 = tpu.vector_load %arg14[%get3A] {strides = array<i32>} : memref<11280xi32, #tpu.memory_space<vmem>>, vector<16xi32>,
      %eq3A_464 = arith.constant 0 : i32
      %eq3A_465 = vector.broadcast %eq3A_464 : i32 to vector<16xi32>
      %eq3A_466 = arith.cmpi eq, %get3A_463, %eq3A_465 : vector<16xi32>
      %add3A_467 = arith.addi %get3A_463, %mul3A_195 : vector<16xi32>
      %jit3A_468 = arith.constant 8000 : i32
      %broadcast_in_dim3A_469 = vector.broadcast %jit3A_468 : i32 to vector<16xi32>
      %select_n3A_470 = arith.select %eq3A_466, %broadcast_in_dim3A_469, %add3A_467 : vector<16xi1>, vector<16xi32>
      %add3A_471 = vector.broadcast %mul3A_2 : i32 to vector<16xi32>
      %add3A_472 = arith.addi %add3A_471, %select_n3A_470 : vector<16xi32>
      %swap3A = arith.index_cast %add3A_462 : i32 to index
      %swap3A_473 = tpu.vector_load %arg14[%swap3A] {strides = array<i32>} : memref<11280xi32, #tpu.memory_space<vmem>>, vector<16xi32>,
      tpu.vector_store %arg14[%swap3A], %add3A_472 {strides = array<i32>} : memref<11280xi32, #tpu.memory_space<vmem>>, vector<16xi32>,
      %add3A_474 = arith.constant 16 : i32
      %add3A_475 = arith.addi %mul3A_460, %add3A_474 : i32
      %get3A_476 = arith.index_cast %add3A_475 : i32 to index
      %get3A_477 = tpu.vector_load %arg14[%get3A_476] {strides = array<i32>} : memref<11280xi32, #tpu.memory_space<vmem>>, vector<16xi32>,
      %eq3A_478 = arith.constant 0 : i32
      %eq3A_479 = vector.broadcast %eq3A_478 : i32 to vector<16xi32>
      %eq3A_480 = arith.cmpi eq, %get3A_477, %eq3A_479 : vector<16xi32>
      %add3A_481 = arith.addi %get3A_477, %mul3A_232 : vector<16xi32>
      %jit3A_482 = arith.constant 8000 : i32
      %broadcast_in_dim3A_483 = vector.broadcast %jit3A_482 : i32 to vector<16xi32>
      %select_n3A_484 = arith.select %eq3A_480, %broadcast_in_dim3A_483, %add3A_481 : vector<16xi1>, vector<16xi32>
      %add3A_485 = vector.broadcast %mul3A_2 : i32 to vector<16xi32>
      %add3A_486 = arith.addi %add3A_485, %select_n3A_484 : vector<16xi32>
      %swap3A_487 = arith.index_cast %add3A_475 : i32 to index
      %swap3A_488 = tpu.vector_load %arg14[%swap3A_487] {strides = array<i32>} : memref<11280xi32, #tpu.memory_space<vmem>>, vector<16xi32>,
      tpu.vector_store %arg14[%swap3A_487], %add3A_486 {strides = array<i32>} : memref<11280xi32, #tpu.memory_space<vmem>>, vector<16xi32>,
      %add3A_489 = arith.constant 32 : i32
      %add3A_490 = arith.addi %mul3A_460, %add3A_489 : i32
      %get3A_491 = arith.index_cast %add3A_490 : i32 to index
      %get3A_492 = tpu.vector_load %arg14[%get3A_491] {strides = array<i32>} : memref<11280xi32, #tpu.memory_space<vmem>>, vector<16xi32>,
      %eq3A_493 = arith.constant 0 : i32
      %eq3A_494 = vector.broadcast %eq3A_493 : i32 to vector<16xi32>
      %eq3A_495 = arith.cmpi eq, %get3A_492, %eq3A_494 : vector<16xi32>
      %add3A_496 = arith.addi %get3A_492, %mul3A_269 : vector<16xi32>
      %jit3A_497 = arith.constant 8000 : i32
      %broadcast_in_dim3A_498 = vector.broadcast %jit3A_497 : i32 to vector<16xi32>
      %select_n3A_499 = arith.select %eq3A_495, %broadcast_in_dim3A_498, %add3A_496 : vector<16xi1>, vector<16xi32>
      %add3A_500 = vector.broadcast %mul3A_2 : i32 to vector<16xi32>
      %add3A_501 = arith.addi %add3A_500, %select_n3A_499 : vector<16xi32>
      %swap3A_502 = arith.index_cast %add3A_490 : i32 to index
      %swap3A_503 = tpu.vector_load %arg14[%swap3A_502] {strides = array<i32>} : memref<11280xi32, #tpu.memory_space<vmem>>, vector<16xi32>,
      tpu.vector_store %arg14[%swap3A_502], %add3A_501 {strides = array<i32>} : memref<11280xi32, #tpu.memory_space<vmem>>, vector<16xi32>,
      %add3A_504 = arith.constant 48 : i32
      %add3A_505 = arith.addi %mul3A_460, %add3A_504 : i32
      %get3A_506 = arith.index_cast %add3A_505 : i32 to index
      %get3A_507 = tpu.vector_load %arg14[%get3A_506] {strides = array<i32>} : memref<11280xi32, #tpu.memory_space<vmem>>, vector<16xi32>,
      %eq3A_508 = arith.constant 0 : i32
      %eq3A_509 = vector.broadcast %eq3A_508 : i32 to vector<16xi32>
      %eq3A_510 = arith.cmpi eq, %get3A_507, %eq3A_509 : vector<16xi32>
      %add3A_511 = arith.addi %get3A_507, %mul3A_306 : vector<16xi32>
      %jit3A_512 = arith.constant 8000 : i32
      %broadcast_in_dim3A_513 = vector.broadcast %jit3A_512 : i32 to vector<16xi32>
      %select_n3A_514 = arith.select %eq3A_510, %broadcast_in_dim3A_513, %add3A_511 : vector<16xi1>, vector<16xi32>
      %add3A_515 = vector.broadcast %mul3A_2 : i32 to vector<16xi32>
      %add3A_516 = arith.addi %add3A_515, %select_n3A_514 : vector<16xi32>
      %swap3A_517 = arith.index_cast %add3A_505 : i32 to index
      %swap3A_518 = tpu.vector_load %arg14[%swap3A_517] {strides = array<i32>} : memref<11280xi32, #tpu.memory_space<vmem>>, vector<16xi32>,
      tpu.vector_store %arg14[%swap3A_517], %add3A_516 {strides = array<i32>} : memref<11280xi32, #tpu.memory_space<vmem>>, vector<16xi32>,
      %add3A_519 = arith.constant 64 : i32
      %add3A_520 = arith.addi %mul3A_460, %add3A_519 : i32
      %get3A_521 = arith.index_cast %add3A_520 : i32 to index
      %get3A_522 = tpu.vector_load %arg14[%get3A_521] {strides = array<i32>} : memref<11280xi32, #tpu.memory_space<vmem>>, vector<16xi32>,
      %eq3A_523 = arith.constant 0 : i32
      %eq3A_524 = vector.broadcast %eq3A_523 : i32 to vector<16xi32>
      %eq3A_525 = arith.cmpi eq, %get3A_522, %eq3A_524 : vector<16xi32>
      %add3A_526 = arith.addi %get3A_522, %mul3A_343 : vector<16xi32>
      %jit3A_527 = arith.constant 8000 : i32
      %broadcast_in_dim3A_528 = vector.broadcast %jit3A_527 : i32 to vector<16xi32>
      %select_n3A_529 = arith.select %eq3A_525, %broadcast_in_dim3A_528, %add3A_526 : vector<16xi1>, vector<16xi32>
      %add3A_530 = vector.broadcast %mul3A_2 : i32 to vector<16xi32>
      %add3A_531 = arith.addi %add3A_530, %select_n3A_529 : vector<16xi32>
      %swap3A_532 = arith.index_cast %add3A_520 : i32 to index
      %swap3A_533 = tpu.vector_load %arg14[%swap3A_532] {strides = array<i32>} : memref<11280xi32, #tpu.memory_space<vmem>>, vector<16xi32>,
      tpu.vector_store %arg14[%swap3A_532], %add3A_531 {strides = array<i32>} : memref<11280xi32, #tpu.memory_space<vmem>>, vector<16xi32>,
      %scan3A_534 = arith.constant 1 : i32
      %scan3A_535 = arith.addi %scan3A_458, %scan3A_534 : i32
      %mul3A_536 = arith.constant 88 : i32
      %mul3A_537 = arith.muli %scan3A_535, %mul3A_536 : i32
      %add3A_538 = arith.constant 0 : i32
      %add3A_539 = arith.addi %mul3A_537, %add3A_538 : i32
      %get3A_540 = arith.index_cast %add3A_539 : i32 to index
      %get3A_541 = tpu.vector_load %arg14[%get3A_540] {strides = array<i32>} : memref<11280xi32, #tpu.memory_space<vmem>>, vector<16xi32>,
      %eq3A_542 = arith.constant 0 : i32
      %eq3A_543 = vector.broadcast %eq3A_542 : i32 to vector<16xi32>
      %eq3A_544 = arith.cmpi eq, %get3A_541, %eq3A_543 : vector<16xi32>
      %add3A_545 = arith.addi %get3A_541, %mul3A_195 : vector<16xi32>
      %jit3A_546 = arith.constant 8000 : i32
      %broadcast_in_dim3A_547 = vector.broadcast %jit3A_546 : i32 to vector<16xi32>
      %select_n3A_548 = arith.select %eq3A_544, %broadcast_in_dim3A_547, %add3A_545 : vector<16xi1>, vector<16xi32>
      %add3A_549 = vector.broadcast %mul3A_2 : i32 to vector<16xi32>
      %add3A_550 = arith.addi %add3A_549, %select_n3A_548 : vector<16xi32>
      %swap3A_551 = arith.index_cast %add3A_539 : i32 to index
      %swap3A_552 = tpu.vector_load %arg14[%swap3A_551] {strides = array<i32>} : memref<11280xi32, #tpu.memory_space<vmem>>, vector<16xi32>,
      tpu.vector_store %arg14[%swap3A_551], %add3A_550 {strides = array<i32>} : memref<11280xi32, #tpu.memory_space<vmem>>, vector<16xi32>,
      %add3A_553 = arith.constant 16 : i32
      %add3A_554 = arith.addi %mul3A_537, %add3A_553 : i32
      %get3A_555 = arith.index_cast %add3A_554 : i32 to index
      %get3A_556 = tpu.vector_load %arg14[%get3A_555] {strides = array<i32>} : memref<11280xi32, #tpu.memory_space<vmem>>, vector<16xi32>,
      %eq3A_557 = arith.constant 0 : i32
      %eq3A_558 = vector.broadcast %eq3A_557 : i32 to vector<16xi32>
      %eq3A_559 = arith.cmpi eq, %get3A_556, %eq3A_558 : vector<16xi32>
      %add3A_560 = arith.addi %get3A_556, %mul3A_232 : vector<16xi32>
      %jit3A_561 = arith.constant 8000 : i32
      %broadcast_in_dim3A_562 = vector.broadcast %jit3A_561 : i32 to vector<16xi32>
      %select_n3A_563 = arith.select %eq3A_559, %broadcast_in_dim3A_562, %add3A_560 : vector<16xi1>, vector<16xi32>
      %add3A_564 = vector.broadcast %mul3A_2 : i32 to vector<16xi32>
      %add3A_565 = arith.addi %add3A_564, %select_n3A_563 : vector<16xi32>
      %swap3A_566 = arith.index_cast %add3A_554 : i32 to index
      %swap3A_567 = tpu.vector_load %arg14[%swap3A_566] {strides = array<i32>} : memref<11280xi32, #tpu.memory_space<vmem>>, vector<16xi32>,
      tpu.vector_store %arg14[%swap3A_566], %add3A_565 {strides = array<i32>} : memref<11280xi32, #tpu.memory_space<vmem>>, vector<16xi32>,
      %add3A_568 = arith.constant 32 : i32
      %add3A_569 = arith.addi %mul3A_537, %add3A_568 : i32
      %get3A_570 = arith.index_cast %add3A_569 : i32 to index
      %get3A_571 = tpu.vector_load %arg14[%get3A_570] {strides = array<i32>} : memref<11280xi32, #tpu.memory_space<vmem>>, vector<16xi32>,
      %eq3A_572 = arith.constant 0 : i32
      %eq3A_573 = vector.broadcast %eq3A_572 : i32 to vector<16xi32>
      %eq3A_574 = arith.cmpi eq, %get3A_571, %eq3A_573 : vector<16xi32>
      %add3A_575 = arith.addi %get3A_571, %mul3A_269 : vector<16xi32>
      %jit3A_576 = arith.constant 8000 : i32
      %broadcast_in_dim3A_577 = vector.broadcast %jit3A_576 : i32 to vector<16xi32>
      %select_n3A_578 = arith.select %eq3A_574, %broadcast_in_dim3A_577, %add3A_575 : vector<16xi1>, vector<16xi32>
      %add3A_579 = vector.broadcast %mul3A_2 : i32 to vector<16xi32>
      %add3A_580 = arith.addi %add3A_579, %select_n3A_578 : vector<16xi32>
      %swap3A_581 = arith.index_cast %add3A_569 : i32 to index
      %swap3A_582 = tpu.vector_load %arg14[%swap3A_581] {strides = array<i32>} : memref<11280xi32, #tpu.memory_space<vmem>>, vector<16xi32>,
      tpu.vector_store %arg14[%swap3A_581], %add3A_580 {strides = array<i32>} : memref<11280xi32, #tpu.memory_space<vmem>>, vector<16xi32>,
      %add3A_583 = arith.constant 48 : i32
      %add3A_584 = arith.addi %mul3A_537, %add3A_583 : i32
      %get3A_585 = arith.index_cast %add3A_584 : i32 to index
      %get3A_586 = tpu.vector_load %arg14[%get3A_585] {strides = array<i32>} : memref<11280xi32, #tpu.memory_space<vmem>>, vector<16xi32>,
      %eq3A_587 = arith.constant 0 : i32
      %eq3A_588 = vector.broadcast %eq3A_587 : i32 to vector<16xi32>
      %eq3A_589 = arith.cmpi eq, %get3A_586, %eq3A_588 : vector<16xi32>
      %add3A_590 = arith.addi %get3A_586, %mul3A_306 : vector<16xi32>
      %jit3A_591 = arith.constant 8000 : i32
      %broadcast_in_dim3A_592 = vector.broadcast %jit3A_591 : i32 to vector<16xi32>
      %select_n3A_593 = arith.select %eq3A_589, %broadcast_in_dim3A_592, %add3A_590 : vector<16xi1>, vector<16xi32>
      %add3A_594 = vector.broadcast %mul3A_2 : i32 to vector<16xi32>
      %add3A_595 = arith.addi %add3A_594, %select_n3A_593 : vector<16xi32>
      %swap3A_596 = arith.index_cast %add3A_584 : i32 to index
      %swap3A_597 = tpu.vector_load %arg14[%swap3A_596] {strides = array<i32>} : memref<11280xi32, #tpu.memory_space<vmem>>, vector<16xi32>,
      tpu.vector_store %arg14[%swap3A_596], %add3A_595 {strides = array<i32>} : memref<11280xi32, #tpu.memory_space<vmem>>, vector<16xi32>,
      %add3A_598 = arith.constant 64 : i32
      %add3A_599 = arith.addi %mul3A_537, %add3A_598 : i32
      %get3A_600 = arith.index_cast %add3A_599 : i32 to index
      %get3A_601 = tpu.vector_load %arg14[%get3A_600] {strides = array<i32>} : memref<11280xi32, #tpu.memory_space<vmem>>, vector<16xi32>,
      %eq3A_602 = arith.constant 0 : i32
      %eq3A_603 = vector.broadcast %eq3A_602 : i32 to vector<16xi32>
      %eq3A_604 = arith.cmpi eq, %get3A_601, %eq3A_603 : vector<16xi32>
      %add3A_605 = arith.addi %get3A_601, %mul3A_343 : vector<16xi32>
      %jit3A_606 = arith.constant 8000 : i32
      %broadcast_in_dim3A_607 = vector.broadcast %jit3A_606 : i32 to vector<16xi32>
      %select_n3A_608 = arith.select %eq3A_604, %broadcast_in_dim3A_607, %add3A_605 : vector<16xi1>, vector<16xi32>
      %add3A_609 = vector.broadcast %mul3A_2 : i32 to vector<16xi32>
      %add3A_610 = arith.addi %add3A_609, %select_n3A_608 : vector<16xi32>
      %swap3A_611 = arith.index_cast %add3A_599 : i32 to index
      %swap3A_612 = tpu.vector_load %arg14[%swap3A_611] {strides = array<i32>} : memref<11280xi32, #tpu.memory_space<vmem>>, vector<16xi32>,
      tpu.vector_store %arg14[%swap3A_611], %add3A_610 {strides = array<i32>} : memref<11280xi32, #tpu.memory_space<vmem>>, vector<16xi32>,
      %scan3A_613 = arith.constant 2 : i32
      %scan3A_614 = arith.addi %scan3A_458, %scan3A_613 : i32
      %mul3A_615 = arith.constant 88 : i32
      %mul3A_616 = arith.muli %scan3A_614, %mul3A_615 : i32
      %add3A_617 = arith.constant 0 : i32
      %add3A_618 = arith.addi %mul3A_616, %add3A_617 : i32
      %get3A_619 = arith.index_cast %add3A_618 : i32 to index
      %get3A_620 = tpu.vector_load %arg14[%get3A_619] {strides = array<i32>} : memref<11280xi32, #tpu.memory_space<vmem>>, vector<16xi32>,
      %eq3A_621 = arith.constant 0 : i32
      %eq3A_622 = vector.broadcast %eq3A_621 : i32 to vector<16xi32>
      %eq3A_623 = arith.cmpi eq, %get3A_620, %eq3A_622 : vector<16xi32>
      %add3A_624 = arith.addi %get3A_620, %mul3A_195 : vector<16xi32>
      %jit3A_625 = arith.constant 8000 : i32
      %broadcast_in_dim3A_626 = vector.broadcast %jit3A_625 : i32 to vector<16xi32>
      %select_n3A_627 = arith.select %eq3A_623, %broadcast_in_dim3A_626, %add3A_624 : vector<16xi1>, vector<16xi32>
      %add3A_628 = vector.broadcast %mul3A_2 : i32 to vector<16xi32>
      %add3A_629 = arith.addi %add3A_628, %select_n3A_627 : vector<16xi32>
      %swap3A_630 = arith.index_cast %add3A_618 : i32 to index
      %swap3A_631 = tpu.vector_load %arg14[%swap3A_630] {strides = array<i32>} : memref<11280xi32, #tpu.memory_space<vmem>>, vector<16xi32>,
      tpu.vector_store %arg14[%swap3A_630], %add3A_629 {strides = array<i32>} : memref<11280xi32, #tpu.memory_space<vmem>>, vector<16xi32>,
      %add3A_632 = arith.constant 16 : i32
      %add3A_633 = arith.addi %mul3A_616, %add3A_632 : i32
      %get3A_634 = arith.index_cast %add3A_633 : i32 to index
      %get3A_635 = tpu.vector_load %arg14[%get3A_634] {strides = array<i32>} : memref<11280xi32, #tpu.memory_space<vmem>>, vector<16xi32>,
      %eq3A_636 = arith.constant 0 : i32
      %eq3A_637 = vector.broadcast %eq3A_636 : i32 to vector<16xi32>
      %eq3A_638 = arith.cmpi eq, %get3A_635, %eq3A_637 : vector<16xi32>
      %add3A_639 = arith.addi %get3A_635, %mul3A_232 : vector<16xi32>
      %jit3A_640 = arith.constant 8000 : i32
      %broadcast_in_dim3A_641 = vector.broadcast %jit3A_640 : i32 to vector<16xi32>
      %select_n3A_642 = arith.select %eq3A_638, %broadcast_in_dim3A_641, %add3A_639 : vector<16xi1>, vector<16xi32>
      %add3A_643 = vector.broadcast %mul3A_2 : i32 to vector<16xi32>
      %add3A_644 = arith.addi %add3A_643, %select_n3A_642 : vector<16xi32>
      %swap3A_645 = arith.index_cast %add3A_633 : i32 to index
      %swap3A_646 = tpu.vector_load %arg14[%swap3A_645] {strides = array<i32>} : memref<11280xi32, #tpu.memory_space<vmem>>, vector<16xi32>,
      tpu.vector_store %arg14[%swap3A_645], %add3A_644 {strides = array<i32>} : memref<11280xi32, #tpu.memory_space<vmem>>, vector<16xi32>,
      %add3A_647 = arith.constant 32 : i32
      %add3A_648 = arith.addi %mul3A_616, %add3A_647 : i32
      %get3A_649 = arith.index_cast %add3A_648 : i32 to index
      %get3A_650 = tpu.vector_load %arg14[%get3A_649] {strides = array<i32>} : memref<11280xi32, #tpu.memory_space<vmem>>, vector<16xi32>,
      %eq3A_651 = arith.constant 0 : i32
      %eq3A_652 = vector.broadcast %eq3A_651 : i32 to vector<16xi32>
      %eq3A_653 = arith.cmpi eq, %get3A_650, %eq3A_652 : vector<16xi32>
      %add3A_654 = arith.addi %get3A_650, %mul3A_269 : vector<16xi32>
      %jit3A_655 = arith.constant 8000 : i32
      %broadcast_in_dim3A_656 = vector.broadcast %jit3A_655 : i32 to vector<16xi32>
      %select_n3A_657 = arith.select %eq3A_653, %broadcast_in_dim3A_656, %add3A_654 : vector<16xi1>, vector<16xi32>
      %add3A_658 = vector.broadcast %mul3A_2 : i32 to vector<16xi32>
      %add3A_659 = arith.addi %add3A_658, %select_n3A_657 : vector<16xi32>
      %swap3A_660 = arith.index_cast %add3A_648 : i32 to index
      %swap3A_661 = tpu.vector_load %arg14[%swap3A_660] {strides = array<i32>} : memref<11280xi32, #tpu.memory_space<vmem>>, vector<16xi32>,
      tpu.vector_store %arg14[%swap3A_660], %add3A_659 {strides = array<i32>} : memref<11280xi32, #tpu.memory_space<vmem>>, vector<16xi32>,
      %add3A_662 = arith.constant 48 : i32
      %add3A_663 = arith.addi %mul3A_616, %add3A_662 : i32
      %get3A_664 = arith.index_cast %add3A_663 : i32 to index
      %get3A_665 = tpu.vector_load %arg14[%get3A_664] {strides = array<i32>} : memref<11280xi32, #tpu.memory_space<vmem>>, vector<16xi32>,
      %eq3A_666 = arith.constant 0 : i32
      %eq3A_667 = vector.broadcast %eq3A_666 : i32 to vector<16xi32>
      %eq3A_668 = arith.cmpi eq, %get3A_665, %eq3A_667 : vector<16xi32>
      %add3A_669 = arith.addi %get3A_665, %mul3A_306 : vector<16xi32>
      %jit3A_670 = arith.constant 8000 : i32
      %broadcast_in_dim3A_671 = vector.broadcast %jit3A_670 : i32 to vector<16xi32>
      %select_n3A_672 = arith.select %eq3A_668, %broadcast_in_dim3A_671, %add3A_669 : vector<16xi1>, vector<16xi32>
      %add3A_673 = vector.broadcast %mul3A_2 : i32 to vector<16xi32>
      %add3A_674 = arith.addi %add3A_673, %select_n3A_672 : vector<16xi32>
      %swap3A_675 = arith.index_cast %add3A_663 : i32 to index
      %swap3A_676 = tpu.vector_load %arg14[%swap3A_675] {strides = array<i32>} : memref<11280xi32, #tpu.memory_space<vmem>>, vector<16xi32>,
      tpu.vector_store %arg14[%swap3A_675], %add3A_674 {strides = array<i32>} : memref<11280xi32, #tpu.memory_space<vmem>>, vector<16xi32>,
      %add3A_677 = arith.constant 64 : i32
      %add3A_678 = arith.addi %mul3A_616, %add3A_677 : i32
      %get3A_679 = arith.index_cast %add3A_678 : i32 to index
      %get3A_680 = tpu.vector_load %arg14[%get3A_679] {strides = array<i32>} : memref<11280xi32, #tpu.memory_space<vmem>>, vector<16xi32>,
      %eq3A_681 = arith.constant 0 : i32
      %eq3A_682 = vector.broadcast %eq3A_681 : i32 to vector<16xi32>
      %eq3A_683 = arith.cmpi eq, %get3A_680, %eq3A_682 : vector<16xi32>
      %add3A_684 = arith.addi %get3A_680, %mul3A_343 : vector<16xi32>
      %jit3A_685 = arith.constant 8000 : i32
      %broadcast_in_dim3A_686 = vector.broadcast %jit3A_685 : i32 to vector<16xi32>
      %select_n3A_687 = arith.select %eq3A_683, %broadcast_in_dim3A_686, %add3A_684 : vector<16xi1>, vector<16xi32>
      %add3A_688 = vector.broadcast %mul3A_2 : i32 to vector<16xi32>
      %add3A_689 = arith.addi %add3A_688, %select_n3A_687 : vector<16xi32>
      %swap3A_690 = arith.index_cast %add3A_678 : i32 to index
      %swap3A_691 = tpu.vector_load %arg14[%swap3A_690] {strides = array<i32>} : memref<11280xi32, #tpu.memory_space<vmem>>, vector<16xi32>,
      tpu.vector_store %arg14[%swap3A_690], %add3A_689 {strides = array<i32>} : memref<11280xi32, #tpu.memory_space<vmem>>, vector<16xi32>,
      %scan3A_692 = arith.constant 3 : i32
      %scan3A_693 = arith.addi %scan3A_458, %scan3A_692 : i32
      %mul3A_694 = arith.constant 88 : i32
      %mul3A_695 = arith.muli %scan3A_693, %mul3A_694 : i32
      %add3A_696 = arith.constant 0 : i32
      %add3A_697 = arith.addi %mul3A_695, %add3A_696 : i32
      %get3A_698 = arith.index_cast %add3A_697 : i32 to index
      %get3A_699 = tpu.vector_load %arg14[%get3A_698] {strides = array<i32>} : memref<11280xi32, #tpu.memory_space<vmem>>, vector<16xi32>,
      %eq3A_700 = arith.constant 0 : i32
      %eq3A_701 = vector.broadcast %eq3A_700 : i32 to vector<16xi32>
      %eq3A_702 = arith.cmpi eq, %get3A_699, %eq3A_701 : vector<16xi32>
      %add3A_703 = arith.addi %get3A_699, %mul3A_195 : vector<16xi32>
      %jit3A_704 = arith.constant 8000 : i32
      %broadcast_in_dim3A_705 = vector.broadcast %jit3A_704 : i32 to vector<16xi32>
      %select_n3A_706 = arith.select %eq3A_702, %broadcast_in_dim3A_705, %add3A_703 : vector<16xi1>, vector<16xi32>
      %add3A_707 = vector.broadcast %mul3A_2 : i32 to vector<16xi32>
      %add3A_708 = arith.addi %add3A_707, %select_n3A_706 : vector<16xi32>
      %swap3A_709 = arith.index_cast %add3A_697 : i32 to index
      %swap3A_710 = tpu.vector_load %arg14[%swap3A_709] {strides = array<i32>} : memref<11280xi32, #tpu.memory_space<vmem>>, vector<16xi32>,
      tpu.vector_store %arg14[%swap3A_709], %add3A_708 {strides = array<i32>} : memref<11280xi32, #tpu.memory_space<vmem>>, vector<16xi32>,
      %add3A_711 = arith.constant 16 : i32
      %add3A_712 = arith.addi %mul3A_695, %add3A_711 : i32
      %get3A_713 = arith.index_cast %add3A_712 : i32 to index
      %get3A_714 = tpu.vector_load %arg14[%get3A_713] {strides = array<i32>} : memref<11280xi32, #tpu.memory_space<vmem>>, vector<16xi32>,
      %eq3A_715 = arith.constant 0 : i32
      %eq3A_716 = vector.broadcast %eq3A_715 : i32 to vector<16xi32>
      %eq3A_717 = arith.cmpi eq, %get3A_714, %eq3A_716 : vector<16xi32>
      %add3A_718 = arith.addi %get3A_714, %mul3A_232 : vector<16xi32>
      %jit3A_719 = arith.constant 8000 : i32
      %broadcast_in_dim3A_720 = vector.broadcast %jit3A_719 : i32 to vector<16xi32>
      %select_n3A_721 = arith.select %eq3A_717, %broadcast_in_dim3A_720, %add3A_718 : vector<16xi1>, vector<16xi32>
      %add3A_722 = vector.broadcast %mul3A_2 : i32 to vector<16xi32>
      %add3A_723 = arith.addi %add3A_722, %select_n3A_721 : vector<16xi32>
      %swap3A_724 = arith.index_cast %add3A_712 : i32 to index
      %swap3A_725 = tpu.vector_load %arg14[%swap3A_724] {strides = array<i32>} : memref<11280xi32, #tpu.memory_space<vmem>>, vector<16xi32>,
      tpu.vector_store %arg14[%swap3A_724], %add3A_723 {strides = array<i32>} : memref<11280xi32, #tpu.memory_space<vmem>>, vector<16xi32>,
      %add3A_726 = arith.constant 32 : i32
      %add3A_727 = arith.addi %mul3A_695, %add3A_726 : i32
      %get3A_728 = arith.index_cast %add3A_727 : i32 to index
      %get3A_729 = tpu.vector_load %arg14[%get3A_728] {strides = array<i32>} : memref<11280xi32, #tpu.memory_space<vmem>>, vector<16xi32>,
      %eq3A_730 = arith.constant 0 : i32
      %eq3A_731 = vector.broadcast %eq3A_730 : i32 to vector<16xi32>
      %eq3A_732 = arith.cmpi eq, %get3A_729, %eq3A_731 : vector<16xi32>
      %add3A_733 = arith.addi %get3A_729, %mul3A_269 : vector<16xi32>
      %jit3A_734 = arith.constant 8000 : i32
      %broadcast_in_dim3A_735 = vector.broadcast %jit3A_734 : i32 to vector<16xi32>
      %select_n3A_736 = arith.select %eq3A_732, %broadcast_in_dim3A_735, %add3A_733 : vector<16xi1>, vector<16xi32>
      %add3A_737 = vector.broadcast %mul3A_2 : i32 to vector<16xi32>
      %add3A_738 = arith.addi %add3A_737, %select_n3A_736 : vector<16xi32>
      %swap3A_739 = arith.index_cast %add3A_727 : i32 to index
      %swap3A_740 = tpu.vector_load %arg14[%swap3A_739] {strides = array<i32>} : memref<11280xi32, #tpu.memory_space<vmem>>, vector<16xi32>,
      tpu.vector_store %arg14[%swap3A_739], %add3A_738 {strides = array<i32>} : memref<11280xi32, #tpu.memory_space<vmem>>, vector<16xi32>,
      %add3A_741 = arith.constant 48 : i32
      %add3A_742 = arith.addi %mul3A_695, %add3A_741 : i32
      %get3A_743 = arith.index_cast %add3A_742 : i32 to index
      %get3A_744 = tpu.vector_load %arg14[%get3A_743] {strides = array<i32>} : memref<11280xi32, #tpu.memory_space<vmem>>, vector<16xi32>,
      %eq3A_745 = arith.constant 0 : i32
      %eq3A_746 = vector.broadcast %eq3A_745 : i32 to vector<16xi32>
      %eq3A_747 = arith.cmpi eq, %get3A_744, %eq3A_746 : vector<16xi32>
      %add3A_748 = arith.addi %get3A_744, %mul3A_306 : vector<16xi32>
      %jit3A_749 = arith.constant 8000 : i32
      %broadcast_in_dim3A_750 = vector.broadcast %jit3A_749 : i32 to vector<16xi32>
      %select_n3A_751 = arith.select %eq3A_747, %broadcast_in_dim3A_750, %add3A_748 : vector<16xi1>, vector<16xi32>
      %add3A_752 = vector.broadcast %mul3A_2 : i32 to vector<16xi32>
      %add3A_753 = arith.addi %add3A_752, %select_n3A_751 : vector<16xi32>
      %swap3A_754 = arith.index_cast %add3A_742 : i32 to index
      %swap3A_755 = tpu.vector_load %arg14[%swap3A_754] {strides = array<i32>} : memref<11280xi32, #tpu.memory_space<vmem>>, vector<16xi32>,
      tpu.vector_store %arg14[%swap3A_754], %add3A_753 {strides = array<i32>} : memref<11280xi32, #tpu.memory_space<vmem>>, vector<16xi32>,
      %add3A_756 = arith.constant 64 : i32
      %add3A_757 = arith.addi %mul3A_695, %add3A_756 : i32
      %get3A_758 = arith.index_cast %add3A_757 : i32 to index
      %get3A_759 = tpu.vector_load %arg14[%get3A_758] {strides = array<i32>} : memref<11280xi32, #tpu.memory_space<vmem>>, vector<16xi32>,
      %eq3A_760 = arith.constant 0 : i32
      %eq3A_761 = vector.broadcast %eq3A_760 : i32 to vector<16xi32>
      %eq3A_762 = arith.cmpi eq, %get3A_759, %eq3A_761 : vector<16xi32>
      %add3A_763 = arith.addi %get3A_759, %mul3A_343 : vector<16xi32>
      %jit3A_764 = arith.constant 8000 : i32
      %broadcast_in_dim3A_765 = vector.broadcast %jit3A_764 : i32 to vector<16xi32>
      %select_n3A_766 = arith.select %eq3A_762, %broadcast_in_dim3A_765, %add3A_763 : vector<16xi1>, vector<16xi32>
      %add3A_767 = vector.broadcast %mul3A_2 : i32 to vector<16xi32>
      %add3A_768 = arith.addi %add3A_767, %select_n3A_766 : vector<16xi32>
      %swap3A_769 = arith.index_cast %add3A_757 : i32 to index
      %swap3A_770 = tpu.vector_load %arg14[%swap3A_769] {strides = array<i32>} : memref<11280xi32, #tpu.memory_space<vmem>>, vector<16xi32>,
      tpu.vector_store %arg14[%swap3A_769], %add3A_768 {strides = array<i32>} : memref<11280xi32, #tpu.memory_space<vmem>>, vector<16xi32>,
    }
    %scan3A_348 = arith.constant 128 : i32
    %iota3A_349 = tpu.iota {dimensions = array<i32: 0>} : vector<16xi32>
    %lt3A_350 = arith.constant 15 : i32
    %lt3A_351 = arith.cmpi slt, %arg1, %lt3A_350 : i32
    %convert_element_type3A_352 = arith.extui %lt3A_351 : i1 to i32
    %cond3A_353 = arith.constant 0 : i32
    %cond3A_354 = arith.cmpi ne, %convert_element_type3A_352, %cond3A_353 : i32
    scf.if %cond3A_354 {
      %add3A_458 = arith.constant 0 : i32
      %add3A_459 = arith.addi %mul3A_2, %add3A_458 : i32
      %mul3A_460 = arith.constant 64 : i32
      %mul3A_461 = arith.muli %arg1, %mul3A_460 : i32
      %add3A_462 = arith.addi %add3A_459, %mul3A_461 : i32
      %dma_wait3A = arith.constant 0 : i32
      %dma_wait3A_463 = arith.constant 0 : i32
      %dma_wait3A_464 = tpu.memref_slice %arg15[%dma_wait3A, %dma_wait3A_463] : memref<80x128xf32, #tpu.memory_space<vmem>> -> memref<64x128xf32, #tpu.memory_space<vmem>>
      %dma_wait3A_465 = arith.constant 0 : i32
      %dma_wait3A_466 = tpu.memref_slice %arg13[%add3A_462, %dma_wait3A_465] : memref<16016x128xf32, #tpu.memory_space<hbm>> -> memref<64x128xf32, #tpu.memory_space<hbm>>
      %dma_wait3A_467 = arith.constant 0 : i32
      %dma_wait3A_468 = tpu.memref_slice %arg13[%add3A_462, %dma_wait3A_467] : memref<16016x128xf32, #tpu.memory_space<hbm>> -> memref<64x128xf32, #tpu.memory_space<hbm>>
      %dma_wait3A_469 = arith.constant 0 : i32
      %dma_wait3A_470 = arith.constant 0 : i32
      %dma_wait3A_471 = tpu.memref_slice %arg15[%dma_wait3A_469, %dma_wait3A_470] : memref<80x128xf32, #tpu.memory_space<vmem>> -> memref<64x128xf32, #tpu.memory_space<vmem>>
      tpu.wait_dma2 semaphore(%arg27 : memref<!tpu.dma_semaphore, #tpu.memory_space<semaphore_mem>>) src(%dma_wait3A_471 : memref<64x128xf32, #tpu.memory_space<vmem>>) dst(%dma_wait3A_468 : memref<64x128xf32, #tpu.memory_space<hbm>>)
    } else {
    }
    %eq3A_355 = arith.constant 15 : i32
    %eq3A_356 = arith.cmpi eq, %arg1, %eq3A_355 : i32
    %convert_element_type3A_357 = arith.extui %eq3A_356 : i1 to i32
    %cond3A_358 = arith.constant 0 : i32
    %cond3A_359 = arith.cmpi ne, %convert_element_type3A_357, %cond3A_358 : i32
    scf.if %cond3A_359 {
      %add3A_458 = arith.constant 0 : i32
      %add3A_459 = arith.addi %mul3A_2, %add3A_458 : i32
      %mul3A_460 = arith.constant 64 : i32
      %mul3A_461 = arith.muli %arg1, %mul3A_460 : i32
      %add3A_462 = arith.addi %add3A_459, %mul3A_461 : i32
      %dma_wait3A = arith.constant 0 : i32
      %dma_wait3A_463 = arith.constant 0 : i32
      %dma_wait3A_464 = tpu.memref_slice %arg15[%dma_wait3A, %dma_wait3A_463] : memref<80x128xf32, #tpu.memory_space<vmem>> -> memref<40x128xf32, #tpu.memory_space<vmem>>
      %dma_wait3A_465 = arith.constant 0 : i32
      %dma_wait3A_466 = tpu.memref_slice %arg13[%add3A_462, %dma_wait3A_465] : memref<16016x128xf32, #tpu.memory_space<hbm>> -> memref<40x128xf32, #tpu.memory_space<hbm>>
      %dma_wait3A_467 = arith.constant 0 : i32
      %dma_wait3A_468 = tpu.memref_slice %arg13[%add3A_462, %dma_wait3A_467] : memref<16016x128xf32, #tpu.memory_space<hbm>> -> memref<40x128xf32, #tpu.memory_space<hbm>>
      %dma_wait3A_469 = arith.constant 0 : i32
      %dma_wait3A_470 = arith.constant 0 : i32
      %dma_wait3A_471 = tpu.memref_slice %arg15[%dma_wait3A_469, %dma_wait3A_470] : memref<80x128xf32, #tpu.memory_space<vmem>> -> memref<40x128xf32, #tpu.memory_space<vmem>>
      tpu.wait_dma2 semaphore(%arg27 : memref<!tpu.dma_semaphore, #tpu.memory_space<semaphore_mem>>) src(%dma_wait3A_471 : memref<40x128xf32, #tpu.memory_space<vmem>>) dst(%dma_wait3A_468 : memref<40x128xf32, #tpu.memory_space<hbm>>)
    } else {
    }
    %lt3A_360 = arith.constant 15 : i32
    %lt3A_361 = arith.cmpi slt, %arg1, %lt3A_360 : i32
    %convert_element_type3A_362 = arith.extui %lt3A_361 : i1 to i32
    %cond3A_363 = arith.constant 0 : i32
    %cond3A_364 = arith.cmpi ne, %convert_element_type3A_362, %cond3A_363 : i32
    scf.if %cond3A_364 {
      %add3A_458 = arith.constant 1000 : i32
      %add3A_459 = arith.addi %mul3A_2, %add3A_458 : i32
      %mul3A_460 = arith.constant 64 : i32
      %mul3A_461 = arith.muli %arg1, %mul3A_460 : i32
      %add3A_462 = arith.addi %add3A_459, %mul3A_461 : i32
      %dma_wait3A = arith.constant 0 : i32
      %dma_wait3A_463 = arith.constant 0 : i32
      %dma_wait3A_464 = tpu.memref_slice %arg16[%dma_wait3A, %dma_wait3A_463] : memref<80x128xf32, #tpu.memory_space<vmem>> -> memref<64x128xf32, #tpu.memory_space<vmem>>
      %dma_wait3A_465 = arith.constant 0 : i32
      %dma_wait3A_466 = tpu.memref_slice %arg13[%add3A_462, %dma_wait3A_465] : memref<16016x128xf32, #tpu.memory_space<hbm>> -> memref<64x128xf32, #tpu.memory_space<hbm>>
      %dma_wait3A_467 = arith.constant 0 : i32
      %dma_wait3A_468 = tpu.memref_slice %arg13[%add3A_462, %dma_wait3A_467] : memref<16016x128xf32, #tpu.memory_space<hbm>> -> memref<64x128xf32, #tpu.memory_space<hbm>>
      %dma_wait3A_469 = arith.constant 0 : i32
      %dma_wait3A_470 = arith.constant 0 : i32
      %dma_wait3A_471 = tpu.memref_slice %arg16[%dma_wait3A_469, %dma_wait3A_470] : memref<80x128xf32, #tpu.memory_space<vmem>> -> memref<64x128xf32, #tpu.memory_space<vmem>>
      tpu.wait_dma2 semaphore(%arg28 : memref<!tpu.dma_semaphore, #tpu.memory_space<semaphore_mem>>) src(%dma_wait3A_471 : memref<64x128xf32, #tpu.memory_space<vmem>>) dst(%dma_wait3A_468 : memref<64x128xf32, #tpu.memory_space<hbm>>)
    } else {
    }
    %eq3A_365 = arith.constant 15 : i32
    %eq3A_366 = arith.cmpi eq, %arg1, %eq3A_365 : i32
    %convert_element_type3A_367 = arith.extui %eq3A_366 : i1 to i32
    %cond3A_368 = arith.constant 0 : i32
    %cond3A_369 = arith.cmpi ne, %convert_element_type3A_367, %cond3A_368 : i32
    scf.if %cond3A_369 {
      %add3A_458 = arith.constant 1000 : i32
      %add3A_459 = arith.addi %mul3A_2, %add3A_458 : i32
      %mul3A_460 = arith.constant 64 : i32
      %mul3A_461 = arith.muli %arg1, %mul3A_460 : i32
      %add3A_462 = arith.addi %add3A_459, %mul3A_461 : i32
      %dma_wait3A = arith.constant 0 : i32
      %dma_wait3A_463 = arith.constant 0 : i32
      %dma_wait3A_464 = tpu.memref_slice %arg16[%dma_wait3A, %dma_wait3A_463] : memref<80x128xf32, #tpu.memory_space<vmem>> -> memref<40x128xf32, #tpu.memory_space<vmem>>
      %dma_wait3A_465 = arith.constant 0 : i32
      %dma_wait3A_466 = tpu.memref_slice %arg13[%add3A_462, %dma_wait3A_465] : memref<16016x128xf32, #tpu.memory_space<hbm>> -> memref<40x128xf32, #tpu.memory_space<hbm>>
      %dma_wait3A_467 = arith.constant 0 : i32
      %dma_wait3A_468 = tpu.memref_slice %arg13[%add3A_462, %dma_wait3A_467] : memref<16016x128xf32, #tpu.memory_space<hbm>> -> memref<40x128xf32, #tpu.memory_space<hbm>>
      %dma_wait3A_469 = arith.constant 0 : i32
      %dma_wait3A_470 = arith.constant 0 : i32
      %dma_wait3A_471 = tpu.memref_slice %arg16[%dma_wait3A_469, %dma_wait3A_470] : memref<80x128xf32, #tpu.memory_space<vmem>> -> memref<40x128xf32, #tpu.memory_space<vmem>>
      tpu.wait_dma2 semaphore(%arg28 : memref<!tpu.dma_semaphore, #tpu.memory_space<semaphore_mem>>) src(%dma_wait3A_471 : memref<40x128xf32, #tpu.memory_space<vmem>>) dst(%dma_wait3A_468 : memref<40x128xf32, #tpu.memory_space<hbm>>)
    } else {
    }
    %lt3A_370 = arith.constant 15 : i32
    %lt3A_371 = arith.cmpi slt, %arg1, %lt3A_370 : i32
    %convert_element_type3A_372 = arith.extui %lt3A_371 : i1 to i32
    %cond3A_373 = arith.constant 0 : i32
    %cond3A_374 = arith.cmpi ne, %convert_element_type3A_372, %cond3A_373 : i32
    scf.if %cond3A_374 {
      %add3A_458 = arith.constant 2000 : i32
      %add3A_459 = arith.addi %mul3A_2, %add3A_458 : i32
      %mul3A_460 = arith.constant 64 : i32
      %mul3A_461 = arith.muli %arg1, %mul3A_460 : i32
      %add3A_462 = arith.addi %add3A_459, %mul3A_461 : i32
      %dma_wait3A = arith.constant 0 : i32
      %dma_wait3A_463 = arith.constant 0 : i32
      %dma_wait3A_464 = tpu.memref_slice %arg17[%dma_wait3A, %dma_wait3A_463] : memref<80x128xf32, #tpu.memory_space<vmem>> -> memref<64x128xf32, #tpu.memory_space<vmem>>
      %dma_wait3A_465 = arith.constant 0 : i32
      %dma_wait3A_466 = tpu.memref_slice %arg13[%add3A_462, %dma_wait3A_465] : memref<16016x128xf32, #tpu.memory_space<hbm>> -> memref<64x128xf32, #tpu.memory_space<hbm>>
      %dma_wait3A_467 = arith.constant 0 : i32
      %dma_wait3A_468 = tpu.memref_slice %arg13[%add3A_462, %dma_wait3A_467] : memref<16016x128xf32, #tpu.memory_space<hbm>> -> memref<64x128xf32, #tpu.memory_space<hbm>>
      %dma_wait3A_469 = arith.constant 0 : i32
      %dma_wait3A_470 = arith.constant 0 : i32
      %dma_wait3A_471 = tpu.memref_slice %arg17[%dma_wait3A_469, %dma_wait3A_470] : memref<80x128xf32, #tpu.memory_space<vmem>> -> memref<64x128xf32, #tpu.memory_space<vmem>>
      tpu.wait_dma2 semaphore(%arg29 : memref<!tpu.dma_semaphore, #tpu.memory_space<semaphore_mem>>) src(%dma_wait3A_471 : memref<64x128xf32, #tpu.memory_space<vmem>>) dst(%dma_wait3A_468 : memref<64x128xf32, #tpu.memory_space<hbm>>)
    } else {
    }
    %eq3A_375 = arith.constant 15 : i32
    %eq3A_376 = arith.cmpi eq, %arg1, %eq3A_375 : i32
    %convert_element_type3A_377 = arith.extui %eq3A_376 : i1 to i32
    %cond3A_378 = arith.constant 0 : i32
    %cond3A_379 = arith.cmpi ne, %convert_element_type3A_377, %cond3A_378 : i32
    scf.if %cond3A_379 {
      %add3A_458 = arith.constant 2000 : i32
      %add3A_459 = arith.addi %mul3A_2, %add3A_458 : i32
      %mul3A_460 = arith.constant 64 : i32
      %mul3A_461 = arith.muli %arg1, %mul3A_460 : i32
      %add3A_462 = arith.addi %add3A_459, %mul3A_461 : i32
      %dma_wait3A = arith.constant 0 : i32
      %dma_wait3A_463 = arith.constant 0 : i32
      %dma_wait3A_464 = tpu.memref_slice %arg17[%dma_wait3A, %dma_wait3A_463] : memref<80x128xf32, #tpu.memory_space<vmem>> -> memref<40x128xf32, #tpu.memory_space<vmem>>
      %dma_wait3A_465 = arith.constant 0 : i32
      %dma_wait3A_466 = tpu.memref_slice %arg13[%add3A_462, %dma_wait3A_465] : memref<16016x128xf32, #tpu.memory_space<hbm>> -> memref<40x128xf32, #tpu.memory_space<hbm>>
      %dma_wait3A_467 = arith.constant 0 : i32
      %dma_wait3A_468 = tpu.memref_slice %arg13[%add3A_462, %dma_wait3A_467] : memref<16016x128xf32, #tpu.memory_space<hbm>> -> memref<40x128xf32, #tpu.memory_space<hbm>>
      %dma_wait3A_469 = arith.constant 0 : i32
      %dma_wait3A_470 = arith.constant 0 : i32
      %dma_wait3A_471 = tpu.memref_slice %arg17[%dma_wait3A_469, %dma_wait3A_470] : memref<80x128xf32, #tpu.memory_space<vmem>> -> memref<40x128xf32, #tpu.memory_space<vmem>>
      tpu.wait_dma2 semaphore(%arg29 : memref<!tpu.dma_semaphore, #tpu.memory_space<semaphore_mem>>) src(%dma_wait3A_471 : memref<40x128xf32, #tpu.memory_space<vmem>>) dst(%dma_wait3A_468 : memref<40x128xf32, #tpu.memory_space<hbm>>)
    } else {
    }
    %lt3A_380 = arith.constant 15 : i32
    %lt3A_381 = arith.cmpi slt, %arg1, %lt3A_380 : i32
    %convert_element_type3A_382 = arith.extui %lt3A_381 : i1 to i32
    %cond3A_383 = arith.constant 0 : i32
    %cond3A_384 = arith.cmpi ne, %convert_element_type3A_382, %cond3A_383 : i32
    scf.if %cond3A_384 {
      %add3A_458 = arith.constant 3000 : i32
      %add3A_459 = arith.addi %mul3A_2, %add3A_458 : i32
      %mul3A_460 = arith.constant 64 : i32
      %mul3A_461 = arith.muli %arg1, %mul3A_460 : i32
      %add3A_462 = arith.addi %add3A_459, %mul3A_461 : i32
      %dma_wait3A = arith.constant 0 : i32
      %dma_wait3A_463 = arith.constant 0 : i32
      %dma_wait3A_464 = tpu.memref_slice %arg18[%dma_wait3A, %dma_wait3A_463] : memref<80x128xf32, #tpu.memory_space<vmem>> -> memref<64x128xf32, #tpu.memory_space<vmem>>
      %dma_wait3A_465 = arith.constant 0 : i32
      %dma_wait3A_466 = tpu.memref_slice %arg13[%add3A_462, %dma_wait3A_465] : memref<16016x128xf32, #tpu.memory_space<hbm>> -> memref<64x128xf32, #tpu.memory_space<hbm>>
      %dma_wait3A_467 = arith.constant 0 : i32
      %dma_wait3A_468 = tpu.memref_slice %arg13[%add3A_462, %dma_wait3A_467] : memref<16016x128xf32, #tpu.memory_space<hbm>> -> memref<64x128xf32, #tpu.memory_space<hbm>>
      %dma_wait3A_469 = arith.constant 0 : i32
      %dma_wait3A_470 = arith.constant 0 : i32
      %dma_wait3A_471 = tpu.memref_slice %arg18[%dma_wait3A_469, %dma_wait3A_470] : memref<80x128xf32, #tpu.memory_space<vmem>> -> memref<64x128xf32, #tpu.memory_space<vmem>>
      tpu.wait_dma2 semaphore(%arg30 : memref<!tpu.dma_semaphore, #tpu.memory_space<semaphore_mem>>) src(%dma_wait3A_471 : memref<64x128xf32, #tpu.memory_space<vmem>>) dst(%dma_wait3A_468 : memref<64x128xf32, #tpu.memory_space<hbm>>)
    } else {
    }
    %eq3A_385 = arith.constant 15 : i32
    %eq3A_386 = arith.cmpi eq, %arg1, %eq3A_385 : i32
    %convert_element_type3A_387 = arith.extui %eq3A_386 : i1 to i32
    %cond3A_388 = arith.constant 0 : i32
    %cond3A_389 = arith.cmpi ne, %convert_element_type3A_387, %cond3A_388 : i32
    scf.if %cond3A_389 {
      %add3A_458 = arith.constant 3000 : i32
      %add3A_459 = arith.addi %mul3A_2, %add3A_458 : i32
      %mul3A_460 = arith.constant 64 : i32
      %mul3A_461 = arith.muli %arg1, %mul3A_460 : i32
      %add3A_462 = arith.addi %add3A_459, %mul3A_461 : i32
      %dma_wait3A = arith.constant 0 : i32
      %dma_wait3A_463 = arith.constant 0 : i32
      %dma_wait3A_464 = tpu.memref_slice %arg18[%dma_wait3A, %dma_wait3A_463] : memref<80x128xf32, #tpu.memory_space<vmem>> -> memref<40x128xf32, #tpu.memory_space<vmem>>
      %dma_wait3A_465 = arith.constant 0 : i32
      %dma_wait3A_466 = tpu.memref_slice %arg13[%add3A_462, %dma_wait3A_465] : memref<16016x128xf32, #tpu.memory_space<hbm>> -> memref<40x128xf32, #tpu.memory_space<hbm>>
      %dma_wait3A_467 = arith.constant 0 : i32
      %dma_wait3A_468 = tpu.memref_slice %arg13[%add3A_462, %dma_wait3A_467] : memref<16016x128xf32, #tpu.memory_space<hbm>> -> memref<40x128xf32, #tpu.memory_space<hbm>>
      %dma_wait3A_469 = arith.constant 0 : i32
      %dma_wait3A_470 = arith.constant 0 : i32
      %dma_wait3A_471 = tpu.memref_slice %arg18[%dma_wait3A_469, %dma_wait3A_470] : memref<80x128xf32, #tpu.memory_space<vmem>> -> memref<40x128xf32, #tpu.memory_space<vmem>>
      tpu.wait_dma2 semaphore(%arg30 : memref<!tpu.dma_semaphore, #tpu.memory_space<semaphore_mem>>) src(%dma_wait3A_471 : memref<40x128xf32, #tpu.memory_space<vmem>>) dst(%dma_wait3A_468 : memref<40x128xf32, #tpu.memory_space<hbm>>)
    } else {
    }
    %lt3A_390 = arith.constant 15 : i32
    %lt3A_391 = arith.cmpi slt, %arg1, %lt3A_390 : i32
    %convert_element_type3A_392 = arith.extui %lt3A_391 : i1 to i32
    %cond3A_393 = arith.constant 0 : i32
    %cond3A_394 = arith.cmpi ne, %convert_element_type3A_392, %cond3A_393 : i32
    scf.if %cond3A_394 {
      %add3A_458 = arith.constant 4000 : i32
      %add3A_459 = arith.addi %mul3A_2, %add3A_458 : i32
      %mul3A_460 = arith.constant 64 : i32
      %mul3A_461 = arith.muli %arg1, %mul3A_460 : i32
      %add3A_462 = arith.addi %add3A_459, %mul3A_461 : i32
      %dma_wait3A = arith.constant 0 : i32
      %dma_wait3A_463 = arith.constant 0 : i32
      %dma_wait3A_464 = tpu.memref_slice %arg19[%dma_wait3A, %dma_wait3A_463] : memref<80x128xf32, #tpu.memory_space<vmem>> -> memref<64x128xf32, #tpu.memory_space<vmem>>
      %dma_wait3A_465 = arith.constant 0 : i32
      %dma_wait3A_466 = tpu.memref_slice %arg13[%add3A_462, %dma_wait3A_465] : memref<16016x128xf32, #tpu.memory_space<hbm>> -> memref<64x128xf32, #tpu.memory_space<hbm>>
      %dma_wait3A_467 = arith.constant 0 : i32
      %dma_wait3A_468 = tpu.memref_slice %arg13[%add3A_462, %dma_wait3A_467] : memref<16016x128xf32, #tpu.memory_space<hbm>> -> memref<64x128xf32, #tpu.memory_space<hbm>>
      %dma_wait3A_469 = arith.constant 0 : i32
      %dma_wait3A_470 = arith.constant 0 : i32
      %dma_wait3A_471 = tpu.memref_slice %arg19[%dma_wait3A_469, %dma_wait3A_470] : memref<80x128xf32, #tpu.memory_space<vmem>> -> memref<64x128xf32, #tpu.memory_space<vmem>>
      tpu.wait_dma2 semaphore(%arg31 : memref<!tpu.dma_semaphore, #tpu.memory_space<semaphore_mem>>) src(%dma_wait3A_471 : memref<64x128xf32, #tpu.memory_space<vmem>>) dst(%dma_wait3A_468 : memref<64x128xf32, #tpu.memory_space<hbm>>)
    } else {
    }
    %eq3A_395 = arith.constant 15 : i32
    %eq3A_396 = arith.cmpi eq, %arg1, %eq3A_395 : i32
    %convert_element_type3A_397 = arith.extui %eq3A_396 : i1 to i32
    %cond3A_398 = arith.constant 0 : i32
    %cond3A_399 = arith.cmpi ne, %convert_element_type3A_397, %cond3A_398 : i32
    scf.if %cond3A_399 {
      %add3A_458 = arith.constant 4000 : i32
      %add3A_459 = arith.addi %mul3A_2, %add3A_458 : i32
      %mul3A_460 = arith.constant 64 : i32
      %mul3A_461 = arith.muli %arg1, %mul3A_460 : i32
      %add3A_462 = arith.addi %add3A_459, %mul3A_461 : i32
      %dma_wait3A = arith.constant 0 : i32
      %dma_wait3A_463 = arith.constant 0 : i32
      %dma_wait3A_464 = tpu.memref_slice %arg19[%dma_wait3A, %dma_wait3A_463] : memref<80x128xf32, #tpu.memory_space<vmem>> -> memref<40x128xf32, #tpu.memory_space<vmem>>
      %dma_wait3A_465 = arith.constant 0 : i32
      %dma_wait3A_466 = tpu.memref_slice %arg13[%add3A_462, %dma_wait3A_465] : memref<16016x128xf32, #tpu.memory_space<hbm>> -> memref<40x128xf32, #tpu.memory_space<hbm>>
      %dma_wait3A_467 = arith.constant 0 : i32
      %dma_wait3A_468 = tpu.memref_slice %arg13[%add3A_462, %dma_wait3A_467] : memref<16016x128xf32, #tpu.memory_space<hbm>> -> memref<40x128xf32, #tpu.memory_space<hbm>>
      %dma_wait3A_469 = arith.constant 0 : i32
      %dma_wait3A_470 = arith.constant 0 : i32
      %dma_wait3A_471 = tpu.memref_slice %arg19[%dma_wait3A_469, %dma_wait3A_470] : memref<80x128xf32, #tpu.memory_space<vmem>> -> memref<40x128xf32, #tpu.memory_space<vmem>>
      tpu.wait_dma2 semaphore(%arg31 : memref<!tpu.dma_semaphore, #tpu.memory_space<semaphore_mem>>) src(%dma_wait3A_471 : memref<40x128xf32, #tpu.memory_space<vmem>>) dst(%dma_wait3A_468 : memref<40x128xf32, #tpu.memory_space<hbm>>)
    } else {
    }
    %lt3A_400 = arith.constant 15 : i32
    %lt3A_401 = arith.cmpi slt, %arg1, %lt3A_400 : i32
    %convert_element_type3A_402 = arith.extui %lt3A_401 : i1 to i32
    %cond3A_403 = arith.constant 0 : i32
    %cond3A_404 = arith.cmpi ne, %convert_element_type3A_402, %cond3A_403 : i32
    scf.if %cond3A_404 {
      %add3A_458 = arith.constant 5000 : i32
      %add3A_459 = arith.addi %mul3A_2, %add3A_458 : i32
      %mul3A_460 = arith.constant 64 : i32
      %mul3A_461 = arith.muli %arg1, %mul3A_460 : i32
      %add3A_462 = arith.addi %add3A_459, %mul3A_461 : i32
      %dma_wait3A = arith.constant 0 : i32
      %dma_wait3A_463 = arith.constant 0 : i32
      %dma_wait3A_464 = tpu.memref_slice %arg20[%dma_wait3A, %dma_wait3A_463] : memref<80x128xf32, #tpu.memory_space<vmem>> -> memref<64x128xf32, #tpu.memory_space<vmem>>
      %dma_wait3A_465 = arith.constant 0 : i32
      %dma_wait3A_466 = tpu.memref_slice %arg13[%add3A_462, %dma_wait3A_465] : memref<16016x128xf32, #tpu.memory_space<hbm>> -> memref<64x128xf32, #tpu.memory_space<hbm>>
      %dma_wait3A_467 = arith.constant 0 : i32
      %dma_wait3A_468 = tpu.memref_slice %arg13[%add3A_462, %dma_wait3A_467] : memref<16016x128xf32, #tpu.memory_space<hbm>> -> memref<64x128xf32, #tpu.memory_space<hbm>>
      %dma_wait3A_469 = arith.constant 0 : i32
      %dma_wait3A_470 = arith.constant 0 : i32
      %dma_wait3A_471 = tpu.memref_slice %arg20[%dma_wait3A_469, %dma_wait3A_470] : memref<80x128xf32, #tpu.memory_space<vmem>> -> memref<64x128xf32, #tpu.memory_space<vmem>>
      tpu.wait_dma2 semaphore(%arg32 : memref<!tpu.dma_semaphore, #tpu.memory_space<semaphore_mem>>) src(%dma_wait3A_471 : memref<64x128xf32, #tpu.memory_space<vmem>>) dst(%dma_wait3A_468 : memref<64x128xf32, #tpu.memory_space<hbm>>)
    } else {
    }
    %eq3A_405 = arith.constant 15 : i32
    %eq3A_406 = arith.cmpi eq, %arg1, %eq3A_405 : i32
    %convert_element_type3A_407 = arith.extui %eq3A_406 : i1 to i32
    %cond3A_408 = arith.constant 0 : i32
    %cond3A_409 = arith.cmpi ne, %convert_element_type3A_407, %cond3A_408 : i32
    scf.if %cond3A_409 {
      %add3A_458 = arith.constant 5000 : i32
      %add3A_459 = arith.addi %mul3A_2, %add3A_458 : i32
      %mul3A_460 = arith.constant 64 : i32
      %mul3A_461 = arith.muli %arg1, %mul3A_460 : i32
      %add3A_462 = arith.addi %add3A_459, %mul3A_461 : i32
      %dma_wait3A = arith.constant 0 : i32
      %dma_wait3A_463 = arith.constant 0 : i32
      %dma_wait3A_464 = tpu.memref_slice %arg20[%dma_wait3A, %dma_wait3A_463] : memref<80x128xf32, #tpu.memory_space<vmem>> -> memref<40x128xf32, #tpu.memory_space<vmem>>
      %dma_wait3A_465 = arith.constant 0 : i32
      %dma_wait3A_466 = tpu.memref_slice %arg13[%add3A_462, %dma_wait3A_465] : memref<16016x128xf32, #tpu.memory_space<hbm>> -> memref<40x128xf32, #tpu.memory_space<hbm>>
      %dma_wait3A_467 = arith.constant 0 : i32
      %dma_wait3A_468 = tpu.memref_slice %arg13[%add3A_462, %dma_wait3A_467] : memref<16016x128xf32, #tpu.memory_space<hbm>> -> memref<40x128xf32, #tpu.memory_space<hbm>>
      %dma_wait3A_469 = arith.constant 0 : i32
      %dma_wait3A_470 = arith.constant 0 : i32
      %dma_wait3A_471 = tpu.memref_slice %arg20[%dma_wait3A_469, %dma_wait3A_470] : memref<80x128xf32, #tpu.memory_space<vmem>> -> memref<40x128xf32, #tpu.memory_space<vmem>>
      tpu.wait_dma2 semaphore(%arg32 : memref<!tpu.dma_semaphore, #tpu.memory_space<semaphore_mem>>) src(%dma_wait3A_471 : memref<40x128xf32, #tpu.memory_space<vmem>>) dst(%dma_wait3A_468 : memref<40x128xf32, #tpu.memory_space<hbm>>)
    } else {
    }
    %lt3A_410 = arith.constant 15 : i32
    %lt3A_411 = arith.cmpi slt, %arg1, %lt3A_410 : i32
    %convert_element_type3A_412 = arith.extui %lt3A_411 : i1 to i32
    %cond3A_413 = arith.constant 0 : i32
    %cond3A_414 = arith.cmpi ne, %convert_element_type3A_412, %cond3A_413 : i32
    scf.if %cond3A_414 {
      %add3A_458 = arith.constant 6000 : i32
      %add3A_459 = arith.addi %mul3A_2, %add3A_458 : i32
      %mul3A_460 = arith.constant 64 : i32
      %mul3A_461 = arith.muli %arg1, %mul3A_460 : i32
      %add3A_462 = arith.addi %add3A_459, %mul3A_461 : i32
      %dma_wait3A = arith.constant 0 : i32
      %dma_wait3A_463 = arith.constant 0 : i32
      %dma_wait3A_464 = tpu.memref_slice %arg21[%dma_wait3A, %dma_wait3A_463] : memref<80x128xf32, #tpu.memory_space<vmem>> -> memref<64x128xf32, #tpu.memory_space<vmem>>
      %dma_wait3A_465 = arith.constant 0 : i32
      %dma_wait3A_466 = tpu.memref_slice %arg13[%add3A_462, %dma_wait3A_465] : memref<16016x128xf32, #tpu.memory_space<hbm>> -> memref<64x128xf32, #tpu.memory_space<hbm>>
      %dma_wait3A_467 = arith.constant 0 : i32
      %dma_wait3A_468 = tpu.memref_slice %arg13[%add3A_462, %dma_wait3A_467] : memref<16016x128xf32, #tpu.memory_space<hbm>> -> memref<64x128xf32, #tpu.memory_space<hbm>>
      %dma_wait3A_469 = arith.constant 0 : i32
      %dma_wait3A_470 = arith.constant 0 : i32
      %dma_wait3A_471 = tpu.memref_slice %arg21[%dma_wait3A_469, %dma_wait3A_470] : memref<80x128xf32, #tpu.memory_space<vmem>> -> memref<64x128xf32, #tpu.memory_space<vmem>>
      tpu.wait_dma2 semaphore(%arg33 : memref<!tpu.dma_semaphore, #tpu.memory_space<semaphore_mem>>) src(%dma_wait3A_471 : memref<64x128xf32, #tpu.memory_space<vmem>>) dst(%dma_wait3A_468 : memref<64x128xf32, #tpu.memory_space<hbm>>)
    } else {
    }
    %eq3A_415 = arith.constant 15 : i32
    %eq3A_416 = arith.cmpi eq, %arg1, %eq3A_415 : i32
    %convert_element_type3A_417 = arith.extui %eq3A_416 : i1 to i32
    %cond3A_418 = arith.constant 0 : i32
    %cond3A_419 = arith.cmpi ne, %convert_element_type3A_417, %cond3A_418 : i32
    scf.if %cond3A_419 {
      %add3A_458 = arith.constant 6000 : i32
      %add3A_459 = arith.addi %mul3A_2, %add3A_458 : i32
      %mul3A_460 = arith.constant 64 : i32
      %mul3A_461 = arith.muli %arg1, %mul3A_460 : i32
      %add3A_462 = arith.addi %add3A_459, %mul3A_461 : i32
      %dma_wait3A = arith.constant 0 : i32
      %dma_wait3A_463 = arith.constant 0 : i32
      %dma_wait3A_464 = tpu.memref_slice %arg21[%dma_wait3A, %dma_wait3A_463] : memref<80x128xf32, #tpu.memory_space<vmem>> -> memref<40x128xf32, #tpu.memory_space<vmem>>
      %dma_wait3A_465 = arith.constant 0 : i32
      %dma_wait3A_466 = tpu.memref_slice %arg13[%add3A_462, %dma_wait3A_465] : memref<16016x128xf32, #tpu.memory_space<hbm>> -> memref<40x128xf32, #tpu.memory_space<hbm>>
      %dma_wait3A_467 = arith.constant 0 : i32
      %dma_wait3A_468 = tpu.memref_slice %arg13[%add3A_462, %dma_wait3A_467] : memref<16016x128xf32, #tpu.memory_space<hbm>> -> memref<40x128xf32, #tpu.memory_space<hbm>>
      %dma_wait3A_469 = arith.constant 0 : i32
      %dma_wait3A_470 = arith.constant 0 : i32
      %dma_wait3A_471 = tpu.memref_slice %arg21[%dma_wait3A_469, %dma_wait3A_470] : memref<80x128xf32, #tpu.memory_space<vmem>> -> memref<40x128xf32, #tpu.memory_space<vmem>>
      tpu.wait_dma2 semaphore(%arg33 : memref<!tpu.dma_semaphore, #tpu.memory_space<semaphore_mem>>) src(%dma_wait3A_471 : memref<40x128xf32, #tpu.memory_space<vmem>>) dst(%dma_wait3A_468 : memref<40x128xf32, #tpu.memory_space<hbm>>)
    } else {
    }
    %lt3A_420 = arith.constant 15 : i32
    %lt3A_421 = arith.cmpi slt, %arg1, %lt3A_420 : i32
    %convert_element_type3A_422 = arith.extui %lt3A_421 : i1 to i32
    %cond3A_423 = arith.constant 0 : i32
    %cond3A_424 = arith.cmpi ne, %convert_element_type3A_422, %cond3A_423 : i32
    scf.if %cond3A_424 {
      %add3A_458 = arith.constant 7000 : i32
      %add3A_459 = arith.addi %mul3A_2, %add3A_458 : i32
      %mul3A_460 = arith.constant 64 : i32
      %mul3A_461 = arith.muli %arg1, %mul3A_460 : i32
      %add3A_462 = arith.addi %add3A_459, %mul3A_461 : i32
      %dma_wait3A = arith.constant 0 : i32
      %dma_wait3A_463 = arith.constant 0 : i32
      %dma_wait3A_464 = tpu.memref_slice %arg22[%dma_wait3A, %dma_wait3A_463] : memref<80x128xf32, #tpu.memory_space<vmem>> -> memref<64x128xf32, #tpu.memory_space<vmem>>
      %dma_wait3A_465 = arith.constant 0 : i32
      %dma_wait3A_466 = tpu.memref_slice %arg13[%add3A_462, %dma_wait3A_465] : memref<16016x128xf32, #tpu.memory_space<hbm>> -> memref<64x128xf32, #tpu.memory_space<hbm>>
      %dma_wait3A_467 = arith.constant 0 : i32
      %dma_wait3A_468 = tpu.memref_slice %arg13[%add3A_462, %dma_wait3A_467] : memref<16016x128xf32, #tpu.memory_space<hbm>> -> memref<64x128xf32, #tpu.memory_space<hbm>>
      %dma_wait3A_469 = arith.constant 0 : i32
      %dma_wait3A_470 = arith.constant 0 : i32
      %dma_wait3A_471 = tpu.memref_slice %arg22[%dma_wait3A_469, %dma_wait3A_470] : memref<80x128xf32, #tpu.memory_space<vmem>> -> memref<64x128xf32, #tpu.memory_space<vmem>>
      tpu.wait_dma2 semaphore(%arg34 : memref<!tpu.dma_semaphore, #tpu.memory_space<semaphore_mem>>) src(%dma_wait3A_471 : memref<64x128xf32, #tpu.memory_space<vmem>>) dst(%dma_wait3A_468 : memref<64x128xf32, #tpu.memory_space<hbm>>)
    } else {
    }
    %eq3A_425 = arith.constant 15 : i32
    %eq3A_426 = arith.cmpi eq, %arg1, %eq3A_425 : i32
    %convert_element_type3A_427 = arith.extui %eq3A_426 : i1 to i32
    %cond3A_428 = arith.constant 0 : i32
    %cond3A_429 = arith.cmpi ne, %convert_element_type3A_427, %cond3A_428 : i32
    scf.if %cond3A_429 {
      %add3A_458 = arith.constant 7000 : i32
      %add3A_459 = arith.addi %mul3A_2, %add3A_458 : i32
      %mul3A_460 = arith.constant 64 : i32
      %mul3A_461 = arith.muli %arg1, %mul3A_460 : i32
      %add3A_462 = arith.addi %add3A_459, %mul3A_461 : i32
      %dma_wait3A = arith.constant 0 : i32
      %dma_wait3A_463 = arith.constant 0 : i32
      %dma_wait3A_464 = tpu.memref_slice %arg22[%dma_wait3A, %dma_wait3A_463] : memref<80x128xf32, #tpu.memory_space<vmem>> -> memref<40x128xf32, #tpu.memory_space<vmem>>
      %dma_wait3A_465 = arith.constant 0 : i32
      %dma_wait3A_466 = tpu.memref_slice %arg13[%add3A_462, %dma_wait3A_465] : memref<16016x128xf32, #tpu.memory_space<hbm>> -> memref<40x128xf32, #tpu.memory_space<hbm>>
      %dma_wait3A_467 = arith.constant 0 : i32
      %dma_wait3A_468 = tpu.memref_slice %arg13[%add3A_462, %dma_wait3A_467] : memref<16016x128xf32, #tpu.memory_space<hbm>> -> memref<40x128xf32, #tpu.memory_space<hbm>>
      %dma_wait3A_469 = arith.constant 0 : i32
      %dma_wait3A_470 = arith.constant 0 : i32
      %dma_wait3A_471 = tpu.memref_slice %arg22[%dma_wait3A_469, %dma_wait3A_470] : memref<80x128xf32, #tpu.memory_space<vmem>> -> memref<40x128xf32, #tpu.memory_space<vmem>>
      tpu.wait_dma2 semaphore(%arg34 : memref<!tpu.dma_semaphore, #tpu.memory_space<semaphore_mem>>) src(%dma_wait3A_471 : memref<40x128xf32, #tpu.memory_space<vmem>>) dst(%dma_wait3A_468 : memref<40x128xf32, #tpu.memory_space<hbm>>)
    } else {
    }
    %barrier3A = arith.constant 0 : index
    tpu.barrier barrier_id(%barrier3A)
    %dma_start3A = arith.constant 0 : i32
    %dma_start3A_430 = tpu.memref_slice %arg14[%dma_start3A] : memref<11280xi32, #tpu.memory_space<vmem>> -> memref<80xi32, #tpu.memory_space<vmem>>
    %dma_start3A_431 = arith.constant 0 : i32
    %dma_start3A_432 = arith.constant 0 : i32
    %dma_start3A_433 = tpu.memref_slice %arg13[%dma_start3A_431, %dma_start3A_432] : memref<16016x128xf32, #tpu.memory_space<hbm>> -> memref<16016x128xf32, #tpu.memory_space<hbm>>
    tpu.enqueue_indirect_dma source(%dma_start3A_433 : memref<16016x128xf32, #tpu.memory_space<hbm>>) target(%arg15 : memref<80x128xf32, #tpu.memory_space<vmem>>) offsets(%dma_start3A_430 : memref<80xi32, #tpu.memory_space<vmem>>) semaphore(%arg27 : memref<!tpu.dma_semaphore, #tpu.memory_space<semaphore_mem>>)
    %dma_start3A_434 = arith.constant 88 : i32
    %dma_start3A_435 = tpu.memref_slice %arg14[%dma_start3A_434] : memref<11280xi32, #tpu.memory_space<vmem>> -> memref<80xi32, #tpu.memory_space<vmem>>
    %dma_start3A_436 = arith.constant 0 : i32
    %dma_start3A_437 = arith.constant 0 : i32
    %dma_start3A_438 = tpu.memref_slice %arg13[%dma_start3A_436, %dma_start3A_437] : memref<16016x128xf32, #tpu.memory_space<hbm>> -> memref<16016x128xf32, #tpu.memory_space<hbm>>
    tpu.enqueue_indirect_dma source(%dma_start3A_438 : memref<16016x128xf32, #tpu.memory_space<hbm>>) target(%arg16 : memref<80x128xf32, #tpu.memory_space<vmem>>) offsets(%dma_start3A_435 : memref<80xi32, #tpu.memory_space<vmem>>) semaphore(%arg28 : memref<!tpu.dma_semaphore, #tpu.memory_space<semaphore_mem>>)
    %dma_start3A_439 = arith.constant 176 : i32
    %dma_start3A_440 = tpu.memref_slice %arg14[%dma_start3A_439] : memref<11280xi32, #tpu.memory_space<vmem>> -> memref<80xi32, #tpu.memory_space<vmem>>
    %dma_start3A_441 = arith.constant 0 : i32
    %dma_start3A_442 = arith.constant 0 : i32
    %dma_start3A_443 = tpu.memref_slice %arg13[%dma_start3A_441, %dma_start3A_442] : memref<16016x128xf32, #tpu.memory_space<hbm>> -> memref<16016x128xf32, #tpu.memory_space<hbm>>
    tpu.enqueue_indirect_dma source(%dma_start3A_443 : memref<16016x128xf32, #tpu.memory_space<hbm>>) target(%arg17 : memref<80x128xf32, #tpu.memory_space<vmem>>) offsets(%dma_start3A_440 : memref<80xi32, #tpu.memory_space<vmem>>) semaphore(%arg29 : memref<!tpu.dma_semaphore, #tpu.memory_space<semaphore_mem>>)
    %scan3A_444 = arith.constant 0 : i32
    %scan3A_445 = arith.constant 0 : i32
    %scan3A_446 = arith.constant 32 : i32
    %scan3A_447 = arith.addi %scan3A_445, %scan3A_446 : i32
    %scan3A_448 = arith.constant 1 : i32
    scf.for %scan3A_458 = %scan3A_445 to %scan3A_447 step %scan3A_448  : i32 {
      %mul3A_459 = arith.constant 4 : i32
      %mul3A_460 = arith.muli %scan3A_458, %mul3A_459 : i32
      %add3A_461 = arith.constant 0 : i32
      %add3A_462 = arith.addi %mul3A_460, %add3A_461 : i32
      %add3A_463 = arith.constant 3 : i32
      %add3A_464 = arith.addi %add3A_462, %add3A_463 : i32
      %lt3A_465 = arith.constant 128 : i32
      %lt3A_466 = arith.cmpi slt, %add3A_464, %lt3A_465 : i32
      %convert_element_type3A_467 = arith.extui %lt3A_466 : i1 to i32
      %cond3A_468 = arith.constant 0 : i32
      %cond3A_469 = arith.cmpi ne, %convert_element_type3A_467, %cond3A_468 : i32
      scf.if %cond3A_469 {
        %add3A_1501 = arith.constant 3 : i32
        %add3A_1502 = arith.addi %add3A_462, %add3A_1501 : i32
        %mul3A_1503 = arith.constant 88 : i32
        %mul3A_1504 = arith.muli %add3A_1502, %mul3A_1503 : i32
        %dma_start3A_1505 = tpu.memref_slice %arg14[%mul3A_1504] : memref<11280xi32, #tpu.memory_space<vmem>> -> memref<80xi32, #tpu.memory_space<vmem>>
        %dma_start3A_1506 = arith.constant 0 : i32
        %dma_start3A_1507 = arith.constant 0 : i32
        %dma_start3A_1508 = tpu.memref_slice %arg13[%dma_start3A_1506, %dma_start3A_1507] : memref<16016x128xf32, #tpu.memory_space<hbm>> -> memref<16016x128xf32, #tpu.memory_space<hbm>>
        tpu.enqueue_indirect_dma source(%dma_start3A_1508 : memref<16016x128xf32, #tpu.memory_space<hbm>>) target(%arg18 : memref<80x128xf32, #tpu.memory_space<vmem>>) offsets(%dma_start3A_1505 : memref<80xi32, #tpu.memory_space<vmem>>) semaphore(%arg30 : memref<!tpu.dma_semaphore, #tpu.memory_space<semaphore_mem>>)
      } else {
      }
      %mul3A_470 = arith.constant 88 : i32
      %mul3A_471 = arith.muli %add3A_462, %mul3A_470 : i32
      %dma_wait3A = tpu.memref_slice %arg14[%mul3A_471] : memref<11280xi32, #tpu.memory_space<vmem>> -> memref<80xi32, #tpu.memory_space<vmem>>
      %dma_wait3A_472 = arith.constant 0 : i32
      %dma_wait3A_473 = arith.constant 0 : i32
      %dma_wait3A_474 = tpu.memref_slice %arg13[%dma_wait3A_472, %dma_wait3A_473] : memref<16016x128xf32, #tpu.memory_space<hbm>> -> memref<16016x128xf32, #tpu.memory_space<hbm>>
      tpu.wait_indirect_dma semaphore(%arg27 : memref<!tpu.dma_semaphore, #tpu.memory_space<semaphore_mem>>) src(%dma_wait3A_474 : memref<16016x128xf32, #tpu.memory_space<hbm>>) dst(%arg15 : memref<80x128xf32, #tpu.memory_space<vmem>>)
      %scan3A_475 = arith.constant 0 : i32
      %scan3A_476 = arith.constant 80 : i32
      %scan3A_477 = arith.addi %scan3A_475, %scan3A_476 : i32
      %scan3A_478 = arith.constant 4 : i32
      %scan3A_479:16 = scf.for %scan3A_1501 = %scan3A_475 to %scan3A_477 step %scan3A_478 iter_args(%scan3A_1502 = %broadcast_in_dim3A_5, %scan3A_1503 = %broadcast_in_dim3A_5, %scan3A_1504 = %broadcast_in_dim3A_5, %scan3A_1505 = %broadcast_in_dim3A_5, %scan3A_1506 = %broadcast_in_dim3A_5, %scan3A_1507 = %broadcast_in_dim3A_5, %scan3A_1508 = %broadcast_in_dim3A_5, %scan3A_1509 = %broadcast_in_dim3A_5, %scan3A_1510 = %broadcast_in_dim3A_5, %scan3A_1511 = %broadcast_in_dim3A_5, %scan3A_1512 = %broadcast_in_dim3A_5, %scan3A_1513 = %broadcast_in_dim3A_5, %scan3A_1514 = %broadcast_in_dim3A_5, %scan3A_1515 = %broadcast_in_dim3A_5, %scan3A_1516 = %broadcast_in_dim3A_5, %scan3A_1517 = %broadcast_in_dim3A_5) -> (vector<16xf32>, vector<16xf32>, vector<16xf32>, vector<16xf32>, vector<16xf32>, vector<16xf32>, vector<16xf32>, vector<16xf32>, vector<16xf32>, vector<16xf32>, vector<16xf32>, vector<16xf32>, vector<16xf32>, vector<16xf32>, vector<16xf32>, vector<16xf32>)  : i32 {
        %get3A_1518 = arith.index_cast %scan3A_1501 : i32 to index
        %get3A_1519 = arith.constant 0 : index
        %get3A_1520 = tpu.vector_load %arg15[%get3A_1518, %get3A_1519] {strides = array<i32>} : memref<80x128xf32, #tpu.memory_space<vmem>>, vector<16xf32>,
        %add3A_1521 = arith.addf %scan3A_1502, %get3A_1520 : vector<16xf32>
        %mul3A_1522 = arith.mulf %get3A_1520, %get3A_1520 : vector<16xf32>
        %add3A_1523 = arith.addf %scan3A_1510, %mul3A_1522 : vector<16xf32>
        %get3A_1524 = arith.index_cast %scan3A_1501 : i32 to index
        %get3A_1525 = arith.constant 16 : index
        %get3A_1526 = tpu.vector_load %arg15[%get3A_1524, %get3A_1525] {strides = array<i32>} : memref<80x128xf32, #tpu.memory_space<vmem>>, vector<16xf32>,
        %add3A_1527 = arith.addf %scan3A_1503, %get3A_1526 : vector<16xf32>
        %mul3A_1528 = arith.mulf %get3A_1526, %get3A_1526 : vector<16xf32>
        %add3A_1529 = arith.addf %scan3A_1511, %mul3A_1528 : vector<16xf32>
        %get3A_1530 = arith.index_cast %scan3A_1501 : i32 to index
        %get3A_1531 = arith.constant 32 : index
        %get3A_1532 = tpu.vector_load %arg15[%get3A_1530, %get3A_1531] {strides = array<i32>} : memref<80x128xf32, #tpu.memory_space<vmem>>, vector<16xf32>,
        %add3A_1533 = arith.addf %scan3A_1504, %get3A_1532 : vector<16xf32>
        %mul3A_1534 = arith.mulf %get3A_1532, %get3A_1532 : vector<16xf32>
        %add3A_1535 = arith.addf %scan3A_1512, %mul3A_1534 : vector<16xf32>
        %get3A_1536 = arith.index_cast %scan3A_1501 : i32 to index
        %get3A_1537 = arith.constant 48 : index
        %get3A_1538 = tpu.vector_load %arg15[%get3A_1536, %get3A_1537] {strides = array<i32>} : memref<80x128xf32, #tpu.memory_space<vmem>>, vector<16xf32>,
        %add3A_1539 = arith.addf %scan3A_1505, %get3A_1538 : vector<16xf32>
        %mul3A_1540 = arith.mulf %get3A_1538, %get3A_1538 : vector<16xf32>
        %add3A_1541 = arith.addf %scan3A_1513, %mul3A_1540 : vector<16xf32>
        %get3A_1542 = arith.index_cast %scan3A_1501 : i32 to index
        %get3A_1543 = arith.constant 64 : index
        %get3A_1544 = tpu.vector_load %arg15[%get3A_1542, %get3A_1543] {strides = array<i32>} : memref<80x128xf32, #tpu.memory_space<vmem>>, vector<16xf32>,
        %add3A_1545 = arith.addf %scan3A_1506, %get3A_1544 : vector<16xf32>
        %mul3A_1546 = arith.mulf %get3A_1544, %get3A_1544 : vector<16xf32>
        %add3A_1547 = arith.addf %scan3A_1514, %mul3A_1546 : vector<16xf32>
        %get3A_1548 = arith.index_cast %scan3A_1501 : i32 to index
        %get3A_1549 = arith.constant 80 : index
        %get3A_1550 = tpu.vector_load %arg15[%get3A_1548, %get3A_1549] {strides = array<i32>} : memref<80x128xf32, #tpu.memory_space<vmem>>, vector<16xf32>,
        %add3A_1551 = arith.addf %scan3A_1507, %get3A_1550 : vector<16xf32>
        %mul3A_1552 = arith.mulf %get3A_1550, %get3A_1550 : vector<16xf32>
        %add3A_1553 = arith.addf %scan3A_1515, %mul3A_1552 : vector<16xf32>
        %get3A_1554 = arith.index_cast %scan3A_1501 : i32 to index
        %get3A_1555 = arith.constant 96 : index
        %get3A_1556 = tpu.vector_load %arg15[%get3A_1554, %get3A_1555] {strides = array<i32>} : memref<80x128xf32, #tpu.memory_space<vmem>>, vector<16xf32>,
        %add3A_1557 = arith.addf %scan3A_1508, %get3A_1556 : vector<16xf32>
        %mul3A_1558 = arith.mulf %get3A_1556, %get3A_1556 : vector<16xf32>
        %add3A_1559 = arith.addf %scan3A_1516, %mul3A_1558 : vector<16xf32>
        %get3A_1560 = arith.index_cast %scan3A_1501 : i32 to index
        %get3A_1561 = arith.constant 112 : index
        %get3A_1562 = tpu.vector_load %arg15[%get3A_1560, %get3A_1561] {strides = array<i32>} : memref<80x128xf32, #tpu.memory_space<vmem>>, vector<16xf32>,
        %add3A_1563 = arith.addf %scan3A_1509, %get3A_1562 : vector<16xf32>
        %mul3A_1564 = arith.mulf %get3A_1562, %get3A_1562 : vector<16xf32>
        %add3A_1565 = arith.addf %scan3A_1517, %mul3A_1564 : vector<16xf32>
        %scan3A_1566 = arith.constant 1 : i32
        %scan3A_1567 = arith.addi %scan3A_1501, %scan3A_1566 : i32
        %get3A_1568 = arith.index_cast %scan3A_1567 : i32 to index
        %get3A_1569 = arith.constant 0 : index
        %get3A_1570 = tpu.vector_load %arg15[%get3A_1568, %get3A_1569] {strides = array<i32>} : memref<80x128xf32, #tpu.memory_space<vmem>>, vector<16xf32>,
        %add3A_1571 = arith.addf %add3A_1521, %get3A_1570 : vector<16xf32>
        %mul3A_1572 = arith.mulf %get3A_1570, %get3A_1570 : vector<16xf32>
        %add3A_1573 = arith.addf %add3A_1523, %mul3A_1572 : vector<16xf32>
        %get3A_1574 = arith.index_cast %scan3A_1567 : i32 to index
        %get3A_1575 = arith.constant 16 : index
        %get3A_1576 = tpu.vector_load %arg15[%get3A_1574, %get3A_1575] {strides = array<i32>} : memref<80x128xf32, #tpu.memory_space<vmem>>, vector<16xf32>,
        %add3A_1577 = arith.addf %add3A_1527, %get3A_1576 : vector<16xf32>
        %mul3A_1578 = arith.mulf %get3A_1576, %get3A_1576 : vector<16xf32>
        %add3A_1579 = arith.addf %add3A_1529, %mul3A_1578 : vector<16xf32>
        %get3A_1580 = arith.index_cast %scan3A_1567 : i32 to index
        %get3A_1581 = arith.constant 32 : index
        %get3A_1582 = tpu.vector_load %arg15[%get3A_1580, %get3A_1581] {strides = array<i32>} : memref<80x128xf32, #tpu.memory_space<vmem>>, vector<16xf32>,
        %add3A_1583 = arith.addf %add3A_1533, %get3A_1582 : vector<16xf32>
        %mul3A_1584 = arith.mulf %get3A_1582, %get3A_1582 : vector<16xf32>
        %add3A_1585 = arith.addf %add3A_1535, %mul3A_1584 : vector<16xf32>
        %get3A_1586 = arith.index_cast %scan3A_1567 : i32 to index
        %get3A_1587 = arith.constant 48 : index
        %get3A_1588 = tpu.vector_load %arg15[%get3A_1586, %get3A_1587] {strides = array<i32>} : memref<80x128xf32, #tpu.memory_space<vmem>>, vector<16xf32>,
        %add3A_1589 = arith.addf %add3A_1539, %get3A_1588 : vector<16xf32>
        %mul3A_1590 = arith.mulf %get3A_1588, %get3A_1588 : vector<16xf32>
        %add3A_1591 = arith.addf %add3A_1541, %mul3A_1590 : vector<16xf32>
        %get3A_1592 = arith.index_cast %scan3A_1567 : i32 to index
        %get3A_1593 = arith.constant 64 : index
        %get3A_1594 = tpu.vector_load %arg15[%get3A_1592, %get3A_1593] {strides = array<i32>} : memref<80x128xf32, #tpu.memory_space<vmem>>, vector<16xf32>,
        %add3A_1595 = arith.addf %add3A_1545, %get3A_1594 : vector<16xf32>
        %mul3A_1596 = arith.mulf %get3A_1594, %get3A_1594 : vector<16xf32>
        %add3A_1597 = arith.addf %add3A_1547, %mul3A_1596 : vector<16xf32>
        %get3A_1598 = arith.index_cast %scan3A_1567 : i32 to index
        %get3A_1599 = arith.constant 80 : index
        %get3A_1600 = tpu.vector_load %arg15[%get3A_1598, %get3A_1599] {strides = array<i32>} : memref<80x128xf32, #tpu.memory_space<vmem>>, vector<16xf32>,
        %add3A_1601 = arith.addf %add3A_1551, %get3A_1600 : vector<16xf32>
        %mul3A_1602 = arith.mulf %get3A_1600, %get3A_1600 : vector<16xf32>
        %add3A_1603 = arith.addf %add3A_1553, %mul3A_1602 : vector<16xf32>
        %get3A_1604 = arith.index_cast %scan3A_1567 : i32 to index
        %get3A_1605 = arith.constant 96 : index
        %get3A_1606 = tpu.vector_load %arg15[%get3A_1604, %get3A_1605] {strides = array<i32>} : memref<80x128xf32, #tpu.memory_space<vmem>>, vector<16xf32>,
        %add3A_1607 = arith.addf %add3A_1557, %get3A_1606 : vector<16xf32>
        %mul3A_1608 = arith.mulf %get3A_1606, %get3A_1606 : vector<16xf32>
        %add3A_1609 = arith.addf %add3A_1559, %mul3A_1608 : vector<16xf32>
        %get3A_1610 = arith.index_cast %scan3A_1567 : i32 to index
        %get3A_1611 = arith.constant 112 : index
        %get3A_1612 = tpu.vector_load %arg15[%get3A_1610, %get3A_1611] {strides = array<i32>} : memref<80x128xf32, #tpu.memory_space<vmem>>, vector<16xf32>,
        %add3A_1613 = arith.addf %add3A_1563, %get3A_1612 : vector<16xf32>
        %mul3A_1614 = arith.mulf %get3A_1612, %get3A_1612 : vector<16xf32>
        %add3A_1615 = arith.addf %add3A_1565, %mul3A_1614 : vector<16xf32>
        %scan3A_1616 = arith.constant 2 : i32
        %scan3A_1617 = arith.addi %scan3A_1501, %scan3A_1616 : i32
        %get3A_1618 = arith.index_cast %scan3A_1617 : i32 to index
        %get3A_1619 = arith.constant 0 : index
        %get3A_1620 = tpu.vector_load %arg15[%get3A_1618, %get3A_1619] {strides = array<i32>} : memref<80x128xf32, #tpu.memory_space<vmem>>, vector<16xf32>,
        %add3A_1621 = arith.addf %add3A_1571, %get3A_1620 : vector<16xf32>
        %mul3A_1622 = arith.mulf %get3A_1620, %get3A_1620 : vector<16xf32>
        %add3A_1623 = arith.addf %add3A_1573, %mul3A_1622 : vector<16xf32>
        %get3A_1624 = arith.index_cast %scan3A_1617 : i32 to index
        %get3A_1625 = arith.constant 16 : index
        %get3A_1626 = tpu.vector_load %arg15[%get3A_1624, %get3A_1625] {strides = array<i32>} : memref<80x128xf32, #tpu.memory_space<vmem>>, vector<16xf32>,
        %add3A_1627 = arith.addf %add3A_1577, %get3A_1626 : vector<16xf32>
        %mul3A_1628 = arith.mulf %get3A_1626, %get3A_1626 : vector<16xf32>
        %add3A_1629 = arith.addf %add3A_1579, %mul3A_1628 : vector<16xf32>
        %get3A_1630 = arith.index_cast %scan3A_1617 : i32 to index
        %get3A_1631 = arith.constant 32 : index
        %get3A_1632 = tpu.vector_load %arg15[%get3A_1630, %get3A_1631] {strides = array<i32>} : memref<80x128xf32, #tpu.memory_space<vmem>>, vector<16xf32>,
        %add3A_1633 = arith.addf %add3A_1583, %get3A_1632 : vector<16xf32>
        %mul3A_1634 = arith.mulf %get3A_1632, %get3A_1632 : vector<16xf32>
        %add3A_1635 = arith.addf %add3A_1585, %mul3A_1634 : vector<16xf32>
        %get3A_1636 = arith.index_cast %scan3A_1617 : i32 to index
        %get3A_1637 = arith.constant 48 : index
        %get3A_1638 = tpu.vector_load %arg15[%get3A_1636, %get3A_1637] {strides = array<i32>} : memref<80x128xf32, #tpu.memory_space<vmem>>, vector<16xf32>,
        %add3A_1639 = arith.addf %add3A_1589, %get3A_1638 : vector<16xf32>
        %mul3A_1640 = arith.mulf %get3A_1638, %get3A_1638 : vector<16xf32>
        %add3A_1641 = arith.addf %add3A_1591, %mul3A_1640 : vector<16xf32>
        %get3A_1642 = arith.index_cast %scan3A_1617 : i32 to index
        %get3A_1643 = arith.constant 64 : index
        %get3A_1644 = tpu.vector_load %arg15[%get3A_1642, %get3A_1643] {strides = array<i32>} : memref<80x128xf32, #tpu.memory_space<vmem>>, vector<16xf32>,
        %add3A_1645 = arith.addf %add3A_1595, %get3A_1644 : vector<16xf32>
        %mul3A_1646 = arith.mulf %get3A_1644, %get3A_1644 : vector<16xf32>
        %add3A_1647 = arith.addf %add3A_1597, %mul3A_1646 : vector<16xf32>
        %get3A_1648 = arith.index_cast %scan3A_1617 : i32 to index
        %get3A_1649 = arith.constant 80 : index
        %get3A_1650 = tpu.vector_load %arg15[%get3A_1648, %get3A_1649] {strides = array<i32>} : memref<80x128xf32, #tpu.memory_space<vmem>>, vector<16xf32>,
        %add3A_1651 = arith.addf %add3A_1601, %get3A_1650 : vector<16xf32>
        %mul3A_1652 = arith.mulf %get3A_1650, %get3A_1650 : vector<16xf32>
        %add3A_1653 = arith.addf %add3A_1603, %mul3A_1652 : vector<16xf32>
        %get3A_1654 = arith.index_cast %scan3A_1617 : i32 to index
        %get3A_1655 = arith.constant 96 : index
        %get3A_1656 = tpu.vector_load %arg15[%get3A_1654, %get3A_1655] {strides = array<i32>} : memref<80x128xf32, #tpu.memory_space<vmem>>, vector<16xf32>,
        %add3A_1657 = arith.addf %add3A_1607, %get3A_1656 : vector<16xf32>
        %mul3A_1658 = arith.mulf %get3A_1656, %get3A_1656 : vector<16xf32>
        %add3A_1659 = arith.addf %add3A_1609, %mul3A_1658 : vector<16xf32>
        %get3A_1660 = arith.index_cast %scan3A_1617 : i32 to index
        %get3A_1661 = arith.constant 112 : index
        %get3A_1662 = tpu.vector_load %arg15[%get3A_1660, %get3A_1661] {strides = array<i32>} : memref<80x128xf32, #tpu.memory_space<vmem>>, vector<16xf32>,
        %add3A_1663 = arith.addf %add3A_1613, %get3A_1662 : vector<16xf32>
        %mul3A_1664 = arith.mulf %get3A_1662, %get3A_1662 : vector<16xf32>
        %add3A_1665 = arith.addf %add3A_1615, %mul3A_1664 : vector<16xf32>
        %scan3A_1666 = arith.constant 3 : i32
        %scan3A_1667 = arith.addi %scan3A_1501, %scan3A_1666 : i32
        %get3A_1668 = arith.index_cast %scan3A_1667 : i32 to index
        %get3A_1669 = arith.constant 0 : index
        %get3A_1670 = tpu.vector_load %arg15[%get3A_1668, %get3A_1669] {strides = array<i32>} : memref<80x128xf32, #tpu.memory_space<vmem>>, vector<16xf32>,
        %add3A_1671 = arith.addf %add3A_1621, %get3A_1670 : vector<16xf32>
        %mul3A_1672 = arith.mulf %get3A_1670, %get3A_1670 : vector<16xf32>
        %add3A_1673 = arith.addf %add3A_1623, %mul3A_1672 : vector<16xf32>
        %get3A_1674 = arith.index_cast %scan3A_1667 : i32 to index
        %get3A_1675 = arith.constant 16 : index
        %get3A_1676 = tpu.vector_load %arg15[%get3A_1674, %get3A_1675] {strides = array<i32>} : memref<80x128xf32, #tpu.memory_space<vmem>>, vector<16xf32>,
        %add3A_1677 = arith.addf %add3A_1627, %get3A_1676 : vector<16xf32>
        %mul3A_1678 = arith.mulf %get3A_1676, %get3A_1676 : vector<16xf32>
        %add3A_1679 = arith.addf %add3A_1629, %mul3A_1678 : vector<16xf32>
        %get3A_1680 = arith.index_cast %scan3A_1667 : i32 to index
        %get3A_1681 = arith.constant 32 : index
        %get3A_1682 = tpu.vector_load %arg15[%get3A_1680, %get3A_1681] {strides = array<i32>} : memref<80x128xf32, #tpu.memory_space<vmem>>, vector<16xf32>,
        %add3A_1683 = arith.addf %add3A_1633, %get3A_1682 : vector<16xf32>
        %mul3A_1684 = arith.mulf %get3A_1682, %get3A_1682 : vector<16xf32>
        %add3A_1685 = arith.addf %add3A_1635, %mul3A_1684 : vector<16xf32>
        %get3A_1686 = arith.index_cast %scan3A_1667 : i32 to index
        %get3A_1687 = arith.constant 48 : index
        %get3A_1688 = tpu.vector_load %arg15[%get3A_1686, %get3A_1687] {strides = array<i32>} : memref<80x128xf32, #tpu.memory_space<vmem>>, vector<16xf32>,
        %add3A_1689 = arith.addf %add3A_1639, %get3A_1688 : vector<16xf32>
        %mul3A_1690 = arith.mulf %get3A_1688, %get3A_1688 : vector<16xf32>
        %add3A_1691 = arith.addf %add3A_1641, %mul3A_1690 : vector<16xf32>
        %get3A_1692 = arith.index_cast %scan3A_1667 : i32 to index
        %get3A_1693 = arith.constant 64 : index
        %get3A_1694 = tpu.vector_load %arg15[%get3A_1692, %get3A_1693] {strides = array<i32>} : memref<80x128xf32, #tpu.memory_space<vmem>>, vector<16xf32>,
        %add3A_1695 = arith.addf %add3A_1645, %get3A_1694 : vector<16xf32>
        %mul3A_1696 = arith.mulf %get3A_1694, %get3A_1694 : vector<16xf32>
        %add3A_1697 = arith.addf %add3A_1647, %mul3A_1696 : vector<16xf32>
        %get3A_1698 = arith.index_cast %scan3A_1667 : i32 to index
        %get3A_1699 = arith.constant 80 : index
        %get3A_1700 = tpu.vector_load %arg15[%get3A_1698, %get3A_1699] {strides = array<i32>} : memref<80x128xf32, #tpu.memory_space<vmem>>, vector<16xf32>,
        %add3A_1701 = arith.addf %add3A_1651, %get3A_1700 : vector<16xf32>
        %mul3A_1702 = arith.mulf %get3A_1700, %get3A_1700 : vector<16xf32>
        %add3A_1703 = arith.addf %add3A_1653, %mul3A_1702 : vector<16xf32>
        %get3A_1704 = arith.index_cast %scan3A_1667 : i32 to index
        %get3A_1705 = arith.constant 96 : index
        %get3A_1706 = tpu.vector_load %arg15[%get3A_1704, %get3A_1705] {strides = array<i32>} : memref<80x128xf32, #tpu.memory_space<vmem>>, vector<16xf32>,
        %add3A_1707 = arith.addf %add3A_1657, %get3A_1706 : vector<16xf32>
        %mul3A_1708 = arith.mulf %get3A_1706, %get3A_1706 : vector<16xf32>
        %add3A_1709 = arith.addf %add3A_1659, %mul3A_1708 : vector<16xf32>
        %get3A_1710 = arith.index_cast %scan3A_1667 : i32 to index
        %get3A_1711 = arith.constant 112 : index
        %get3A_1712 = tpu.vector_load %arg15[%get3A_1710, %get3A_1711] {strides = array<i32>} : memref<80x128xf32, #tpu.memory_space<vmem>>, vector<16xf32>,
        %add3A_1713 = arith.addf %add3A_1663, %get3A_1712 : vector<16xf32>
        %mul3A_1714 = arith.mulf %get3A_1712, %get3A_1712 : vector<16xf32>
        %add3A_1715 = arith.addf %add3A_1665, %mul3A_1714 : vector<16xf32>
        scf.yield %add3A_1671, %add3A_1677, %add3A_1683, %add3A_1689, %add3A_1695, %add3A_1701, %add3A_1707, %add3A_1713, %add3A_1673, %add3A_1679, %add3A_1685, %add3A_1691, %add3A_1697, %add3A_1703, %add3A_1709, %add3A_1715 : vector<16xf32>, vector<16xf32>, vector<16xf32>, vector<16xf32>, vector<16xf32>, vector<16xf32>, vector<16xf32>, vector<16xf32>, vector<16xf32>, vector<16xf32>, vector<16xf32>, vector<16xf32>, vector<16xf32>, vector<16xf32>, vector<16xf32>, vector<16xf32>
      }
      %scan3A_480 = arith.constant 80 : i32
      %mul3A_481 = arith.constant 88 : i32
      %mul3A_482 = arith.muli %add3A_462, %mul3A_481 : i32
      %add3A_483 = arith.constant 80 : i32
      %add3A_484 = arith.addi %mul3A_482, %add3A_483 : i32
      %get3A = arith.index_cast %add3A_484 : i32 to index
      %get3A_485 = tpu.vector_load %arg14[%get3A] {strides = array<i32>} : memref<11280xi32, #tpu.memory_space<vmem>>, vector<16xi32>,
      %bitcast3A = vector.bitcast %get3A_485 : vector<16xi32> to vector<16xf32>
      %slice3A = vector.extract_strided_slice %bitcast3A {offsets = [0], sizes = [1], strides = [1]} : vector<16xf32> to vector<1xf32>
      %squeeze3A = vector.extract %slice3A[0] : f32 from vector<1xf32>
      %broadcast_in_dim3A_486 = vector.broadcast %squeeze3A : f32 to vector<16xf32>
      %get3A_487 = arith.constant 0 : index
      %get3A_488 = tpu.vector_load %arg23[%get3A_487] {strides = array<i32>} : memref<512xf32, #tpu.memory_space<vmem>>, vector<16xf32>,
      %mul3A_489 = arith.mulf %broadcast_in_dim3A_486, %get3A_488 : vector<16xf32>
      %add3A_490 = arith.addf %scan3A_479#0, %mul3A_489 : vector<16xf32>
      %mul3A_491 = arith.mulf %mul3A_489, %mul3A_489 : vector<16xf32>
      %add3A_492 = arith.addf %scan3A_479#8, %mul3A_491 : vector<16xf32>
      %get3A_493 = arith.constant 16 : index
      %get3A_494 = tpu.vector_load %arg23[%get3A_493] {strides = array<i32>} : memref<512xf32, #tpu.memory_space<vmem>>, vector<16xf32>,
      %mul3A_495 = arith.mulf %broadcast_in_dim3A_486, %get3A_494 : vector<16xf32>
      %add3A_496 = arith.addf %scan3A_479#1, %mul3A_495 : vector<16xf32>
      %mul3A_497 = arith.mulf %mul3A_495, %mul3A_495 : vector<16xf32>
      %add3A_498 = arith.addf %scan3A_479#9, %mul3A_497 : vector<16xf32>
      %get3A_499 = arith.constant 32 : index
      %get3A_500 = tpu.vector_load %arg23[%get3A_499] {strides = array<i32>} : memref<512xf32, #tpu.memory_space<vmem>>, vector<16xf32>,
      %mul3A_501 = arith.mulf %broadcast_in_dim3A_486, %get3A_500 : vector<16xf32>
      %add3A_502 = arith.addf %scan3A_479#2, %mul3A_501 : vector<16xf32>
      %mul3A_503 = arith.mulf %mul3A_501, %mul3A_501 : vector<16xf32>
      %add3A_504 = arith.addf %scan3A_479#10, %mul3A_503 : vector<16xf32>
      %get3A_505 = arith.constant 48 : index
      %get3A_506 = tpu.vector_load %arg23[%get3A_505] {strides = array<i32>} : memref<512xf32, #tpu.memory_space<vmem>>, vector<16xf32>,
      %mul3A_507 = arith.mulf %broadcast_in_dim3A_486, %get3A_506 : vector<16xf32>
      %add3A_508 = arith.addf %scan3A_479#3, %mul3A_507 : vector<16xf32>
      %mul3A_509 = arith.mulf %mul3A_507, %mul3A_507 : vector<16xf32>
      %add3A_510 = arith.addf %scan3A_479#11, %mul3A_509 : vector<16xf32>
      %get3A_511 = arith.constant 64 : index
      %get3A_512 = tpu.vector_load %arg23[%get3A_511] {strides = array<i32>} : memref<512xf32, #tpu.memory_space<vmem>>, vector<16xf32>,
      %mul3A_513 = arith.mulf %broadcast_in_dim3A_486, %get3A_512 : vector<16xf32>
      %add3A_514 = arith.addf %scan3A_479#4, %mul3A_513 : vector<16xf32>
      %mul3A_515 = arith.mulf %mul3A_513, %mul3A_513 : vector<16xf32>
      %add3A_516 = arith.addf %scan3A_479#12, %mul3A_515 : vector<16xf32>
      %get3A_517 = arith.constant 80 : index
      %get3A_518 = tpu.vector_load %arg23[%get3A_517] {strides = array<i32>} : memref<512xf32, #tpu.memory_space<vmem>>, vector<16xf32>,
      %mul3A_519 = arith.mulf %broadcast_in_dim3A_486, %get3A_518 : vector<16xf32>
      %add3A_520 = arith.addf %scan3A_479#5, %mul3A_519 : vector<16xf32>
      %mul3A_521 = arith.mulf %mul3A_519, %mul3A_519 : vector<16xf32>
      %add3A_522 = arith.addf %scan3A_479#13, %mul3A_521 : vector<16xf32>
      %get3A_523 = arith.constant 96 : index
      %get3A_524 = tpu.vector_load %arg23[%get3A_523] {strides = array<i32>} : memref<512xf32, #tpu.memory_space<vmem>>, vector<16xf32>,
      %mul3A_525 = arith.mulf %broadcast_in_dim3A_486, %get3A_524 : vector<16xf32>
      %add3A_526 = arith.addf %scan3A_479#6, %mul3A_525 : vector<16xf32>
      %mul3A_527 = arith.mulf %mul3A_525, %mul3A_525 : vector<16xf32>
      %add3A_528 = arith.addf %scan3A_479#14, %mul3A_527 : vector<16xf32>
      %get3A_529 = arith.constant 112 : index
      %get3A_530 = tpu.vector_load %arg23[%get3A_529] {strides = array<i32>} : memref<512xf32, #tpu.memory_space<vmem>>, vector<16xf32>,
      %mul3A_531 = arith.mulf %broadcast_in_dim3A_486, %get3A_530 : vector<16xf32>
      %add3A_532 = arith.addf %scan3A_479#7, %mul3A_531 : vector<16xf32>
      %mul3A_533 = arith.mulf %mul3A_531, %mul3A_531 : vector<16xf32>
      %add3A_534 = arith.addf %scan3A_479#15, %mul3A_533 : vector<16xf32>
      %slice3A_535 = vector.extract_strided_slice %bitcast3A {offsets = [1], sizes = [1], strides = [1]} : vector<16xf32> to vector<1xf32>
      %squeeze3A_536 = vector.extract %slice3A_535[0] : f32 from vector<1xf32>
      %broadcast_in_dim3A_537 = vector.broadcast %squeeze3A_536 : f32 to vector<16xf32>
      %get3A_538 = arith.constant 128 : index
      %get3A_539 = tpu.vector_load %arg23[%get3A_538] {strides = array<i32>} : memref<512xf32, #tpu.memory_space<vmem>>, vector<16xf32>,
      %mul3A_540 = arith.mulf %broadcast_in_dim3A_537, %get3A_539 : vector<16xf32>
      %add3A_541 = arith.addf %add3A_490, %mul3A_540 : vector<16xf32>
      %mul3A_542 = arith.mulf %mul3A_540, %mul3A_540 : vector<16xf32>
      %add3A_543 = arith.addf %add3A_492, %mul3A_542 : vector<16xf32>
      %get3A_544 = arith.constant 144 : index
      %get3A_545 = tpu.vector_load %arg23[%get3A_544] {strides = array<i32>} : memref<512xf32, #tpu.memory_space<vmem>>, vector<16xf32>,
      %mul3A_546 = arith.mulf %broadcast_in_dim3A_537, %get3A_545 : vector<16xf32>
      %add3A_547 = arith.addf %add3A_496, %mul3A_546 : vector<16xf32>
      %mul3A_548 = arith.mulf %mul3A_546, %mul3A_546 : vector<16xf32>
      %add3A_549 = arith.addf %add3A_498, %mul3A_548 : vector<16xf32>
      %get3A_550 = arith.constant 160 : index
      %get3A_551 = tpu.vector_load %arg23[%get3A_550] {strides = array<i32>} : memref<512xf32, #tpu.memory_space<vmem>>, vector<16xf32>,
      %mul3A_552 = arith.mulf %broadcast_in_dim3A_537, %get3A_551 : vector<16xf32>
      %add3A_553 = arith.addf %add3A_502, %mul3A_552 : vector<16xf32>
      %mul3A_554 = arith.mulf %mul3A_552, %mul3A_552 : vector<16xf32>
      %add3A_555 = arith.addf %add3A_504, %mul3A_554 : vector<16xf32>
      %get3A_556 = arith.constant 176 : index
      %get3A_557 = tpu.vector_load %arg23[%get3A_556] {strides = array<i32>} : memref<512xf32, #tpu.memory_space<vmem>>, vector<16xf32>,
      %mul3A_558 = arith.mulf %broadcast_in_dim3A_537, %get3A_557 : vector<16xf32>
      %add3A_559 = arith.addf %add3A_508, %mul3A_558 : vector<16xf32>
      %mul3A_560 = arith.mulf %mul3A_558, %mul3A_558 : vector<16xf32>
      %add3A_561 = arith.addf %add3A_510, %mul3A_560 : vector<16xf32>
      %get3A_562 = arith.constant 192 : index
      %get3A_563 = tpu.vector_load %arg23[%get3A_562] {strides = array<i32>} : memref<512xf32, #tpu.memory_space<vmem>>, vector<16xf32>,
      %mul3A_564 = arith.mulf %broadcast_in_dim3A_537, %get3A_563 : vector<16xf32>
      %add3A_565 = arith.addf %add3A_514, %mul3A_564 : vector<16xf32>
      %mul3A_566 = arith.mulf %mul3A_564, %mul3A_564 : vector<16xf32>
      %add3A_567 = arith.addf %add3A_516, %mul3A_566 : vector<16xf32>
      %get3A_568 = arith.constant 208 : index
      %get3A_569 = tpu.vector_load %arg23[%get3A_568] {strides = array<i32>} : memref<512xf32, #tpu.memory_space<vmem>>, vector<16xf32>,
      %mul3A_570 = arith.mulf %broadcast_in_dim3A_537, %get3A_569 : vector<16xf32>
      %add3A_571 = arith.addf %add3A_520, %mul3A_570 : vector<16xf32>
      %mul3A_572 = arith.mulf %mul3A_570, %mul3A_570 : vector<16xf32>
      %add3A_573 = arith.addf %add3A_522, %mul3A_572 : vector<16xf32>
      %get3A_574 = arith.constant 224 : index
      %get3A_575 = tpu.vector_load %arg23[%get3A_574] {strides = array<i32>} : memref<512xf32, #tpu.memory_space<vmem>>, vector<16xf32>,
      %mul3A_576 = arith.mulf %broadcast_in_dim3A_537, %get3A_575 : vector<16xf32>
      %add3A_577 = arith.addf %add3A_526, %mul3A_576 : vector<16xf32>
      %mul3A_578 = arith.mulf %mul3A_576, %mul3A_576 : vector<16xf32>
      %add3A_579 = arith.addf %add3A_528, %mul3A_578 : vector<16xf32>
      %get3A_580 = arith.constant 240 : index
      %get3A_581 = tpu.vector_load %arg23[%get3A_580] {strides = array<i32>} : memref<512xf32, #tpu.memory_space<vmem>>, vector<16xf32>,
      %mul3A_582 = arith.mulf %broadcast_in_dim3A_537, %get3A_581 : vector<16xf32>
      %add3A_583 = arith.addf %add3A_532, %mul3A_582 : vector<16xf32>
      %mul3A_584 = arith.mulf %mul3A_582, %mul3A_582 : vector<16xf32>
      %add3A_585 = arith.addf %add3A_534, %mul3A_584 : vector<16xf32>
      %slice3A_586 = vector.extract_strided_slice %bitcast3A {offsets = [2], sizes = [1], strides = [1]} : vector<16xf32> to vector<1xf32>
      %squeeze3A_587 = vector.extract %slice3A_586[0] : f32 from vector<1xf32>
      %broadcast_in_dim3A_588 = vector.broadcast %squeeze3A_587 : f32 to vector<16xf32>
      %get3A_589 = arith.constant 256 : index
      %get3A_590 = tpu.vector_load %arg23[%get3A_589] {strides = array<i32>} : memref<512xf32, #tpu.memory_space<vmem>>, vector<16xf32>,
      %mul3A_591 = arith.mulf %broadcast_in_dim3A_588, %get3A_590 : vector<16xf32>
      %add3A_592 = arith.addf %add3A_541, %mul3A_591 : vector<16xf32>
      %mul3A_593 = arith.mulf %mul3A_591, %mul3A_591 : vector<16xf32>
      %add3A_594 = arith.addf %add3A_543, %mul3A_593 : vector<16xf32>
      %get3A_595 = arith.constant 272 : index
      %get3A_596 = tpu.vector_load %arg23[%get3A_595] {strides = array<i32>} : memref<512xf32, #tpu.memory_space<vmem>>, vector<16xf32>,
      %mul3A_597 = arith.mulf %broadcast_in_dim3A_588, %get3A_596 : vector<16xf32>
      %add3A_598 = arith.addf %add3A_547, %mul3A_597 : vector<16xf32>
      %mul3A_599 = arith.mulf %mul3A_597, %mul3A_597 : vector<16xf32>
      %add3A_600 = arith.addf %add3A_549, %mul3A_599 : vector<16xf32>
      %get3A_601 = arith.constant 288 : index
      %get3A_602 = tpu.vector_load %arg23[%get3A_601] {strides = array<i32>} : memref<512xf32, #tpu.memory_space<vmem>>, vector<16xf32>,
      %mul3A_603 = arith.mulf %broadcast_in_dim3A_588, %get3A_602 : vector<16xf32>
      %add3A_604 = arith.addf %add3A_553, %mul3A_603 : vector<16xf32>
      %mul3A_605 = arith.mulf %mul3A_603, %mul3A_603 : vector<16xf32>
      %add3A_606 = arith.addf %add3A_555, %mul3A_605 : vector<16xf32>
      %get3A_607 = arith.constant 304 : index
      %get3A_608 = tpu.vector_load %arg23[%get3A_607] {strides = array<i32>} : memref<512xf32, #tpu.memory_space<vmem>>, vector<16xf32>,
      %mul3A_609 = arith.mulf %broadcast_in_dim3A_588, %get3A_608 : vector<16xf32>
      %add3A_610 = arith.addf %add3A_559, %mul3A_609 : vector<16xf32>
      %mul3A_611 = arith.mulf %mul3A_609, %mul3A_609 : vector<16xf32>
      %add3A_612 = arith.addf %add3A_561, %mul3A_611 : vector<16xf32>
      %get3A_613 = arith.constant 320 : index
      %get3A_614 = tpu.vector_load %arg23[%get3A_613] {strides = array<i32>} : memref<512xf32, #tpu.memory_space<vmem>>, vector<16xf32>,
      %mul3A_615 = arith.mulf %broadcast_in_dim3A_588, %get3A_614 : vector<16xf32>
      %add3A_616 = arith.addf %add3A_565, %mul3A_615 : vector<16xf32>
      %mul3A_617 = arith.mulf %mul3A_615, %mul3A_615 : vector<16xf32>
      %add3A_618 = arith.addf %add3A_567, %mul3A_617 : vector<16xf32>
      %get3A_619 = arith.constant 336 : index
      %get3A_620 = tpu.vector_load %arg23[%get3A_619] {strides = array<i32>} : memref<512xf32, #tpu.memory_space<vmem>>, vector<16xf32>,
      %mul3A_621 = arith.mulf %broadcast_in_dim3A_588, %get3A_620 : vector<16xf32>
      %add3A_622 = arith.addf %add3A_571, %mul3A_621 : vector<16xf32>
      %mul3A_623 = arith.mulf %mul3A_621, %mul3A_621 : vector<16xf32>
      %add3A_624 = arith.addf %add3A_573, %mul3A_623 : vector<16xf32>
      %get3A_625 = arith.constant 352 : index
      %get3A_626 = tpu.vector_load %arg23[%get3A_625] {strides = array<i32>} : memref<512xf32, #tpu.memory_space<vmem>>, vector<16xf32>,
      %mul3A_627 = arith.mulf %broadcast_in_dim3A_588, %get3A_626 : vector<16xf32>
      %add3A_628 = arith.addf %add3A_577, %mul3A_627 : vector<16xf32>
      %mul3A_629 = arith.mulf %mul3A_627, %mul3A_627 : vector<16xf32>
      %add3A_630 = arith.addf %add3A_579, %mul3A_629 : vector<16xf32>
      %get3A_631 = arith.constant 368 : index
      %get3A_632 = tpu.vector_load %arg23[%get3A_631] {strides = array<i32>} : memref<512xf32, #tpu.memory_space<vmem>>, vector<16xf32>,
      %mul3A_633 = arith.mulf %broadcast_in_dim3A_588, %get3A_632 : vector<16xf32>
      %add3A_634 = arith.addf %add3A_583, %mul3A_633 : vector<16xf32>
      %mul3A_635 = arith.mulf %mul3A_633, %mul3A_633 : vector<16xf32>
      %add3A_636 = arith.addf %add3A_585, %mul3A_635 : vector<16xf32>
      %slice3A_637 = vector.extract_strided_slice %bitcast3A {offsets = [3], sizes = [1], strides = [1]} : vector<16xf32> to vector<1xf32>
      %squeeze3A_638 = vector.extract %slice3A_637[0] : f32 from vector<1xf32>
      %broadcast_in_dim3A_639 = vector.broadcast %squeeze3A_638 : f32 to vector<16xf32>
      %get3A_640 = arith.constant 384 : index
      %get3A_641 = tpu.vector_load %arg23[%get3A_640] {strides = array<i32>} : memref<512xf32, #tpu.memory_space<vmem>>, vector<16xf32>,
      %mul3A_642 = arith.mulf %broadcast_in_dim3A_639, %get3A_641 : vector<16xf32>
      %add3A_643 = arith.addf %add3A_592, %mul3A_642 : vector<16xf32>
      %mul3A_644 = arith.mulf %mul3A_642, %mul3A_642 : vector<16xf32>
      %add3A_645 = arith.addf %add3A_594, %mul3A_644 : vector<16xf32>
      %get3A_646 = arith.constant 400 : index
      %get3A_647 = tpu.vector_load %arg23[%get3A_646] {strides = array<i32>} : memref<512xf32, #tpu.memory_space<vmem>>, vector<16xf32>,
      %mul3A_648 = arith.mulf %broadcast_in_dim3A_639, %get3A_647 : vector<16xf32>
      %add3A_649 = arith.addf %add3A_598, %mul3A_648 : vector<16xf32>
      %mul3A_650 = arith.mulf %mul3A_648, %mul3A_648 : vector<16xf32>
      %add3A_651 = arith.addf %add3A_600, %mul3A_650 : vector<16xf32>
      %get3A_652 = arith.constant 416 : index
      %get3A_653 = tpu.vector_load %arg23[%get3A_652] {strides = array<i32>} : memref<512xf32, #tpu.memory_space<vmem>>, vector<16xf32>,
      %mul3A_654 = arith.mulf %broadcast_in_dim3A_639, %get3A_653 : vector<16xf32>
      %add3A_655 = arith.addf %add3A_604, %mul3A_654 : vector<16xf32>
      %mul3A_656 = arith.mulf %mul3A_654, %mul3A_654 : vector<16xf32>
      %add3A_657 = arith.addf %add3A_606, %mul3A_656 : vector<16xf32>
      %get3A_658 = arith.constant 432 : index
      %get3A_659 = tpu.vector_load %arg23[%get3A_658] {strides = array<i32>} : memref<512xf32, #tpu.memory_space<vmem>>, vector<16xf32>,
      %mul3A_660 = arith.mulf %broadcast_in_dim3A_639, %get3A_659 : vector<16xf32>
      %add3A_661 = arith.addf %add3A_610, %mul3A_660 : vector<16xf32>
      %mul3A_662 = arith.mulf %mul3A_660, %mul3A_660 : vector<16xf32>
      %add3A_663 = arith.addf %add3A_612, %mul3A_662 : vector<16xf32>
      %get3A_664 = arith.constant 448 : index
      %get3A_665 = tpu.vector_load %arg23[%get3A_664] {strides = array<i32>} : memref<512xf32, #tpu.memory_space<vmem>>, vector<16xf32>,
      %mul3A_666 = arith.mulf %broadcast_in_dim3A_639, %get3A_665 : vector<16xf32>
      %add3A_667 = arith.addf %add3A_616, %mul3A_666 : vector<16xf32>
      %mul3A_668 = arith.mulf %mul3A_666, %mul3A_666 : vector<16xf32>
      %add3A_669 = arith.addf %add3A_618, %mul3A_668 : vector<16xf32>
      %get3A_670 = arith.constant 464 : index
      %get3A_671 = tpu.vector_load %arg23[%get3A_670] {strides = array<i32>} : memref<512xf32, #tpu.memory_space<vmem>>, vector<16xf32>,
      %mul3A_672 = arith.mulf %broadcast_in_dim3A_639, %get3A_671 : vector<16xf32>
      %add3A_673 = arith.addf %add3A_622, %mul3A_672 : vector<16xf32>
      %mul3A_674 = arith.mulf %mul3A_672, %mul3A_672 : vector<16xf32>
      %add3A_675 = arith.addf %add3A_624, %mul3A_674 : vector<16xf32>
      %get3A_676 = arith.constant 480 : index
      %get3A_677 = tpu.vector_load %arg23[%get3A_676] {strides = array<i32>} : memref<512xf32, #tpu.memory_space<vmem>>, vector<16xf32>,
      %mul3A_678 = arith.mulf %broadcast_in_dim3A_639, %get3A_677 : vector<16xf32>
      %add3A_679 = arith.addf %add3A_628, %mul3A_678 : vector<16xf32>
      %mul3A_680 = arith.mulf %mul3A_678, %mul3A_678 : vector<16xf32>
      %add3A_681 = arith.addf %add3A_630, %mul3A_680 : vector<16xf32>
      %get3A_682 = arith.constant 496 : index
      %get3A_683 = tpu.vector_load %arg23[%get3A_682] {strides = array<i32>} : memref<512xf32, #tpu.memory_space<vmem>>, vector<16xf32>,
      %mul3A_684 = arith.mulf %broadcast_in_dim3A_639, %get3A_683 : vector<16xf32>
      %add3A_685 = arith.addf %add3A_634, %mul3A_684 : vector<16xf32>
      %mul3A_686 = arith.mulf %mul3A_684, %mul3A_684 : vector<16xf32>
      %add3A_687 = arith.addf %add3A_636, %mul3A_686 : vector<16xf32>
      %mul3A_688 = arith.mulf %add3A_643, %add3A_643 : vector<16xf32>
      %sub3A_689 = arith.subf %mul3A_688, %add3A_645 : vector<16xf32>
      %add3A_690 = arith.addf %broadcast_in_dim3A_5, %sub3A_689 : vector<16xf32>
      %mul3A_691 = arith.mulf %add3A_649, %add3A_649 : vector<16xf32>
      %sub3A_692 = arith.subf %mul3A_691, %add3A_651 : vector<16xf32>
      %add3A_693 = arith.addf %add3A_690, %sub3A_692 : vector<16xf32>
      %mul3A_694 = arith.mulf %add3A_655, %add3A_655 : vector<16xf32>
      %sub3A_695 = arith.subf %mul3A_694, %add3A_657 : vector<16xf32>
      %add3A_696 = arith.addf %add3A_693, %sub3A_695 : vector<16xf32>
      %mul3A_697 = arith.mulf %add3A_661, %add3A_661 : vector<16xf32>
      %sub3A_698 = arith.subf %mul3A_697, %add3A_663 : vector<16xf32>
      %add3A_699 = arith.addf %add3A_696, %sub3A_698 : vector<16xf32>
      %mul3A_700 = arith.mulf %add3A_667, %add3A_667 : vector<16xf32>
      %sub3A_701 = arith.subf %mul3A_700, %add3A_669 : vector<16xf32>
      %add3A_702 = arith.addf %add3A_699, %sub3A_701 : vector<16xf32>
      %mul3A_703 = arith.mulf %add3A_673, %add3A_673 : vector<16xf32>
      %sub3A_704 = arith.subf %mul3A_703, %add3A_675 : vector<16xf32>
      %add3A_705 = arith.addf %add3A_702, %sub3A_704 : vector<16xf32>
      %mul3A_706 = arith.mulf %add3A_679, %add3A_679 : vector<16xf32>
      %sub3A_707 = arith.subf %mul3A_706, %add3A_681 : vector<16xf32>
      %add3A_708 = arith.addf %add3A_705, %sub3A_707 : vector<16xf32>
      %mul3A_709 = arith.mulf %add3A_685, %add3A_685 : vector<16xf32>
      %sub3A_710 = arith.subf %mul3A_709, %add3A_687 : vector<16xf32>
      %add3A_711 = arith.addf %add3A_708, %sub3A_710 : vector<16xf32>
      %mul3A_712 = arith.constant 16 : i32
      %mul3A_713 = arith.muli %add3A_462, %mul3A_712 : i32
      %swap3A = arith.index_cast %mul3A_713 : i32 to index
      %swap3A_714 = tpu.vector_load %arg24[%swap3A] {strides = array<i32>} : memref<2048xf32, #tpu.memory_space<vmem>>, vector<16xf32>,
      tpu.vector_store %arg24[%swap3A], %add3A_711 {strides = array<i32>} : memref<2048xf32, #tpu.memory_space<vmem>>, vector<16xf32>,
      %mul3A_715 = arith.constant 4 : i32
      %mul3A_716 = arith.muli %scan3A_458, %mul3A_715 : i32
      %add3A_717 = arith.constant 1 : i32
      %add3A_718 = arith.addi %mul3A_716, %add3A_717 : i32
      %add3A_719 = arith.constant 3 : i32
      %add3A_720 = arith.addi %add3A_718, %add3A_719 : i32
      %lt3A_721 = arith.constant 128 : i32
      %lt3A_722 = arith.cmpi slt, %add3A_720, %lt3A_721 : i32
      %convert_element_type3A_723 = arith.extui %lt3A_722 : i1 to i32
      %cond3A_724 = arith.constant 0 : i32
      %cond3A_725 = arith.cmpi ne, %convert_element_type3A_723, %cond3A_724 : i32
      scf.if %cond3A_725 {
        %add3A_1501 = arith.constant 3 : i32
        %add3A_1502 = arith.addi %add3A_718, %add3A_1501 : i32
        %mul3A_1503 = arith.constant 88 : i32
        %mul3A_1504 = arith.muli %add3A_1502, %mul3A_1503 : i32
        %dma_start3A_1505 = tpu.memref_slice %arg14[%mul3A_1504] : memref<11280xi32, #tpu.memory_space<vmem>> -> memref<80xi32, #tpu.memory_space<vmem>>
        %dma_start3A_1506 = arith.constant 0 : i32
        %dma_start3A_1507 = arith.constant 0 : i32
        %dma_start3A_1508 = tpu.memref_slice %arg13[%dma_start3A_1506, %dma_start3A_1507] : memref<16016x128xf32, #tpu.memory_space<hbm>> -> memref<16016x128xf32, #tpu.memory_space<hbm>>
        tpu.enqueue_indirect_dma source(%dma_start3A_1508 : memref<16016x128xf32, #tpu.memory_space<hbm>>) target(%arg15 : memref<80x128xf32, #tpu.memory_space<vmem>>) offsets(%dma_start3A_1505 : memref<80xi32, #tpu.memory_space<vmem>>) semaphore(%arg27 : memref<!tpu.dma_semaphore, #tpu.memory_space<semaphore_mem>>)
      } else {
      }
      %mul3A_726 = arith.constant 88 : i32
      %mul3A_727 = arith.muli %add3A_718, %mul3A_726 : i32
      %dma_wait3A_728 = tpu.memref_slice %arg14[%mul3A_727] : memref<11280xi32, #tpu.memory_space<vmem>> -> memref<80xi32, #tpu.memory_space<vmem>>
      %dma_wait3A_729 = arith.constant 0 : i32
      %dma_wait3A_730 = arith.constant 0 : i32
      %dma_wait3A_731 = tpu.memref_slice %arg13[%dma_wait3A_729, %dma_wait3A_730] : memref<16016x128xf32, #tpu.memory_space<hbm>> -> memref<16016x128xf32, #tpu.memory_space<hbm>>
      tpu.wait_indirect_dma semaphore(%arg28 : memref<!tpu.dma_semaphore, #tpu.memory_space<semaphore_mem>>) src(%dma_wait3A_731 : memref<16016x128xf32, #tpu.memory_space<hbm>>) dst(%arg16 : memref<80x128xf32, #tpu.memory_space<vmem>>)
      %scan3A_732 = arith.constant 0 : i32
      %scan3A_733 = arith.constant 80 : i32
      %scan3A_734 = arith.addi %scan3A_732, %scan3A_733 : i32
      %scan3A_735 = arith.constant 4 : i32
      %scan3A_736:16 = scf.for %scan3A_1501 = %scan3A_732 to %scan3A_734 step %scan3A_735 iter_args(%scan3A_1502 = %broadcast_in_dim3A_5, %scan3A_1503 = %broadcast_in_dim3A_5, %scan3A_1504 = %broadcast_in_dim3A_5, %scan3A_1505 = %broadcast_in_dim3A_5, %scan3A_1506 = %broadcast_in_dim3A_5, %scan3A_1507 = %broadcast_in_dim3A_5, %scan3A_1508 = %broadcast_in_dim3A_5, %scan3A_1509 = %broadcast_in_dim3A_5, %scan3A_1510 = %broadcast_in_dim3A_5, %scan3A_1511 = %broadcast_in_dim3A_5, %scan3A_1512 = %broadcast_in_dim3A_5, %scan3A_1513 = %broadcast_in_dim3A_5, %scan3A_1514 = %broadcast_in_dim3A_5, %scan3A_1515 = %broadcast_in_dim3A_5, %scan3A_1516 = %broadcast_in_dim3A_5, %scan3A_1517 = %broadcast_in_dim3A_5) -> (vector<16xf32>, vector<16xf32>, vector<16xf32>, vector<16xf32>, vector<16xf32>, vector<16xf32>, vector<16xf32>, vector<16xf32>, vector<16xf32>, vector<16xf32>, vector<16xf32>, vector<16xf32>, vector<16xf32>, vector<16xf32>, vector<16xf32>, vector<16xf32>)  : i32 {
        %get3A_1518 = arith.index_cast %scan3A_1501 : i32 to index
        %get3A_1519 = arith.constant 0 : index
        %get3A_1520 = tpu.vector_load %arg16[%get3A_1518, %get3A_1519] {strides = array<i32>} : memref<80x128xf32, #tpu.memory_space<vmem>>, vector<16xf32>,
        %add3A_1521 = arith.addf %scan3A_1502, %get3A_1520 : vector<16xf32>
        %mul3A_1522 = arith.mulf %get3A_1520, %get3A_1520 : vector<16xf32>
        %add3A_1523 = arith.addf %scan3A_1510, %mul3A_1522 : vector<16xf32>
        %get3A_1524 = arith.index_cast %scan3A_1501 : i32 to index
        %get3A_1525 = arith.constant 16 : index
        %get3A_1526 = tpu.vector_load %arg16[%get3A_1524, %get3A_1525] {strides = array<i32>} : memref<80x128xf32, #tpu.memory_space<vmem>>, vector<16xf32>,
        %add3A_1527 = arith.addf %scan3A_1503, %get3A_1526 : vector<16xf32>
        %mul3A_1528 = arith.mulf %get3A_1526, %get3A_1526 : vector<16xf32>
        %add3A_1529 = arith.addf %scan3A_1511, %mul3A_1528 : vector<16xf32>
        %get3A_1530 = arith.index_cast %scan3A_1501 : i32 to index
        %get3A_1531 = arith.constant 32 : index
        %get3A_1532 = tpu.vector_load %arg16[%get3A_1530, %get3A_1531] {strides = array<i32>} : memref<80x128xf32, #tpu.memory_space<vmem>>, vector<16xf32>,
        %add3A_1533 = arith.addf %scan3A_1504, %get3A_1532 : vector<16xf32>
        %mul3A_1534 = arith.mulf %get3A_1532, %get3A_1532 : vector<16xf32>
        %add3A_1535 = arith.addf %scan3A_1512, %mul3A_1534 : vector<16xf32>
        %get3A_1536 = arith.index_cast %scan3A_1501 : i32 to index
        %get3A_1537 = arith.constant 48 : index
        %get3A_1538 = tpu.vector_load %arg16[%get3A_1536, %get3A_1537] {strides = array<i32>} : memref<80x128xf32, #tpu.memory_space<vmem>>, vector<16xf32>,
        %add3A_1539 = arith.addf %scan3A_1505, %get3A_1538 : vector<16xf32>
        %mul3A_1540 = arith.mulf %get3A_1538, %get3A_1538 : vector<16xf32>
        %add3A_1541 = arith.addf %scan3A_1513, %mul3A_1540 : vector<16xf32>
        %get3A_1542 = arith.index_cast %scan3A_1501 : i32 to index
        %get3A_1543 = arith.constant 64 : index
        %get3A_1544 = tpu.vector_load %arg16[%get3A_1542, %get3A_1543] {strides = array<i32>} : memref<80x128xf32, #tpu.memory_space<vmem>>, vector<16xf32>,
        %add3A_1545 = arith.addf %scan3A_1506, %get3A_1544 : vector<16xf32>
        %mul3A_1546 = arith.mulf %get3A_1544, %get3A_1544 : vector<16xf32>
        %add3A_1547 = arith.addf %scan3A_1514, %mul3A_1546 : vector<16xf32>
        %get3A_1548 = arith.index_cast %scan3A_1501 : i32 to index
        %get3A_1549 = arith.constant 80 : index
        %get3A_1550 = tpu.vector_load %arg16[%get3A_1548, %get3A_1549] {strides = array<i32>} : memref<80x128xf32, #tpu.memory_space<vmem>>, vector<16xf32>,
        %add3A_1551 = arith.addf %scan3A_1507, %get3A_1550 : vector<16xf32>
        %mul3A_1552 = arith.mulf %get3A_1550, %get3A_1550 : vector<16xf32>
        %add3A_1553 = arith.addf %scan3A_1515, %mul3A_1552 : vector<16xf32>
        %get3A_1554 = arith.index_cast %scan3A_1501 : i32 to index
        %get3A_1555 = arith.constant 96 : index
        %get3A_1556 = tpu.vector_load %arg16[%get3A_1554, %get3A_1555] {strides = array<i32>} : memref<80x128xf32, #tpu.memory_space<vmem>>, vector<16xf32>,
        %add3A_1557 = arith.addf %scan3A_1508, %get3A_1556 : vector<16xf32>
        %mul3A_1558 = arith.mulf %get3A_1556, %get3A_1556 : vector<16xf32>
        %add3A_1559 = arith.addf %scan3A_1516, %mul3A_1558 : vector<16xf32>
        %get3A_1560 = arith.index_cast %scan3A_1501 : i32 to index
        %get3A_1561 = arith.constant 112 : index
        %get3A_1562 = tpu.vector_load %arg16[%get3A_1560, %get3A_1561] {strides = array<i32>} : memref<80x128xf32, #tpu.memory_space<vmem>>, vector<16xf32>,
        %add3A_1563 = arith.addf %scan3A_1509, %get3A_1562 : vector<16xf32>
        %mul3A_1564 = arith.mulf %get3A_1562, %get3A_1562 : vector<16xf32>
        %add3A_1565 = arith.addf %scan3A_1517, %mul3A_1564 : vector<16xf32>
        %scan3A_1566 = arith.constant 1 : i32
        %scan3A_1567 = arith.addi %scan3A_1501, %scan3A_1566 : i32
        %get3A_1568 = arith.index_cast %scan3A_1567 : i32 to index
        %get3A_1569 = arith.constant 0 : index
        %get3A_1570 = tpu.vector_load %arg16[%get3A_1568, %get3A_1569] {strides = array<i32>} : memref<80x128xf32, #tpu.memory_space<vmem>>, vector<16xf32>,
        %add3A_1571 = arith.addf %add3A_1521, %get3A_1570 : vector<16xf32>
        %mul3A_1572 = arith.mulf %get3A_1570, %get3A_1570 : vector<16xf32>
        %add3A_1573 = arith.addf %add3A_1523, %mul3A_1572 : vector<16xf32>
        %get3A_1574 = arith.index_cast %scan3A_1567 : i32 to index
        %get3A_1575 = arith.constant 16 : index
        %get3A_1576 = tpu.vector_load %arg16[%get3A_1574, %get3A_1575] {strides = array<i32>} : memref<80x128xf32, #tpu.memory_space<vmem>>, vector<16xf32>,
        %add3A_1577 = arith.addf %add3A_1527, %get3A_1576 : vector<16xf32>
        %mul3A_1578 = arith.mulf %get3A_1576, %get3A_1576 : vector<16xf32>
        %add3A_1579 = arith.addf %add3A_1529, %mul3A_1578 : vector<16xf32>
        %get3A_1580 = arith.index_cast %scan3A_1567 : i32 to index
        %get3A_1581 = arith.constant 32 : index
        %get3A_1582 = tpu.vector_load %arg16[%get3A_1580, %get3A_1581] {strides = array<i32>} : memref<80x128xf32, #tpu.memory_space<vmem>>, vector<16xf32>,
        %add3A_1583 = arith.addf %add3A_1533, %get3A_1582 : vector<16xf32>
        %mul3A_1584 = arith.mulf %get3A_1582, %get3A_1582 : vector<16xf32>
        %add3A_1585 = arith.addf %add3A_1535, %mul3A_1584 : vector<16xf32>
        %get3A_1586 = arith.index_cast %scan3A_1567 : i32 to index
        %get3A_1587 = arith.constant 48 : index
        %get3A_1588 = tpu.vector_load %arg16[%get3A_1586, %get3A_1587] {strides = array<i32>} : memref<80x128xf32, #tpu.memory_space<vmem>>, vector<16xf32>,
        %add3A_1589 = arith.addf %add3A_1539, %get3A_1588 : vector<16xf32>
        %mul3A_1590 = arith.mulf %get3A_1588, %get3A_1588 : vector<16xf32>
        %add3A_1591 = arith.addf %add3A_1541, %mul3A_1590 : vector<16xf32>
        %get3A_1592 = arith.index_cast %scan3A_1567 : i32 to index
        %get3A_1593 = arith.constant 64 : index
        %get3A_1594 = tpu.vector_load %arg16[%get3A_1592, %get3A_1593] {strides = array<i32>} : memref<80x128xf32, #tpu.memory_space<vmem>>, vector<16xf32>,
        %add3A_1595 = arith.addf %add3A_1545, %get3A_1594 : vector<16xf32>
        %mul3A_1596 = arith.mulf %get3A_1594, %get3A_1594 : vector<16xf32>
        %add3A_1597 = arith.addf %add3A_1547, %mul3A_1596 : vector<16xf32>
        %get3A_1598 = arith.index_cast %scan3A_1567 : i32 to index
        %get3A_1599 = arith.constant 80 : index
        %get3A_1600 = tpu.vector_load %arg16[%get3A_1598, %get3A_1599] {strides = array<i32>} : memref<80x128xf32, #tpu.memory_space<vmem>>, vector<16xf32>,
        %add3A_1601 = arith.addf %add3A_1551, %get3A_1600 : vector<16xf32>
        %mul3A_1602 = arith.mulf %get3A_1600, %get3A_1600 : vector<16xf32>
        %add3A_1603 = arith.addf %add3A_1553, %mul3A_1602 : vector<16xf32>
        %get3A_1604 = arith.index_cast %scan3A_1567 : i32 to index
        %get3A_1605 = arith.constant 96 : index
        %get3A_1606 = tpu.vector_load %arg16[%get3A_1604, %get3A_1605] {strides = array<i32>} : memref<80x128xf32, #tpu.memory_space<vmem>>, vector<16xf32>,
        %add3A_1607 = arith.addf %add3A_1557, %get3A_1606 : vector<16xf32>
        %mul3A_1608 = arith.mulf %get3A_1606, %get3A_1606 : vector<16xf32>
        %add3A_1609 = arith.addf %add3A_1559, %mul3A_1608 : vector<16xf32>
        %get3A_1610 = arith.index_cast %scan3A_1567 : i32 to index
        %get3A_1611 = arith.constant 112 : index
        %get3A_1612 = tpu.vector_load %arg16[%get3A_1610, %get3A_1611] {strides = array<i32>} : memref<80x128xf32, #tpu.memory_space<vmem>>, vector<16xf32>,
        %add3A_1613 = arith.addf %add3A_1563, %get3A_1612 : vector<16xf32>
        %mul3A_1614 = arith.mulf %get3A_1612, %get3A_1612 : vector<16xf32>
        %add3A_1615 = arith.addf %add3A_1565, %mul3A_1614 : vector<16xf32>
        %scan3A_1616 = arith.constant 2 : i32
        %scan3A_1617 = arith.addi %scan3A_1501, %scan3A_1616 : i32
        %get3A_1618 = arith.index_cast %scan3A_1617 : i32 to index
        %get3A_1619 = arith.constant 0 : index
        %get3A_1620 = tpu.vector_load %arg16[%get3A_1618, %get3A_1619] {strides = array<i32>} : memref<80x128xf32, #tpu.memory_space<vmem>>, vector<16xf32>,
        %add3A_1621 = arith.addf %add3A_1571, %get3A_1620 : vector<16xf32>
        %mul3A_1622 = arith.mulf %get3A_1620, %get3A_1620 : vector<16xf32>
        %add3A_1623 = arith.addf %add3A_1573, %mul3A_1622 : vector<16xf32>
        %get3A_1624 = arith.index_cast %scan3A_1617 : i32 to index
        %get3A_1625 = arith.constant 16 : index
        %get3A_1626 = tpu.vector_load %arg16[%get3A_1624, %get3A_1625] {strides = array<i32>} : memref<80x128xf32, #tpu.memory_space<vmem>>, vector<16xf32>,
        %add3A_1627 = arith.addf %add3A_1577, %get3A_1626 : vector<16xf32>
        %mul3A_1628 = arith.mulf %get3A_1626, %get3A_1626 : vector<16xf32>
        %add3A_1629 = arith.addf %add3A_1579, %mul3A_1628 : vector<16xf32>
        %get3A_1630 = arith.index_cast %scan3A_1617 : i32 to index
        %get3A_1631 = arith.constant 32 : index
        %get3A_1632 = tpu.vector_load %arg16[%get3A_1630, %get3A_1631] {strides = array<i32>} : memref<80x128xf32, #tpu.memory_space<vmem>>, vector<16xf32>,
        %add3A_1633 = arith.addf %add3A_1583, %get3A_1632 : vector<16xf32>
        %mul3A_1634 = arith.mulf %get3A_1632, %get3A_1632 : vector<16xf32>
        %add3A_1635 = arith.addf %add3A_1585, %mul3A_1634 : vector<16xf32>
        %get3A_1636 = arith.index_cast %scan3A_1617 : i32 to index
        %get3A_1637 = arith.constant 48 : index
        %get3A_1638 = tpu.vector_load %arg16[%get3A_1636, %get3A_1637] {strides = array<i32>} : memref<80x128xf32, #tpu.memory_space<vmem>>, vector<16xf32>,
        %add3A_1639 = arith.addf %add3A_1589, %get3A_1638 : vector<16xf32>
        %mul3A_1640 = arith.mulf %get3A_1638, %get3A_1638 : vector<16xf32>
        %add3A_1641 = arith.addf %add3A_1591, %mul3A_1640 : vector<16xf32>
        %get3A_1642 = arith.index_cast %scan3A_1617 : i32 to index
        %get3A_1643 = arith.constant 64 : index
        %get3A_1644 = tpu.vector_load %arg16[%get3A_1642, %get3A_1643] {strides = array<i32>} : memref<80x128xf32, #tpu.memory_space<vmem>>, vector<16xf32>,
        %add3A_1645 = arith.addf %add3A_1595, %get3A_1644 : vector<16xf32>
        %mul3A_1646 = arith.mulf %get3A_1644, %get3A_1644 : vector<16xf32>
        %add3A_1647 = arith.addf %add3A_1597, %mul3A_1646 : vector<16xf32>
        %get3A_1648 = arith.index_cast %scan3A_1617 : i32 to index
        %get3A_1649 = arith.constant 80 : index
        %get3A_1650 = tpu.vector_load %arg16[%get3A_1648, %get3A_1649] {strides = array<i32>} : memref<80x128xf32, #tpu.memory_space<vmem>>, vector<16xf32>,
        %add3A_1651 = arith.addf %add3A_1601, %get3A_1650 : vector<16xf32>
        %mul3A_1652 = arith.mulf %get3A_1650, %get3A_1650 : vector<16xf32>
        %add3A_1653 = arith.addf %add3A_1603, %mul3A_1652 : vector<16xf32>
        %get3A_1654 = arith.index_cast %scan3A_1617 : i32 to index
        %get3A_1655 = arith.constant 96 : index
        %get3A_1656 = tpu.vector_load %arg16[%get3A_1654, %get3A_1655] {strides = array<i32>} : memref<80x128xf32, #tpu.memory_space<vmem>>, vector<16xf32>,
        %add3A_1657 = arith.addf %add3A_1607, %get3A_1656 : vector<16xf32>
        %mul3A_1658 = arith.mulf %get3A_1656, %get3A_1656 : vector<16xf32>
        %add3A_1659 = arith.addf %add3A_1609, %mul3A_1658 : vector<16xf32>
        %get3A_1660 = arith.index_cast %scan3A_1617 : i32 to index
        %get3A_1661 = arith.constant 112 : index
        %get3A_1662 = tpu.vector_load %arg16[%get3A_1660, %get3A_1661] {strides = array<i32>} : memref<80x128xf32, #tpu.memory_space<vmem>>, vector<16xf32>,
        %add3A_1663 = arith.addf %add3A_1613, %get3A_1662 : vector<16xf32>
        %mul3A_1664 = arith.mulf %get3A_1662, %get3A_1662 : vector<16xf32>
        %add3A_1665 = arith.addf %add3A_1615, %mul3A_1664 : vector<16xf32>
        %scan3A_1666 = arith.constant 3 : i32
        %scan3A_1667 = arith.addi %scan3A_1501, %scan3A_1666 : i32
        %get3A_1668 = arith.index_cast %scan3A_1667 : i32 to index
        %get3A_1669 = arith.constant 0 : index
        %get3A_1670 = tpu.vector_load %arg16[%get3A_1668, %get3A_1669] {strides = array<i32>} : memref<80x128xf32, #tpu.memory_space<vmem>>, vector<16xf32>,
        %add3A_1671 = arith.addf %add3A_1621, %get3A_1670 : vector<16xf32>
        %mul3A_1672 = arith.mulf %get3A_1670, %get3A_1670 : vector<16xf32>
        %add3A_1673 = arith.addf %add3A_1623, %mul3A_1672 : vector<16xf32>
        %get3A_1674 = arith.index_cast %scan3A_1667 : i32 to index
        %get3A_1675 = arith.constant 16 : index
        %get3A_1676 = tpu.vector_load %arg16[%get3A_1674, %get3A_1675] {strides = array<i32>} : memref<80x128xf32, #tpu.memory_space<vmem>>, vector<16xf32>,
        %add3A_1677 = arith.addf %add3A_1627, %get3A_1676 : vector<16xf32>
        %mul3A_1678 = arith.mulf %get3A_1676, %get3A_1676 : vector<16xf32>
        %add3A_1679 = arith.addf %add3A_1629, %mul3A_1678 : vector<16xf32>
        %get3A_1680 = arith.index_cast %scan3A_1667 : i32 to index
        %get3A_1681 = arith.constant 32 : index
        %get3A_1682 = tpu.vector_load %arg16[%get3A_1680, %get3A_1681] {strides = array<i32>} : memref<80x128xf32, #tpu.memory_space<vmem>>, vector<16xf32>,
        %add3A_1683 = arith.addf %add3A_1633, %get3A_1682 : vector<16xf32>
        %mul3A_1684 = arith.mulf %get3A_1682, %get3A_1682 : vector<16xf32>
        %add3A_1685 = arith.addf %add3A_1635, %mul3A_1684 : vector<16xf32>
        %get3A_1686 = arith.index_cast %scan3A_1667 : i32 to index
        %get3A_1687 = arith.constant 48 : index
        %get3A_1688 = tpu.vector_load %arg16[%get3A_1686, %get3A_1687] {strides = array<i32>} : memref<80x128xf32, #tpu.memory_space<vmem>>, vector<16xf32>,
        %add3A_1689 = arith.addf %add3A_1639, %get3A_1688 : vector<16xf32>
        %mul3A_1690 = arith.mulf %get3A_1688, %get3A_1688 : vector<16xf32>
        %add3A_1691 = arith.addf %add3A_1641, %mul3A_1690 : vector<16xf32>
        %get3A_1692 = arith.index_cast %scan3A_1667 : i32 to index
        %get3A_1693 = arith.constant 64 : index
        %get3A_1694 = tpu.vector_load %arg16[%get3A_1692, %get3A_1693] {strides = array<i32>} : memref<80x128xf32, #tpu.memory_space<vmem>>, vector<16xf32>,
        %add3A_1695 = arith.addf %add3A_1645, %get3A_1694 : vector<16xf32>
        %mul3A_1696 = arith.mulf %get3A_1694, %get3A_1694 : vector<16xf32>
        %add3A_1697 = arith.addf %add3A_1647, %mul3A_1696 : vector<16xf32>
        %get3A_1698 = arith.index_cast %scan3A_1667 : i32 to index
        %get3A_1699 = arith.constant 80 : index
        %get3A_1700 = tpu.vector_load %arg16[%get3A_1698, %get3A_1699] {strides = array<i32>} : memref<80x128xf32, #tpu.memory_space<vmem>>, vector<16xf32>,
        %add3A_1701 = arith.addf %add3A_1651, %get3A_1700 : vector<16xf32>
        %mul3A_1702 = arith.mulf %get3A_1700, %get3A_1700 : vector<16xf32>
        %add3A_1703 = arith.addf %add3A_1653, %mul3A_1702 : vector<16xf32>
        %get3A_1704 = arith.index_cast %scan3A_1667 : i32 to index
        %get3A_1705 = arith.constant 96 : index
        %get3A_1706 = tpu.vector_load %arg16[%get3A_1704, %get3A_1705] {strides = array<i32>} : memref<80x128xf32, #tpu.memory_space<vmem>>, vector<16xf32>,
        %add3A_1707 = arith.addf %add3A_1657, %get3A_1706 : vector<16xf32>
        %mul3A_1708 = arith.mulf %get3A_1706, %get3A_1706 : vector<16xf32>
        %add3A_1709 = arith.addf %add3A_1659, %mul3A_1708 : vector<16xf32>
        %get3A_1710 = arith.index_cast %scan3A_1667 : i32 to index
        %get3A_1711 = arith.constant 112 : index
        %get3A_1712 = tpu.vector_load %arg16[%get3A_1710, %get3A_1711] {strides = array<i32>} : memref<80x128xf32, #tpu.memory_space<vmem>>, vector<16xf32>,
        %add3A_1713 = arith.addf %add3A_1663, %get3A_1712 : vector<16xf32>
        %mul3A_1714 = arith.mulf %get3A_1712, %get3A_1712 : vector<16xf32>
        %add3A_1715 = arith.addf %add3A_1665, %mul3A_1714 : vector<16xf32>
        scf.yield %add3A_1671, %add3A_1677, %add3A_1683, %add3A_1689, %add3A_1695, %add3A_1701, %add3A_1707, %add3A_1713, %add3A_1673, %add3A_1679, %add3A_1685, %add3A_1691, %add3A_1697, %add3A_1703, %add3A_1709, %add3A_1715 : vector<16xf32>, vector<16xf32>, vector<16xf32>, vector<16xf32>, vector<16xf32>, vector<16xf32>, vector<16xf32>, vector<16xf32>, vector<16xf32>, vector<16xf32>, vector<16xf32>, vector<16xf32>, vector<16xf32>, vector<16xf32>, vector<16xf32>, vector<16xf32>
      }
      %scan3A_737 = arith.constant 80 : i32
      %mul3A_738 = arith.constant 88 : i32
      %mul3A_739 = arith.muli %add3A_718, %mul3A_738 : i32
      %add3A_740 = arith.constant 80 : i32
      %add3A_741 = arith.addi %mul3A_739, %add3A_740 : i32
      %get3A_742 = arith.index_cast %add3A_741 : i32 to index
      %get3A_743 = tpu.vector_load %arg14[%get3A_742] {strides = array<i32>} : memref<11280xi32, #tpu.memory_space<vmem>>, vector<16xi32>,
      %bitcast3A_744 = vector.bitcast %get3A_743 : vector<16xi32> to vector<16xf32>
      %slice3A_745 = vector.extract_strided_slice %bitcast3A_744 {offsets = [0], sizes = [1], strides = [1]} : vector<16xf32> to vector<1xf32>
      %squeeze3A_746 = vector.extract %slice3A_745[0] : f32 from vector<1xf32>
      %broadcast_in_dim3A_747 = vector.broadcast %squeeze3A_746 : f32 to vector<16xf32>
      %get3A_748 = arith.constant 0 : index
      %get3A_749 = tpu.vector_load %arg23[%get3A_748] {strides = array<i32>} : memref<512xf32, #tpu.memory_space<vmem>>, vector<16xf32>,
      %mul3A_750 = arith.mulf %broadcast_in_dim3A_747, %get3A_749 : vector<16xf32>
      %add3A_751 = arith.addf %scan3A_736#0, %mul3A_750 : vector<16xf32>
      %mul3A_752 = arith.mulf %mul3A_750, %mul3A_750 : vector<16xf32>
      %add3A_753 = arith.addf %scan3A_736#8, %mul3A_752 : vector<16xf32>
      %get3A_754 = arith.constant 16 : index
      %get3A_755 = tpu.vector_load %arg23[%get3A_754] {strides = array<i32>} : memref<512xf32, #tpu.memory_space<vmem>>, vector<16xf32>,
      %mul3A_756 = arith.mulf %broadcast_in_dim3A_747, %get3A_755 : vector<16xf32>
      %add3A_757 = arith.addf %scan3A_736#1, %mul3A_756 : vector<16xf32>
      %mul3A_758 = arith.mulf %mul3A_756, %mul3A_756 : vector<16xf32>
      %add3A_759 = arith.addf %scan3A_736#9, %mul3A_758 : vector<16xf32>
      %get3A_760 = arith.constant 32 : index
      %get3A_761 = tpu.vector_load %arg23[%get3A_760] {strides = array<i32>} : memref<512xf32, #tpu.memory_space<vmem>>, vector<16xf32>,
      %mul3A_762 = arith.mulf %broadcast_in_dim3A_747, %get3A_761 : vector<16xf32>
      %add3A_763 = arith.addf %scan3A_736#2, %mul3A_762 : vector<16xf32>
      %mul3A_764 = arith.mulf %mul3A_762, %mul3A_762 : vector<16xf32>
      %add3A_765 = arith.addf %scan3A_736#10, %mul3A_764 : vector<16xf32>
      %get3A_766 = arith.constant 48 : index
      %get3A_767 = tpu.vector_load %arg23[%get3A_766] {strides = array<i32>} : memref<512xf32, #tpu.memory_space<vmem>>, vector<16xf32>,
      %mul3A_768 = arith.mulf %broadcast_in_dim3A_747, %get3A_767 : vector<16xf32>
      %add3A_769 = arith.addf %scan3A_736#3, %mul3A_768 : vector<16xf32>
      %mul3A_770 = arith.mulf %mul3A_768, %mul3A_768 : vector<16xf32>
      %add3A_771 = arith.addf %scan3A_736#11, %mul3A_770 : vector<16xf32>
      %get3A_772 = arith.constant 64 : index
      %get3A_773 = tpu.vector_load %arg23[%get3A_772] {strides = array<i32>} : memref<512xf32, #tpu.memory_space<vmem>>, vector<16xf32>,
      %mul3A_774 = arith.mulf %broadcast_in_dim3A_747, %get3A_773 : vector<16xf32>
      %add3A_775 = arith.addf %scan3A_736#4, %mul3A_774 : vector<16xf32>
      %mul3A_776 = arith.mulf %mul3A_774, %mul3A_774 : vector<16xf32>
      %add3A_777 = arith.addf %scan3A_736#12, %mul3A_776 : vector<16xf32>
      %get3A_778 = arith.constant 80 : index
      %get3A_779 = tpu.vector_load %arg23[%get3A_778] {strides = array<i32>} : memref<512xf32, #tpu.memory_space<vmem>>, vector<16xf32>,
      %mul3A_780 = arith.mulf %broadcast_in_dim3A_747, %get3A_779 : vector<16xf32>
      %add3A_781 = arith.addf %scan3A_736#5, %mul3A_780 : vector<16xf32>
      %mul3A_782 = arith.mulf %mul3A_780, %mul3A_780 : vector<16xf32>
      %add3A_783 = arith.addf %scan3A_736#13, %mul3A_782 : vector<16xf32>
      %get3A_784 = arith.constant 96 : index
      %get3A_785 = tpu.vector_load %arg23[%get3A_784] {strides = array<i32>} : memref<512xf32, #tpu.memory_space<vmem>>, vector<16xf32>,
      %mul3A_786 = arith.mulf %broadcast_in_dim3A_747, %get3A_785 : vector<16xf32>
      %add3A_787 = arith.addf %scan3A_736#6, %mul3A_786 : vector<16xf32>
      %mul3A_788 = arith.mulf %mul3A_786, %mul3A_786 : vector<16xf32>
      %add3A_789 = arith.addf %scan3A_736#14, %mul3A_788 : vector<16xf32>
      %get3A_790 = arith.constant 112 : index
      %get3A_791 = tpu.vector_load %arg23[%get3A_790] {strides = array<i32>} : memref<512xf32, #tpu.memory_space<vmem>>, vector<16xf32>,
      %mul3A_792 = arith.mulf %broadcast_in_dim3A_747, %get3A_791 : vector<16xf32>
      %add3A_793 = arith.addf %scan3A_736#7, %mul3A_792 : vector<16xf32>
      %mul3A_794 = arith.mulf %mul3A_792, %mul3A_792 : vector<16xf32>
      %add3A_795 = arith.addf %scan3A_736#15, %mul3A_794 : vector<16xf32>
      %slice3A_796 = vector.extract_strided_slice %bitcast3A_744 {offsets = [1], sizes = [1], strides = [1]} : vector<16xf32> to vector<1xf32>
      %squeeze3A_797 = vector.extract %slice3A_796[0] : f32 from vector<1xf32>
      %broadcast_in_dim3A_798 = vector.broadcast %squeeze3A_797 : f32 to vector<16xf32>
      %get3A_799 = arith.constant 128 : index
      %get3A_800 = tpu.vector_load %arg23[%get3A_799] {strides = array<i32>} : memref<512xf32, #tpu.memory_space<vmem>>, vector<16xf32>,
      %mul3A_801 = arith.mulf %broadcast_in_dim3A_798, %get3A_800 : vector<16xf32>
      %add3A_802 = arith.addf %add3A_751, %mul3A_801 : vector<16xf32>
      %mul3A_803 = arith.mulf %mul3A_801, %mul3A_801 : vector<16xf32>
      %add3A_804 = arith.addf %add3A_753, %mul3A_803 : vector<16xf32>
      %get3A_805 = arith.constant 144 : index
      %get3A_806 = tpu.vector_load %arg23[%get3A_805] {strides = array<i32>} : memref<512xf32, #tpu.memory_space<vmem>>, vector<16xf32>,
      %mul3A_807 = arith.mulf %broadcast_in_dim3A_798, %get3A_806 : vector<16xf32>
      %add3A_808 = arith.addf %add3A_757, %mul3A_807 : vector<16xf32>
      %mul3A_809 = arith.mulf %mul3A_807, %mul3A_807 : vector<16xf32>
      %add3A_810 = arith.addf %add3A_759, %mul3A_809 : vector<16xf32>
      %get3A_811 = arith.constant 160 : index
      %get3A_812 = tpu.vector_load %arg23[%get3A_811] {strides = array<i32>} : memref<512xf32, #tpu.memory_space<vmem>>, vector<16xf32>,
      %mul3A_813 = arith.mulf %broadcast_in_dim3A_798, %get3A_812 : vector<16xf32>
      %add3A_814 = arith.addf %add3A_763, %mul3A_813 : vector<16xf32>
      %mul3A_815 = arith.mulf %mul3A_813, %mul3A_813 : vector<16xf32>
      %add3A_816 = arith.addf %add3A_765, %mul3A_815 : vector<16xf32>
      %get3A_817 = arith.constant 176 : index
      %get3A_818 = tpu.vector_load %arg23[%get3A_817] {strides = array<i32>} : memref<512xf32, #tpu.memory_space<vmem>>, vector<16xf32>,
      %mul3A_819 = arith.mulf %broadcast_in_dim3A_798, %get3A_818 : vector<16xf32>
      %add3A_820 = arith.addf %add3A_769, %mul3A_819 : vector<16xf32>
      %mul3A_821 = arith.mulf %mul3A_819, %mul3A_819 : vector<16xf32>
      %add3A_822 = arith.addf %add3A_771, %mul3A_821 : vector<16xf32>
      %get3A_823 = arith.constant 192 : index
      %get3A_824 = tpu.vector_load %arg23[%get3A_823] {strides = array<i32>} : memref<512xf32, #tpu.memory_space<vmem>>, vector<16xf32>,
      %mul3A_825 = arith.mulf %broadcast_in_dim3A_798, %get3A_824 : vector<16xf32>
      %add3A_826 = arith.addf %add3A_775, %mul3A_825 : vector<16xf32>
      %mul3A_827 = arith.mulf %mul3A_825, %mul3A_825 : vector<16xf32>
      %add3A_828 = arith.addf %add3A_777, %mul3A_827 : vector<16xf32>
      %get3A_829 = arith.constant 208 : index
      %get3A_830 = tpu.vector_load %arg23[%get3A_829] {strides = array<i32>} : memref<512xf32, #tpu.memory_space<vmem>>, vector<16xf32>,
      %mul3A_831 = arith.mulf %broadcast_in_dim3A_798, %get3A_830 : vector<16xf32>
      %add3A_832 = arith.addf %add3A_781, %mul3A_831 : vector<16xf32>
      %mul3A_833 = arith.mulf %mul3A_831, %mul3A_831 : vector<16xf32>
      %add3A_834 = arith.addf %add3A_783, %mul3A_833 : vector<16xf32>
      %get3A_835 = arith.constant 224 : index
      %get3A_836 = tpu.vector_load %arg23[%get3A_835] {strides = array<i32>} : memref<512xf32, #tpu.memory_space<vmem>>, vector<16xf32>,
      %mul3A_837 = arith.mulf %broadcast_in_dim3A_798, %get3A_836 : vector<16xf32>
      %add3A_838 = arith.addf %add3A_787, %mul3A_837 : vector<16xf32>
      %mul3A_839 = arith.mulf %mul3A_837, %mul3A_837 : vector<16xf32>
      %add3A_840 = arith.addf %add3A_789, %mul3A_839 : vector<16xf32>
      %get3A_841 = arith.constant 240 : index
      %get3A_842 = tpu.vector_load %arg23[%get3A_841] {strides = array<i32>} : memref<512xf32, #tpu.memory_space<vmem>>, vector<16xf32>,
      %mul3A_843 = arith.mulf %broadcast_in_dim3A_798, %get3A_842 : vector<16xf32>
      %add3A_844 = arith.addf %add3A_793, %mul3A_843 : vector<16xf32>
      %mul3A_845 = arith.mulf %mul3A_843, %mul3A_843 : vector<16xf32>
      %add3A_846 = arith.addf %add3A_795, %mul3A_845 : vector<16xf32>
      %slice3A_847 = vector.extract_strided_slice %bitcast3A_744 {offsets = [2], sizes = [1], strides = [1]} : vector<16xf32> to vector<1xf32>
      %squeeze3A_848 = vector.extract %slice3A_847[0] : f32 from vector<1xf32>
      %broadcast_in_dim3A_849 = vector.broadcast %squeeze3A_848 : f32 to vector<16xf32>
      %get3A_850 = arith.constant 256 : index
      %get3A_851 = tpu.vector_load %arg23[%get3A_850] {strides = array<i32>} : memref<512xf32, #tpu.memory_space<vmem>>, vector<16xf32>,
      %mul3A_852 = arith.mulf %broadcast_in_dim3A_849, %get3A_851 : vector<16xf32>
      %add3A_853 = arith.addf %add3A_802, %mul3A_852 : vector<16xf32>
      %mul3A_854 = arith.mulf %mul3A_852, %mul3A_852 : vector<16xf32>
      %add3A_855 = arith.addf %add3A_804, %mul3A_854 : vector<16xf32>
      %get3A_856 = arith.constant 272 : index
      %get3A_857 = tpu.vector_load %arg23[%get3A_856] {strides = array<i32>} : memref<512xf32, #tpu.memory_space<vmem>>, vector<16xf32>,
      %mul3A_858 = arith.mulf %broadcast_in_dim3A_849, %get3A_857 : vector<16xf32>
      %add3A_859 = arith.addf %add3A_808, %mul3A_858 : vector<16xf32>
      %mul3A_860 = arith.mulf %mul3A_858, %mul3A_858 : vector<16xf32>
      %add3A_861 = arith.addf %add3A_810, %mul3A_860 : vector<16xf32>
      %get3A_862 = arith.constant 288 : index
      %get3A_863 = tpu.vector_load %arg23[%get3A_862] {strides = array<i32>} : memref<512xf32, #tpu.memory_space<vmem>>, vector<16xf32>,
      %mul3A_864 = arith.mulf %broadcast_in_dim3A_849, %get3A_863 : vector<16xf32>
      %add3A_865 = arith.addf %add3A_814, %mul3A_864 : vector<16xf32>
      %mul3A_866 = arith.mulf %mul3A_864, %mul3A_864 : vector<16xf32>
      %add3A_867 = arith.addf %add3A_816, %mul3A_866 : vector<16xf32>
      %get3A_868 = arith.constant 304 : index
      %get3A_869 = tpu.vector_load %arg23[%get3A_868] {strides = array<i32>} : memref<512xf32, #tpu.memory_space<vmem>>, vector<16xf32>,
      %mul3A_870 = arith.mulf %broadcast_in_dim3A_849, %get3A_869 : vector<16xf32>
      %add3A_871 = arith.addf %add3A_820, %mul3A_870 : vector<16xf32>
      %mul3A_872 = arith.mulf %mul3A_870, %mul3A_870 : vector<16xf32>
      %add3A_873 = arith.addf %add3A_822, %mul3A_872 : vector<16xf32>
      %get3A_874 = arith.constant 320 : index
      %get3A_875 = tpu.vector_load %arg23[%get3A_874] {strides = array<i32>} : memref<512xf32, #tpu.memory_space<vmem>>, vector<16xf32>,
      %mul3A_876 = arith.mulf %broadcast_in_dim3A_849, %get3A_875 : vector<16xf32>
      %add3A_877 = arith.addf %add3A_826, %mul3A_876 : vector<16xf32>
      %mul3A_878 = arith.mulf %mul3A_876, %mul3A_876 : vector<16xf32>
      %add3A_879 = arith.addf %add3A_828, %mul3A_878 : vector<16xf32>
      %get3A_880 = arith.constant 336 : index
      %get3A_881 = tpu.vector_load %arg23[%get3A_880] {strides = array<i32>} : memref<512xf32, #tpu.memory_space<vmem>>, vector<16xf32>,
      %mul3A_882 = arith.mulf %broadcast_in_dim3A_849, %get3A_881 : vector<16xf32>
      %add3A_883 = arith.addf %add3A_832, %mul3A_882 : vector<16xf32>
      %mul3A_884 = arith.mulf %mul3A_882, %mul3A_882 : vector<16xf32>
      %add3A_885 = arith.addf %add3A_834, %mul3A_884 : vector<16xf32>
      %get3A_886 = arith.constant 352 : index
      %get3A_887 = tpu.vector_load %arg23[%get3A_886] {strides = array<i32>} : memref<512xf32, #tpu.memory_space<vmem>>, vector<16xf32>,
      %mul3A_888 = arith.mulf %broadcast_in_dim3A_849, %get3A_887 : vector<16xf32>
      %add3A_889 = arith.addf %add3A_838, %mul3A_888 : vector<16xf32>
      %mul3A_890 = arith.mulf %mul3A_888, %mul3A_888 : vector<16xf32>
      %add3A_891 = arith.addf %add3A_840, %mul3A_890 : vector<16xf32>
      %get3A_892 = arith.constant 368 : index
      %get3A_893 = tpu.vector_load %arg23[%get3A_892] {strides = array<i32>} : memref<512xf32, #tpu.memory_space<vmem>>, vector<16xf32>,
      %mul3A_894 = arith.mulf %broadcast_in_dim3A_849, %get3A_893 : vector<16xf32>
      %add3A_895 = arith.addf %add3A_844, %mul3A_894 : vector<16xf32>
      %mul3A_896 = arith.mulf %mul3A_894, %mul3A_894 : vector<16xf32>
      %add3A_897 = arith.addf %add3A_846, %mul3A_896 : vector<16xf32>
      %slice3A_898 = vector.extract_strided_slice %bitcast3A_744 {offsets = [3], sizes = [1], strides = [1]} : vector<16xf32> to vector<1xf32>
      %squeeze3A_899 = vector.extract %slice3A_898[0] : f32 from vector<1xf32>
      %broadcast_in_dim3A_900 = vector.broadcast %squeeze3A_899 : f32 to vector<16xf32>
      %get3A_901 = arith.constant 384 : index
      %get3A_902 = tpu.vector_load %arg23[%get3A_901] {strides = array<i32>} : memref<512xf32, #tpu.memory_space<vmem>>, vector<16xf32>,
      %mul3A_903 = arith.mulf %broadcast_in_dim3A_900, %get3A_902 : vector<16xf32>
      %add3A_904 = arith.addf %add3A_853, %mul3A_903 : vector<16xf32>
      %mul3A_905 = arith.mulf %mul3A_903, %mul3A_903 : vector<16xf32>
      %add3A_906 = arith.addf %add3A_855, %mul3A_905 : vector<16xf32>
      %get3A_907 = arith.constant 400 : index
      %get3A_908 = tpu.vector_load %arg23[%get3A_907] {strides = array<i32>} : memref<512xf32, #tpu.memory_space<vmem>>, vector<16xf32>,
      %mul3A_909 = arith.mulf %broadcast_in_dim3A_900, %get3A_908 : vector<16xf32>
      %add3A_910 = arith.addf %add3A_859, %mul3A_909 : vector<16xf32>
      %mul3A_911 = arith.mulf %mul3A_909, %mul3A_909 : vector<16xf32>
      %add3A_912 = arith.addf %add3A_861, %mul3A_911 : vector<16xf32>
      %get3A_913 = arith.constant 416 : index
      %get3A_914 = tpu.vector_load %arg23[%get3A_913] {strides = array<i32>} : memref<512xf32, #tpu.memory_space<vmem>>, vector<16xf32>,
      %mul3A_915 = arith.mulf %broadcast_in_dim3A_900, %get3A_914 : vector<16xf32>
      %add3A_916 = arith.addf %add3A_865, %mul3A_915 : vector<16xf32>
      %mul3A_917 = arith.mulf %mul3A_915, %mul3A_915 : vector<16xf32>
      %add3A_918 = arith.addf %add3A_867, %mul3A_917 : vector<16xf32>
      %get3A_919 = arith.constant 432 : index
      %get3A_920 = tpu.vector_load %arg23[%get3A_919] {strides = array<i32>} : memref<512xf32, #tpu.memory_space<vmem>>, vector<16xf32>,
      %mul3A_921 = arith.mulf %broadcast_in_dim3A_900, %get3A_920 : vector<16xf32>
      %add3A_922 = arith.addf %add3A_871, %mul3A_921 : vector<16xf32>
      %mul3A_923 = arith.mulf %mul3A_921, %mul3A_921 : vector<16xf32>
      %add3A_924 = arith.addf %add3A_873, %mul3A_923 : vector<16xf32>
      %get3A_925 = arith.constant 448 : index
      %get3A_926 = tpu.vector_load %arg23[%get3A_925] {strides = array<i32>} : memref<512xf32, #tpu.memory_space<vmem>>, vector<16xf32>,
      %mul3A_927 = arith.mulf %broadcast_in_dim3A_900, %get3A_926 : vector<16xf32>
      %add3A_928 = arith.addf %add3A_877, %mul3A_927 : vector<16xf32>
      %mul3A_929 = arith.mulf %mul3A_927, %mul3A_927 : vector<16xf32>
      %add3A_930 = arith.addf %add3A_879, %mul3A_929 : vector<16xf32>
      %get3A_931 = arith.constant 464 : index
      %get3A_932 = tpu.vector_load %arg23[%get3A_931] {strides = array<i32>} : memref<512xf32, #tpu.memory_space<vmem>>, vector<16xf32>,
      %mul3A_933 = arith.mulf %broadcast_in_dim3A_900, %get3A_932 : vector<16xf32>
      %add3A_934 = arith.addf %add3A_883, %mul3A_933 : vector<16xf32>
      %mul3A_935 = arith.mulf %mul3A_933, %mul3A_933 : vector<16xf32>
      %add3A_936 = arith.addf %add3A_885, %mul3A_935 : vector<16xf32>
      %get3A_937 = arith.constant 480 : index
      %get3A_938 = tpu.vector_load %arg23[%get3A_937] {strides = array<i32>} : memref<512xf32, #tpu.memory_space<vmem>>, vector<16xf32>,
      %mul3A_939 = arith.mulf %broadcast_in_dim3A_900, %get3A_938 : vector<16xf32>
      %add3A_940 = arith.addf %add3A_889, %mul3A_939 : vector<16xf32>
      %mul3A_941 = arith.mulf %mul3A_939, %mul3A_939 : vector<16xf32>
      %add3A_942 = arith.addf %add3A_891, %mul3A_941 : vector<16xf32>
      %get3A_943 = arith.constant 496 : index
      %get3A_944 = tpu.vector_load %arg23[%get3A_943] {strides = array<i32>} : memref<512xf32, #tpu.memory_space<vmem>>, vector<16xf32>,
      %mul3A_945 = arith.mulf %broadcast_in_dim3A_900, %get3A_944 : vector<16xf32>
      %add3A_946 = arith.addf %add3A_895, %mul3A_945 : vector<16xf32>
      %mul3A_947 = arith.mulf %mul3A_945, %mul3A_945 : vector<16xf32>
      %add3A_948 = arith.addf %add3A_897, %mul3A_947 : vector<16xf32>
      %mul3A_949 = arith.mulf %add3A_904, %add3A_904 : vector<16xf32>
      %sub3A_950 = arith.subf %mul3A_949, %add3A_906 : vector<16xf32>
      %add3A_951 = arith.addf %broadcast_in_dim3A_5, %sub3A_950 : vector<16xf32>
      %mul3A_952 = arith.mulf %add3A_910, %add3A_910 : vector<16xf32>
      %sub3A_953 = arith.subf %mul3A_952, %add3A_912 : vector<16xf32>
      %add3A_954 = arith.addf %add3A_951, %sub3A_953 : vector<16xf32>
      %mul3A_955 = arith.mulf %add3A_916, %add3A_916 : vector<16xf32>
      %sub3A_956 = arith.subf %mul3A_955, %add3A_918 : vector<16xf32>
      %add3A_957 = arith.addf %add3A_954, %sub3A_956 : vector<16xf32>
      %mul3A_958 = arith.mulf %add3A_922, %add3A_922 : vector<16xf32>
      %sub3A_959 = arith.subf %mul3A_958, %add3A_924 : vector<16xf32>
      %add3A_960 = arith.addf %add3A_957, %sub3A_959 : vector<16xf32>
      %mul3A_961 = arith.mulf %add3A_928, %add3A_928 : vector<16xf32>
      %sub3A_962 = arith.subf %mul3A_961, %add3A_930 : vector<16xf32>
      %add3A_963 = arith.addf %add3A_960, %sub3A_962 : vector<16xf32>
      %mul3A_964 = arith.mulf %add3A_934, %add3A_934 : vector<16xf32>
      %sub3A_965 = arith.subf %mul3A_964, %add3A_936 : vector<16xf32>
      %add3A_966 = arith.addf %add3A_963, %sub3A_965 : vector<16xf32>
      %mul3A_967 = arith.mulf %add3A_940, %add3A_940 : vector<16xf32>
      %sub3A_968 = arith.subf %mul3A_967, %add3A_942 : vector<16xf32>
      %add3A_969 = arith.addf %add3A_966, %sub3A_968 : vector<16xf32>
      %mul3A_970 = arith.mulf %add3A_946, %add3A_946 : vector<16xf32>
      %sub3A_971 = arith.subf %mul3A_970, %add3A_948 : vector<16xf32>
      %add3A_972 = arith.addf %add3A_969, %sub3A_971 : vector<16xf32>
      %mul3A_973 = arith.constant 16 : i32
      %mul3A_974 = arith.muli %add3A_718, %mul3A_973 : i32
      %swap3A_975 = arith.index_cast %mul3A_974 : i32 to index
      %swap3A_976 = tpu.vector_load %arg24[%swap3A_975] {strides = array<i32>} : memref<2048xf32, #tpu.memory_space<vmem>>, vector<16xf32>,
      tpu.vector_store %arg24[%swap3A_975], %add3A_972 {strides = array<i32>} : memref<2048xf32, #tpu.memory_space<vmem>>, vector<16xf32>,
      %mul3A_977 = arith.constant 4 : i32
      %mul3A_978 = arith.muli %scan3A_458, %mul3A_977 : i32
      %add3A_979 = arith.constant 2 : i32
      %add3A_980 = arith.addi %mul3A_978, %add3A_979 : i32
      %add3A_981 = arith.constant 3 : i32
      %add3A_982 = arith.addi %add3A_980, %add3A_981 : i32
      %lt3A_983 = arith.constant 128 : i32
      %lt3A_984 = arith.cmpi slt, %add3A_982, %lt3A_983 : i32
      %convert_element_type3A_985 = arith.extui %lt3A_984 : i1 to i32
      %cond3A_986 = arith.constant 0 : i32
      %cond3A_987 = arith.cmpi ne, %convert_element_type3A_985, %cond3A_986 : i32
      scf.if %cond3A_987 {
        %add3A_1501 = arith.constant 3 : i32
        %add3A_1502 = arith.addi %add3A_980, %add3A_1501 : i32
        %mul3A_1503 = arith.constant 88 : i32
        %mul3A_1504 = arith.muli %add3A_1502, %mul3A_1503 : i32
        %dma_start3A_1505 = tpu.memref_slice %arg14[%mul3A_1504] : memref<11280xi32, #tpu.memory_space<vmem>> -> memref<80xi32, #tpu.memory_space<vmem>>
        %dma_start3A_1506 = arith.constant 0 : i32
        %dma_start3A_1507 = arith.constant 0 : i32
        %dma_start3A_1508 = tpu.memref_slice %arg13[%dma_start3A_1506, %dma_start3A_1507] : memref<16016x128xf32, #tpu.memory_space<hbm>> -> memref<16016x128xf32, #tpu.memory_space<hbm>>
        tpu.enqueue_indirect_dma source(%dma_start3A_1508 : memref<16016x128xf32, #tpu.memory_space<hbm>>) target(%arg16 : memref<80x128xf32, #tpu.memory_space<vmem>>) offsets(%dma_start3A_1505 : memref<80xi32, #tpu.memory_space<vmem>>) semaphore(%arg28 : memref<!tpu.dma_semaphore, #tpu.memory_space<semaphore_mem>>)
      } else {
      }
      %mul3A_988 = arith.constant 88 : i32
      %mul3A_989 = arith.muli %add3A_980, %mul3A_988 : i32
      %dma_wait3A_990 = tpu.memref_slice %arg14[%mul3A_989] : memref<11280xi32, #tpu.memory_space<vmem>> -> memref<80xi32, #tpu.memory_space<vmem>>
      %dma_wait3A_991 = arith.constant 0 : i32
      %dma_wait3A_992 = arith.constant 0 : i32
      %dma_wait3A_993 = tpu.memref_slice %arg13[%dma_wait3A_991, %dma_wait3A_992] : memref<16016x128xf32, #tpu.memory_space<hbm>> -> memref<16016x128xf32, #tpu.memory_space<hbm>>
      tpu.wait_indirect_dma semaphore(%arg29 : memref<!tpu.dma_semaphore, #tpu.memory_space<semaphore_mem>>) src(%dma_wait3A_993 : memref<16016x128xf32, #tpu.memory_space<hbm>>) dst(%arg17 : memref<80x128xf32, #tpu.memory_space<vmem>>)
      %scan3A_994 = arith.constant 0 : i32
      %scan3A_995 = arith.constant 80 : i32
      %scan3A_996 = arith.addi %scan3A_994, %scan3A_995 : i32
      %scan3A_997 = arith.constant 4 : i32
      %scan3A_998:16 = scf.for %scan3A_1501 = %scan3A_994 to %scan3A_996 step %scan3A_997 iter_args(%scan3A_1502 = %broadcast_in_dim3A_5, %scan3A_1503 = %broadcast_in_dim3A_5, %scan3A_1504 = %broadcast_in_dim3A_5, %scan3A_1505 = %broadcast_in_dim3A_5, %scan3A_1506 = %broadcast_in_dim3A_5, %scan3A_1507 = %broadcast_in_dim3A_5, %scan3A_1508 = %broadcast_in_dim3A_5, %scan3A_1509 = %broadcast_in_dim3A_5, %scan3A_1510 = %broadcast_in_dim3A_5, %scan3A_1511 = %broadcast_in_dim3A_5, %scan3A_1512 = %broadcast_in_dim3A_5, %scan3A_1513 = %broadcast_in_dim3A_5, %scan3A_1514 = %broadcast_in_dim3A_5, %scan3A_1515 = %broadcast_in_dim3A_5, %scan3A_1516 = %broadcast_in_dim3A_5, %scan3A_1517 = %broadcast_in_dim3A_5) -> (vector<16xf32>, vector<16xf32>, vector<16xf32>, vector<16xf32>, vector<16xf32>, vector<16xf32>, vector<16xf32>, vector<16xf32>, vector<16xf32>, vector<16xf32>, vector<16xf32>, vector<16xf32>, vector<16xf32>, vector<16xf32>, vector<16xf32>, vector<16xf32>)  : i32 {
        %get3A_1518 = arith.index_cast %scan3A_1501 : i32 to index
        %get3A_1519 = arith.constant 0 : index
        %get3A_1520 = tpu.vector_load %arg17[%get3A_1518, %get3A_1519] {strides = array<i32>} : memref<80x128xf32, #tpu.memory_space<vmem>>, vector<16xf32>,
        %add3A_1521 = arith.addf %scan3A_1502, %get3A_1520 : vector<16xf32>
        %mul3A_1522 = arith.mulf %get3A_1520, %get3A_1520 : vector<16xf32>
        %add3A_1523 = arith.addf %scan3A_1510, %mul3A_1522 : vector<16xf32>
        %get3A_1524 = arith.index_cast %scan3A_1501 : i32 to index
        %get3A_1525 = arith.constant 16 : index
        %get3A_1526 = tpu.vector_load %arg17[%get3A_1524, %get3A_1525] {strides = array<i32>} : memref<80x128xf32, #tpu.memory_space<vmem>>, vector<16xf32>,
        %add3A_1527 = arith.addf %scan3A_1503, %get3A_1526 : vector<16xf32>
        %mul3A_1528 = arith.mulf %get3A_1526, %get3A_1526 : vector<16xf32>
        %add3A_1529 = arith.addf %scan3A_1511, %mul3A_1528 : vector<16xf32>
        %get3A_1530 = arith.index_cast %scan3A_1501 : i32 to index
        %get3A_1531 = arith.constant 32 : index
        %get3A_1532 = tpu.vector_load %arg17[%get3A_1530, %get3A_1531] {strides = array<i32>} : memref<80x128xf32, #tpu.memory_space<vmem>>, vector<16xf32>,
        %add3A_1533 = arith.addf %scan3A_1504, %get3A_1532 : vector<16xf32>
        %mul3A_1534 = arith.mulf %get3A_1532, %get3A_1532 : vector<16xf32>
        %add3A_1535 = arith.addf %scan3A_1512, %mul3A_1534 : vector<16xf32>
        %get3A_1536 = arith.index_cast %scan3A_1501 : i32 to index
        %get3A_1537 = arith.constant 48 : index
        %get3A_1538 = tpu.vector_load %arg17[%get3A_1536, %get3A_1537] {strides = array<i32>} : memref<80x128xf32, #tpu.memory_space<vmem>>, vector<16xf32>,
        %add3A_1539 = arith.addf %scan3A_1505, %get3A_1538 : vector<16xf32>
        %mul3A_1540 = arith.mulf %get3A_1538, %get3A_1538 : vector<16xf32>
        %add3A_1541 = arith.addf %scan3A_1513, %mul3A_1540 : vector<16xf32>
        %get3A_1542 = arith.index_cast %scan3A_1501 : i32 to index
        %get3A_1543 = arith.constant 64 : index
        %get3A_1544 = tpu.vector_load %arg17[%get3A_1542, %get3A_1543] {strides = array<i32>} : memref<80x128xf32, #tpu.memory_space<vmem>>, vector<16xf32>,
        %add3A_1545 = arith.addf %scan3A_1506, %get3A_1544 : vector<16xf32>
        %mul3A_1546 = arith.mulf %get3A_1544, %get3A_1544 : vector<16xf32>
        %add3A_1547 = arith.addf %scan3A_1514, %mul3A_1546 : vector<16xf32>
        %get3A_1548 = arith.index_cast %scan3A_1501 : i32 to index
        %get3A_1549 = arith.constant 80 : index
        %get3A_1550 = tpu.vector_load %arg17[%get3A_1548, %get3A_1549] {strides = array<i32>} : memref<80x128xf32, #tpu.memory_space<vmem>>, vector<16xf32>,
        %add3A_1551 = arith.addf %scan3A_1507, %get3A_1550 : vector<16xf32>
        %mul3A_1552 = arith.mulf %get3A_1550, %get3A_1550 : vector<16xf32>
        %add3A_1553 = arith.addf %scan3A_1515, %mul3A_1552 : vector<16xf32>
        %get3A_1554 = arith.index_cast %scan3A_1501 : i32 to index
        %get3A_1555 = arith.constant 96 : index
        %get3A_1556 = tpu.vector_load %arg17[%get3A_1554, %get3A_1555] {strides = array<i32>} : memref<80x128xf32, #tpu.memory_space<vmem>>, vector<16xf32>,
        %add3A_1557 = arith.addf %scan3A_1508, %get3A_1556 : vector<16xf32>
        %mul3A_1558 = arith.mulf %get3A_1556, %get3A_1556 : vector<16xf32>
        %add3A_1559 = arith.addf %scan3A_1516, %mul3A_1558 : vector<16xf32>
        %get3A_1560 = arith.index_cast %scan3A_1501 : i32 to index
        %get3A_1561 = arith.constant 112 : index
        %get3A_1562 = tpu.vector_load %arg17[%get3A_1560, %get3A_1561] {strides = array<i32>} : memref<80x128xf32, #tpu.memory_space<vmem>>, vector<16xf32>,
        %add3A_1563 = arith.addf %scan3A_1509, %get3A_1562 : vector<16xf32>
        %mul3A_1564 = arith.mulf %get3A_1562, %get3A_1562 : vector<16xf32>
        %add3A_1565 = arith.addf %scan3A_1517, %mul3A_1564 : vector<16xf32>
        %scan3A_1566 = arith.constant 1 : i32
        %scan3A_1567 = arith.addi %scan3A_1501, %scan3A_1566 : i32
        %get3A_1568 = arith.index_cast %scan3A_1567 : i32 to index
        %get3A_1569 = arith.constant 0 : index
        %get3A_1570 = tpu.vector_load %arg17[%get3A_1568, %get3A_1569] {strides = array<i32>} : memref<80x128xf32, #tpu.memory_space<vmem>>, vector<16xf32>,
        %add3A_1571 = arith.addf %add3A_1521, %get3A_1570 : vector<16xf32>
        %mul3A_1572 = arith.mulf %get3A_1570, %get3A_1570 : vector<16xf32>
        %add3A_1573 = arith.addf %add3A_1523, %mul3A_1572 : vector<16xf32>
        %get3A_1574 = arith.index_cast %scan3A_1567 : i32 to index
        %get3A_1575 = arith.constant 16 : index
        %get3A_1576 = tpu.vector_load %arg17[%get3A_1574, %get3A_1575] {strides = array<i32>} : memref<80x128xf32, #tpu.memory_space<vmem>>, vector<16xf32>,
        %add3A_1577 = arith.addf %add3A_1527, %get3A_1576 : vector<16xf32>
        %mul3A_1578 = arith.mulf %get3A_1576, %get3A_1576 : vector<16xf32>
        %add3A_1579 = arith.addf %add3A_1529, %mul3A_1578 : vector<16xf32>
        %get3A_1580 = arith.index_cast %scan3A_1567 : i32 to index
        %get3A_1581 = arith.constant 32 : index
        %get3A_1582 = tpu.vector_load %arg17[%get3A_1580, %get3A_1581] {strides = array<i32>} : memref<80x128xf32, #tpu.memory_space<vmem>>, vector<16xf32>,
        %add3A_1583 = arith.addf %add3A_1533, %get3A_1582 : vector<16xf32>
        %mul3A_1584 = arith.mulf %get3A_1582, %get3A_1582 : vector<16xf32>
        %add3A_1585 = arith.addf %add3A_1535, %mul3A_1584 : vector<16xf32>
        %get3A_1586 = arith.index_cast %scan3A_1567 : i32 to index
        %get3A_1587 = arith.constant 48 : index
        %get3A_1588 = tpu.vector_load %arg17[%get3A_1586, %get3A_1587] {strides = array<i32>} : memref<80x128xf32, #tpu.memory_space<vmem>>, vector<16xf32>,
        %add3A_1589 = arith.addf %add3A_1539, %get3A_1588 : vector<16xf32>
        %mul3A_1590 = arith.mulf %get3A_1588, %get3A_1588 : vector<16xf32>
        %add3A_1591 = arith.addf %add3A_1541, %mul3A_1590 : vector<16xf32>
        %get3A_1592 = arith.index_cast %scan3A_1567 : i32 to index
        %get3A_1593 = arith.constant 64 : index
        %get3A_1594 = tpu.vector_load %arg17[%get3A_1592, %get3A_1593] {strides = array<i32>} : memref<80x128xf32, #tpu.memory_space<vmem>>, vector<16xf32>,
        %add3A_1595 = arith.addf %add3A_1545, %get3A_1594 : vector<16xf32>
        %mul3A_1596 = arith.mulf %get3A_1594, %get3A_1594 : vector<16xf32>
        %add3A_1597 = arith.addf %add3A_1547, %mul3A_1596 : vector<16xf32>
        %get3A_1598 = arith.index_cast %scan3A_1567 : i32 to index
        %get3A_1599 = arith.constant 80 : index
        %get3A_1600 = tpu.vector_load %arg17[%get3A_1598, %get3A_1599] {strides = array<i32>} : memref<80x128xf32, #tpu.memory_space<vmem>>, vector<16xf32>,
        %add3A_1601 = arith.addf %add3A_1551, %get3A_1600 : vector<16xf32>
        %mul3A_1602 = arith.mulf %get3A_1600, %get3A_1600 : vector<16xf32>
        %add3A_1603 = arith.addf %add3A_1553, %mul3A_1602 : vector<16xf32>
        %get3A_1604 = arith.index_cast %scan3A_1567 : i32 to index
        %get3A_1605 = arith.constant 96 : index
        %get3A_1606 = tpu.vector_load %arg17[%get3A_1604, %get3A_1605] {strides = array<i32>} : memref<80x128xf32, #tpu.memory_space<vmem>>, vector<16xf32>,
        %add3A_1607 = arith.addf %add3A_1557, %get3A_1606 : vector<16xf32>
        %mul3A_1608 = arith.mulf %get3A_1606, %get3A_1606 : vector<16xf32>
        %add3A_1609 = arith.addf %add3A_1559, %mul3A_1608 : vector<16xf32>
        %get3A_1610 = arith.index_cast %scan3A_1567 : i32 to index
        %get3A_1611 = arith.constant 112 : index
        %get3A_1612 = tpu.vector_load %arg17[%get3A_1610, %get3A_1611] {strides = array<i32>} : memref<80x128xf32, #tpu.memory_space<vmem>>, vector<16xf32>,
        %add3A_1613 = arith.addf %add3A_1563, %get3A_1612 : vector<16xf32>
        %mul3A_1614 = arith.mulf %get3A_1612, %get3A_1612 : vector<16xf32>
        %add3A_1615 = arith.addf %add3A_1565, %mul3A_1614 : vector<16xf32>
        %scan3A_1616 = arith.constant 2 : i32
        %scan3A_1617 = arith.addi %scan3A_1501, %scan3A_1616 : i32
        %get3A_1618 = arith.index_cast %scan3A_1617 : i32 to index
        %get3A_1619 = arith.constant 0 : index
        %get3A_1620 = tpu.vector_load %arg17[%get3A_1618, %get3A_1619] {strides = array<i32>} : memref<80x128xf32, #tpu.memory_space<vmem>>, vector<16xf32>,
        %add3A_1621 = arith.addf %add3A_1571, %get3A_1620 : vector<16xf32>
        %mul3A_1622 = arith.mulf %get3A_1620, %get3A_1620 : vector<16xf32>
        %add3A_1623 = arith.addf %add3A_1573, %mul3A_1622 : vector<16xf32>
        %get3A_1624 = arith.index_cast %scan3A_1617 : i32 to index
        %get3A_1625 = arith.constant 16 : index
        %get3A_1626 = tpu.vector_load %arg17[%get3A_1624, %get3A_1625] {strides = array<i32>} : memref<80x128xf32, #tpu.memory_space<vmem>>, vector<16xf32>,
        %add3A_1627 = arith.addf %add3A_1577, %get3A_1626 : vector<16xf32>
        %mul3A_1628 = arith.mulf %get3A_1626, %get3A_1626 : vector<16xf32>
        %add3A_1629 = arith.addf %add3A_1579, %mul3A_1628 : vector<16xf32>
        %get3A_1630 = arith.index_cast %scan3A_1617 : i32 to index
        %get3A_1631 = arith.constant 32 : index
        %get3A_1632 = tpu.vector_load %arg17[%get3A_1630, %get3A_1631] {strides = array<i32>} : memref<80x128xf32, #tpu.memory_space<vmem>>, vector<16xf32>,
        %add3A_1633 = arith.addf %add3A_1583, %get3A_1632 : vector<16xf32>
        %mul3A_1634 = arith.mulf %get3A_1632, %get3A_1632 : vector<16xf32>
        %add3A_1635 = arith.addf %add3A_1585, %mul3A_1634 : vector<16xf32>
        %get3A_1636 = arith.index_cast %scan3A_1617 : i32 to index
        %get3A_1637 = arith.constant 48 : index
        %get3A_1638 = tpu.vector_load %arg17[%get3A_1636, %get3A_1637] {strides = array<i32>} : memref<80x128xf32, #tpu.memory_space<vmem>>, vector<16xf32>,
        %add3A_1639 = arith.addf %add3A_1589, %get3A_1638 : vector<16xf32>
        %mul3A_1640 = arith.mulf %get3A_1638, %get3A_1638 : vector<16xf32>
        %add3A_1641 = arith.addf %add3A_1591, %mul3A_1640 : vector<16xf32>
        %get3A_1642 = arith.index_cast %scan3A_1617 : i32 to index
        %get3A_1643 = arith.constant 64 : index
        %get3A_1644 = tpu.vector_load %arg17[%get3A_1642, %get3A_1643] {strides = array<i32>} : memref<80x128xf32, #tpu.memory_space<vmem>>, vector<16xf32>,
        %add3A_1645 = arith.addf %add3A_1595, %get3A_1644 : vector<16xf32>
        %mul3A_1646 = arith.mulf %get3A_1644, %get3A_1644 : vector<16xf32>
        %add3A_1647 = arith.addf %add3A_1597, %mul3A_1646 : vector<16xf32>
        %get3A_1648 = arith.index_cast %scan3A_1617 : i32 to index
        %get3A_1649 = arith.constant 80 : index
        %get3A_1650 = tpu.vector_load %arg17[%get3A_1648, %get3A_1649] {strides = array<i32>} : memref<80x128xf32, #tpu.memory_space<vmem>>, vector<16xf32>,
        %add3A_1651 = arith.addf %add3A_1601, %get3A_1650 : vector<16xf32>
        %mul3A_1652 = arith.mulf %get3A_1650, %get3A_1650 : vector<16xf32>
        %add3A_1653 = arith.addf %add3A_1603, %mul3A_1652 : vector<16xf32>
        %get3A_1654 = arith.index_cast %scan3A_1617 : i32 to index
        %get3A_1655 = arith.constant 96 : index
        %get3A_1656 = tpu.vector_load %arg17[%get3A_1654, %get3A_1655] {strides = array<i32>} : memref<80x128xf32, #tpu.memory_space<vmem>>, vector<16xf32>,
        %add3A_1657 = arith.addf %add3A_1607, %get3A_1656 : vector<16xf32>
        %mul3A_1658 = arith.mulf %get3A_1656, %get3A_1656 : vector<16xf32>
        %add3A_1659 = arith.addf %add3A_1609, %mul3A_1658 : vector<16xf32>
        %get3A_1660 = arith.index_cast %scan3A_1617 : i32 to index
        %get3A_1661 = arith.constant 112 : index
        %get3A_1662 = tpu.vector_load %arg17[%get3A_1660, %get3A_1661] {strides = array<i32>} : memref<80x128xf32, #tpu.memory_space<vmem>>, vector<16xf32>,
        %add3A_1663 = arith.addf %add3A_1613, %get3A_1662 : vector<16xf32>
        %mul3A_1664 = arith.mulf %get3A_1662, %get3A_1662 : vector<16xf32>
        %add3A_1665 = arith.addf %add3A_1615, %mul3A_1664 : vector<16xf32>
        %scan3A_1666 = arith.constant 3 : i32
        %scan3A_1667 = arith.addi %scan3A_1501, %scan3A_1666 : i32
        %get3A_1668 = arith.index_cast %scan3A_1667 : i32 to index
        %get3A_1669 = arith.constant 0 : index
        %get3A_1670 = tpu.vector_load %arg17[%get3A_1668, %get3A_1669] {strides = array<i32>} : memref<80x128xf32, #tpu.memory_space<vmem>>, vector<16xf32>,
        %add3A_1671 = arith.addf %add3A_1621, %get3A_1670 : vector<16xf32>
        %mul3A_1672 = arith.mulf %get3A_1670, %get3A_1670 : vector<16xf32>
        %add3A_1673 = arith.addf %add3A_1623, %mul3A_1672 : vector<16xf32>
        %get3A_1674 = arith.index_cast %scan3A_1667 : i32 to index
        %get3A_1675 = arith.constant 16 : index
        %get3A_1676 = tpu.vector_load %arg17[%get3A_1674, %get3A_1675] {strides = array<i32>} : memref<80x128xf32, #tpu.memory_space<vmem>>, vector<16xf32>,
        %add3A_1677 = arith.addf %add3A_1627, %get3A_1676 : vector<16xf32>
        %mul3A_1678 = arith.mulf %get3A_1676, %get3A_1676 : vector<16xf32>
        %add3A_1679 = arith.addf %add3A_1629, %mul3A_1678 : vector<16xf32>
        %get3A_1680 = arith.index_cast %scan3A_1667 : i32 to index
        %get3A_1681 = arith.constant 32 : index
        %get3A_1682 = tpu.vector_load %arg17[%get3A_1680, %get3A_1681] {strides = array<i32>} : memref<80x128xf32, #tpu.memory_space<vmem>>, vector<16xf32>,
        %add3A_1683 = arith.addf %add3A_1633, %get3A_1682 : vector<16xf32>
        %mul3A_1684 = arith.mulf %get3A_1682, %get3A_1682 : vector<16xf32>
        %add3A_1685 = arith.addf %add3A_1635, %mul3A_1684 : vector<16xf32>
        %get3A_1686 = arith.index_cast %scan3A_1667 : i32 to index
        %get3A_1687 = arith.constant 48 : index
        %get3A_1688 = tpu.vector_load %arg17[%get3A_1686, %get3A_1687] {strides = array<i32>} : memref<80x128xf32, #tpu.memory_space<vmem>>, vector<16xf32>,
        %add3A_1689 = arith.addf %add3A_1639, %get3A_1688 : vector<16xf32>
        %mul3A_1690 = arith.mulf %get3A_1688, %get3A_1688 : vector<16xf32>
        %add3A_1691 = arith.addf %add3A_1641, %mul3A_1690 : vector<16xf32>
        %get3A_1692 = arith.index_cast %scan3A_1667 : i32 to index
        %get3A_1693 = arith.constant 64 : index
        %get3A_1694 = tpu.vector_load %arg17[%get3A_1692, %get3A_1693] {strides = array<i32>} : memref<80x128xf32, #tpu.memory_space<vmem>>, vector<16xf32>,
        %add3A_1695 = arith.addf %add3A_1645, %get3A_1694 : vector<16xf32>
        %mul3A_1696 = arith.mulf %get3A_1694, %get3A_1694 : vector<16xf32>
        %add3A_1697 = arith.addf %add3A_1647, %mul3A_1696 : vector<16xf32>
        %get3A_1698 = arith.index_cast %scan3A_1667 : i32 to index
        %get3A_1699 = arith.constant 80 : index
        %get3A_1700 = tpu.vector_load %arg17[%get3A_1698, %get3A_1699] {strides = array<i32>} : memref<80x128xf32, #tpu.memory_space<vmem>>, vector<16xf32>,
        %add3A_1701 = arith.addf %add3A_1651, %get3A_1700 : vector<16xf32>
        %mul3A_1702 = arith.mulf %get3A_1700, %get3A_1700 : vector<16xf32>
        %add3A_1703 = arith.addf %add3A_1653, %mul3A_1702 : vector<16xf32>
        %get3A_1704 = arith.index_cast %scan3A_1667 : i32 to index
        %get3A_1705 = arith.constant 96 : index
        %get3A_1706 = tpu.vector_load %arg17[%get3A_1704, %get3A_1705] {strides = array<i32>} : memref<80x128xf32, #tpu.memory_space<vmem>>, vector<16xf32>,
        %add3A_1707 = arith.addf %add3A_1657, %get3A_1706 : vector<16xf32>
        %mul3A_1708 = arith.mulf %get3A_1706, %get3A_1706 : vector<16xf32>
        %add3A_1709 = arith.addf %add3A_1659, %mul3A_1708 : vector<16xf32>
        %get3A_1710 = arith.index_cast %scan3A_1667 : i32 to index
        %get3A_1711 = arith.constant 112 : index
        %get3A_1712 = tpu.vector_load %arg17[%get3A_1710, %get3A_1711] {strides = array<i32>} : memref<80x128xf32, #tpu.memory_space<vmem>>, vector<16xf32>,
        %add3A_1713 = arith.addf %add3A_1663, %get3A_1712 : vector<16xf32>
        %mul3A_1714 = arith.mulf %get3A_1712, %get3A_1712 : vector<16xf32>
        %add3A_1715 = arith.addf %add3A_1665, %mul3A_1714 : vector<16xf32>
        scf.yield %add3A_1671, %add3A_1677, %add3A_1683, %add3A_1689, %add3A_1695, %add3A_1701, %add3A_1707, %add3A_1713, %add3A_1673, %add3A_1679, %add3A_1685, %add3A_1691, %add3A_1697, %add3A_1703, %add3A_1709, %add3A_1715 : vector<16xf32>, vector<16xf32>, vector<16xf32>, vector<16xf32>, vector<16xf32>, vector<16xf32>, vector<16xf32>, vector<16xf32>, vector<16xf32>, vector<16xf32>, vector<16xf32>, vector<16xf32>, vector<16xf32>, vector<16xf32>, vector<16xf32>, vector<16xf32>
      }
      %scan3A_999 = arith.constant 80 : i32
      %mul3A_1000 = arith.constant 88 : i32
      %mul3A_1001 = arith.muli %add3A_980, %mul3A_1000 : i32
      %add3A_1002 = arith.constant 80 : i32
      %add3A_1003 = arith.addi %mul3A_1001, %add3A_1002 : i32
      %get3A_1004 = arith.index_cast %add3A_1003 : i32 to index
      %get3A_1005 = tpu.vector_load %arg14[%get3A_1004] {strides = array<i32>} : memref<11280xi32, #tpu.memory_space<vmem>>, vector<16xi32>,
      %bitcast3A_1006 = vector.bitcast %get3A_1005 : vector<16xi32> to vector<16xf32>
      %slice3A_1007 = vector.extract_strided_slice %bitcast3A_1006 {offsets = [0], sizes = [1], strides = [1]} : vector<16xf32> to vector<1xf32>
      %squeeze3A_1008 = vector.extract %slice3A_1007[0] : f32 from vector<1xf32>
      %broadcast_in_dim3A_1009 = vector.broadcast %squeeze3A_1008 : f32 to vector<16xf32>
      %get3A_1010 = arith.constant 0 : index
      %get3A_1011 = tpu.vector_load %arg23[%get3A_1010] {strides = array<i32>} : memref<512xf32, #tpu.memory_space<vmem>>, vector<16xf32>,
      %mul3A_1012 = arith.mulf %broadcast_in_dim3A_1009, %get3A_1011 : vector<16xf32>
      %add3A_1013 = arith.addf %scan3A_998#0, %mul3A_1012 : vector<16xf32>
      %mul3A_1014 = arith.mulf %mul3A_1012, %mul3A_1012 : vector<16xf32>
      %add3A_1015 = arith.addf %scan3A_998#8, %mul3A_1014 : vector<16xf32>
      %get3A_1016 = arith.constant 16 : index
      %get3A_1017 = tpu.vector_load %arg23[%get3A_1016] {strides = array<i32>} : memref<512xf32, #tpu.memory_space<vmem>>, vector<16xf32>,
      %mul3A_1018 = arith.mulf %broadcast_in_dim3A_1009, %get3A_1017 : vector<16xf32>
      %add3A_1019 = arith.addf %scan3A_998#1, %mul3A_1018 : vector<16xf32>
      %mul3A_1020 = arith.mulf %mul3A_1018, %mul3A_1018 : vector<16xf32>
      %add3A_1021 = arith.addf %scan3A_998#9, %mul3A_1020 : vector<16xf32>
      %get3A_1022 = arith.constant 32 : index
      %get3A_1023 = tpu.vector_load %arg23[%get3A_1022] {strides = array<i32>} : memref<512xf32, #tpu.memory_space<vmem>>, vector<16xf32>,
      %mul3A_1024 = arith.mulf %broadcast_in_dim3A_1009, %get3A_1023 : vector<16xf32>
      %add3A_1025 = arith.addf %scan3A_998#2, %mul3A_1024 : vector<16xf32>
      %mul3A_1026 = arith.mulf %mul3A_1024, %mul3A_1024 : vector<16xf32>
      %add3A_1027 = arith.addf %scan3A_998#10, %mul3A_1026 : vector<16xf32>
      %get3A_1028 = arith.constant 48 : index
      %get3A_1029 = tpu.vector_load %arg23[%get3A_1028] {strides = array<i32>} : memref<512xf32, #tpu.memory_space<vmem>>, vector<16xf32>,
      %mul3A_1030 = arith.mulf %broadcast_in_dim3A_1009, %get3A_1029 : vector<16xf32>
      %add3A_1031 = arith.addf %scan3A_998#3, %mul3A_1030 : vector<16xf32>
      %mul3A_1032 = arith.mulf %mul3A_1030, %mul3A_1030 : vector<16xf32>
      %add3A_1033 = arith.addf %scan3A_998#11, %mul3A_1032 : vector<16xf32>
      %get3A_1034 = arith.constant 64 : index
      %get3A_1035 = tpu.vector_load %arg23[%get3A_1034] {strides = array<i32>} : memref<512xf32, #tpu.memory_space<vmem>>, vector<16xf32>,
      %mul3A_1036 = arith.mulf %broadcast_in_dim3A_1009, %get3A_1035 : vector<16xf32>
      %add3A_1037 = arith.addf %scan3A_998#4, %mul3A_1036 : vector<16xf32>
      %mul3A_1038 = arith.mulf %mul3A_1036, %mul3A_1036 : vector<16xf32>
      %add3A_1039 = arith.addf %scan3A_998#12, %mul3A_1038 : vector<16xf32>
      %get3A_1040 = arith.constant 80 : index
      %get3A_1041 = tpu.vector_load %arg23[%get3A_1040] {strides = array<i32>} : memref<512xf32, #tpu.memory_space<vmem>>, vector<16xf32>,
      %mul3A_1042 = arith.mulf %broadcast_in_dim3A_1009, %get3A_1041 : vector<16xf32>
      %add3A_1043 = arith.addf %scan3A_998#5, %mul3A_1042 : vector<16xf32>
      %mul3A_1044 = arith.mulf %mul3A_1042, %mul3A_1042 : vector<16xf32>
      %add3A_1045 = arith.addf %scan3A_998#13, %mul3A_1044 : vector<16xf32>
      %get3A_1046 = arith.constant 96 : index
      %get3A_1047 = tpu.vector_load %arg23[%get3A_1046] {strides = array<i32>} : memref<512xf32, #tpu.memory_space<vmem>>, vector<16xf32>,
      %mul3A_1048 = arith.mulf %broadcast_in_dim3A_1009, %get3A_1047 : vector<16xf32>
      %add3A_1049 = arith.addf %scan3A_998#6, %mul3A_1048 : vector<16xf32>
      %mul3A_1050 = arith.mulf %mul3A_1048, %mul3A_1048 : vector<16xf32>
      %add3A_1051 = arith.addf %scan3A_998#14, %mul3A_1050 : vector<16xf32>
      %get3A_1052 = arith.constant 112 : index
      %get3A_1053 = tpu.vector_load %arg23[%get3A_1052] {strides = array<i32>} : memref<512xf32, #tpu.memory_space<vmem>>, vector<16xf32>,
      %mul3A_1054 = arith.mulf %broadcast_in_dim3A_1009, %get3A_1053 : vector<16xf32>
      %add3A_1055 = arith.addf %scan3A_998#7, %mul3A_1054 : vector<16xf32>
      %mul3A_1056 = arith.mulf %mul3A_1054, %mul3A_1054 : vector<16xf32>
      %add3A_1057 = arith.addf %scan3A_998#15, %mul3A_1056 : vector<16xf32>
      %slice3A_1058 = vector.extract_strided_slice %bitcast3A_1006 {offsets = [1], sizes = [1], strides = [1]} : vector<16xf32> to vector<1xf32>
      %squeeze3A_1059 = vector.extract %slice3A_1058[0] : f32 from vector<1xf32>
      %broadcast_in_dim3A_1060 = vector.broadcast %squeeze3A_1059 : f32 to vector<16xf32>
      %get3A_1061 = arith.constant 128 : index
      %get3A_1062 = tpu.vector_load %arg23[%get3A_1061] {strides = array<i32>} : memref<512xf32, #tpu.memory_space<vmem>>, vector<16xf32>,
      %mul3A_1063 = arith.mulf %broadcast_in_dim3A_1060, %get3A_1062 : vector<16xf32>
      %add3A_1064 = arith.addf %add3A_1013, %mul3A_1063 : vector<16xf32>
      %mul3A_1065 = arith.mulf %mul3A_1063, %mul3A_1063 : vector<16xf32>
      %add3A_1066 = arith.addf %add3A_1015, %mul3A_1065 : vector<16xf32>
      %get3A_1067 = arith.constant 144 : index
      %get3A_1068 = tpu.vector_load %arg23[%get3A_1067] {strides = array<i32>} : memref<512xf32, #tpu.memory_space<vmem>>, vector<16xf32>,
      %mul3A_1069 = arith.mulf %broadcast_in_dim3A_1060, %get3A_1068 : vector<16xf32>
      %add3A_1070 = arith.addf %add3A_1019, %mul3A_1069 : vector<16xf32>
      %mul3A_1071 = arith.mulf %mul3A_1069, %mul3A_1069 : vector<16xf32>
      %add3A_1072 = arith.addf %add3A_1021, %mul3A_1071 : vector<16xf32>
      %get3A_1073 = arith.constant 160 : index
      %get3A_1074 = tpu.vector_load %arg23[%get3A_1073] {strides = array<i32>} : memref<512xf32, #tpu.memory_space<vmem>>, vector<16xf32>,
      %mul3A_1075 = arith.mulf %broadcast_in_dim3A_1060, %get3A_1074 : vector<16xf32>
      %add3A_1076 = arith.addf %add3A_1025, %mul3A_1075 : vector<16xf32>
      %mul3A_1077 = arith.mulf %mul3A_1075, %mul3A_1075 : vector<16xf32>
      %add3A_1078 = arith.addf %add3A_1027, %mul3A_1077 : vector<16xf32>
      %get3A_1079 = arith.constant 176 : index
      %get3A_1080 = tpu.vector_load %arg23[%get3A_1079] {strides = array<i32>} : memref<512xf32, #tpu.memory_space<vmem>>, vector<16xf32>,
      %mul3A_1081 = arith.mulf %broadcast_in_dim3A_1060, %get3A_1080 : vector<16xf32>
      %add3A_1082 = arith.addf %add3A_1031, %mul3A_1081 : vector<16xf32>
      %mul3A_1083 = arith.mulf %mul3A_1081, %mul3A_1081 : vector<16xf32>
      %add3A_1084 = arith.addf %add3A_1033, %mul3A_1083 : vector<16xf32>
      %get3A_1085 = arith.constant 192 : index
      %get3A_1086 = tpu.vector_load %arg23[%get3A_1085] {strides = array<i32>} : memref<512xf32, #tpu.memory_space<vmem>>, vector<16xf32>,
      %mul3A_1087 = arith.mulf %broadcast_in_dim3A_1060, %get3A_1086 : vector<16xf32>
      %add3A_1088 = arith.addf %add3A_1037, %mul3A_1087 : vector<16xf32>
      %mul3A_1089 = arith.mulf %mul3A_1087, %mul3A_1087 : vector<16xf32>
      %add3A_1090 = arith.addf %add3A_1039, %mul3A_1089 : vector<16xf32>
      %get3A_1091 = arith.constant 208 : index
      %get3A_1092 = tpu.vector_load %arg23[%get3A_1091] {strides = array<i32>} : memref<512xf32, #tpu.memory_space<vmem>>, vector<16xf32>,
      %mul3A_1093 = arith.mulf %broadcast_in_dim3A_1060, %get3A_1092 : vector<16xf32>
      %add3A_1094 = arith.addf %add3A_1043, %mul3A_1093 : vector<16xf32>
      %mul3A_1095 = arith.mulf %mul3A_1093, %mul3A_1093 : vector<16xf32>
      %add3A_1096 = arith.addf %add3A_1045, %mul3A_1095 : vector<16xf32>
      %get3A_1097 = arith.constant 224 : index
      %get3A_1098 = tpu.vector_load %arg23[%get3A_1097] {strides = array<i32>} : memref<512xf32, #tpu.memory_space<vmem>>, vector<16xf32>,
      %mul3A_1099 = arith.mulf %broadcast_in_dim3A_1060, %get3A_1098 : vector<16xf32>
      %add3A_1100 = arith.addf %add3A_1049, %mul3A_1099 : vector<16xf32>
      %mul3A_1101 = arith.mulf %mul3A_1099, %mul3A_1099 : vector<16xf32>
      %add3A_1102 = arith.addf %add3A_1051, %mul3A_1101 : vector<16xf32>
      %get3A_1103 = arith.constant 240 : index
      %get3A_1104 = tpu.vector_load %arg23[%get3A_1103] {strides = array<i32>} : memref<512xf32, #tpu.memory_space<vmem>>, vector<16xf32>,
      %mul3A_1105 = arith.mulf %broadcast_in_dim3A_1060, %get3A_1104 : vector<16xf32>
      %add3A_1106 = arith.addf %add3A_1055, %mul3A_1105 : vector<16xf32>
      %mul3A_1107 = arith.mulf %mul3A_1105, %mul3A_1105 : vector<16xf32>
      %add3A_1108 = arith.addf %add3A_1057, %mul3A_1107 : vector<16xf32>
      %slice3A_1109 = vector.extract_strided_slice %bitcast3A_1006 {offsets = [2], sizes = [1], strides = [1]} : vector<16xf32> to vector<1xf32>
      %squeeze3A_1110 = vector.extract %slice3A_1109[0] : f32 from vector<1xf32>
      %broadcast_in_dim3A_1111 = vector.broadcast %squeeze3A_1110 : f32 to vector<16xf32>
      %get3A_1112 = arith.constant 256 : index
      %get3A_1113 = tpu.vector_load %arg23[%get3A_1112] {strides = array<i32>} : memref<512xf32, #tpu.memory_space<vmem>>, vector<16xf32>,
      %mul3A_1114 = arith.mulf %broadcast_in_dim3A_1111, %get3A_1113 : vector<16xf32>
      %add3A_1115 = arith.addf %add3A_1064, %mul3A_1114 : vector<16xf32>
      %mul3A_1116 = arith.mulf %mul3A_1114, %mul3A_1114 : vector<16xf32>
      %add3A_1117 = arith.addf %add3A_1066, %mul3A_1116 : vector<16xf32>
      %get3A_1118 = arith.constant 272 : index
      %get3A_1119 = tpu.vector_load %arg23[%get3A_1118] {strides = array<i32>} : memref<512xf32, #tpu.memory_space<vmem>>, vector<16xf32>,
      %mul3A_1120 = arith.mulf %broadcast_in_dim3A_1111, %get3A_1119 : vector<16xf32>
      %add3A_1121 = arith.addf %add3A_1070, %mul3A_1120 : vector<16xf32>
      %mul3A_1122 = arith.mulf %mul3A_1120, %mul3A_1120 : vector<16xf32>
      %add3A_1123 = arith.addf %add3A_1072, %mul3A_1122 : vector<16xf32>
      %get3A_1124 = arith.constant 288 : index
      %get3A_1125 = tpu.vector_load %arg23[%get3A_1124] {strides = array<i32>} : memref<512xf32, #tpu.memory_space<vmem>>, vector<16xf32>,
      %mul3A_1126 = arith.mulf %broadcast_in_dim3A_1111, %get3A_1125 : vector<16xf32>
      %add3A_1127 = arith.addf %add3A_1076, %mul3A_1126 : vector<16xf32>
      %mul3A_1128 = arith.mulf %mul3A_1126, %mul3A_1126 : vector<16xf32>
      %add3A_1129 = arith.addf %add3A_1078, %mul3A_1128 : vector<16xf32>
      %get3A_1130 = arith.constant 304 : index
      %get3A_1131 = tpu.vector_load %arg23[%get3A_1130] {strides = array<i32>} : memref<512xf32, #tpu.memory_space<vmem>>, vector<16xf32>,
      %mul3A_1132 = arith.mulf %broadcast_in_dim3A_1111, %get3A_1131 : vector<16xf32>
      %add3A_1133 = arith.addf %add3A_1082, %mul3A_1132 : vector<16xf32>
      %mul3A_1134 = arith.mulf %mul3A_1132, %mul3A_1132 : vector<16xf32>
      %add3A_1135 = arith.addf %add3A_1084, %mul3A_1134 : vector<16xf32>
      %get3A_1136 = arith.constant 320 : index
      %get3A_1137 = tpu.vector_load %arg23[%get3A_1136] {strides = array<i32>} : memref<512xf32, #tpu.memory_space<vmem>>, vector<16xf32>,
      %mul3A_1138 = arith.mulf %broadcast_in_dim3A_1111, %get3A_1137 : vector<16xf32>
      %add3A_1139 = arith.addf %add3A_1088, %mul3A_1138 : vector<16xf32>
      %mul3A_1140 = arith.mulf %mul3A_1138, %mul3A_1138 : vector<16xf32>
      %add3A_1141 = arith.addf %add3A_1090, %mul3A_1140 : vector<16xf32>
      %get3A_1142 = arith.constant 336 : index
      %get3A_1143 = tpu.vector_load %arg23[%get3A_1142] {strides = array<i32>} : memref<512xf32, #tpu.memory_space<vmem>>, vector<16xf32>,
      %mul3A_1144 = arith.mulf %broadcast_in_dim3A_1111, %get3A_1143 : vector<16xf32>
      %add3A_1145 = arith.addf %add3A_1094, %mul3A_1144 : vector<16xf32>
      %mul3A_1146 = arith.mulf %mul3A_1144, %mul3A_1144 : vector<16xf32>
      %add3A_1147 = arith.addf %add3A_1096, %mul3A_1146 : vector<16xf32>
      %get3A_1148 = arith.constant 352 : index
      %get3A_1149 = tpu.vector_load %arg23[%get3A_1148] {strides = array<i32>} : memref<512xf32, #tpu.memory_space<vmem>>, vector<16xf32>,
      %mul3A_1150 = arith.mulf %broadcast_in_dim3A_1111, %get3A_1149 : vector<16xf32>
      %add3A_1151 = arith.addf %add3A_1100, %mul3A_1150 : vector<16xf32>
      %mul3A_1152 = arith.mulf %mul3A_1150, %mul3A_1150 : vector<16xf32>
      %add3A_1153 = arith.addf %add3A_1102, %mul3A_1152 : vector<16xf32>
      %get3A_1154 = arith.constant 368 : index
      %get3A_1155 = tpu.vector_load %arg23[%get3A_1154] {strides = array<i32>} : memref<512xf32, #tpu.memory_space<vmem>>, vector<16xf32>,
      %mul3A_1156 = arith.mulf %broadcast_in_dim3A_1111, %get3A_1155 : vector<16xf32>
      %add3A_1157 = arith.addf %add3A_1106, %mul3A_1156 : vector<16xf32>
      %mul3A_1158 = arith.mulf %mul3A_1156, %mul3A_1156 : vector<16xf32>
      %add3A_1159 = arith.addf %add3A_1108, %mul3A_1158 : vector<16xf32>
      %slice3A_1160 = vector.extract_strided_slice %bitcast3A_1006 {offsets = [3], sizes = [1], strides = [1]} : vector<16xf32> to vector<1xf32>
      %squeeze3A_1161 = vector.extract %slice3A_1160[0] : f32 from vector<1xf32>
      %broadcast_in_dim3A_1162 = vector.broadcast %squeeze3A_1161 : f32 to vector<16xf32>
      %get3A_1163 = arith.constant 384 : index
      %get3A_1164 = tpu.vector_load %arg23[%get3A_1163] {strides = array<i32>} : memref<512xf32, #tpu.memory_space<vmem>>, vector<16xf32>,
      %mul3A_1165 = arith.mulf %broadcast_in_dim3A_1162, %get3A_1164 : vector<16xf32>
      %add3A_1166 = arith.addf %add3A_1115, %mul3A_1165 : vector<16xf32>
      %mul3A_1167 = arith.mulf %mul3A_1165, %mul3A_1165 : vector<16xf32>
      %add3A_1168 = arith.addf %add3A_1117, %mul3A_1167 : vector<16xf32>
      %get3A_1169 = arith.constant 400 : index
      %get3A_1170 = tpu.vector_load %arg23[%get3A_1169] {strides = array<i32>} : memref<512xf32, #tpu.memory_space<vmem>>, vector<16xf32>,
      %mul3A_1171 = arith.mulf %broadcast_in_dim3A_1162, %get3A_1170 : vector<16xf32>
      %add3A_1172 = arith.addf %add3A_1121, %mul3A_1171 : vector<16xf32>
      %mul3A_1173 = arith.mulf %mul3A_1171, %mul3A_1171 : vector<16xf32>
      %add3A_1174 = arith.addf %add3A_1123, %mul3A_1173 : vector<16xf32>
      %get3A_1175 = arith.constant 416 : index
      %get3A_1176 = tpu.vector_load %arg23[%get3A_1175] {strides = array<i32>} : memref<512xf32, #tpu.memory_space<vmem>>, vector<16xf32>,
      %mul3A_1177 = arith.mulf %broadcast_in_dim3A_1162, %get3A_1176 : vector<16xf32>
      %add3A_1178 = arith.addf %add3A_1127, %mul3A_1177 : vector<16xf32>
      %mul3A_1179 = arith.mulf %mul3A_1177, %mul3A_1177 : vector<16xf32>
      %add3A_1180 = arith.addf %add3A_1129, %mul3A_1179 : vector<16xf32>
      %get3A_1181 = arith.constant 432 : index
      %get3A_1182 = tpu.vector_load %arg23[%get3A_1181] {strides = array<i32>} : memref<512xf32, #tpu.memory_space<vmem>>, vector<16xf32>,
      %mul3A_1183 = arith.mulf %broadcast_in_dim3A_1162, %get3A_1182 : vector<16xf32>
      %add3A_1184 = arith.addf %add3A_1133, %mul3A_1183 : vector<16xf32>
      %mul3A_1185 = arith.mulf %mul3A_1183, %mul3A_1183 : vector<16xf32>
      %add3A_1186 = arith.addf %add3A_1135, %mul3A_1185 : vector<16xf32>
      %get3A_1187 = arith.constant 448 : index
      %get3A_1188 = tpu.vector_load %arg23[%get3A_1187] {strides = array<i32>} : memref<512xf32, #tpu.memory_space<vmem>>, vector<16xf32>,
      %mul3A_1189 = arith.mulf %broadcast_in_dim3A_1162, %get3A_1188 : vector<16xf32>
      %add3A_1190 = arith.addf %add3A_1139, %mul3A_1189 : vector<16xf32>
      %mul3A_1191 = arith.mulf %mul3A_1189, %mul3A_1189 : vector<16xf32>
      %add3A_1192 = arith.addf %add3A_1141, %mul3A_1191 : vector<16xf32>
      %get3A_1193 = arith.constant 464 : index
      %get3A_1194 = tpu.vector_load %arg23[%get3A_1193] {strides = array<i32>} : memref<512xf32, #tpu.memory_space<vmem>>, vector<16xf32>,
      %mul3A_1195 = arith.mulf %broadcast_in_dim3A_1162, %get3A_1194 : vector<16xf32>
      %add3A_1196 = arith.addf %add3A_1145, %mul3A_1195 : vector<16xf32>
      %mul3A_1197 = arith.mulf %mul3A_1195, %mul3A_1195 : vector<16xf32>
      %add3A_1198 = arith.addf %add3A_1147, %mul3A_1197 : vector<16xf32>
      %get3A_1199 = arith.constant 480 : index
      %get3A_1200 = tpu.vector_load %arg23[%get3A_1199] {strides = array<i32>} : memref<512xf32, #tpu.memory_space<vmem>>, vector<16xf32>,
      %mul3A_1201 = arith.mulf %broadcast_in_dim3A_1162, %get3A_1200 : vector<16xf32>
      %add3A_1202 = arith.addf %add3A_1151, %mul3A_1201 : vector<16xf32>
      %mul3A_1203 = arith.mulf %mul3A_1201, %mul3A_1201 : vector<16xf32>
      %add3A_1204 = arith.addf %add3A_1153, %mul3A_1203 : vector<16xf32>
      %get3A_1205 = arith.constant 496 : index
      %get3A_1206 = tpu.vector_load %arg23[%get3A_1205] {strides = array<i32>} : memref<512xf32, #tpu.memory_space<vmem>>, vector<16xf32>,
      %mul3A_1207 = arith.mulf %broadcast_in_dim3A_1162, %get3A_1206 : vector<16xf32>
      %add3A_1208 = arith.addf %add3A_1157, %mul3A_1207 : vector<16xf32>
      %mul3A_1209 = arith.mulf %mul3A_1207, %mul3A_1207 : vector<16xf32>
      %add3A_1210 = arith.addf %add3A_1159, %mul3A_1209 : vector<16xf32>
      %mul3A_1211 = arith.mulf %add3A_1166, %add3A_1166 : vector<16xf32>
      %sub3A_1212 = arith.subf %mul3A_1211, %add3A_1168 : vector<16xf32>
      %add3A_1213 = arith.addf %broadcast_in_dim3A_5, %sub3A_1212 : vector<16xf32>
      %mul3A_1214 = arith.mulf %add3A_1172, %add3A_1172 : vector<16xf32>
      %sub3A_1215 = arith.subf %mul3A_1214, %add3A_1174 : vector<16xf32>
      %add3A_1216 = arith.addf %add3A_1213, %sub3A_1215 : vector<16xf32>
      %mul3A_1217 = arith.mulf %add3A_1178, %add3A_1178 : vector<16xf32>
      %sub3A_1218 = arith.subf %mul3A_1217, %add3A_1180 : vector<16xf32>
      %add3A_1219 = arith.addf %add3A_1216, %sub3A_1218 : vector<16xf32>
      %mul3A_1220 = arith.mulf %add3A_1184, %add3A_1184 : vector<16xf32>
      %sub3A_1221 = arith.subf %mul3A_1220, %add3A_1186 : vector<16xf32>
      %add3A_1222 = arith.addf %add3A_1219, %sub3A_1221 : vector<16xf32>
      %mul3A_1223 = arith.mulf %add3A_1190, %add3A_1190 : vector<16xf32>
      %sub3A_1224 = arith.subf %mul3A_1223, %add3A_1192 : vector<16xf32>
      %add3A_1225 = arith.addf %add3A_1222, %sub3A_1224 : vector<16xf32>
      %mul3A_1226 = arith.mulf %add3A_1196, %add3A_1196 : vector<16xf32>
      %sub3A_1227 = arith.subf %mul3A_1226, %add3A_1198 : vector<16xf32>
      %add3A_1228 = arith.addf %add3A_1225, %sub3A_1227 : vector<16xf32>
      %mul3A_1229 = arith.mulf %add3A_1202, %add3A_1202 : vector<16xf32>
      %sub3A_1230 = arith.subf %mul3A_1229, %add3A_1204 : vector<16xf32>
      %add3A_1231 = arith.addf %add3A_1228, %sub3A_1230 : vector<16xf32>
      %mul3A_1232 = arith.mulf %add3A_1208, %add3A_1208 : vector<16xf32>
      %sub3A_1233 = arith.subf %mul3A_1232, %add3A_1210 : vector<16xf32>
      %add3A_1234 = arith.addf %add3A_1231, %sub3A_1233 : vector<16xf32>
      %mul3A_1235 = arith.constant 16 : i32
      %mul3A_1236 = arith.muli %add3A_980, %mul3A_1235 : i32
      %swap3A_1237 = arith.index_cast %mul3A_1236 : i32 to index
      %swap3A_1238 = tpu.vector_load %arg24[%swap3A_1237] {strides = array<i32>} : memref<2048xf32, #tpu.memory_space<vmem>>, vector<16xf32>,
      tpu.vector_store %arg24[%swap3A_1237], %add3A_1234 {strides = array<i32>} : memref<2048xf32, #tpu.memory_space<vmem>>, vector<16xf32>,
      %mul3A_1239 = arith.constant 4 : i32
      %mul3A_1240 = arith.muli %scan3A_458, %mul3A_1239 : i32
      %add3A_1241 = arith.constant 3 : i32
      %add3A_1242 = arith.addi %mul3A_1240, %add3A_1241 : i32
      %add3A_1243 = arith.constant 3 : i32
      %add3A_1244 = arith.addi %add3A_1242, %add3A_1243 : i32
      %lt3A_1245 = arith.constant 128 : i32
      %lt3A_1246 = arith.cmpi slt, %add3A_1244, %lt3A_1245 : i32
      %convert_element_type3A_1247 = arith.extui %lt3A_1246 : i1 to i32
      %cond3A_1248 = arith.constant 0 : i32
      %cond3A_1249 = arith.cmpi ne, %convert_element_type3A_1247, %cond3A_1248 : i32
      scf.if %cond3A_1249 {
        %add3A_1501 = arith.constant 3 : i32
        %add3A_1502 = arith.addi %add3A_1242, %add3A_1501 : i32
        %mul3A_1503 = arith.constant 88 : i32
        %mul3A_1504 = arith.muli %add3A_1502, %mul3A_1503 : i32
        %dma_start3A_1505 = tpu.memref_slice %arg14[%mul3A_1504] : memref<11280xi32, #tpu.memory_space<vmem>> -> memref<80xi32, #tpu.memory_space<vmem>>
        %dma_start3A_1506 = arith.constant 0 : i32
        %dma_start3A_1507 = arith.constant 0 : i32
        %dma_start3A_1508 = tpu.memref_slice %arg13[%dma_start3A_1506, %dma_start3A_1507] : memref<16016x128xf32, #tpu.memory_space<hbm>> -> memref<16016x128xf32, #tpu.memory_space<hbm>>
        tpu.enqueue_indirect_dma source(%dma_start3A_1508 : memref<16016x128xf32, #tpu.memory_space<hbm>>) target(%arg17 : memref<80x128xf32, #tpu.memory_space<vmem>>) offsets(%dma_start3A_1505 : memref<80xi32, #tpu.memory_space<vmem>>) semaphore(%arg29 : memref<!tpu.dma_semaphore, #tpu.memory_space<semaphore_mem>>)
      } else {
      }
      %mul3A_1250 = arith.constant 88 : i32
      %mul3A_1251 = arith.muli %add3A_1242, %mul3A_1250 : i32
      %dma_wait3A_1252 = tpu.memref_slice %arg14[%mul3A_1251] : memref<11280xi32, #tpu.memory_space<vmem>> -> memref<80xi32, #tpu.memory_space<vmem>>
      %dma_wait3A_1253 = arith.constant 0 : i32
      %dma_wait3A_1254 = arith.constant 0 : i32
      %dma_wait3A_1255 = tpu.memref_slice %arg13[%dma_wait3A_1253, %dma_wait3A_1254] : memref<16016x128xf32, #tpu.memory_space<hbm>> -> memref<16016x128xf32, #tpu.memory_space<hbm>>
      tpu.wait_indirect_dma semaphore(%arg30 : memref<!tpu.dma_semaphore, #tpu.memory_space<semaphore_mem>>) src(%dma_wait3A_1255 : memref<16016x128xf32, #tpu.memory_space<hbm>>) dst(%arg18 : memref<80x128xf32, #tpu.memory_space<vmem>>)
      %scan3A_1256 = arith.constant 0 : i32
      %scan3A_1257 = arith.constant 80 : i32
      %scan3A_1258 = arith.addi %scan3A_1256, %scan3A_1257 : i32
      %scan3A_1259 = arith.constant 4 : i32
      %scan3A_1260:16 = scf.for %scan3A_1501 = %scan3A_1256 to %scan3A_1258 step %scan3A_1259 iter_args(%scan3A_1502 = %broadcast_in_dim3A_5, %scan3A_1503 = %broadcast_in_dim3A_5, %scan3A_1504 = %broadcast_in_dim3A_5, %scan3A_1505 = %broadcast_in_dim3A_5, %scan3A_1506 = %broadcast_in_dim3A_5, %scan3A_1507 = %broadcast_in_dim3A_5, %scan3A_1508 = %broadcast_in_dim3A_5, %scan3A_1509 = %broadcast_in_dim3A_5, %scan3A_1510 = %broadcast_in_dim3A_5, %scan3A_1511 = %broadcast_in_dim3A_5, %scan3A_1512 = %broadcast_in_dim3A_5, %scan3A_1513 = %broadcast_in_dim3A_5, %scan3A_1514 = %broadcast_in_dim3A_5, %scan3A_1515 = %broadcast_in_dim3A_5, %scan3A_1516 = %broadcast_in_dim3A_5, %scan3A_1517 = %broadcast_in_dim3A_5) -> (vector<16xf32>, vector<16xf32>, vector<16xf32>, vector<16xf32>, vector<16xf32>, vector<16xf32>, vector<16xf32>, vector<16xf32>, vector<16xf32>, vector<16xf32>, vector<16xf32>, vector<16xf32>, vector<16xf32>, vector<16xf32>, vector<16xf32>, vector<16xf32>)  : i32 {
        %get3A_1518 = arith.index_cast %scan3A_1501 : i32 to index
        %get3A_1519 = arith.constant 0 : index
        %get3A_1520 = tpu.vector_load %arg18[%get3A_1518, %get3A_1519] {strides = array<i32>} : memref<80x128xf32, #tpu.memory_space<vmem>>, vector<16xf32>,
        %add3A_1521 = arith.addf %scan3A_1502, %get3A_1520 : vector<16xf32>
        %mul3A_1522 = arith.mulf %get3A_1520, %get3A_1520 : vector<16xf32>
        %add3A_1523 = arith.addf %scan3A_1510, %mul3A_1522 : vector<16xf32>
        %get3A_1524 = arith.index_cast %scan3A_1501 : i32 to index
        %get3A_1525 = arith.constant 16 : index
        %get3A_1526 = tpu.vector_load %arg18[%get3A_1524, %get3A_1525] {strides = array<i32>} : memref<80x128xf32, #tpu.memory_space<vmem>>, vector<16xf32>,
        %add3A_1527 = arith.addf %scan3A_1503, %get3A_1526 : vector<16xf32>
        %mul3A_1528 = arith.mulf %get3A_1526, %get3A_1526 : vector<16xf32>
        %add3A_1529 = arith.addf %scan3A_1511, %mul3A_1528 : vector<16xf32>
        %get3A_1530 = arith.index_cast %scan3A_1501 : i32 to index
        %get3A_1531 = arith.constant 32 : index
        %get3A_1532 = tpu.vector_load %arg18[%get3A_1530, %get3A_1531] {strides = array<i32>} : memref<80x128xf32, #tpu.memory_space<vmem>>, vector<16xf32>,
        %add3A_1533 = arith.addf %scan3A_1504, %get3A_1532 : vector<16xf32>
        %mul3A_1534 = arith.mulf %get3A_1532, %get3A_1532 : vector<16xf32>
        %add3A_1535 = arith.addf %scan3A_1512, %mul3A_1534 : vector<16xf32>
        %get3A_1536 = arith.index_cast %scan3A_1501 : i32 to index
        %get3A_1537 = arith.constant 48 : index
        %get3A_1538 = tpu.vector_load %arg18[%get3A_1536, %get3A_1537] {strides = array<i32>} : memref<80x128xf32, #tpu.memory_space<vmem>>, vector<16xf32>,
        %add3A_1539 = arith.addf %scan3A_1505, %get3A_1538 : vector<16xf32>
        %mul3A_1540 = arith.mulf %get3A_1538, %get3A_1538 : vector<16xf32>
        %add3A_1541 = arith.addf %scan3A_1513, %mul3A_1540 : vector<16xf32>
        %get3A_1542 = arith.index_cast %scan3A_1501 : i32 to index
        %get3A_1543 = arith.constant 64 : index
        %get3A_1544 = tpu.vector_load %arg18[%get3A_1542, %get3A_1543] {strides = array<i32>} : memref<80x128xf32, #tpu.memory_space<vmem>>, vector<16xf32>,
        %add3A_1545 = arith.addf %scan3A_1506, %get3A_1544 : vector<16xf32>
        %mul3A_1546 = arith.mulf %get3A_1544, %get3A_1544 : vector<16xf32>
        %add3A_1547 = arith.addf %scan3A_1514, %mul3A_1546 : vector<16xf32>
        %get3A_1548 = arith.index_cast %scan3A_1501 : i32 to index
        %get3A_1549 = arith.constant 80 : index
        %get3A_1550 = tpu.vector_load %arg18[%get3A_1548, %get3A_1549] {strides = array<i32>} : memref<80x128xf32, #tpu.memory_space<vmem>>, vector<16xf32>,
        %add3A_1551 = arith.addf %scan3A_1507, %get3A_1550 : vector<16xf32>
        %mul3A_1552 = arith.mulf %get3A_1550, %get3A_1550 : vector<16xf32>
        %add3A_1553 = arith.addf %scan3A_1515, %mul3A_1552 : vector<16xf32>
        %get3A_1554 = arith.index_cast %scan3A_1501 : i32 to index
        %get3A_1555 = arith.constant 96 : index
        %get3A_1556 = tpu.vector_load %arg18[%get3A_1554, %get3A_1555] {strides = array<i32>} : memref<80x128xf32, #tpu.memory_space<vmem>>, vector<16xf32>,
        %add3A_1557 = arith.addf %scan3A_1508, %get3A_1556 : vector<16xf32>
        %mul3A_1558 = arith.mulf %get3A_1556, %get3A_1556 : vector<16xf32>
        %add3A_1559 = arith.addf %scan3A_1516, %mul3A_1558 : vector<16xf32>
        %get3A_1560 = arith.index_cast %scan3A_1501 : i32 to index
        %get3A_1561 = arith.constant 112 : index
        %get3A_1562 = tpu.vector_load %arg18[%get3A_1560, %get3A_1561] {strides = array<i32>} : memref<80x128xf32, #tpu.memory_space<vmem>>, vector<16xf32>,
        %add3A_1563 = arith.addf %scan3A_1509, %get3A_1562 : vector<16xf32>
        %mul3A_1564 = arith.mulf %get3A_1562, %get3A_1562 : vector<16xf32>
        %add3A_1565 = arith.addf %scan3A_1517, %mul3A_1564 : vector<16xf32>
        %scan3A_1566 = arith.constant 1 : i32
        %scan3A_1567 = arith.addi %scan3A_1501, %scan3A_1566 : i32
        %get3A_1568 = arith.index_cast %scan3A_1567 : i32 to index
        %get3A_1569 = arith.constant 0 : index
        %get3A_1570 = tpu.vector_load %arg18[%get3A_1568, %get3A_1569] {strides = array<i32>} : memref<80x128xf32, #tpu.memory_space<vmem>>, vector<16xf32>,
        %add3A_1571 = arith.addf %add3A_1521, %get3A_1570 : vector<16xf32>
        %mul3A_1572 = arith.mulf %get3A_1570, %get3A_1570 : vector<16xf32>
        %add3A_1573 = arith.addf %add3A_1523, %mul3A_1572 : vector<16xf32>
        %get3A_1574 = arith.index_cast %scan3A_1567 : i32 to index
        %get3A_1575 = arith.constant 16 : index
        %get3A_1576 = tpu.vector_load %arg18[%get3A_1574, %get3A_1575] {strides = array<i32>} : memref<80x128xf32, #tpu.memory_space<vmem>>, vector<16xf32>,
        %add3A_1577 = arith.addf %add3A_1527, %get3A_1576 : vector<16xf32>
        %mul3A_1578 = arith.mulf %get3A_1576, %get3A_1576 : vector<16xf32>
        %add3A_1579 = arith.addf %add3A_1529, %mul3A_1578 : vector<16xf32>
        %get3A_1580 = arith.index_cast %scan3A_1567 : i32 to index
        %get3A_1581 = arith.constant 32 : index
        %get3A_1582 = tpu.vector_load %arg18[%get3A_1580, %get3A_1581] {strides = array<i32>} : memref<80x128xf32, #tpu.memory_space<vmem>>, vector<16xf32>,
        %add3A_1583 = arith.addf %add3A_1533, %get3A_1582 : vector<16xf32>
        %mul3A_1584 = arith.mulf %get3A_1582, %get3A_1582 : vector<16xf32>
        %add3A_1585 = arith.addf %add3A_1535, %mul3A_1584 : vector<16xf32>
        %get3A_1586 = arith.index_cast %scan3A_1567 : i32 to index
        %get3A_1587 = arith.constant 48 : index
        %get3A_1588 = tpu.vector_load %arg18[%get3A_1586, %get3A_1587] {strides = array<i32>} : memref<80x128xf32, #tpu.memory_space<vmem>>, vector<16xf32>,
        %add3A_1589 = arith.addf %add3A_1539, %get3A_1588 : vector<16xf32>
        %mul3A_1590 = arith.mulf %get3A_1588, %get3A_1588 : vector<16xf32>
        %add3A_1591 = arith.addf %add3A_1541, %mul3A_1590 : vector<16xf32>
        %get3A_1592 = arith.index_cast %scan3A_1567 : i32 to index
        %get3A_1593 = arith.constant 64 : index
        %get3A_1594 = tpu.vector_load %arg18[%get3A_1592, %get3A_1593] {strides = array<i32>} : memref<80x128xf32, #tpu.memory_space<vmem>>, vector<16xf32>,
        %add3A_1595 = arith.addf %add3A_1545, %get3A_1594 : vector<16xf32>
        %mul3A_1596 = arith.mulf %get3A_1594, %get3A_1594 : vector<16xf32>
        %add3A_1597 = arith.addf %add3A_1547, %mul3A_1596 : vector<16xf32>
        %get3A_1598 = arith.index_cast %scan3A_1567 : i32 to index
        %get3A_1599 = arith.constant 80 : index
        %get3A_1600 = tpu.vector_load %arg18[%get3A_1598, %get3A_1599] {strides = array<i32>} : memref<80x128xf32, #tpu.memory_space<vmem>>, vector<16xf32>,
        %add3A_1601 = arith.addf %add3A_1551, %get3A_1600 : vector<16xf32>
        %mul3A_1602 = arith.mulf %get3A_1600, %get3A_1600 : vector<16xf32>
        %add3A_1603 = arith.addf %add3A_1553, %mul3A_1602 : vector<16xf32>
        %get3A_1604 = arith.index_cast %scan3A_1567 : i32 to index
        %get3A_1605 = arith.constant 96 : index
        %get3A_1606 = tpu.vector_load %arg18[%get3A_1604, %get3A_1605] {strides = array<i32>} : memref<80x128xf32, #tpu.memory_space<vmem>>, vector<16xf32>,
        %add3A_1607 = arith.addf %add3A_1557, %get3A_1606 : vector<16xf32>
        %mul3A_1608 = arith.mulf %get3A_1606, %get3A_1606 : vector<16xf32>
        %add3A_1609 = arith.addf %add3A_1559, %mul3A_1608 : vector<16xf32>
        %get3A_1610 = arith.index_cast %scan3A_1567 : i32 to index
        %get3A_1611 = arith.constant 112 : index
        %get3A_1612 = tpu.vector_load %arg18[%get3A_1610, %get3A_1611] {strides = array<i32>} : memref<80x128xf32, #tpu.memory_space<vmem>>, vector<16xf32>,
        %add3A_1613 = arith.addf %add3A_1563, %get3A_1612 : vector<16xf32>
        %mul3A_1614 = arith.mulf %get3A_1612, %get3A_1612 : vector<16xf32>
        %add3A_1615 = arith.addf %add3A_1565, %mul3A_1614 : vector<16xf32>
        %scan3A_1616 = arith.constant 2 : i32
        %scan3A_1617 = arith.addi %scan3A_1501, %scan3A_1616 : i32
        %get3A_1618 = arith.index_cast %scan3A_1617 : i32 to index
        %get3A_1619 = arith.constant 0 : index
        %get3A_1620 = tpu.vector_load %arg18[%get3A_1618, %get3A_1619] {strides = array<i32>} : memref<80x128xf32, #tpu.memory_space<vmem>>, vector<16xf32>,
        %add3A_1621 = arith.addf %add3A_1571, %get3A_1620 : vector<16xf32>
        %mul3A_1622 = arith.mulf %get3A_1620, %get3A_1620 : vector<16xf32>
        %add3A_1623 = arith.addf %add3A_1573, %mul3A_1622 : vector<16xf32>
        %get3A_1624 = arith.index_cast %scan3A_1617 : i32 to index
        %get3A_1625 = arith.constant 16 : index
        %get3A_1626 = tpu.vector_load %arg18[%get3A_1624, %get3A_1625] {strides = array<i32>} : memref<80x128xf32, #tpu.memory_space<vmem>>, vector<16xf32>,
        %add3A_1627 = arith.addf %add3A_1577, %get3A_1626 : vector<16xf32>
        %mul3A_1628 = arith.mulf %get3A_1626, %get3A_1626 : vector<16xf32>
        %add3A_1629 = arith.addf %add3A_1579, %mul3A_1628 : vector<16xf32>
        %get3A_1630 = arith.index_cast %scan3A_1617 : i32 to index
        %get3A_1631 = arith.constant 32 : index
        %get3A_1632 = tpu.vector_load %arg18[%get3A_1630, %get3A_1631] {strides = array<i32>} : memref<80x128xf32, #tpu.memory_space<vmem>>, vector<16xf32>,
        %add3A_1633 = arith.addf %add3A_1583, %get3A_1632 : vector<16xf32>
        %mul3A_1634 = arith.mulf %get3A_1632, %get3A_1632 : vector<16xf32>
        %add3A_1635 = arith.addf %add3A_1585, %mul3A_1634 : vector<16xf32>
        %get3A_1636 = arith.index_cast %scan3A_1617 : i32 to index
        %get3A_1637 = arith.constant 48 : index
        %get3A_1638 = tpu.vector_load %arg18[%get3A_1636, %get3A_1637] {strides = array<i32>} : memref<80x128xf32, #tpu.memory_space<vmem>>, vector<16xf32>,
        %add3A_1639 = arith.addf %add3A_1589, %get3A_1638 : vector<16xf32>
        %mul3A_1640 = arith.mulf %get3A_1638, %get3A_1638 : vector<16xf32>
        %add3A_1641 = arith.addf %add3A_1591, %mul3A_1640 : vector<16xf32>
        %get3A_1642 = arith.index_cast %scan3A_1617 : i32 to index
        %get3A_1643 = arith.constant 64 : index
        %get3A_1644 = tpu.vector_load %arg18[%get3A_1642, %get3A_1643] {strides = array<i32>} : memref<80x128xf32, #tpu.memory_space<vmem>>, vector<16xf32>,
        %add3A_1645 = arith.addf %add3A_1595, %get3A_1644 : vector<16xf32>
        %mul3A_1646 = arith.mulf %get3A_1644, %get3A_1644 : vector<16xf32>
        %add3A_1647 = arith.addf %add3A_1597, %mul3A_1646 : vector<16xf32>
        %get3A_1648 = arith.index_cast %scan3A_1617 : i32 to index
        %get3A_1649 = arith.constant 80 : index
        %get3A_1650 = tpu.vector_load %arg18[%get3A_1648, %get3A_1649] {strides = array<i32>} : memref<80x128xf32, #tpu.memory_space<vmem>>, vector<16xf32>,
        %add3A_1651 = arith.addf %add3A_1601, %get3A_1650 : vector<16xf32>
        %mul3A_1652 = arith.mulf %get3A_1650, %get3A_1650 : vector<16xf32>
        %add3A_1653 = arith.addf %add3A_1603, %mul3A_1652 : vector<16xf32>
        %get3A_1654 = arith.index_cast %scan3A_1617 : i32 to index
        %get3A_1655 = arith.constant 96 : index
        %get3A_1656 = tpu.vector_load %arg18[%get3A_1654, %get3A_1655] {strides = array<i32>} : memref<80x128xf32, #tpu.memory_space<vmem>>, vector<16xf32>,
        %add3A_1657 = arith.addf %add3A_1607, %get3A_1656 : vector<16xf32>
        %mul3A_1658 = arith.mulf %get3A_1656, %get3A_1656 : vector<16xf32>
        %add3A_1659 = arith.addf %add3A_1609, %mul3A_1658 : vector<16xf32>
        %get3A_1660 = arith.index_cast %scan3A_1617 : i32 to index
        %get3A_1661 = arith.constant 112 : index
        %get3A_1662 = tpu.vector_load %arg18[%get3A_1660, %get3A_1661] {strides = array<i32>} : memref<80x128xf32, #tpu.memory_space<vmem>>, vector<16xf32>,
        %add3A_1663 = arith.addf %add3A_1613, %get3A_1662 : vector<16xf32>
        %mul3A_1664 = arith.mulf %get3A_1662, %get3A_1662 : vector<16xf32>
        %add3A_1665 = arith.addf %add3A_1615, %mul3A_1664 : vector<16xf32>
        %scan3A_1666 = arith.constant 3 : i32
        %scan3A_1667 = arith.addi %scan3A_1501, %scan3A_1666 : i32
        %get3A_1668 = arith.index_cast %scan3A_1667 : i32 to index
        %get3A_1669 = arith.constant 0 : index
        %get3A_1670 = tpu.vector_load %arg18[%get3A_1668, %get3A_1669] {strides = array<i32>} : memref<80x128xf32, #tpu.memory_space<vmem>>, vector<16xf32>,
        %add3A_1671 = arith.addf %add3A_1621, %get3A_1670 : vector<16xf32>
        %mul3A_1672 = arith.mulf %get3A_1670, %get3A_1670 : vector<16xf32>
        %add3A_1673 = arith.addf %add3A_1623, %mul3A_1672 : vector<16xf32>
        %get3A_1674 = arith.index_cast %scan3A_1667 : i32 to index
        %get3A_1675 = arith.constant 16 : index
        %get3A_1676 = tpu.vector_load %arg18[%get3A_1674, %get3A_1675] {strides = array<i32>} : memref<80x128xf32, #tpu.memory_space<vmem>>, vector<16xf32>,
        %add3A_1677 = arith.addf %add3A_1627, %get3A_1676 : vector<16xf32>
        %mul3A_1678 = arith.mulf %get3A_1676, %get3A_1676 : vector<16xf32>
        %add3A_1679 = arith.addf %add3A_1629, %mul3A_1678 : vector<16xf32>
        %get3A_1680 = arith.index_cast %scan3A_1667 : i32 to index
        %get3A_1681 = arith.constant 32 : index
        %get3A_1682 = tpu.vector_load %arg18[%get3A_1680, %get3A_1681] {strides = array<i32>} : memref<80x128xf32, #tpu.memory_space<vmem>>, vector<16xf32>,
        %add3A_1683 = arith.addf %add3A_1633, %get3A_1682 : vector<16xf32>
        %mul3A_1684 = arith.mulf %get3A_1682, %get3A_1682 : vector<16xf32>
        %add3A_1685 = arith.addf %add3A_1635, %mul3A_1684 : vector<16xf32>
        %get3A_1686 = arith.index_cast %scan3A_1667 : i32 to index
        %get3A_1687 = arith.constant 48 : index
        %get3A_1688 = tpu.vector_load %arg18[%get3A_1686, %get3A_1687] {strides = array<i32>} : memref<80x128xf32, #tpu.memory_space<vmem>>, vector<16xf32>,
        %add3A_1689 = arith.addf %add3A_1639, %get3A_1688 : vector<16xf32>
        %mul3A_1690 = arith.mulf %get3A_1688, %get3A_1688 : vector<16xf32>
        %add3A_1691 = arith.addf %add3A_1641, %mul3A_1690 : vector<16xf32>
        %get3A_1692 = arith.index_cast %scan3A_1667 : i32 to index
        %get3A_1693 = arith.constant 64 : index
        %get3A_1694 = tpu.vector_load %arg18[%get3A_1692, %get3A_1693] {strides = array<i32>} : memref<80x128xf32, #tpu.memory_space<vmem>>, vector<16xf32>,
        %add3A_1695 = arith.addf %add3A_1645, %get3A_1694 : vector<16xf32>
        %mul3A_1696 = arith.mulf %get3A_1694, %get3A_1694 : vector<16xf32>
        %add3A_1697 = arith.addf %add3A_1647, %mul3A_1696 : vector<16xf32>
        %get3A_1698 = arith.index_cast %scan3A_1667 : i32 to index
        %get3A_1699 = arith.constant 80 : index
        %get3A_1700 = tpu.vector_load %arg18[%get3A_1698, %get3A_1699] {strides = array<i32>} : memref<80x128xf32, #tpu.memory_space<vmem>>, vector<16xf32>,
        %add3A_1701 = arith.addf %add3A_1651, %get3A_1700 : vector<16xf32>
        %mul3A_1702 = arith.mulf %get3A_1700, %get3A_1700 : vector<16xf32>
        %add3A_1703 = arith.addf %add3A_1653, %mul3A_1702 : vector<16xf32>
        %get3A_1704 = arith.index_cast %scan3A_1667 : i32 to index
        %get3A_1705 = arith.constant 96 : index
        %get3A_1706 = tpu.vector_load %arg18[%get3A_1704, %get3A_1705] {strides = array<i32>} : memref<80x128xf32, #tpu.memory_space<vmem>>, vector<16xf32>,
        %add3A_1707 = arith.addf %add3A_1657, %get3A_1706 : vector<16xf32>
        %mul3A_1708 = arith.mulf %get3A_1706, %get3A_1706 : vector<16xf32>
        %add3A_1709 = arith.addf %add3A_1659, %mul3A_1708 : vector<16xf32>
        %get3A_1710 = arith.index_cast %scan3A_1667 : i32 to index
        %get3A_1711 = arith.constant 112 : index
        %get3A_1712 = tpu.vector_load %arg18[%get3A_1710, %get3A_1711] {strides = array<i32>} : memref<80x128xf32, #tpu.memory_space<vmem>>, vector<16xf32>,
        %add3A_1713 = arith.addf %add3A_1663, %get3A_1712 : vector<16xf32>
        %mul3A_1714 = arith.mulf %get3A_1712, %get3A_1712 : vector<16xf32>
        %add3A_1715 = arith.addf %add3A_1665, %mul3A_1714 : vector<16xf32>
        scf.yield %add3A_1671, %add3A_1677, %add3A_1683, %add3A_1689, %add3A_1695, %add3A_1701, %add3A_1707, %add3A_1713, %add3A_1673, %add3A_1679, %add3A_1685, %add3A_1691, %add3A_1697, %add3A_1703, %add3A_1709, %add3A_1715 : vector<16xf32>, vector<16xf32>, vector<16xf32>, vector<16xf32>, vector<16xf32>, vector<16xf32>, vector<16xf32>, vector<16xf32>, vector<16xf32>, vector<16xf32>, vector<16xf32>, vector<16xf32>, vector<16xf32>, vector<16xf32>, vector<16xf32>, vector<16xf32>
      }
      %scan3A_1261 = arith.constant 80 : i32
      %mul3A_1262 = arith.constant 88 : i32
      %mul3A_1263 = arith.muli %add3A_1242, %mul3A_1262 : i32
      %add3A_1264 = arith.constant 80 : i32
      %add3A_1265 = arith.addi %mul3A_1263, %add3A_1264 : i32
      %get3A_1266 = arith.index_cast %add3A_1265 : i32 to index
      %get3A_1267 = tpu.vector_load %arg14[%get3A_1266] {strides = array<i32>} : memref<11280xi32, #tpu.memory_space<vmem>>, vector<16xi32>,
      %bitcast3A_1268 = vector.bitcast %get3A_1267 : vector<16xi32> to vector<16xf32>
      %slice3A_1269 = vector.extract_strided_slice %bitcast3A_1268 {offsets = [0], sizes = [1], strides = [1]} : vector<16xf32> to vector<1xf32>
      %squeeze3A_1270 = vector.extract %slice3A_1269[0] : f32 from vector<1xf32>
      %broadcast_in_dim3A_1271 = vector.broadcast %squeeze3A_1270 : f32 to vector<16xf32>
      %get3A_1272 = arith.constant 0 : index
      %get3A_1273 = tpu.vector_load %arg23[%get3A_1272] {strides = array<i32>} : memref<512xf32, #tpu.memory_space<vmem>>, vector<16xf32>,
      %mul3A_1274 = arith.mulf %broadcast_in_dim3A_1271, %get3A_1273 : vector<16xf32>
      %add3A_1275 = arith.addf %scan3A_1260#0, %mul3A_1274 : vector<16xf32>
      %mul3A_1276 = arith.mulf %mul3A_1274, %mul3A_1274 : vector<16xf32>
      %add3A_1277 = arith.addf %scan3A_1260#8, %mul3A_1276 : vector<16xf32>
      %get3A_1278 = arith.constant 16 : index
      %get3A_1279 = tpu.vector_load %arg23[%get3A_1278] {strides = array<i32>} : memref<512xf32, #tpu.memory_space<vmem>>, vector<16xf32>,
      %mul3A_1280 = arith.mulf %broadcast_in_dim3A_1271, %get3A_1279 : vector<16xf32>
      %add3A_1281 = arith.addf %scan3A_1260#1, %mul3A_1280 : vector<16xf32>
      %mul3A_1282 = arith.mulf %mul3A_1280, %mul3A_1280 : vector<16xf32>
      %add3A_1283 = arith.addf %scan3A_1260#9, %mul3A_1282 : vector<16xf32>
      %get3A_1284 = arith.constant 32 : index
      %get3A_1285 = tpu.vector_load %arg23[%get3A_1284] {strides = array<i32>} : memref<512xf32, #tpu.memory_space<vmem>>, vector<16xf32>,
      %mul3A_1286 = arith.mulf %broadcast_in_dim3A_1271, %get3A_1285 : vector<16xf32>
      %add3A_1287 = arith.addf %scan3A_1260#2, %mul3A_1286 : vector<16xf32>
      %mul3A_1288 = arith.mulf %mul3A_1286, %mul3A_1286 : vector<16xf32>
      %add3A_1289 = arith.addf %scan3A_1260#10, %mul3A_1288 : vector<16xf32>
      %get3A_1290 = arith.constant 48 : index
      %get3A_1291 = tpu.vector_load %arg23[%get3A_1290] {strides = array<i32>} : memref<512xf32, #tpu.memory_space<vmem>>, vector<16xf32>,
      %mul3A_1292 = arith.mulf %broadcast_in_dim3A_1271, %get3A_1291 : vector<16xf32>
      %add3A_1293 = arith.addf %scan3A_1260#3, %mul3A_1292 : vector<16xf32>
      %mul3A_1294 = arith.mulf %mul3A_1292, %mul3A_1292 : vector<16xf32>
      %add3A_1295 = arith.addf %scan3A_1260#11, %mul3A_1294 : vector<16xf32>
      %get3A_1296 = arith.constant 64 : index
      %get3A_1297 = tpu.vector_load %arg23[%get3A_1296] {strides = array<i32>} : memref<512xf32, #tpu.memory_space<vmem>>, vector<16xf32>,
      %mul3A_1298 = arith.mulf %broadcast_in_dim3A_1271, %get3A_1297 : vector<16xf32>
      %add3A_1299 = arith.addf %scan3A_1260#4, %mul3A_1298 : vector<16xf32>
      %mul3A_1300 = arith.mulf %mul3A_1298, %mul3A_1298 : vector<16xf32>
      %add3A_1301 = arith.addf %scan3A_1260#12, %mul3A_1300 : vector<16xf32>
      %get3A_1302 = arith.constant 80 : index
      %get3A_1303 = tpu.vector_load %arg23[%get3A_1302] {strides = array<i32>} : memref<512xf32, #tpu.memory_space<vmem>>, vector<16xf32>,
      %mul3A_1304 = arith.mulf %broadcast_in_dim3A_1271, %get3A_1303 : vector<16xf32>
      %add3A_1305 = arith.addf %scan3A_1260#5, %mul3A_1304 : vector<16xf32>
      %mul3A_1306 = arith.mulf %mul3A_1304, %mul3A_1304 : vector<16xf32>
      %add3A_1307 = arith.addf %scan3A_1260#13, %mul3A_1306 : vector<16xf32>
      %get3A_1308 = arith.constant 96 : index
      %get3A_1309 = tpu.vector_load %arg23[%get3A_1308] {strides = array<i32>} : memref<512xf32, #tpu.memory_space<vmem>>, vector<16xf32>,
      %mul3A_1310 = arith.mulf %broadcast_in_dim3A_1271, %get3A_1309 : vector<16xf32>
      %add3A_1311 = arith.addf %scan3A_1260#6, %mul3A_1310 : vector<16xf32>
      %mul3A_1312 = arith.mulf %mul3A_1310, %mul3A_1310 : vector<16xf32>
      %add3A_1313 = arith.addf %scan3A_1260#14, %mul3A_1312 : vector<16xf32>
      %get3A_1314 = arith.constant 112 : index
      %get3A_1315 = tpu.vector_load %arg23[%get3A_1314] {strides = array<i32>} : memref<512xf32, #tpu.memory_space<vmem>>, vector<16xf32>,
      %mul3A_1316 = arith.mulf %broadcast_in_dim3A_1271, %get3A_1315 : vector<16xf32>
      %add3A_1317 = arith.addf %scan3A_1260#7, %mul3A_1316 : vector<16xf32>
      %mul3A_1318 = arith.mulf %mul3A_1316, %mul3A_1316 : vector<16xf32>
      %add3A_1319 = arith.addf %scan3A_1260#15, %mul3A_1318 : vector<16xf32>
      %slice3A_1320 = vector.extract_strided_slice %bitcast3A_1268 {offsets = [1], sizes = [1], strides = [1]} : vector<16xf32> to vector<1xf32>
      %squeeze3A_1321 = vector.extract %slice3A_1320[0] : f32 from vector<1xf32>
      %broadcast_in_dim3A_1322 = vector.broadcast %squeeze3A_1321 : f32 to vector<16xf32>
      %get3A_1323 = arith.constant 128 : index
      %get3A_1324 = tpu.vector_load %arg23[%get3A_1323] {strides = array<i32>} : memref<512xf32, #tpu.memory_space<vmem>>, vector<16xf32>,
      %mul3A_1325 = arith.mulf %broadcast_in_dim3A_1322, %get3A_1324 : vector<16xf32>
      %add3A_1326 = arith.addf %add3A_1275, %mul3A_1325 : vector<16xf32>
      %mul3A_1327 = arith.mulf %mul3A_1325, %mul3A_1325 : vector<16xf32>
      %add3A_1328 = arith.addf %add3A_1277, %mul3A_1327 : vector<16xf32>
      %get3A_1329 = arith.constant 144 : index
      %get3A_1330 = tpu.vector_load %arg23[%get3A_1329] {strides = array<i32>} : memref<512xf32, #tpu.memory_space<vmem>>, vector<16xf32>,
      %mul3A_1331 = arith.mulf %broadcast_in_dim3A_1322, %get3A_1330 : vector<16xf32>
      %add3A_1332 = arith.addf %add3A_1281, %mul3A_1331 : vector<16xf32>
      %mul3A_1333 = arith.mulf %mul3A_1331, %mul3A_1331 : vector<16xf32>
      %add3A_1334 = arith.addf %add3A_1283, %mul3A_1333 : vector<16xf32>
      %get3A_1335 = arith.constant 160 : index
      %get3A_1336 = tpu.vector_load %arg23[%get3A_1335] {strides = array<i32>} : memref<512xf32, #tpu.memory_space<vmem>>, vector<16xf32>,
      %mul3A_1337 = arith.mulf %broadcast_in_dim3A_1322, %get3A_1336 : vector<16xf32>
      %add3A_1338 = arith.addf %add3A_1287, %mul3A_1337 : vector<16xf32>
      %mul3A_1339 = arith.mulf %mul3A_1337, %mul3A_1337 : vector<16xf32>
      %add3A_1340 = arith.addf %add3A_1289, %mul3A_1339 : vector<16xf32>
      %get3A_1341 = arith.constant 176 : index
      %get3A_1342 = tpu.vector_load %arg23[%get3A_1341] {strides = array<i32>} : memref<512xf32, #tpu.memory_space<vmem>>, vector<16xf32>,
      %mul3A_1343 = arith.mulf %broadcast_in_dim3A_1322, %get3A_1342 : vector<16xf32>
      %add3A_1344 = arith.addf %add3A_1293, %mul3A_1343 : vector<16xf32>
      %mul3A_1345 = arith.mulf %mul3A_1343, %mul3A_1343 : vector<16xf32>
      %add3A_1346 = arith.addf %add3A_1295, %mul3A_1345 : vector<16xf32>
      %get3A_1347 = arith.constant 192 : index
      %get3A_1348 = tpu.vector_load %arg23[%get3A_1347] {strides = array<i32>} : memref<512xf32, #tpu.memory_space<vmem>>, vector<16xf32>,
      %mul3A_1349 = arith.mulf %broadcast_in_dim3A_1322, %get3A_1348 : vector<16xf32>
      %add3A_1350 = arith.addf %add3A_1299, %mul3A_1349 : vector<16xf32>
      %mul3A_1351 = arith.mulf %mul3A_1349, %mul3A_1349 : vector<16xf32>
      %add3A_1352 = arith.addf %add3A_1301, %mul3A_1351 : vector<16xf32>
      %get3A_1353 = arith.constant 208 : index
      %get3A_1354 = tpu.vector_load %arg23[%get3A_1353] {strides = array<i32>} : memref<512xf32, #tpu.memory_space<vmem>>, vector<16xf32>,
      %mul3A_1355 = arith.mulf %broadcast_in_dim3A_1322, %get3A_1354 : vector<16xf32>
      %add3A_1356 = arith.addf %add3A_1305, %mul3A_1355 : vector<16xf32>
      %mul3A_1357 = arith.mulf %mul3A_1355, %mul3A_1355 : vector<16xf32>
      %add3A_1358 = arith.addf %add3A_1307, %mul3A_1357 : vector<16xf32>
      %get3A_1359 = arith.constant 224 : index
      %get3A_1360 = tpu.vector_load %arg23[%get3A_1359] {strides = array<i32>} : memref<512xf32, #tpu.memory_space<vmem>>, vector<16xf32>,
      %mul3A_1361 = arith.mulf %broadcast_in_dim3A_1322, %get3A_1360 : vector<16xf32>
      %add3A_1362 = arith.addf %add3A_1311, %mul3A_1361 : vector<16xf32>
      %mul3A_1363 = arith.mulf %mul3A_1361, %mul3A_1361 : vector<16xf32>
      %add3A_1364 = arith.addf %add3A_1313, %mul3A_1363 : vector<16xf32>
      %get3A_1365 = arith.constant 240 : index
      %get3A_1366 = tpu.vector_load %arg23[%get3A_1365] {strides = array<i32>} : memref<512xf32, #tpu.memory_space<vmem>>, vector<16xf32>,
      %mul3A_1367 = arith.mulf %broadcast_in_dim3A_1322, %get3A_1366 : vector<16xf32>
      %add3A_1368 = arith.addf %add3A_1317, %mul3A_1367 : vector<16xf32>
      %mul3A_1369 = arith.mulf %mul3A_1367, %mul3A_1367 : vector<16xf32>
      %add3A_1370 = arith.addf %add3A_1319, %mul3A_1369 : vector<16xf32>
      %slice3A_1371 = vector.extract_strided_slice %bitcast3A_1268 {offsets = [2], sizes = [1], strides = [1]} : vector<16xf32> to vector<1xf32>
      %squeeze3A_1372 = vector.extract %slice3A_1371[0] : f32 from vector<1xf32>
      %broadcast_in_dim3A_1373 = vector.broadcast %squeeze3A_1372 : f32 to vector<16xf32>
      %get3A_1374 = arith.constant 256 : index
      %get3A_1375 = tpu.vector_load %arg23[%get3A_1374] {strides = array<i32>} : memref<512xf32, #tpu.memory_space<vmem>>, vector<16xf32>,
      %mul3A_1376 = arith.mulf %broadcast_in_dim3A_1373, %get3A_1375 : vector<16xf32>
      %add3A_1377 = arith.addf %add3A_1326, %mul3A_1376 : vector<16xf32>
      %mul3A_1378 = arith.mulf %mul3A_1376, %mul3A_1376 : vector<16xf32>
      %add3A_1379 = arith.addf %add3A_1328, %mul3A_1378 : vector<16xf32>
      %get3A_1380 = arith.constant 272 : index
      %get3A_1381 = tpu.vector_load %arg23[%get3A_1380] {strides = array<i32>} : memref<512xf32, #tpu.memory_space<vmem>>, vector<16xf32>,
      %mul3A_1382 = arith.mulf %broadcast_in_dim3A_1373, %get3A_1381 : vector<16xf32>
      %add3A_1383 = arith.addf %add3A_1332, %mul3A_1382 : vector<16xf32>
      %mul3A_1384 = arith.mulf %mul3A_1382, %mul3A_1382 : vector<16xf32>
      %add3A_1385 = arith.addf %add3A_1334, %mul3A_1384 : vector<16xf32>
      %get3A_1386 = arith.constant 288 : index
      %get3A_1387 = tpu.vector_load %arg23[%get3A_1386] {strides = array<i32>} : memref<512xf32, #tpu.memory_space<vmem>>, vector<16xf32>,
      %mul3A_1388 = arith.mulf %broadcast_in_dim3A_1373, %get3A_1387 : vector<16xf32>
      %add3A_1389 = arith.addf %add3A_1338, %mul3A_1388 : vector<16xf32>
      %mul3A_1390 = arith.mulf %mul3A_1388, %mul3A_1388 : vector<16xf32>
      %add3A_1391 = arith.addf %add3A_1340, %mul3A_1390 : vector<16xf32>
      %get3A_1392 = arith.constant 304 : index
      %get3A_1393 = tpu.vector_load %arg23[%get3A_1392] {strides = array<i32>} : memref<512xf32, #tpu.memory_space<vmem>>, vector<16xf32>,
      %mul3A_1394 = arith.mulf %broadcast_in_dim3A_1373, %get3A_1393 : vector<16xf32>
      %add3A_1395 = arith.addf %add3A_1344, %mul3A_1394 : vector<16xf32>
      %mul3A_1396 = arith.mulf %mul3A_1394, %mul3A_1394 : vector<16xf32>
      %add3A_1397 = arith.addf %add3A_1346, %mul3A_1396 : vector<16xf32>
      %get3A_1398 = arith.constant 320 : index
      %get3A_1399 = tpu.vector_load %arg23[%get3A_1398] {strides = array<i32>} : memref<512xf32, #tpu.memory_space<vmem>>, vector<16xf32>,
      %mul3A_1400 = arith.mulf %broadcast_in_dim3A_1373, %get3A_1399 : vector<16xf32>
      %add3A_1401 = arith.addf %add3A_1350, %mul3A_1400 : vector<16xf32>
      %mul3A_1402 = arith.mulf %mul3A_1400, %mul3A_1400 : vector<16xf32>
      %add3A_1403 = arith.addf %add3A_1352, %mul3A_1402 : vector<16xf32>
      %get3A_1404 = arith.constant 336 : index
      %get3A_1405 = tpu.vector_load %arg23[%get3A_1404] {strides = array<i32>} : memref<512xf32, #tpu.memory_space<vmem>>, vector<16xf32>,
      %mul3A_1406 = arith.mulf %broadcast_in_dim3A_1373, %get3A_1405 : vector<16xf32>
      %add3A_1407 = arith.addf %add3A_1356, %mul3A_1406 : vector<16xf32>
      %mul3A_1408 = arith.mulf %mul3A_1406, %mul3A_1406 : vector<16xf32>
      %add3A_1409 = arith.addf %add3A_1358, %mul3A_1408 : vector<16xf32>
      %get3A_1410 = arith.constant 352 : index
      %get3A_1411 = tpu.vector_load %arg23[%get3A_1410] {strides = array<i32>} : memref<512xf32, #tpu.memory_space<vmem>>, vector<16xf32>,
      %mul3A_1412 = arith.mulf %broadcast_in_dim3A_1373, %get3A_1411 : vector<16xf32>
      %add3A_1413 = arith.addf %add3A_1362, %mul3A_1412 : vector<16xf32>
      %mul3A_1414 = arith.mulf %mul3A_1412, %mul3A_1412 : vector<16xf32>
      %add3A_1415 = arith.addf %add3A_1364, %mul3A_1414 : vector<16xf32>
      %get3A_1416 = arith.constant 368 : index
      %get3A_1417 = tpu.vector_load %arg23[%get3A_1416] {strides = array<i32>} : memref<512xf32, #tpu.memory_space<vmem>>, vector<16xf32>,
      %mul3A_1418 = arith.mulf %broadcast_in_dim3A_1373, %get3A_1417 : vector<16xf32>
      %add3A_1419 = arith.addf %add3A_1368, %mul3A_1418 : vector<16xf32>
      %mul3A_1420 = arith.mulf %mul3A_1418, %mul3A_1418 : vector<16xf32>
      %add3A_1421 = arith.addf %add3A_1370, %mul3A_1420 : vector<16xf32>
      %slice3A_1422 = vector.extract_strided_slice %bitcast3A_1268 {offsets = [3], sizes = [1], strides = [1]} : vector<16xf32> to vector<1xf32>
      %squeeze3A_1423 = vector.extract %slice3A_1422[0] : f32 from vector<1xf32>
      %broadcast_in_dim3A_1424 = vector.broadcast %squeeze3A_1423 : f32 to vector<16xf32>
      %get3A_1425 = arith.constant 384 : index
      %get3A_1426 = tpu.vector_load %arg23[%get3A_1425] {strides = array<i32>} : memref<512xf32, #tpu.memory_space<vmem>>, vector<16xf32>,
      %mul3A_1427 = arith.mulf %broadcast_in_dim3A_1424, %get3A_1426 : vector<16xf32>
      %add3A_1428 = arith.addf %add3A_1377, %mul3A_1427 : vector<16xf32>
      %mul3A_1429 = arith.mulf %mul3A_1427, %mul3A_1427 : vector<16xf32>
      %add3A_1430 = arith.addf %add3A_1379, %mul3A_1429 : vector<16xf32>
      %get3A_1431 = arith.constant 400 : index
      %get3A_1432 = tpu.vector_load %arg23[%get3A_1431] {strides = array<i32>} : memref<512xf32, #tpu.memory_space<vmem>>, vector<16xf32>,
      %mul3A_1433 = arith.mulf %broadcast_in_dim3A_1424, %get3A_1432 : vector<16xf32>
      %add3A_1434 = arith.addf %add3A_1383, %mul3A_1433 : vector<16xf32>
      %mul3A_1435 = arith.mulf %mul3A_1433, %mul3A_1433 : vector<16xf32>
      %add3A_1436 = arith.addf %add3A_1385, %mul3A_1435 : vector<16xf32>
      %get3A_1437 = arith.constant 416 : index
      %get3A_1438 = tpu.vector_load %arg23[%get3A_1437] {strides = array<i32>} : memref<512xf32, #tpu.memory_space<vmem>>, vector<16xf32>,
      %mul3A_1439 = arith.mulf %broadcast_in_dim3A_1424, %get3A_1438 : vector<16xf32>
      %add3A_1440 = arith.addf %add3A_1389, %mul3A_1439 : vector<16xf32>
      %mul3A_1441 = arith.mulf %mul3A_1439, %mul3A_1439 : vector<16xf32>
      %add3A_1442 = arith.addf %add3A_1391, %mul3A_1441 : vector<16xf32>
      %get3A_1443 = arith.constant 432 : index
      %get3A_1444 = tpu.vector_load %arg23[%get3A_1443] {strides = array<i32>} : memref<512xf32, #tpu.memory_space<vmem>>, vector<16xf32>,
      %mul3A_1445 = arith.mulf %broadcast_in_dim3A_1424, %get3A_1444 : vector<16xf32>
      %add3A_1446 = arith.addf %add3A_1395, %mul3A_1445 : vector<16xf32>
      %mul3A_1447 = arith.mulf %mul3A_1445, %mul3A_1445 : vector<16xf32>
      %add3A_1448 = arith.addf %add3A_1397, %mul3A_1447 : vector<16xf32>
      %get3A_1449 = arith.constant 448 : index
      %get3A_1450 = tpu.vector_load %arg23[%get3A_1449] {strides = array<i32>} : memref<512xf32, #tpu.memory_space<vmem>>, vector<16xf32>,
      %mul3A_1451 = arith.mulf %broadcast_in_dim3A_1424, %get3A_1450 : vector<16xf32>
      %add3A_1452 = arith.addf %add3A_1401, %mul3A_1451 : vector<16xf32>
      %mul3A_1453 = arith.mulf %mul3A_1451, %mul3A_1451 : vector<16xf32>
      %add3A_1454 = arith.addf %add3A_1403, %mul3A_1453 : vector<16xf32>
      %get3A_1455 = arith.constant 464 : index
      %get3A_1456 = tpu.vector_load %arg23[%get3A_1455] {strides = array<i32>} : memref<512xf32, #tpu.memory_space<vmem>>, vector<16xf32>,
      %mul3A_1457 = arith.mulf %broadcast_in_dim3A_1424, %get3A_1456 : vector<16xf32>
      %add3A_1458 = arith.addf %add3A_1407, %mul3A_1457 : vector<16xf32>
      %mul3A_1459 = arith.mulf %mul3A_1457, %mul3A_1457 : vector<16xf32>
      %add3A_1460 = arith.addf %add3A_1409, %mul3A_1459 : vector<16xf32>
      %get3A_1461 = arith.constant 480 : index
      %get3A_1462 = tpu.vector_load %arg23[%get3A_1461] {strides = array<i32>} : memref<512xf32, #tpu.memory_space<vmem>>, vector<16xf32>,
      %mul3A_1463 = arith.mulf %broadcast_in_dim3A_1424, %get3A_1462 : vector<16xf32>
      %add3A_1464 = arith.addf %add3A_1413, %mul3A_1463 : vector<16xf32>
      %mul3A_1465 = arith.mulf %mul3A_1463, %mul3A_1463 : vector<16xf32>
      %add3A_1466 = arith.addf %add3A_1415, %mul3A_1465 : vector<16xf32>
      %get3A_1467 = arith.constant 496 : index
      %get3A_1468 = tpu.vector_load %arg23[%get3A_1467] {strides = array<i32>} : memref<512xf32, #tpu.memory_space<vmem>>, vector<16xf32>,
      %mul3A_1469 = arith.mulf %broadcast_in_dim3A_1424, %get3A_1468 : vector<16xf32>
      %add3A_1470 = arith.addf %add3A_1419, %mul3A_1469 : vector<16xf32>
      %mul3A_1471 = arith.mulf %mul3A_1469, %mul3A_1469 : vector<16xf32>
      %add3A_1472 = arith.addf %add3A_1421, %mul3A_1471 : vector<16xf32>
      %mul3A_1473 = arith.mulf %add3A_1428, %add3A_1428 : vector<16xf32>
      %sub3A_1474 = arith.subf %mul3A_1473, %add3A_1430 : vector<16xf32>
      %add3A_1475 = arith.addf %broadcast_in_dim3A_5, %sub3A_1474 : vector<16xf32>
      %mul3A_1476 = arith.mulf %add3A_1434, %add3A_1434 : vector<16xf32>
      %sub3A_1477 = arith.subf %mul3A_1476, %add3A_1436 : vector<16xf32>
      %add3A_1478 = arith.addf %add3A_1475, %sub3A_1477 : vector<16xf32>
      %mul3A_1479 = arith.mulf %add3A_1440, %add3A_1440 : vector<16xf32>
      %sub3A_1480 = arith.subf %mul3A_1479, %add3A_1442 : vector<16xf32>
      %add3A_1481 = arith.addf %add3A_1478, %sub3A_1480 : vector<16xf32>
      %mul3A_1482 = arith.mulf %add3A_1446, %add3A_1446 : vector<16xf32>
      %sub3A_1483 = arith.subf %mul3A_1482, %add3A_1448 : vector<16xf32>
      %add3A_1484 = arith.addf %add3A_1481, %sub3A_1483 : vector<16xf32>
      %mul3A_1485 = arith.mulf %add3A_1452, %add3A_1452 : vector<16xf32>
      %sub3A_1486 = arith.subf %mul3A_1485, %add3A_1454 : vector<16xf32>
      %add3A_1487 = arith.addf %add3A_1484, %sub3A_1486 : vector<16xf32>
      %mul3A_1488 = arith.mulf %add3A_1458, %add3A_1458 : vector<16xf32>
      %sub3A_1489 = arith.subf %mul3A_1488, %add3A_1460 : vector<16xf32>
      %add3A_1490 = arith.addf %add3A_1487, %sub3A_1489 : vector<16xf32>
      %mul3A_1491 = arith.mulf %add3A_1464, %add3A_1464 : vector<16xf32>
      %sub3A_1492 = arith.subf %mul3A_1491, %add3A_1466 : vector<16xf32>
      %add3A_1493 = arith.addf %add3A_1490, %sub3A_1492 : vector<16xf32>
      %mul3A_1494 = arith.mulf %add3A_1470, %add3A_1470 : vector<16xf32>
      %sub3A_1495 = arith.subf %mul3A_1494, %add3A_1472 : vector<16xf32>
      %add3A_1496 = arith.addf %add3A_1493, %sub3A_1495 : vector<16xf32>
      %mul3A_1497 = arith.constant 16 : i32
      %mul3A_1498 = arith.muli %add3A_1242, %mul3A_1497 : i32
      %swap3A_1499 = arith.index_cast %mul3A_1498 : i32 to index
      %swap3A_1500 = tpu.vector_load %arg24[%swap3A_1499] {strides = array<i32>} : memref<2048xf32, #tpu.memory_space<vmem>>, vector<16xf32>,
      tpu.vector_store %arg24[%swap3A_1499], %add3A_1496 {strides = array<i32>} : memref<2048xf32, #tpu.memory_space<vmem>>, vector<16xf32>,
    }
    %scan3A_449 = arith.constant 32 : i32
    %scan3A_450 = arith.constant 0 : i32
    %scan3A_451 = arith.constant 0 : i32
    %scan3A_452 = arith.constant 8 : i32
    %scan3A_453 = arith.addi %scan3A_451, %scan3A_452 : i32
    %scan3A_454 = arith.constant 1 : i32
    scf.for %scan3A_458 = %scan3A_451 to %scan3A_453 step %scan3A_454  : i32 {
      %mul3A_459 = arith.constant 256 : i32
      %mul3A_460 = arith.muli %scan3A_458, %mul3A_459 : i32
      %mul3A_461 = arith.constant 16 : i32
      %mul3A_462 = vector.broadcast %mul3A_461 : i32 to vector<16xi32>
      %mul3A_463 = arith.muli %iota3A_349, %mul3A_462 : vector<16xi32>
      %add3A_464 = vector.broadcast %mul3A_460 : i32 to vector<16xi32>
      %add3A_465 = arith.addi %add3A_464, %mul3A_463 : vector<16xi32>
      %add3A_466 = arith.constant 0 : i32
      %add3A_467 = vector.broadcast %add3A_466 : i32 to vector<16xi32>
      %add3A_468 = arith.addi %add3A_465, %add3A_467 : vector<16xi32>
      %gather3A = tpu.vector_load_idx %arg24[%add3A_468] : memref<2048xf32, #tpu.memory_space<vmem>>[vector<16xi32>], vector<16xf32>,
      %add3A_469 = arith.addf %broadcast_in_dim3A_5, %gather3A : vector<16xf32>
      %mul3A_470 = arith.constant 256 : i32
      %mul3A_471 = arith.muli %scan3A_458, %mul3A_470 : i32
      %mul3A_472 = arith.constant 16 : i32
      %mul3A_473 = vector.broadcast %mul3A_472 : i32 to vector<16xi32>
      %mul3A_474 = arith.muli %iota3A_349, %mul3A_473 : vector<16xi32>
      %add3A_475 = vector.broadcast %mul3A_471 : i32 to vector<16xi32>
      %add3A_476 = arith.addi %add3A_475, %mul3A_474 : vector<16xi32>
      %add3A_477 = arith.constant 1 : i32
      %add3A_478 = vector.broadcast %add3A_477 : i32 to vector<16xi32>
      %add3A_479 = arith.addi %add3A_476, %add3A_478 : vector<16xi32>
      %gather3A_480 = tpu.vector_load_idx %arg24[%add3A_479] : memref<2048xf32, #tpu.memory_space<vmem>>[vector<16xi32>], vector<16xf32>,
      %add3A_481 = arith.addf %add3A_469, %gather3A_480 : vector<16xf32>
      %mul3A_482 = arith.constant 256 : i32
      %mul3A_483 = arith.muli %scan3A_458, %mul3A_482 : i32
      %mul3A_484 = arith.constant 16 : i32
      %mul3A_485 = vector.broadcast %mul3A_484 : i32 to vector<16xi32>
      %mul3A_486 = arith.muli %iota3A_349, %mul3A_485 : vector<16xi32>
      %add3A_487 = vector.broadcast %mul3A_483 : i32 to vector<16xi32>
      %add3A_488 = arith.addi %add3A_487, %mul3A_486 : vector<16xi32>
      %add3A_489 = arith.constant 2 : i32
      %add3A_490 = vector.broadcast %add3A_489 : i32 to vector<16xi32>
      %add3A_491 = arith.addi %add3A_488, %add3A_490 : vector<16xi32>
      %gather3A_492 = tpu.vector_load_idx %arg24[%add3A_491] : memref<2048xf32, #tpu.memory_space<vmem>>[vector<16xi32>], vector<16xf32>,
      %add3A_493 = arith.addf %add3A_481, %gather3A_492 : vector<16xf32>
      %mul3A_494 = arith.constant 256 : i32
      %mul3A_495 = arith.muli %scan3A_458, %mul3A_494 : i32
      %mul3A_496 = arith.constant 16 : i32
      %mul3A_497 = vector.broadcast %mul3A_496 : i32 to vector<16xi32>
      %mul3A_498 = arith.muli %iota3A_349, %mul3A_497 : vector<16xi32>
      %add3A_499 = vector.broadcast %mul3A_495 : i32 to vector<16xi32>
      %add3A_500 = arith.addi %add3A_499, %mul3A_498 : vector<16xi32>
      %add3A_501 = arith.constant 3 : i32
      %add3A_502 = vector.broadcast %add3A_501 : i32 to vector<16xi32>
      %add3A_503 = arith.addi %add3A_500, %add3A_502 : vector<16xi32>
      %gather3A_504 = tpu.vector_load_idx %arg24[%add3A_503] : memref<2048xf32, #tpu.memory_space<vmem>>[vector<16xi32>], vector<16xf32>,
      %add3A_505 = arith.addf %add3A_493, %gather3A_504 : vector<16xf32>
      %mul3A_506 = arith.constant 256 : i32
      %mul3A_507 = arith.muli %scan3A_458, %mul3A_506 : i32
      %mul3A_508 = arith.constant 16 : i32
      %mul3A_509 = vector.broadcast %mul3A_508 : i32 to vector<16xi32>
      %mul3A_510 = arith.muli %iota3A_349, %mul3A_509 : vector<16xi32>
      %add3A_511 = vector.broadcast %mul3A_507 : i32 to vector<16xi32>
      %add3A_512 = arith.addi %add3A_511, %mul3A_510 : vector<16xi32>
      %add3A_513 = arith.constant 4 : i32
      %add3A_514 = vector.broadcast %add3A_513 : i32 to vector<16xi32>
      %add3A_515 = arith.addi %add3A_512, %add3A_514 : vector<16xi32>
      %gather3A_516 = tpu.vector_load_idx %arg24[%add3A_515] : memref<2048xf32, #tpu.memory_space<vmem>>[vector<16xi32>], vector<16xf32>,
      %add3A_517 = arith.addf %add3A_505, %gather3A_516 : vector<16xf32>
      %mul3A_518 = arith.constant 256 : i32
      %mul3A_519 = arith.muli %scan3A_458, %mul3A_518 : i32
      %mul3A_520 = arith.constant 16 : i32
      %mul3A_521 = vector.broadcast %mul3A_520 : i32 to vector<16xi32>
      %mul3A_522 = arith.muli %iota3A_349, %mul3A_521 : vector<16xi32>
      %add3A_523 = vector.broadcast %mul3A_519 : i32 to vector<16xi32>
      %add3A_524 = arith.addi %add3A_523, %mul3A_522 : vector<16xi32>
      %add3A_525 = arith.constant 5 : i32
      %add3A_526 = vector.broadcast %add3A_525 : i32 to vector<16xi32>
      %add3A_527 = arith.addi %add3A_524, %add3A_526 : vector<16xi32>
      %gather3A_528 = tpu.vector_load_idx %arg24[%add3A_527] : memref<2048xf32, #tpu.memory_space<vmem>>[vector<16xi32>], vector<16xf32>,
      %add3A_529 = arith.addf %add3A_517, %gather3A_528 : vector<16xf32>
      %mul3A_530 = arith.constant 256 : i32
      %mul3A_531 = arith.muli %scan3A_458, %mul3A_530 : i32
      %mul3A_532 = arith.constant 16 : i32
      %mul3A_533 = vector.broadcast %mul3A_532 : i32 to vector<16xi32>
      %mul3A_534 = arith.muli %iota3A_349, %mul3A_533 : vector<16xi32>
      %add3A_535 = vector.broadcast %mul3A_531 : i32 to vector<16xi32>
      %add3A_536 = arith.addi %add3A_535, %mul3A_534 : vector<16xi32>
      %add3A_537 = arith.constant 6 : i32
      %add3A_538 = vector.broadcast %add3A_537 : i32 to vector<16xi32>
      %add3A_539 = arith.addi %add3A_536, %add3A_538 : vector<16xi32>
      %gather3A_540 = tpu.vector_load_idx %arg24[%add3A_539] : memref<2048xf32, #tpu.memory_space<vmem>>[vector<16xi32>], vector<16xf32>,
      %add3A_541 = arith.addf %add3A_529, %gather3A_540 : vector<16xf32>
      %mul3A_542 = arith.constant 256 : i32
      %mul3A_543 = arith.muli %scan3A_458, %mul3A_542 : i32
      %mul3A_544 = arith.constant 16 : i32
      %mul3A_545 = vector.broadcast %mul3A_544 : i32 to vector<16xi32>
      %mul3A_546 = arith.muli %iota3A_349, %mul3A_545 : vector<16xi32>
      %add3A_547 = vector.broadcast %mul3A_543 : i32 to vector<16xi32>
      %add3A_548 = arith.addi %add3A_547, %mul3A_546 : vector<16xi32>
      %add3A_549 = arith.constant 7 : i32
      %add3A_550 = vector.broadcast %add3A_549 : i32 to vector<16xi32>
      %add3A_551 = arith.addi %add3A_548, %add3A_550 : vector<16xi32>
      %gather3A_552 = tpu.vector_load_idx %arg24[%add3A_551] : memref<2048xf32, #tpu.memory_space<vmem>>[vector<16xi32>], vector<16xf32>,
      %add3A_553 = arith.addf %add3A_541, %gather3A_552 : vector<16xf32>
      %mul3A_554 = arith.constant 256 : i32
      %mul3A_555 = arith.muli %scan3A_458, %mul3A_554 : i32
      %mul3A_556 = arith.constant 16 : i32
      %mul3A_557 = vector.broadcast %mul3A_556 : i32 to vector<16xi32>
      %mul3A_558 = arith.muli %iota3A_349, %mul3A_557 : vector<16xi32>
      %add3A_559 = vector.broadcast %mul3A_555 : i32 to vector<16xi32>
      %add3A_560 = arith.addi %add3A_559, %mul3A_558 : vector<16xi32>
      %add3A_561 = arith.constant 8 : i32
      %add3A_562 = vector.broadcast %add3A_561 : i32 to vector<16xi32>
      %add3A_563 = arith.addi %add3A_560, %add3A_562 : vector<16xi32>
      %gather3A_564 = tpu.vector_load_idx %arg24[%add3A_563] : memref<2048xf32, #tpu.memory_space<vmem>>[vector<16xi32>], vector<16xf32>,
      %add3A_565 = arith.addf %add3A_553, %gather3A_564 : vector<16xf32>
      %mul3A_566 = arith.constant 256 : i32
      %mul3A_567 = arith.muli %scan3A_458, %mul3A_566 : i32
      %mul3A_568 = arith.constant 16 : i32
      %mul3A_569 = vector.broadcast %mul3A_568 : i32 to vector<16xi32>
      %mul3A_570 = arith.muli %iota3A_349, %mul3A_569 : vector<16xi32>
      %add3A_571 = vector.broadcast %mul3A_567 : i32 to vector<16xi32>
      %add3A_572 = arith.addi %add3A_571, %mul3A_570 : vector<16xi32>
      %add3A_573 = arith.constant 9 : i32
      %add3A_574 = vector.broadcast %add3A_573 : i32 to vector<16xi32>
      %add3A_575 = arith.addi %add3A_572, %add3A_574 : vector<16xi32>
      %gather3A_576 = tpu.vector_load_idx %arg24[%add3A_575] : memref<2048xf32, #tpu.memory_space<vmem>>[vector<16xi32>], vector<16xf32>,
      %add3A_577 = arith.addf %add3A_565, %gather3A_576 : vector<16xf32>
      %mul3A_578 = arith.constant 256 : i32
      %mul3A_579 = arith.muli %scan3A_458, %mul3A_578 : i32
      %mul3A_580 = arith.constant 16 : i32
      %mul3A_581 = vector.broadcast %mul3A_580 : i32 to vector<16xi32>
      %mul3A_582 = arith.muli %iota3A_349, %mul3A_581 : vector<16xi32>
      %add3A_583 = vector.broadcast %mul3A_579 : i32 to vector<16xi32>
      %add3A_584 = arith.addi %add3A_583, %mul3A_582 : vector<16xi32>
      %add3A_585 = arith.constant 10 : i32
      %add3A_586 = vector.broadcast %add3A_585 : i32 to vector<16xi32>
      %add3A_587 = arith.addi %add3A_584, %add3A_586 : vector<16xi32>
      %gather3A_588 = tpu.vector_load_idx %arg24[%add3A_587] : memref<2048xf32, #tpu.memory_space<vmem>>[vector<16xi32>], vector<16xf32>,
      %add3A_589 = arith.addf %add3A_577, %gather3A_588 : vector<16xf32>
      %mul3A_590 = arith.constant 256 : i32
      %mul3A_591 = arith.muli %scan3A_458, %mul3A_590 : i32
      %mul3A_592 = arith.constant 16 : i32
      %mul3A_593 = vector.broadcast %mul3A_592 : i32 to vector<16xi32>
      %mul3A_594 = arith.muli %iota3A_349, %mul3A_593 : vector<16xi32>
      %add3A_595 = vector.broadcast %mul3A_591 : i32 to vector<16xi32>
      %add3A_596 = arith.addi %add3A_595, %mul3A_594 : vector<16xi32>
      %add3A_597 = arith.constant 11 : i32
      %add3A_598 = vector.broadcast %add3A_597 : i32 to vector<16xi32>
      %add3A_599 = arith.addi %add3A_596, %add3A_598 : vector<16xi32>
      %gather3A_600 = tpu.vector_load_idx %arg24[%add3A_599] : memref<2048xf32, #tpu.memory_space<vmem>>[vector<16xi32>], vector<16xf32>,
      %add3A_601 = arith.addf %add3A_589, %gather3A_600 : vector<16xf32>
      %mul3A_602 = arith.constant 256 : i32
      %mul3A_603 = arith.muli %scan3A_458, %mul3A_602 : i32
      %mul3A_604 = arith.constant 16 : i32
      %mul3A_605 = vector.broadcast %mul3A_604 : i32 to vector<16xi32>
      %mul3A_606 = arith.muli %iota3A_349, %mul3A_605 : vector<16xi32>
      %add3A_607 = vector.broadcast %mul3A_603 : i32 to vector<16xi32>
      %add3A_608 = arith.addi %add3A_607, %mul3A_606 : vector<16xi32>
      %add3A_609 = arith.constant 12 : i32
      %add3A_610 = vector.broadcast %add3A_609 : i32 to vector<16xi32>
      %add3A_611 = arith.addi %add3A_608, %add3A_610 : vector<16xi32>
      %gather3A_612 = tpu.vector_load_idx %arg24[%add3A_611] : memref<2048xf32, #tpu.memory_space<vmem>>[vector<16xi32>], vector<16xf32>,
      %add3A_613 = arith.addf %add3A_601, %gather3A_612 : vector<16xf32>
      %mul3A_614 = arith.constant 256 : i32
      %mul3A_615 = arith.muli %scan3A_458, %mul3A_614 : i32
      %mul3A_616 = arith.constant 16 : i32
      %mul3A_617 = vector.broadcast %mul3A_616 : i32 to vector<16xi32>
      %mul3A_618 = arith.muli %iota3A_349, %mul3A_617 : vector<16xi32>
      %add3A_619 = vector.broadcast %mul3A_615 : i32 to vector<16xi32>
      %add3A_620 = arith.addi %add3A_619, %mul3A_618 : vector<16xi32>
      %add3A_621 = arith.constant 13 : i32
      %add3A_622 = vector.broadcast %add3A_621 : i32 to vector<16xi32>
      %add3A_623 = arith.addi %add3A_620, %add3A_622 : vector<16xi32>
      %gather3A_624 = tpu.vector_load_idx %arg24[%add3A_623] : memref<2048xf32, #tpu.memory_space<vmem>>[vector<16xi32>], vector<16xf32>,
      %add3A_625 = arith.addf %add3A_613, %gather3A_624 : vector<16xf32>
      %mul3A_626 = arith.constant 256 : i32
      %mul3A_627 = arith.muli %scan3A_458, %mul3A_626 : i32
      %mul3A_628 = arith.constant 16 : i32
      %mul3A_629 = vector.broadcast %mul3A_628 : i32 to vector<16xi32>
      %mul3A_630 = arith.muli %iota3A_349, %mul3A_629 : vector<16xi32>
      %add3A_631 = vector.broadcast %mul3A_627 : i32 to vector<16xi32>
      %add3A_632 = arith.addi %add3A_631, %mul3A_630 : vector<16xi32>
      %add3A_633 = arith.constant 14 : i32
      %add3A_634 = vector.broadcast %add3A_633 : i32 to vector<16xi32>
      %add3A_635 = arith.addi %add3A_632, %add3A_634 : vector<16xi32>
      %gather3A_636 = tpu.vector_load_idx %arg24[%add3A_635] : memref<2048xf32, #tpu.memory_space<vmem>>[vector<16xi32>], vector<16xf32>,
      %add3A_637 = arith.addf %add3A_625, %gather3A_636 : vector<16xf32>
      %mul3A_638 = arith.constant 256 : i32
      %mul3A_639 = arith.muli %scan3A_458, %mul3A_638 : i32
      %mul3A_640 = arith.constant 16 : i32
      %mul3A_641 = vector.broadcast %mul3A_640 : i32 to vector<16xi32>
      %mul3A_642 = arith.muli %iota3A_349, %mul3A_641 : vector<16xi32>
      %add3A_643 = vector.broadcast %mul3A_639 : i32 to vector<16xi32>
      %add3A_644 = arith.addi %add3A_643, %mul3A_642 : vector<16xi32>
      %add3A_645 = arith.constant 15 : i32
      %add3A_646 = vector.broadcast %add3A_645 : i32 to vector<16xi32>
      %add3A_647 = arith.addi %add3A_644, %add3A_646 : vector<16xi32>
      %gather3A_648 = tpu.vector_load_idx %arg24[%add3A_647] : memref<2048xf32, #tpu.memory_space<vmem>>[vector<16xi32>], vector<16xf32>,
      %add3A_649 = arith.addf %add3A_637, %gather3A_648 : vector<16xf32>
      %mul3A_650 = arith.constant 5.000000e-01 : f32
      %mul3A_651 = vector.broadcast %mul3A_650 : f32 to vector<16xf32>
      %mul3A_652 = arith.mulf %mul3A_651, %add3A_649 : vector<16xf32>
      %mul3A_653 = arith.constant 16 : i32
      %mul3A_654 = arith.muli %scan3A_458, %mul3A_653 : i32
      %swap3A = arith.index_cast %mul3A_654 : i32 to index
      %swap3A_655 = tpu.vector_load %arg25[%swap3A] {strides = array<i32>} : memref<128xf32, #tpu.memory_space<vmem>>, vector<16xf32>,
      tpu.vector_store %arg25[%swap3A], %mul3A_652 {strides = array<i32>} : memref<128xf32, #tpu.memory_space<vmem>>, vector<16xf32>,
    }
    %scan3A_455 = arith.constant 8 : i32
    %mul3A_456 = arith.constant 128 : i32
    %mul3A_457 = arith.muli %add3A, %mul3A_456 : i32
    "tpu.region"() ({
      %run_scoped3A = tpu.sem_alloc : memref<!tpu.dma_semaphore, #tpu.memory_space<semaphore_mem>>
      %dma_start3A_458 = tpu.memref_slice %arg12[%mul3A_457] : memref<4096xf32, #tpu.memory_space<hbm>> -> memref<128xf32, #tpu.memory_space<hbm>>
      %dma_start3A_459 = tpu.memref_slice %arg12[%mul3A_457] : memref<4096xf32, #tpu.memory_space<hbm>> -> memref<128xf32, #tpu.memory_space<hbm>>
      tpu.enqueue_dma source(%arg25 : memref<128xf32, #tpu.memory_space<vmem>>) target(%dma_start3A_459 : memref<128xf32, #tpu.memory_space<hbm>>) target_semaphore(%run_scoped3A : memref<!tpu.dma_semaphore, #tpu.memory_space<semaphore_mem>>)
      %dma_wait3A = tpu.memref_slice %arg12[%mul3A_457] : memref<4096xf32, #tpu.memory_space<hbm>> -> memref<128xf32, #tpu.memory_space<hbm>>
      %dma_wait3A_460 = tpu.memref_slice %arg12[%mul3A_457] : memref<4096xf32, #tpu.memory_space<hbm>> -> memref<128xf32, #tpu.memory_space<hbm>>
      tpu.wait_dma2 semaphore(%run_scoped3A : memref<!tpu.dma_semaphore, #tpu.memory_space<semaphore_mem>>) src(%arg25 : memref<128xf32, #tpu.memory_space<vmem>>) dst(%dma_wait3A_460 : memref<128xf32, #tpu.memory_space<hbm>>)
      tpu.yield
    }) : () -> ()
    return
  }
}

</mosaic_0001>

<sc_bundles>
// kernel: kernel.3.cloned.1.call-start
scs
__scs_entry_jumppad:
0x0: {  	(pc) =	sbr.rel $0x88, $3  }
0x1: {  	(tag) =	ssettag $0x0;
	lr =	simm.s32 $0x1  }
0x2: {  	[smem:$0x3F8C] =	sst lr;
	_ =	strace $0xD0000000  }
0x3: {  	_ = 	snop  }
0x4: {  	_ = 	snop  }
0x5: {  	_ = 	snop  }
0x6: {  	_ = 	snop  }
0x7: {  	_ = 	snop  }
__scs_overlays_trampoline_lowered:
0x8: {  	[smem:$0x3F9B] =	sst s0  }
0x9: {  	[smem:$0x3F9C] =	sst s1  }
0xa: {  	[smem:$0x3F9D] =	sst s2  }
0xb: {  	[smem:$0x3F9E] =	sst s3  }
0xc: {  	[smem:$0x3F9F] =	sst s4  }
0xd: {  	[smem:$0x3FA0] =	sst s5  }
0xe: {  	[smem:$0x3FA1] =	sst s6  }
0xf: {  	[smem:$0x3FA2] =	sst s7  }
0x10: {  	[smem:$0x3FA3] =	sst s8  }
0x11: {  	[smem:$0x3FA4] =	sst s9;
	s0 =	simm.s32 @!p0 $0x0  }
0x12: {  	s1 =	sld [smem:$0x3F8A];
	s0 =	simm.s32 @p0 $0x1  }
0x13: {  	[smem:$0x3FA5] =	sst s0;
	s0 =	simm.s32 @!p1 $0x0  }
0x14: {  	s2 =	sld [smem:$0x3F89];
	s0 =	simm.s32 @p1 $0x1  }
0x15: {  	[smem:$0x3FA6] =	sst s0;
	s0 =	simm.s32 @!p2 $0x0  }
0x16: {  	s3 =	sld [smem:$0x3FDB];
	s0 =	simm.s32 @p2 $0x1  }
0x17: {  	s4 =	simm.s32 $0x1BF5;
	[smem:$0x3FA8] =	sst s0  }
0x18: {  	s0 =	sld [smem:$0x3F8B];
	_ =	swait.ge [sflag:s4], $0x0  }
0x19: {  	s7 =	sld [smem:$0x3F8C]  }
0x1a: {  	s8 =	sadd.s32 $0xFFFFE003, lr  }
0x1b: {  	s9 =	sadd.s32 $0xFFFFFEF7, lr;
	s5 =	simm.s32 $0xFFFFFFFF;
	p2 =	slt.u32 s8, $0xFFFFF086  }
0x1c: {  	p1 =	slt.u32 s9, $0xF7A;
	s5 =	simm.s32 @!p2 $0x0  }
0x1d: {  	s5 =	simm.s32 @p1 $0x1;
	p0 =	seq.s32 s7, s2  }
0x1e: {  	s7 =	smul.u32 @!p0 $0xF7A, s2;
	p2 =	seq.s32 @!p0 s5, $0x0  }
0x1f: {  	s9 =	smul.u32 $0xF7A, s1;
	s8 =	simm.s32 @!p0 $0x1BF5;
	p2 =	por !p2, p0  }
0x20: {  	[sflag:s8] =	ssyncset.s32 @!p0 $0xFFFFF086;
	s6 =	sadd.s32 @!p0 s3, s7;
	s7 =	simm.s32 @!p0 $0x108  }
0x21: {  	s3 =	sadd.s32 s3, s9;
	s6 =	sadd.s32 @!p0 $0x88, s6;
	s7 =	simm.s32 @p2 $0x1082  }
0x22: {  	[simem:s7], [sflag:s8] =	dma.local @!p0 [hbm:s6], $0xF7A  }
0x23: {  	s9 =	sor.u32 $0xD0000000, s2;
	s6 =	simm.s32 $0x108;
	_ =	swait.ge @!p0 [sflag:s8], $0x0  }
0x24: {  	s3 =	sadd.s32 $0x88, s3;
	s6 =	simm.s32 @!p1 $0x1082;
	[sflag:s4] =	ssyncset.s32 $0xFFFFF086  }
0x25: {  	[simem:s6], [sflag:s4] =	dma.local [hbm:s3], $0xF7A  }
0x26: {  	[smem:$0x3F8C] =	sst s1;
	(tag) =	ssettag s2;
	_ =	strace s9  }
0x27: {  	s1 =	sld [smem:$0x3F9C]  }
0x28: {  	s2 =	sld [smem:$0x3F9D]  }
0x29: {  	s4 =	sld [smem:$0x3F9F]  }
0x2a: {  	p0 =	seq.s32 s5, $0x0;
	s5 =	sld [smem:$0x3FA0]  }
0x2b: {  	s6 =	sld [smem:$0x3FA1]  }
0x2c: {  	s7 =	sld [smem:$0x3FA2]  }
0x2d: {  	s3 =	simm.s32 $0x108;
	s8 =	sld [smem:$0x3FA3]  }
0x2e: {  	s3 =	simm.s32 @!p0 $0x1082;
	s9 =	sld [smem:$0x3FA4]  }
0x2f: {  	lr =	sadd.s32 s0, s3;
	s0 =	sld [smem:$0x3F9B]  }
0x30: {  	s3 =	sld [smem:$0x3F9E]  }
0x31: {  	[smem:$0x3FA7] =	sst s10  }
0x32: {  	s10 =	sld [smem:$0x3FA5];
	_ =	sdelay $0x3  }
0x33: {  	p0 =	seq.s32 s10, $0x1;
	s10 =	sld [smem:$0x3FA7];
	_ =	sdelay $0x3  }
0x34: {  	[smem:$0x3FA7] =	sst s10  }
0x35: {  	s10 =	sld [smem:$0x3FA6];
	_ =	sdelay $0x3  }
0x36: {  	p1 =	seq.s32 s10, $0x1;
	s10 =	sld [smem:$0x3FA7];
	_ =	sdelay $0x3  }
0x37: {  	[smem:$0x3FA7] =	sst s10  }
0x38: {  	s10 =	sld [smem:$0x3FA8]  }
0x39: {  	_ = 	snop;
	(pc) =	sbr.ind lr, $3  }
0x3a: {  	_ = 	snop  }
0x3b: {  	_ = 	snop  }
0x3c: {  	p2 =	seq.s32 s10, $0x1;
	s10 =	sld [smem:$0x3FA7]  }
0x3d: {  	_ =	shalt  }
0x3e: {  	_ =	shalt  }
0x3f: {  	_ =	shalt  }
0x40: {  	_ =	shalt  }
0x41: {  	_ =	shalt  }
0x42: {  	_ =	shalt  }
0x43: {  	_ =	shalt  }
0x44: {  	_ =	shalt  }
0x45: {  	_ =	shalt  }
0x46: {  	_ =	shalt  }
0x47: {  	_ =	shalt  }
0x48: {  	_ =	shalt  }
0x49: {  	_ =	shalt  }
0x4a: {  	_ =	shalt  }
0x4b: {  	_ =	shalt  }
0x4c: {  	_ =	shalt  }
0x4d: {  	_ =	shalt  }
0x4e: {  	_ =	shalt  }
0x4f: {  	_ =	shalt  }
0x50: {  	_ =	shalt  }
0x51: {  	_ =	shalt  }
0x52: {  	_ =	shalt  }
0x53: {  	_ =	shalt  }
0x54: {  	_ =	shalt  }
0x55: {  	_ =	shalt  }
0x56: {  	_ =	shalt  }
0x57: {  	_ =	shalt  }
0x58: {  	_ =	shalt  }
0x59: {  	_ =	shalt  }
0x5a: {  	_ =	shalt  }
0x5b: {  	_ =	shalt  }
0x5c: {  	_ =	shalt  }
0x5d: {  	_ =	shalt  }
0x5e: {  	_ =	shalt  }
0x5f: {  	_ =	shalt  }
0x60: {  	_ =	shalt  }
0x61: {  	_ =	shalt  }
0x62: {  	_ =	shalt  }
0x63: {  	_ =	shalt  }
0x64: {  	_ =	shalt  }
0x65: {  	_ =	shalt  }
0x66: {  	_ =	shalt  }
0x67: {  	_ =	shalt  }
0x68: {  	_ =	shalt  }
0x69: {  	_ =	shalt  }
0x6a: {  	_ =	shalt  }
0x6b: {  	_ =	shalt  }
0x6c: {  	_ =	shalt  }
0x6d: {  	_ =	shalt  }
0x6e: {  	_ =	shalt  }
0x6f: {  	_ =	shalt  }
0x70: {  	_ =	shalt  }
0x71: {  	_ =	shalt  }
0x72: {  	_ =	shalt  }
0x73: {  	_ =	shalt  }
0x74: {  	_ =	shalt  }
0x75: {  	_ =	shalt  }
0x76: {  	_ =	shalt  }
0x77: {  	_ =	shalt  }
0x78: {  	_ =	shalt  }
0x79: {  	_ =	shalt  }
0x7a: {  	_ =	shalt  }
0x7b: {  	_ =	shalt  }
0x7c: {  	_ =	shalt  }
0x7d: {  	_ =	shalt  }
0x7e: {  	_ =	shalt  }
0x7f: {  	_ =	shalt  }
0x80: {  	_ =	shalt  }
0x81: {  	_ =	shalt  }
0x82: {  	_ =	shalt  }
0x83: {  	_ =	shalt  }
0x84: {  	_ =	shalt  }
0x85: {  	_ =	shalt  }
0x86: {  	_ =	shalt  }
0x87: {  	_ =	shalt  }
.Lfunc_end0:
.L_simem_size_0:
called_computation_lowered:
.L_overlay_start_0:
0x88: {  	s2 =	sld [smem:$0x3FD9]  }
0x89: {  	s3 =	sld [smem:$0x3FFE];
	_ =	sdelay $0x1  }
0x8a: {  	s1 =	srdreg.scid  }
0x8b: {  	s0 =	sand.u32 $0x1, s1  }
0x8c: {  	s17 =	sshll.u32 s0, $0xA;
	s2 =	sadd.s32 s3, s2  }
0x8d: {  	s2 =	sadd.s32 s2, s17  }
0x8e: {  	[smem:$0x3FB3] =	sst s2  }
0x8f: {  	_ = 	snop  }
0x90: {  	s2 =	sld [smem:$0x3FBD]  }
0x91: {  	s18 =	sld [smem:$0x3FBC]  }
0x92: {  	s4 =	sld [smem:$0x3FBB]  }
0x93: {  	s5 =	sld [smem:$0x3FBA]  }
0x94: {  	s6 =	sld [smem:$0x3FB9]  }
0x95: {  	s7 =	sld [smem:$0x3FB8]  }
0x96: {  	s8 =	sld [smem:$0x3FB7]  }
0x97: {  	s9 =	sld [smem:$0x3FB6]  }
0x98: {  	s10 =	sld [smem:$0x3FB5]  }
0x99: {  	s11 =	sld [smem:$0x3FD0];
	(tm) =	ssettm $0x1  }
0x9a: {  	s12 =	sld [smem:$0x3FFB];
	_ =	sdelay $0x3  }
0x9b: {  	_ =	strace s12  }
0x9c: {  	s12 =	sld [smem:$0x3FFC];
	_ =	sdelay $0x3  }
0x9d: {  	_ =	strace s12  }
0x9e: {  	s12 =	sld [smem:$0x3FFD];
	_ =	sdelay $0x3  }
0x9f: {  	_ =	strace s12  }
0xa0: {  	_ =	strace $0x8FFFFFFF  }
0xa1: {  	s19 =	sld [smem:$0x3FDB];
	_ =	sdelay $0x1  }
0xa2: {  	s13 =	simm.s32 $_scs_section_size  }
0xa3: {  	s14 =	simm.s32 $_size__tile_overlayer_lowered;
	s15 =	simm.s32 $_tile_overlayer_lowered  }
0xa4: {  	s22 =	simm.s32 $0x1BFF;
	s21 =	sshll.u32 s15, $0x1;
	s12 =	sadd.s32 s13, s19  }
0xa5: {  	s16 =	simm.s32 $0x0;
	s20 =	sshll.u32 s14, $0x1;
	s14 =	sadd.s32 s21, s12  }
0xa6: {  	[timem:s16], [sflag:s22] =	dma.local [hbm:s14], s20  }
0xa7: {  	_ =	swait.ge [sflag:s22], s20  }
0xa8: {  	s13 =	ssub.s32 $0x0, s20;
	[sflag:s22] =	ssyncset.done $0x0  }
0xa9: {  	[sflag:s22] =	ssyncadd.s32 s13;
	_ =	sdelay $0x1  }
0xaa: {  	s23 =	simm.s32 $0x1B8B  }
0xab: {  	_ =	swait.ge [sflag:s23], $0x1  }
0xac: {  	[sflag:s23] =	ssyncset.done $0x0  }
0xad: {  	s25 =	simm.s32 $0x1B8E;
	s24 =	sld [smem:$0x3FFE];
	[sflag:s23] =	ssyncadd.s32 $0xFFFFFFFF  }
0xae: {  	s26 =	simm.s32 $execute0_lowered;
	[smem:$0x3FD2] =	sst s25  }
0xaf: {  	s14 =	sshll.u32 s26, $0x1;
	_ =	strace $0x80000046;
	[dreg:$0x1] =	wrdreg $0xFFFFFFFF  }
0xb0: {  	s28 =	simm.s32 $_size_execute0_lowered;
	s12 =	sadd.s32 s12, s14;
	[dreg:$0x0] =	wrdreg $0x0  }
0xb1: {  	s14 =	sshll.u32 s28, $0x1;
	[dreg:$0x2] =	wrdreg s12  }
0xb2: {  	[dreg:$0x3] =	wrdreg s14  }
0xb3: {  	[dreg:$0x4] =	wrdreg $0xC0  }
0xb4: {  	_ =	task [dreg:s16], $0x5FFFF  }
0xb5: {  	[dreg:$0x1] =	wrdreg $0xFFFFFFFF  }
0xb6: {  	[dreg:$0x0] =	wrdreg $0x60  }
0xb7: {  	[dreg:$0x2] =	wrdreg s2  }
0xb8: {  	[dreg:$0x3] =	wrdreg s18  }
0xb9: {  	[dreg:$0x4] =	wrdreg s4  }
0xba: {  	[dreg:$0x5] =	wrdreg s5  }
0xbb: {  	[dreg:$0x6] =	wrdreg s6  }
0xbc: {  	[dreg:$0x7] =	wrdreg s7  }
0xbd: {  	[dreg:$0x8] =	wrdreg s8  }
0xbe: {  	[dreg:$0x9] =	wrdreg s9  }
0xbf: {  	[dreg:$0xa] =	wrdreg s24  }
0xc0: {  	[dreg:$0xb] =	wrdreg s10  }
0xc1: {  	[dreg:$0xc] =	wrdreg s11  }
0xc2: {  	[dreg:$0xd] =	wrdreg $0x9  }
0xc3: {  	_ =	task.clear_ibuf [dreg:s16], $0xEFFFF;
	_ =	strace $0x90000046  }
0xc4: {  	s29 =	simm.s32 $0x9;
	_ =	strace $0x80000048  }
0xc5: {  	_ =	swait.ge [sflag:s29], $0x1  }
0xc6: {  	[sflag:s29] =	ssyncadd.s32 $0xFFFFFFFF  }
0xc7: {  	_ =	strace $0x90000048  }
0xc8: {  	_ =	sfence  }
0xc9: {  	s30 =	sld [smem:$0x0];
	_ =	sdelay $0x2  }
0xca: {  	s31 =	sshll.u32 s1, $0xD;
	s1 =	sshrl.u32 s1, $0x2  }
0xcb: {  	s3 =	sand.u32 $0x4000, s31;
	s1 =	sadd.s32 s1, s30  }
0xcc: {  	s0 =	sor.u32 s3, s0;
	s1 =	sshll.u32 s1, $0x11  }
0xcd: {  	s0 =	sor.u32 s1, s0  }
0xce: {  	s0 =	sadd.s32 $0x8F2B, s0  }
0xcf: {  	[sflag:s0] =	ssyncadd.remote.s32 $0x1  }
0xd0: {  	_ =	sfence.sel $0xFFFF  }
0xd1: {  	[dreg:$0x0] =	wrdreg $0xFFFFFFFF;
	(pc) =	sbr.abs _section_cstart, $3  }
0xd2: {  	[dreg:$0x1] =	wrdreg $0xFFFFFFFF  }
0xd3: {  	_ =	task.clear_ibuf [dreg:s16], $0x2FFFF;
	_ =	strace $0x9FFFFFFF  }
0xd4: {  	(tm) =	ssettm $0x7FFFFFFF  }
0xd5: {  	_ =	shalt  }
tec
execute0_lowered:
.L_overlay_start_1:
0x0: {  	(tag) =	ssettag $0x1  }
0x1: {  	s0 =	rddreg [dreg:$0x0]  }
0x2: {  	s1 =	rddreg [dreg:$0x1]  }
0x3: {  	s2 =	rddreg [dreg:$0x2]  }
0x4: {  	s5 =	rddreg [dreg:$0x3]  }
0x5: {  	s6 =	rddreg [dreg:$0x4]  }
0x6: {  	s7 =	rddreg [dreg:$0x5]  }
0x7: {  	s8 =	rddreg [dreg:$0x6]  }
0x8: {  	s9 =	rddreg [dreg:$0x7]  }
0x9: {  	s4 =	rddreg [dreg:$0x8];
	s3 =	srdreg.scid  }
0xa: {  	s17 =	stileid.u32;
	s10 =	rddreg [dreg:$0xa]  }
0xb: {  	s11 =	sand.u32 $0x1, s3;
	s3 =	simm.s32 $0x0;
	s16 =	sshll.u32 s17, $0xA  }
0xc: {  	[smem:$0x7FF] =	sst s3;
	s22 =	sadd.s32 s0, s16  }
0xd: {  	s23 =	sadd.s32 s1, s16;
	_ =	strace $0x80000047;
	[dreg:$0xd] =	wrdreg s22  }
0xe: {  	s24 =	sadd.s32 s2, s16;
	[dreg:$0xe] =	wrdreg s23  }
0xf: {  	s25 =	sadd.s32 s5, s16;
	[dreg:$0xf] =	wrdreg s24  }
0x10: {  	s26 =	sadd.s32 s6, s16;
	[dreg:$0x10] =	wrdreg s25  }
0x11: {  	s19 =	sadd.s32 s7, s16;
	[dreg:$0x11] =	wrdreg s26  }
0x12: {  	s21 =	sadd.s32 s8, s16;
	[dreg:$0x13] =	wrdreg s19  }
0x13: {  	s12 =	sshll.u32 s17, $0x1;
	s0 =	sadd.s32 $0x3C00, s0;
	[dreg:$0x14] =	wrdreg s21  }
0x14: {  	s12 =	sor.u32 s11, s12;
	s22 =	sadd.s32 s9, s16;
	[dreg:$0x17] =	wrdreg s0  }
0x15: {  	s14 =	ssub.s32 $0x2, s11;
	s23 =	sadd.s32 $0x3C00, s1;
	[dreg:$0x15] =	wrdreg s22  }
0x16: {  	s13 =	smul.u32 $0x580, s12;
	s24 =	sadd.s32 $0x3C00, s2;
	[dreg:$0x18] =	wrdreg s23  }
0x17: {  	s15 =	sshrl.u32 s14, $0x1;
	s25 =	sadd.s32 $0x3C00, s5;
	[dreg:$0x19] =	wrdreg s24  }
0x18: {  	s12 =	sshll.u32 s12, $0x4;
	s2 =	sadd.s32 $0x3C00, s6;
	[dreg:$0x1a] =	wrdreg s25  }
0x19: {  	s5 =	sadd.s32 $0x3C00, s7;
	s6 =	sadd.s32 $0x3C00, s8;
	[dreg:$0x1b] =	wrdreg s2  }
0x1a: {  	s14 =	ssub.s32 s14, s15;
	s15 =	smul.u32 $0x1F48, s11;
	[dreg:$0x1c] =	wrdreg s5  }
0x1b: {  	s7 =	sadd.s32 $0x3C00, s9;
	s11 =	smul.u32 $0xFA400, s11;
	[dreg:$0x1d] =	wrdreg s6  }
0x1c: {  	s10 =	sadd.s32 s10, s12;
	[dreg:$0x1e] =	wrdreg s7  }
0x1d: {  	s13 =	sadd.s32 s13, s4;
	s4 =	sadd.s32 $0xB800, s4;
	s26 =	sshrl.u32 s11, $0x3  }
0x1e: {  	[dreg:$0x12] =	wrdreg s10;
	s13 =	sadd.s32 $0x800, s13;
	s0 =	sadd.s32 s4, s26  }
0x1f: {  	s28 =	simm.s32 $0x4;
	[dreg:$0xc] =	wrdreg s13;
	s8 =	sadd.s32 $0x3C00, s0  }
0x20: {  	s18 =	sshll.u32 s17, $0xD;
	s9 =	sadd.s32 $0x7A80, s0;
	[dreg:$0x1f] =	wrdreg s8  }
0x21: {  	s20 =	sadd.s32 s11, s18;
	s11 =	sadd.s32 $0xB900, s0;
	[smem:$0x7EF] =	sst s9  }
0x22: {  	s29 =	simm.s32 $0x5;
	s12 =	sadd.s32 $0xF780, s0;
	[smem:$0x7F0] =	sst s11  }
0x23: {  	s30 =	simm.s32 $0x6;
	s13 =	sadd.s32 $0x13600, s0;
	[smem:$0x7F1] =	sst s12  }
0x24: {  	s31 =	simm.s32 $0x7;
	s16 =	sadd.s32 $0x17480, s0;
	[smem:$0x7F2] =	sst s13  }
0x25: {  	p0 =	seq.s32 s17, $0xF;
	s18 =	sadd.s32 $0x1B300, s0;
	[smem:$0x7F3] =	sst s16  }
0x26: {  	s17 =	simm.s32 $0x5480;
	s19 =	sadd.s32 $0x1F180, s0;
	[smem:$0x7F4] =	sst s18  }
0x27: {  	s10 =	sshrl.u32 s20, $0x3;
	s0 =	sadd.s32 $0x1F400, s0;
	[smem:$0x7F5] =	sst s19  }
0x28: {  	s1 =	simm.s32 $0x8;
	s10 =	sadd.s32 s4, s10;
	[smem:$0x7F6] =	sst s0  }
0x29: {  	s6 =	simm.s32 $0x16E80;
	s20 =	sadd.s32 $0x3E80, s10;
	[dreg:$0x16] =	wrdreg s10  }
0x2a: {  	s7 =	simm.s32 $0x0;
	s21 =	sadd.s32 $0x7D00, s10;
	[smem:$0x7F7] =	sst s20  }
0x2b: {  	vm0 =	vcmask $0x2700;
	s2 =	smax.u32 s14, $0x1;
	s22 =	sadd.s32 $0xBB80, s10;
	[smem:$0x7F8] =	sst s21  }
0x2c: {  	vm1 =	vcmask $0xF00;
	v1 =	vimm.s32 $0xBB8;
	v2 =	vimm.s32 $0x3E8;
	s14 =	simm.s32 $0x9;
	s23 =	sadd.s32 $0xFA00, s10;
	[smem:$0x7F9] =	sst s22  }
0x2d: {  	vm12 =	vcmask $0x3710;
	vm13 =	vcmask $0x700;
	v3 =	vsel vm1, $0x3E8, v1;
	s24 =	sadd.s32 $0x13880, s10;
	s25 =	sadd.s32 $0x17700, s10;
	[smem:$0x7FA] =	sst s23  }
0x2e: {  	v1 =	vsel vm0, $0x0, v2;
	v2 =	vsel vm12, $0x7D0, v3;
	v3 =	vlaneseq.u32;
	s26 =	sadd.s32 $0x1B580, s10;
	s16 =	simm.s32 $0x2C80;
	[smem:$0x7FB] =	sst s24  }
0x2f: {  	v5 =	vimm.s32 $0x1770;
	vm14 =	vcmask $0x2F08;
	v4 =	vshrl.u32 v3, $0x3;
	s18 =	simm.s32 $0x7C80;
	s19 =	simm.s32 $0xA480;
	[smem:$0x7FC] =	sst s25  }
0x30: {  	v7 =	vimm.s32 $0x1B58;
	vm15 =	vcmask $0x1700;
	v6 =	vmul.u32 $0x3E8, v4;
	s0 =	simm.s32 $0x50;
	[smem:$0x7FD] =	sst s26;
	s20 =	simm.s32 $0xCC80  }
0x31: {  	v7 =	vsel vm15, $0x1770, v7;
	v4 =	vsel vm13, $0xFA0, v5;
	v5 =	vimm.f32 $0.0e+00;
	s21 =	simm.s32 $0xF480;
	s22 =	simm.s32 $0x11C80;
	s23 =	simm.s32 $0x14480  }
0x32: {  	v4 =	vsel vm14, $0x1388, v4;
	v0 =	vmov s15;
	v6 =	vadd.s32 $0xBB8, v6;
	s24 =	simm.s32 $0x1;
	s25 =	simm.s32 $0x2;
	s26 =	simm.s32 $0x3  }
.LBB2_1:
0x33: {  	s5 =	rddreg [dreg:$0xc]  }
0x34: {  	[tilespmem:s3], [sflag:$0x9] =	stream.linear.gather [hbm4b:s5+s3], $0x2C00, $0x38;
	[tilespmem:$0x17B00] =	vst v63  }
0x35: {  	_ =	swait.ge [sflag:s14], $0x2C00  }
0x36: {  	[sflag:s14] =	ssyncset.done $0x0  }
0x37: {  	[sflag:s14] =	ssyncadd.s32 $0xFFFFD400  }
.Ltmp0:
0x38: {  	s8 =	simm.s32 $0x16C80;
	s15 =	rddreg [dreg:$0x9];
	(pc) =	sbr.rel @!p0 .LBB2_2-.Ltmp0, $4  }
0x39: {  	[tilespmem:s8], [sflag:$0x9] =	stream.linear.gather [hbm4b:s15+s3], $0x200, $0x38;
	[tilespmem:$0x17B00] =	vst v63  }
0x3a: {  	_ =	swait.ge [sflag:s14], $0x200  }
0x3b: {  	[sflag:s14] =	ssyncset.done $0x0  }
0x3c: {  	[sflag:s14] =	ssyncadd.s32 $0xFFFFFE00  }
0x3d: {  	s5 =	rddreg [dreg:$0x17]  }
0x3e: {  	[tilespmem:s16], [sflag:$0x1] =	stream.linear.gather [hbm4b:s5+s3], $0x1400, $0x38;
	[tilespmem:$0x17B00] =	vst v63  }
0x3f: {  	s13 =	rddreg [dreg:$0x18]  }
0x40: {  	[tilespmem:s17], [sflag:$0x2] =	stream.linear.gather [hbm4b:s13+s3], $0x1400, $0x38;
	[tilespmem:$0x17B00] =	vst v63  }
0x41: {  	s15 =	rddreg [dreg:$0x19]  }
0x42: {  	[tilespmem:s18], [sflag:$0x3] =	stream.linear.gather [hbm4b:s15+s3], $0x1400, $0x38;
	[tilespmem:$0x17B00] =	vst v63  }
0x43: {  	s8 =	rddreg [dreg:$0x1a]  }
0x44: {  	[tilespmem:s19], [sflag:$0x4] =	stream.linear.gather [hbm4b:s8+s3], $0x1400, $0x38;
	[tilespmem:$0x17B00] =	vst v63  }
0x45: {  	s9 =	rddreg [dreg:$0x1b]  }
0x46: {  	[tilespmem:s20], [sflag:$0x5] =	stream.linear.gather [hbm4b:s9+s3], $0x1400, $0x38;
	[tilespmem:$0x17B00] =	vst v63  }
0x47: {  	s10 =	rddreg [dreg:$0x1c]  }
0x48: {  	[tilespmem:s21], [sflag:$0x6] =	stream.linear.gather [hbm4b:s10+s3], $0x1400, $0x38;
	[tilespmem:$0x17B00] =	vst v63  }
0x49: {  	s11 =	rddreg [dreg:$0x1d]  }
0x4a: {  	[tilespmem:s22], [sflag:$0x7] =	stream.linear.gather [hbm4b:s11+s3], $0x1400, $0x38;
	[tilespmem:$0x17B00] =	vst v63  }
0x4b: {  	s12 =	rddreg [dreg:$0x1e]  }
0x4c: {  	[tilespmem:s23], [sflag:$0x8] =	stream.linear.gather [hbm4b:s12+s3], $0x1400, $0x38;
	[tilespmem:$0x17B00] =	vst v63  }
0x4d: {  	_ =	swait.ge [sflag:s24], $0x1400  }
0x4e: {  	[sflag:s24] =	ssyncset.done $0x0  }
0x4f: {  	s13 =	rddreg [dreg:$0x1f];
	[sflag:s24] =	ssyncadd.s32 $0xFFFFEC00  }
0x50: {  	[hbm4b:s13+s3] =	stream.linear.scatter [tilespmem:s16], [sflag:$0x1], $0x1400, $0x38;
	[tilespmem:$0x17B00] =	vst v63  }
0x51: {  	_ =	swait.ge [sflag:s25], $0x1400  }
0x52: {  	s15 =	sld [smem:$0x7EF]  }
0x53: {  	[sflag:s25] =	ssyncset.done $0x0  }
0x54: {  	[sflag:s25] =	ssyncadd.s32 $0xFFFFEC00  }
0x55: {  	[hbm4b:s15+s3] =	stream.linear.scatter [tilespmem:s17], [sflag:$0x2], $0x1400, $0x38;
	[tilespmem:$0x17B00] =	vst v63  }
0x56: {  	_ =	swait.ge [sflag:s26], $0x1400  }
0x57: {  	s8 =	sld [smem:$0x7F0]  }
0x58: {  	[sflag:s26] =	ssyncset.done $0x0  }
0x59: {  	[sflag:s26] =	ssyncadd.s32 $0xFFFFEC00  }
0x5a: {  	[hbm4b:s8+s3] =	stream.linear.scatter [tilespmem:s18], [sflag:$0x3], $0x1400, $0x38;
	[tilespmem:$0x17B00] =	vst v63  }
0x5b: {  	_ =	swait.ge [sflag:s28], $0x1400  }
0x5c: {  	s9 =	sld [smem:$0x7F1]  }
0x5d: {  	[sflag:s28] =	ssyncset.done $0x0  }
0x5e: {  	[sflag:s28] =	ssyncadd.s32 $0xFFFFEC00  }
0x5f: {  	[hbm4b:s9+s3] =	stream.linear.scatter [tilespmem:s19], [sflag:$0x4], $0x1400, $0x38;
	[tilespmem:$0x17B00] =	vst v63  }
0x60: {  	_ =	swait.ge [sflag:s29], $0x1400  }
0x61: {  	s10 =	sld [smem:$0x7F2]  }
0x62: {  	[sflag:s29] =	ssyncset.done $0x0  }
0x63: {  	[sflag:s29] =	ssyncadd.s32 $0xFFFFEC00  }
0x64: {  	[hbm4b:s10+s3] =	stream.linear.scatter [tilespmem:s20], [sflag:$0x5], $0x1400, $0x38;
	[tilespmem:$0x17B00] =	vst v63  }
0x65: {  	_ =	swait.ge [sflag:s30], $0x1400  }
0x66: {  	s11 =	sld [smem:$0x7F3]  }
0x67: {  	[sflag:s30] =	ssyncset.done $0x0  }
0x68: {  	[sflag:s30] =	ssyncadd.s32 $0xFFFFEC00  }
0x69: {  	[hbm4b:s11+s3] =	stream.linear.scatter [tilespmem:s21], [sflag:$0x6], $0x1400, $0x38;
	[tilespmem:$0x17B00] =	vst v63  }
0x6a: {  	_ =	swait.ge [sflag:s31], $0x1400  }
0x6b: {  	s12 =	sld [smem:$0x7F4]  }
0x6c: {  	[sflag:s31] =	ssyncset.done $0x0  }
0x6d: {  	[sflag:s31] =	ssyncadd.s32 $0xFFFFEC00  }
0x6e: {  	[hbm4b:s12+s3] =	stream.linear.scatter [tilespmem:s22], [sflag:$0x7], $0x1400, $0x38;
	[tilespmem:$0x17B00] =	vst v63  }
0x6f: {  	_ =	swait.ge [sflag:s1], $0x1400  }
0x70: {  	s13 =	sld [smem:$0x7F5]  }
0x71: {  	[sflag:s1] =	ssyncset.done $0x0  }
0x72: {  	[sflag:s1] =	ssyncadd.s32 $0xFFFFEC00  }
0x73: {  	[hbm4b:s13+s3] =	stream.linear.scatter [tilespmem:s23], [sflag:$0x8], $0x1400, $0x38;
	[tilespmem:$0x17B00] =	vst v63  }
0x74: {  	[tilespmem:$0x17700] =	vst v5  }
0x75: {  	[tilespmem:$0x17710] =	vst v5  }
0x76: {  	[tilespmem:$0x17720] =	vst v5  }
0x77: {  	[tilespmem:$0x17730] =	vst v5  }
0x78: {  	[tilespmem:$0x17740] =	vst v5  }
0x79: {  	[tilespmem:$0x17750] =	vst v5  }
0x7a: {  	[tilespmem:$0x17760] =	vst v5  }
0x7b: {  	[tilespmem:$0x17770] =	vst v5  }
0x7c: {  	[tilespmem:$0x17780] =	vst v5  }
0x7d: {  	[tilespmem:$0x17790] =	vst v5  }
0x7e: {  	[tilespmem:$0x177A0] =	vst v5  }
0x7f: {  	[tilespmem:$0x177B0] =	vst v5  }
0x80: {  	[tilespmem:$0x177C0] =	vst v5  }
0x81: {  	[tilespmem:$0x177D0] =	vst v5  }
0x82: {  	[tilespmem:$0x177E0] =	vst v5  }
0x83: {  	[tilespmem:$0x177F0] =	vst v5  }
0x84: {  	[tilespmem:$0x17800] =	vst v5  }
0x85: {  	[tilespmem:$0x17810] =	vst v5  }
0x86: {  	[tilespmem:$0x17820] =	vst v5  }
0x87: {  	[tilespmem:$0x17830] =	vst v5  }
0x88: {  	[tilespmem:$0x17840] =	vst v5  }
0x89: {  	[tilespmem:$0x17850] =	vst v5  }
0x8a: {  	[tilespmem:$0x17860] =	vst v5  }
0x8b: {  	[tilespmem:$0x17870] =	vst v5  }
0x8c: {  	[tilespmem:$0x17880] =	vst v5  }
0x8d: {  	[tilespmem:$0x17890] =	vst v5  }
0x8e: {  	[tilespmem:$0x178A0] =	vst v5  }
0x8f: {  	[tilespmem:$0x178B0] =	vst v5  }
0x90: {  	[tilespmem:$0x178C0] =	vst v5  }
0x91: {  	[tilespmem:$0x178D0] =	vst v5  }
0x92: {  	[tilespmem:$0x178E0] =	vst v5  }
0x93: {  	[tilespmem:$0x178F0] =	vst v5  }
0x94: {  	[tilespmem:$0x17900] =	vst v5  }
0x95: {  	[tilespmem:$0x17910] =	vst v5  }
0x96: {  	[tilespmem:$0x17920] =	vst v5  }
0x97: {  	[tilespmem:$0x17930] =	vst v5  }
0x98: {  	[tilespmem:$0x17940] =	vst v5  }
0x99: {  	[tilespmem:$0x17950] =	vst v5  }
0x9a: {  	[tilespmem:$0x17960] =	vst v5  }
0x9b: {  	[tilespmem:$0x17970] =	vst v5  }
0x9c: {  	[tilespmem:$0x17980] =	vst v5  }
0x9d: {  	[tilespmem:$0x17990] =	vst v5  }
0x9e: {  	[tilespmem:$0x179A0] =	vst v5  }
0x9f: {  	[tilespmem:$0x179B0] =	vst v5  }
0xa0: {  	[tilespmem:$0x179C0] =	vst v5  }
0xa1: {  	[tilespmem:$0x179D0] =	vst v5  }
0xa2: {  	[tilespmem:$0x179E0] =	vst v5  }
0xa3: {  	[tilespmem:$0x179F0] =	vst v5  }
0xa4: {  	[tilespmem:$0x17A00] =	vst v5  }
0xa5: {  	[tilespmem:$0x17A10] =	vst v5  }
0xa6: {  	[tilespmem:$0x17A20] =	vst v5  }
0xa7: {  	[tilespmem:$0x17A30] =	vst v5  }
0xa8: {  	[tilespmem:$0x17A40] =	vst v5  }
0xa9: {  	[tilespmem:$0x17A50] =	vst v5  }
0xaa: {  	[tilespmem:$0x17A60] =	vst v5  }
0xab: {  	[tilespmem:$0x17A70] =	vst v5  }
0xac: {  	[tilespmem:$0x17A80] =	vst v5  }
0xad: {  	[tilespmem:$0x17A90] =	vst v5  }
0xae: {  	[tilespmem:$0x17AA0] =	vst v5  }
0xaf: {  	[tilespmem:$0x17AB0] =	vst v5  }
0xb0: {  	[tilespmem:$0x17AC0] =	vst v5  }
0xb1: {  	s15 =	sld [smem:$0x7F6];
	[tilespmem:$0x17AD0] =	vst v5  }
0xb2: {  	[tilespmem:$0x17AE0] =	vst v5  }
.Ltmp1:
0xb3: {  	s8 =	simm.s32 $0x17700;
	[tilespmem:$0x17AF0] =	vst v5;
	(pc) =	sbr.rel .LBB2_4-.Ltmp1, $4  }
0xb4: {  	[hbm4b:s15+s3] =	stream.linear.scatter [tilespmem:s8], [sflag:$0x9], $0x400, $0x38;
	[tilespmem:$0x17B00] =	vst v63  }
0xb5: {  	_ =	swait.ge [sflag:s14], $0x400  }
0xb6: {  	[sflag:s14] =	ssyncset.done $0x0  }
0xb7: {  	[sflag:s14] =	ssyncadd.s32 $0xFFFFFC00  }
.LBB2_2:
0xb8: {  	s5 =	rddreg [dreg:$0xd]  }
0xb9: {  	[tilespmem:s16], [sflag:$0x1] =	stream.linear.gather [hbm4b:s5+s3], $0x2000, $0x38;
	[tilespmem:$0x17B00] =	vst v63  }
0xba: {  	s15 =	rddreg [dreg:$0xe]  }
0xbb: {  	[tilespmem:s17], [sflag:$0x2] =	stream.linear.gather [hbm4b:s15+s3], $0x2000, $0x38;
	[tilespmem:$0x17B00] =	vst v63  }
0xbc: {  	s8 =	rddreg [dreg:$0xf]  }
0xbd: {  	[tilespmem:s18], [sflag:$0x3] =	stream.linear.gather [hbm4b:s8+s3], $0x2000, $0x38;
	[tilespmem:$0x17B00] =	vst v63  }
0xbe: {  	s9 =	rddreg [dreg:$0x10]  }
0xbf: {  	[tilespmem:s19], [sflag:$0x4] =	stream.linear.gather [hbm4b:s9+s3], $0x2000, $0x38;
	[tilespmem:$0x17B00] =	vst v63  }
0xc0: {  	s10 =	rddreg [dreg:$0x11]  }
0xc1: {  	[tilespmem:s20], [sflag:$0x5] =	stream.linear.gather [hbm4b:s10+s3], $0x2000, $0x38;
	[tilespmem:$0x17B00] =	vst v63  }
0xc2: {  	s11 =	rddreg [dreg:$0x13]  }
0xc3: {  	[tilespmem:s21], [sflag:$0x6] =	stream.linear.gather [hbm4b:s11+s3], $0x2000, $0x38;
	[tilespmem:$0x17B00] =	vst v63  }
0xc4: {  	s12 =	rddreg [dreg:$0x14]  }
0xc5: {  	[tilespmem:s22], [sflag:$0x7] =	stream.linear.gather [hbm4b:s12+s3], $0x2000, $0x38;
	[tilespmem:$0x17B00] =	vst v63  }
0xc6: {  	s13 =	rddreg [dreg:$0x15]  }
0xc7: {  	[tilespmem:s23], [sflag:$0x8] =	stream.linear.gather [hbm4b:s13+s3], $0x2000, $0x38;
	[tilespmem:$0x17B00] =	vst v63  }
0xc8: {  	_ =	swait.ge [sflag:s24], $0x2000  }
0xc9: {  	[sflag:s24] =	ssyncset.done $0x0  }
0xca: {  	s15 =	rddreg [dreg:$0x16];
	[sflag:s24] =	ssyncadd.s32 $0xFFFFE000  }
0xcb: {  	[hbm4b:s15+s3] =	stream.linear.scatter [tilespmem:s16], [sflag:$0x1], $0x2000, $0x38;
	[tilespmem:$0x17B00] =	vst v63  }
0xcc: {  	_ =	swait.ge [sflag:s25], $0x2000  }
0xcd: {  	s8 =	sld [smem:$0x7F7]  }
0xce: {  	[sflag:s25] =	ssyncset.done $0x0  }
0xcf: {  	[sflag:s25] =	ssyncadd.s32 $0xFFFFE000  }
0xd0: {  	[hbm4b:s8+s3] =	stream.linear.scatter [tilespmem:s17], [sflag:$0x2], $0x2000, $0x38;
	[tilespmem:$0x17B00] =	vst v63  }
0xd1: {  	_ =	swait.ge [sflag:s26], $0x2000  }
0xd2: {  	s9 =	sld [smem:$0x7F8]  }
0xd3: {  	[sflag:s26] =	ssyncset.done $0x0  }
0xd4: {  	[sflag:s26] =	ssyncadd.s32 $0xFFFFE000  }
0xd5: {  	[hbm4b:s9+s3] =	stream.linear.scatter [tilespmem:s18], [sflag:$0x3], $0x2000, $0x38;
	[tilespmem:$0x17B00] =	vst v63  }
0xd6: {  	_ =	swait.ge [sflag:s28], $0x2000  }
0xd7: {  	s10 =	sld [smem:$0x7F9]  }
0xd8: {  	[sflag:s28] =	ssyncset.done $0x0  }
0xd9: {  	[sflag:s28] =	ssyncadd.s32 $0xFFFFE000  }
0xda: {  	[hbm4b:s10+s3] =	stream.linear.scatter [tilespmem:s19], [sflag:$0x4], $0x2000, $0x38;
	[tilespmem:$0x17B00] =	vst v63  }
0xdb: {  	_ =	swait.ge [sflag:s29], $0x2000  }
0xdc: {  	s11 =	sld [smem:$0x7FA]  }
0xdd: {  	[sflag:s29] =	ssyncset.done $0x0  }
0xde: {  	[sflag:s29] =	ssyncadd.s32 $0xFFFFE000  }
0xdf: {  	[hbm4b:s11+s3] =	stream.linear.scatter [tilespmem:s20], [sflag:$0x5], $0x2000, $0x38;
	[tilespmem:$0x17B00] =	vst v63  }
0xe0: {  	_ =	swait.ge [sflag:s30], $0x2000  }
0xe1: {  	s12 =	sld [smem:$0x7FB]  }
0xe2: {  	[sflag:s30] =	ssyncset.done $0x0  }
0xe3: {  	[sflag:s30] =	ssyncadd.s32 $0xFFFFE000  }
0xe4: {  	[hbm4b:s12+s3] =	stream.linear.scatter [tilespmem:s21], [sflag:$0x6], $0x2000, $0x38;
	[tilespmem:$0x17B00] =	vst v63  }
0xe5: {  	_ =	swait.ge [sflag:s31], $0x2000  }
0xe6: {  	s13 =	sld [smem:$0x7FC]  }
0xe7: {  	[sflag:s31] =	ssyncset.done $0x0  }
0xe8: {  	[sflag:s31] =	ssyncadd.s32 $0xFFFFE000  }
0xe9: {  	[hbm4b:s13+s3] =	stream.linear.scatter [tilespmem:s22], [sflag:$0x7], $0x2000, $0x38;
	[tilespmem:$0x17B00] =	vst v63  }
0xea: {  	_ =	swait.ge [sflag:s1], $0x2000  }
0xeb: {  	s15 =	sld [smem:$0x7FD]  }
0xec: {  	[sflag:s1] =	ssyncset.done $0x0  }
0xed: {  	[sflag:s1] =	ssyncadd.s32 $0xFFFFE000  }
0xee: {  	[hbm4b:s15+s3] =	stream.linear.scatter [tilespmem:s23], [sflag:$0x8], $0x2000, $0x38;
	[tilespmem:$0x17B00] =	vst v63  }
.LBB2_4:
0xef: {  	s8 =	simm.s32 $0xB0  }
0xf0: {  	v8 =	vld [tilespmem:s8+$0xFFFFFF50]  }
0xf1: {  	v9 =	vld [tilespmem:s8+$0xFFFFFF60]  }
0xf2: {  	v10 =	vld [tilespmem:s8+$0xFFFFFF70];
	_ =	sdelay $0x1  }
0xf3: {  	v11 =	vld [tilespmem:s8+$0xFFFFFF80]  }
0xf4: {  	v12 =	vld [tilespmem:s8+$0xFFFFFF90];
	vm0 =	veq.s32 v8, $0x0;
	v8 =	vadd.s32 v1, v8  }
0xf5: {  	v13 =	vld [tilespmem:s8+$0xFFFFFFA8];
	v8 =	vsel vm0, $0x1F40, v8;
	vm0 =	veq.s32 v9, $0x0;
	v9 =	vadd.s32 v2, v9  }
0xf6: {  	v14 =	vld [tilespmem:s8+$0xFFFFFFB8];
	v9 =	vsel vm0, $0x1F40, v9;
	vm0 =	veq.s32 v10, $0x0;
	v10 =	vadd.s32 v6, v10  }
0xf7: {  	v17 =	vld [tilespmem:s8+$0xFFFFFFE8];
	v8 =	vadd.s32 v0, v8;
	v9 =	vadd.s32 v0, v9;
	v10 =	vsel vm0, $0x1F40, v10  }
0xf8: {  	v15 =	vld [tilespmem:s8+$0xFFFFFFC8];
	vm0 =	veq.s32 v11, $0x0;
	v11 =	vadd.s32 v4, v11;
	v10 =	vadd.s32 v0, v10  }
0xf9: {  	v16 =	vld [tilespmem:s8+$0xFFFFFFD8];
	v11 =	vsel vm0, $0x1F40, v11;
	vm0 =	veq.s32 v12, $0x0;
	v12 =	vadd.s32 v7, v12  }
0xfa: {  	v18 =	vld [tilespmem:s8+$0x0];
	v12 =	vsel vm0, $0x1F40, v12;
	vm0 =	veq.s32 v13, $0x0;
	v13 =	vadd.s32 v1, v13  }
0xfb: {  	[tilespmem:s8+$0xFFFFFF50] =	vst v8;
	v11 =	vadd.s32 v0, v11;
	v12 =	vadd.s32 v0, v12;
	v13 =	vsel vm0, $0x1F40, v13  }
0xfc: {  	vm0 =	veq.s32 v14, $0x0;
	v14 =	vadd.s32 v2, v14;
	[tilespmem:s8+$0xFFFFFF80] =	vst v11;
	v11 =	vadd.s32 v7, v17  }
0xfd: {  	[tilespmem:s8+$0xFFFFFF60] =	vst v9;
	v8 =	vsel vm0, $0x1F40, v14;
	vm0 =	veq.s32 v15, $0x0;
	v14 =	vadd.s32 v6, v15;
	v15 =	vld [tilespmem:s8+$0x10]  }
0xfe: {  	[tilespmem:s8+$0xFFFFFF70] =	vst v10;
	v9 =	vsel vm0, $0x1F40, v14;
	vm0 =	veq.s32 v16, $0x0;
	v14 =	vadd.s32 v4, v16  }
0xff: {  	v13 =	vadd.s32 v0, v13;
	[tilespmem:s8+$0xFFFFFF90] =	vst v12;
	v12 =	vadd.s32 v1, v18;
	v10 =	vsel vm0, $0x1F40, v14;
	v14 =	vld [tilespmem:s8+$0x20]  }
0x100: {  	v61 =	vld [tilespmem:s8+$0x30];
	v8 =	vadd.s32 v0, v8;
	v9 =	vadd.s32 v0, v9;
	vm0 =	veq.s32 v17, $0x0  }
0x101: {  	v10 =	vadd.s32 v0, v10;
	v11 =	vsel vm0, $0x1F40, v11;
	vm0 =	veq.s32 v18, $0x0  }
0x102: {  	v62 =	vld [tilespmem:s8+$0x40];
	[tilespmem:s8+$0xFFFFFFA8] =	vst v13;
	v12 =	vsel vm0, $0x1F40, v12;
	vm0 =	veq.s32 v15, $0x0;
	v13 =	vadd.s32 v2, v15  }
0x103: {  	[tilespmem:s8+$0xFFFFFFB8] =	vst v8;
	v8 =	vadd.s32 v0, v11;
	v11 =	vadd.s32 v0, v12;
	v12 =	vsel vm0, $0x1F40, v13  }
0x104: {  	[tilespmem:s8+$0xFFFFFFC8] =	vst v9;
	v13 =	vld [tilespmem:s8+$0x58];
	v9 =	vadd.s32 v0, v12;
	vm0 =	veq.s32 v14, $0x0;
	v12 =	vadd.s32 v6, v14  }
0x105: {  	[tilespmem:s8+$0xFFFFFFD8] =	vst v10;
	v10 =	vadd.s32 v4, v61;
	v14 =	vld [tilespmem:s8+$0x68];
	v12 =	vsel vm0, $0x1F40, v12;
	vm0 =	veq.s32 v61, $0x0  }
0x106: {  	[tilespmem:s8+$0xFFFFFFE8] =	vst v8;
	v8 =	vsel vm0, $0x1F40, v10;
	v10 =	vld [tilespmem:s8+$0x78]  }
0x107: {  	v15 =	vadd.s32 v7, v62;
	vm0 =	veq.s32 v62, $0x0  }
0x108: {  	[tilespmem:s8+$0x0] =	vst v11;
	v63 =	vadd.s32 v0, v12;
	v12 =	vadd.s32 v0, v8;
	v11 =	vsel vm0, $0x1F40, v15;
	v8 =	vld [tilespmem:s8+$0x88]  }
0x109: {  	[tilespmem:s8+$0x10] =	vst v9;
	v9 =	vld [tilespmem:s8+$0x98];
	v11 =	vadd.s32 v0, v11;
	vm0 =	veq.s32 v13, $0x0;
	v13 =	vadd.s32 v1, v13  }
0x10a: {  	s5 =	simm.s32 $0x0;
	s9 =	simm.s32 $0x210;
	[tilespmem:s8+$0x20] =	vst v63;
	v13 =	vsel vm0, $0x1F40, v13;
	vm0 =	veq.s32 v14, $0x0;
	v14 =	vadd.s32 v2, v14  }
.LBB2_5:
0x10b: {  	v15 =	vld [tilespmem:s9+$0xFFFFFF50];
	[tilespmem:s8+$0x30] =	vst v12;
	v12 =	vsel vm0, $0x1F40, v14;
	vm0 =	veq.s32 v10, $0x0;
	v10 =	vadd.s32 v6, v10  }
0x10c: {  	v14 =	vld [tilespmem:s9+$0xFFFFFF60];
	[tilespmem:s8+$0x40] =	vst v11;
	v11 =	vadd.s32 v0, v13;
	v12 =	vadd.s32 v0, v12;
	v10 =	vsel vm0, $0x1F40, v10  }
0x10d: {  	v13 =	vld [tilespmem:s9+$0xFFFFFF70];
	[tilespmem:s8+$0x58] =	vst v11;
	v10 =	vadd.s32 v0, v10;
	vm0 =	veq.s32 v8, $0x0;
	v8 =	vadd.s32 v4, v8  }
0x10e: {  	[tilespmem:s8+$0x68] =	vst v12;
	v8 =	vsel vm0, $0x1F40, v8;
	vm0 =	veq.s32 v9, $0x0;
	v9 =	vadd.s32 v7, v9  }
0x10f: {  	v11 =	vld [tilespmem:s9+$0xFFFFFF80];
	[tilespmem:s8+$0x78] =	vst v10;
	v8 =	vadd.s32 v0, v8;
	v9 =	vsel vm0, $0x1F40, v9  }
0x110: {  	vm0 =	veq.s32 v15, $0x0;
	v10 =	vadd.s32 v1, v15;
	v12 =	vld [tilespmem:s9+$0xFFFFFF90];
	[tilespmem:s8+$0x88] =	vst v8;
	v8 =	vadd.s32 v0, v9  }
0x111: {  	v9 =	vsel vm0, $0x1F40, v10;
	vm0 =	veq.s32 v14, $0x0;
	v10 =	vadd.s32 v2, v14;
	v14 =	vld [tilespmem:s9+$0xFFFFFFA8];
	[tilespmem:s8+$0x98] =	vst v8;
	s8 =	smov.u32 s9  }
0x112: {  	v8 =	vsel vm0, $0x1F40, v10;
	vm0 =	veq.s32 v13, $0x0;
	v10 =	vadd.s32 v6, v13  }
0x113: {  	v9 =	vadd.s32 v0, v9;
	v8 =	vadd.s32 v0, v8;
	v10 =	vsel vm0, $0x1F40, v10;
	v13 =	vld [tilespmem:s9+$0xFFFFFFB8]  }
0x114: {  	v10 =	vadd.s32 v0, v10;
	vm0 =	veq.s32 v11, $0x0;
	v11 =	vadd.s32 v4, v11;
	v15 =	vld [tilespmem:s9+$0xFFFFFFC8]  }
0x115: {  	v11 =	vsel vm0, $0x1F40, v11;
	vm0 =	veq.s32 v12, $0x0;
	v12 =	vadd.s32 v7, v12;
	v16 =	vld [tilespmem:s9+$0xFFFFFFD8]  }
0x116: {  	v12 =	vsel vm0, $0x1F40, v12;
	vm0 =	veq.s32 v14, $0x0;
	v14 =	vadd.s32 v1, v14  }
0x117: {  	v11 =	vadd.s32 v0, v11;
	v12 =	vadd.s32 v0, v12;
	v14 =	vsel vm0, $0x1F40, v14;
	v17 =	vld [tilespmem:s9+$0xFFFFFFE8]  }
0x118: {  	v14 =	vadd.s32 v0, v14;
	vm0 =	veq.s32 v13, $0x0;
	v13 =	vadd.s32 v2, v13;
	v18 =	vld [tilespmem:s9+$0x0]  }
0x119: {  	[tilespmem:s9+$0xFFFFFF50] =	vst v9;
	v9 =	vsel vm0, $0x1F40, v13;
	vm0 =	veq.s32 v15, $0x0;
	v13 =	vadd.s32 v6, v15;
	v15 =	vld [tilespmem:s9+$0x10]  }
0x11a: {  	[tilespmem:s9+$0xFFFFFF60] =	vst v8;
	v8 =	vsel vm0, $0x1F40, v13;
	vm0 =	veq.s32 v16, $0x0;
	v13 =	vadd.s32 v4, v16  }
0x11b: {  	v9 =	vadd.s32 v0, v9;
	[tilespmem:s9+$0xFFFFFF70] =	vst v10;
	v8 =	vadd.s32 v0, v8;
	v10 =	vsel vm0, $0x1F40, v13;
	v13 =	vld [tilespmem:s9+$0x20]  }
0x11c: {  	[tilespmem:s9+$0xFFFFFF80] =	vst v11;
	v10 =	vadd.s32 v0, v10;
	vm0 =	veq.s32 v17, $0x0;
	v11 =	vadd.s32 v7, v17;
	v16 =	vld [tilespmem:s9+$0x30]  }
0x11d: {  	[tilespmem:s9+$0xFFFFFF90] =	vst v12;
	v11 =	vsel vm0, $0x1F40, v11;
	vm0 =	veq.s32 v18, $0x0;
	v12 =	vadd.s32 v1, v18;
	v17 =	vld [tilespmem:s9+$0x40]  }
0x11e: {  	[tilespmem:s9+$0xFFFFFFA8] =	vst v14;
	v12 =	vsel vm0, $0x1F40, v12;
	vm0 =	veq.s32 v15, $0x0;
	v14 =	vadd.s32 v2, v15  }
0x11f: {  	s5 =	sadd.s32 $0x4, s5;
	[tilespmem:s9+$0xFFFFFFB8] =	vst v9;
	v9 =	vadd.s32 v0, v11;
	v11 =	vadd.s32 v0, v12;
	v12 =	vsel vm0, $0x1F40, v14;
	v14 =	vld [tilespmem:s9+$0x58]  }
0x120: {  	p1 =	slt.u32 s5, $0x7C;
	[tilespmem:s9+$0xFFFFFFC8] =	vst v8;
	v15 =	vadd.s32 v0, v12;
	vm0 =	veq.s32 v13, $0x0;
	v8 =	vadd.s32 v6, v13;
	v18 =	vld [tilespmem:s9+$0x68]  }
.Ltmp2:
0x121: {  	[tilespmem:s9+$0xFFFFFFD8] =	vst v10;
	v8 =	vsel vm0, $0x1F40, v8;
	vm0 =	veq.s32 v16, $0x0;
	v12 =	vadd.s32 v4, v16;
	v10 =	vld [tilespmem:s9+$0x78];
	(pc) =	sbr.rel @p1 .LBB2_5-.Ltmp2, $4  }
0x122: {  	[tilespmem:s9+$0xFFFFFFE8] =	vst v9;
	v9 =	vsel vm0, $0x1F40, v12;
	vm0 =	veq.s32 v17, $0x0;
	v13 =	vadd.s32 v7, v17  }
0x123: {  	v16 =	vadd.s32 v0, v8;
	[tilespmem:s9+$0x0] =	vst v11;
	v12 =	vadd.s32 v0, v9;
	v9 =	vsel vm0, $0x1F40, v13;
	v8 =	vld [tilespmem:s9+$0x88]  }
0x124: {  	[tilespmem:s9+$0x10] =	vst v15;
	v11 =	vadd.s32 v0, v9;
	vm0 =	veq.s32 v14, $0x0;
	v13 =	vadd.s32 v1, v14;
	v9 =	vld [tilespmem:s9+$0x98]  }
0x125: {  	s9 =	sadd.s32 $0x160, s9;
	[tilespmem:s8+$0x20] =	vst v16;
	v13 =	vsel vm0, $0x1F40, v13;
	vm0 =	veq.s32 v18, $0x0;
	v14 =	vadd.s32 v2, v18  }
0x126: {  	[tilespmem:s8+$0x30] =	vst v12;
	v60 =	vsel vm0, $0x1F40, v14;
	vm13 =	veq.s32 v10, $0x0;
	v61 =	vadd.s32 v6, v10  }
0x127: {  	[tilespmem:s8+$0x40] =	vst v11;
	v62 =	vadd.s32 v0, v13;
	v12 =	vadd.s32 v0, v60;
	v10 =	vsel vm13, $0x1F40, v61  }
0x128: {  	[tilespmem:s8+$0x58] =	vst v62;
	v10 =	vadd.s32 v0, v10;
	vm14 =	veq.s32 v8, $0x0;
	v8 =	vadd.s32 v4, v8  }
0x129: {  	[tilespmem:s8+$0x68] =	vst v12;
	v8 =	vsel vm14, $0x1F40, v8;
	vm15 =	veq.s32 v9, $0x0;
	v63 =	vadd.s32 v7, v9  }
0x12a: {  	[tilespmem:s8+$0x78] =	vst v10;
	v8 =	vadd.s32 v0, v8;
	v9 =	vsel vm15, $0x1F40, v63  }
0x12b: {  	[tilespmem:s8+$0x88] =	vst v8;
	v8 =	vadd.s32 v0, v9  }
0x12c: {  	s5 =	simm.s32 @p0 $0x1;
	[tilespmem:s8+$0x98] =	vst v8  }
0x12d: {  	_ =	swait.ge @p0 [sflag:s5], $0x1400  }
0x12e: {  	[sflag:s5] =	ssyncset.done @p0 $0x0  }
0x12f: {  	[sflag:s5] =	ssyncadd.s32 @p0 $0xFFFFEC00;
	s5 =	simm.s32 @p0 $0x2  }
0x130: {  	_ =	swait.ge @p0 [sflag:s5], $0x1400  }
0x131: {  	[sflag:s5] =	ssyncset.done @p0 $0x0  }
0x132: {  	[sflag:s5] =	ssyncadd.s32 @p0 $0xFFFFEC00;
	s5 =	simm.s32 @p0 $0x3  }
0x133: {  	_ =	swait.ge @p0 [sflag:s5], $0x1400  }
0x134: {  	[sflag:s5] =	ssyncset.done @p0 $0x0  }
0x135: {  	[sflag:s5] =	ssyncadd.s32 @p0 $0xFFFFEC00;
	s5 =	simm.s32 @p0 $0x4  }
0x136: {  	_ =	swait.ge @p0 [sflag:s5], $0x1400  }
0x137: {  	[sflag:s5] =	ssyncset.done @p0 $0x0  }
0x138: {  	[sflag:s5] =	ssyncadd.s32 @p0 $0xFFFFEC00;
	s5 =	simm.s32 @p0 $0x5  }
0x139: {  	_ =	swait.ge @p0 [sflag:s5], $0x1400  }
0x13a: {  	[sflag:s5] =	ssyncset.done @p0 $0x0  }
0x13b: {  	[sflag:s5] =	ssyncadd.s32 @p0 $0xFFFFEC00;
	s5 =	simm.s32 @p0 $0x6  }
0x13c: {  	_ =	swait.ge @p0 [sflag:s5], $0x1400  }
0x13d: {  	[sflag:s5] =	ssyncset.done @p0 $0x0  }
0x13e: {  	[sflag:s5] =	ssyncadd.s32 @p0 $0xFFFFEC00;
	s5 =	simm.s32 @p0 $0x7  }
0x13f: {  	_ =	swait.ge @p0 [sflag:s5], $0x1400  }
0x140: {  	[sflag:s5] =	ssyncset.done @p0 $0x0  }
0x141: {  	[sflag:s5] =	ssyncadd.s32 @p0 $0xFFFFEC00;
	s5 =	simm.s32 @p0 $0x8  }
0x142: {  	_ =	swait.ge @p0 [sflag:s5], $0x1400  }
0x143: {  	[sflag:s5] =	ssyncset.done @p0 $0x0  }
0x144: {  	[sflag:s5] =	ssyncadd.s32 @p0 $0xFFFFEC00;
	s5 =	simm.s32 @!p0 $0x1  }
0x145: {  	_ =	swait.ge @!p0 [sflag:s5], $0x2000  }
0x146: {  	[sflag:s5] =	ssyncset.done @!p0 $0x0  }
0x147: {  	[sflag:s5] =	ssyncadd.s32 @!p0 $0xFFFFE000;
	s5 =	simm.s32 @!p0 $0x2  }
0x148: {  	_ =	swait.ge @!p0 [sflag:s5], $0x2000  }
0x149: {  	[sflag:s5] =	ssyncset.done @!p0 $0x0  }
0x14a: {  	[sflag:s5] =	ssyncadd.s32 @!p0 $0xFFFFE000;
	s5 =	simm.s32 @!p0 $0x3  }
0x14b: {  	_ =	swait.ge @!p0 [sflag:s5], $0x2000  }
0x14c: {  	[sflag:s5] =	ssyncset.done @!p0 $0x0  }
0x14d: {  	[sflag:s5] =	ssyncadd.s32 @!p0 $0xFFFFE000;
	s5 =	simm.s32 @!p0 $0x4  }
0x14e: {  	_ =	swait.ge @!p0 [sflag:s5], $0x2000  }
0x14f: {  	[sflag:s5] =	ssyncset.done @!p0 $0x0  }
0x150: {  	[sflag:s5] =	ssyncadd.s32 @!p0 $0xFFFFE000;
	s5 =	simm.s32 @!p0 $0x5  }
0x151: {  	_ =	swait.ge @!p0 [sflag:s5], $0x2000  }
0x152: {  	[sflag:s5] =	ssyncset.done @!p0 $0x0  }
0x153: {  	[sflag:s5] =	ssyncadd.s32 @!p0 $0xFFFFE000;
	s5 =	simm.s32 @!p0 $0x6  }
0x154: {  	_ =	swait.ge @!p0 [sflag:s5], $0x2000  }
0x155: {  	[sflag:s5] =	ssyncset.done @!p0 $0x0  }
0x156: {  	[sflag:s5] =	ssyncadd.s32 @!p0 $0xFFFFE000;
	s5 =	simm.s32 @!p0 $0x7  }
0x157: {  	_ =	swait.ge @!p0 [sflag:s5], $0x2000  }
0x158: {  	[sflag:s5] =	ssyncset.done @!p0 $0x0  }
0x159: {  	[sflag:s5] =	ssyncadd.s32 @!p0 $0xFFFFE000;
	s5 =	simm.s32 @!p0 $0x8  }
0x15a: {  	_ =	swait.ge @!p0 [sflag:s5], $0x2000  }
0x15b: {  	[sflag:s5] =	ssyncset.done @!p0 $0x0  }
0x15c: {  	[sflag:s5] =	ssyncadd.s32 @!p0 $0xFFFFE000  }
0x15d: {  	s8 =	simm.s32 $0x0;
	[bflag:$0x0] =	sbarrier.arrive $0xFFFF  }
0x15e: {  	[tilespmem:s16], [sflag:$0x1] =	stream.indirect.gather [hbm4b:s4+s0], $0x80, s8, s0, $0xb8;
	[tilespmem:$0x17B00] =	vst v63  }
0x15f: {  	s13 =	simm.s32 $0x58  }
0x160: {  	[tilespmem:s17], [sflag:$0x2] =	stream.indirect.gather [hbm4b:s4+s0], $0x80, s13, s0, $0xb8;
	[tilespmem:$0x17B00] =	vst v63  }
0x161: {  	s15 =	simm.s32 $0xB0  }
0x162: {  	[tilespmem:s18], [sflag:$0x3] =	stream.indirect.gather [hbm4b:s4+s0], $0x80, s15, s0, $0xb8;
	[tilespmem:$0x17B00] =	vst v63  }
.LBB2_7:
0x163: {  	s9 =	sshllo.u32 s8, $0x2  }
0x164: {  	s5 =	smul.u32 $0x160, s9;
	_ =	sdelay $0x1  }
0x165: {  	s10 =	sshra.s32 s5, $0x2  }
0x166: {  	[tilespmem:s19], [sflag:$0x4] =	stream.indirect.gather [hbm4b:s4+s0], $0x80, s10, s0, $0xb8;
	[tilespmem:$0x17B00] =	vst v63  }
0x167: {  	_ =	swait.ge [sflag:s24], $0x2800  }
0x168: {  	[sflag:s24] =	ssyncset.done $0x0  }
0x169: {  	s15 =	simm.s32 $0x2D80;
	[sflag:s24] =	ssyncadd.s32 $0xFFFFD800  }
0x16a: {  	v8 =	vld [tilespmem:s15+$0xFFFFFF00]  }
0x16b: {  	v9 =	vld [tilespmem:s15+$0xFFFFFF10]  }
0x16c: {  	v10 =	vld [tilespmem:s15+$0xFFFFFF80]  }
0x16d: {  	v12 =	vld [tilespmem:s15+$0xFFFFFF90]  }
0x16e: {  	v13 =	vld [tilespmem:s15+$0x0]  }
0x16f: {  	v15 =	vld [tilespmem:s15+$0x10]  }
0x170: {  	v11 =	vimm.f32 $0.0e+00;
	v17 =	vld [tilespmem:s15+$0x80];
	v14 =	vmul.f32 v8, v8  }
0x171: {  	v19 =	vld [tilespmem:s15+$0x90];
	v16 =	vmul.f32 v9, v9;
	v8 =	vadd.f32 v8, v11  }
0x172: {  	v20 =	vld [tilespmem:s15+$0xFFFFFF20];
	v18 =	vmul.f32 v10, v10;
	v9 =	vadd.f32 v9, v11;
	v14 =	vadd.f32 v14, v11  }
0x173: {  	v22 =	vld [tilespmem:s15+$0xFFFFFF30];
	v21 =	vmul.f32 v12, v12;
	v16 =	vadd.f32 v16, v11;
	v8 =	vadd.f32 v10, v8  }
0x174: {  	v23 =	vld [tilespmem:s15+$0x30];
	v9 =	vadd.f32 v12, v9;
	v10 =	vadd.f32 v18, v14;
	v14 =	vmul.f32 v13, v13  }
0x175: {  	v12 =	vadd.f32 v21, v16;
	v16 =	vld [tilespmem:s15+$0xFFFFFFA0];
	v18 =	vmul.f32 v15, v15;
	v8 =	vadd.f32 v13, v8  }
0x176: {  	v13 =	vld [tilespmem:s15+$0xFFFFFFB0];
	v9 =	vadd.f32 v15, v9;
	v21 =	vmul.f32 v19, v19;
	v10 =	vadd.f32 v14, v10  }
0x177: {  	v14 =	vmul.f32 v17, v17;
	v15 =	vadd.f32 v18, v12;
	v18 =	vld [tilespmem:s15+$0x20];
	v12 =	vadd.f32 v17, v8  }
0x178: {  	v24 =	vld [tilespmem:s15+$0xFFFFFF40];
	v17 =	vmul.f32 v20, v20;
	v8 =	vadd.f32 v19, v9;
	v19 =	vadd.f32 v20, v11  }
0x179: {  	v28 =	vld [tilespmem:s15+$0x50];
	v10 =	vadd.f32 v14, v10;
	v14 =	vmul.f32 v22, v22;
	v9 =	vadd.f32 v21, v15  }
0x17a: {  	v15 =	vld [tilespmem:s15+$0xA0];
	v17 =	vadd.f32 v17, v11;
	v22 =	vadd.f32 v22, v11;
	v20 =	vmul.f32 v16, v16  }
0x17b: {  	v21 =	vld [tilespmem:s15+$0xB0];
	v25 =	vmul.f32 v13, v13;
	v16 =	vadd.f32 v16, v19;
	v14 =	vadd.f32 v14, v11  }
0x17c: {  	v19 =	vld [tilespmem:s15+$0xFFFFFF50];
	v13 =	vadd.f32 v13, v22;
	v17 =	vadd.f32 v20, v17;
	v20 =	vmul.f32 v18, v18  }
0x17d: {  	v22 =	vld [tilespmem:s15+$0xFFFFFFC0];
	v16 =	vadd.f32 v18, v16;
	v14 =	vadd.f32 v25, v14;
	v25 =	vmul.f32 v23, v23  }
0x17e: {  	v26 =	vmul.f32 v24, v24;
	v18 =	vld [tilespmem:s15+$0xFFFFFFD0];
	v13 =	vadd.f32 v23, v13;
	v17 =	vadd.f32 v20, v17  }
0x17f: {  	v23 =	vld [tilespmem:s15+$0x40];
	v20 =	vmul.f32 v15, v15;
	v16 =	vadd.f32 v15, v16;
	v14 =	vadd.f32 v25, v14  }
0x180: {  	v29 =	vld [tilespmem:s15+$0xD0];
	v25 =	vmul.f32 v21, v21;
	v13 =	vadd.f32 v21, v13;
	v21 =	vadd.f32 v24, v11  }
0x181: {  	v30 =	vld [tilespmem:s15+$0xFFFFFF60];
	v15 =	vadd.f32 v20, v17;
	v17 =	vmul.f32 v19, v19;
	v19 =	vadd.f32 v19, v11  }
0x182: {  	v20 =	vld [tilespmem:s15+$0xC0];
	v14 =	vadd.f32 v25, v14;
	v25 =	vadd.f32 v26, v11;
	v26 =	vmul.f32 v22, v22  }
0x183: {  	v24 =	vld [tilespmem:s15+$0xFFFFFF70];
	v27 =	vmul.f32 v18, v18;
	v21 =	vadd.f32 v22, v21;
	v17 =	vadd.f32 v17, v11  }
0x184: {  	v18 =	vadd.f32 v18, v19;
	v22 =	vadd.f32 v26, v25;
	v26 =	vmul.f32 v23, v23  }
0x185: {  	v32 =	vmul.f32 v29, v29;
	v21 =	vadd.f32 v23, v21;
	v17 =	vadd.f32 v27, v17;
	v27 =	vld [tilespmem:s15+$0xFFFFFFE0]  }
0x186: {  	v19 =	vmul.f32 v28, v28;
	v25 =	vld [tilespmem:s15+$0xFFFFFFF0];
	v18 =	vadd.f32 v28, v18;
	v22 =	vadd.f32 v26, v22  }
0x187: {  	v28 =	vld [tilespmem:s15+$0x60];
	v23 =	vmul.f32 v20, v20;
	v20 =	vadd.f32 v20, v21;
	v21 =	vmul.f32 v30, v30  }
0x188: {  	v31 =	vmul.f32 v24, v24;
	v26 =	vld [tilespmem:s15+$0x70];
	v17 =	vadd.f32 v19, v17;
	v18 =	vadd.f32 v29, v18  }
0x189: {  	v29 =	vld [tilespmem:s15+$0xE0];
	v19 =	vadd.f32 v23, v22;
	v23 =	vadd.f32 v21, v11;
	v21 =	vimm.f32 $0.0e+00  }
0x18a: {  	s13 =	sshll.u32 s8, $0x2;
	s12 =	simm.s32 $0x0;
	s5 =	simm.s32 $0x2F80;
	v17 =	vadd.f32 v32, v17;
	v32 =	vadd.f32 v30, v11;
	v30 =	vld [tilespmem:s15+$0xF0];
	v33 =	vmul.f32 v27, v27  }
.LBB2_8:
0x18b: {  	v34 =	vld [tilespmem:s5+$0xFFFFFF00];
	v11 =	vadd.f32 v24, v11;
	v21 =	vadd.f32 v31, v21;
	v22 =	vmul.f32 v25, v25  }
0x18c: {  	v24 =	vld [tilespmem:s5+$0xFFFFFF10];
	v27 =	vadd.f32 v27, v32;
	v23 =	vadd.f32 v33, v23;
	v31 =	vmul.f32 v28, v28  }
0x18d: {  	v32 =	vld [tilespmem:s5+$0xFFFFFF80];
	v11 =	vadd.f32 v25, v11;
	v21 =	vadd.f32 v22, v21;
	v22 =	vmul.f32 v26, v26  }
0x18e: {  	v25 =	vld [tilespmem:s5+$0xFFFFFF90];
	v27 =	vadd.f32 v28, v27;
	v23 =	vadd.f32 v31, v23;
	v28 =	vmul.f32 v29, v29  }
0x18f: {  	v31 =	vld [tilespmem:s5+$0x0];
	v11 =	vadd.f32 v26, v11;
	v21 =	vadd.f32 v22, v21;
	v26 =	vmul.f32 v30, v30  }
0x190: {  	v33 =	vmul.f32 v34, v34;
	v35 =	vld [tilespmem:s5+$0x10];
	v22 =	vadd.f32 v29, v27;
	v23 =	vadd.f32 v28, v23  }
0x191: {  	v27 =	vmul.f32 v24, v24;
	v28 =	vld [tilespmem:s5+$0x80];
	v11 =	vadd.f32 v30, v11;
	v21 =	vadd.f32 v26, v21  }
0x192: {  	v12 =	vadd.f32 v34, v12;
	v10 =	vadd.f32 v33, v10;
	v26 =	vmul.f32 v32, v32;
	v29 =	vld [tilespmem:s5+$0x90]  }
0x193: {  	v8 =	vadd.f32 v24, v8;
	v9 =	vadd.f32 v27, v9;
	v24 =	vld [tilespmem:s5+$0xFFFFFF20];
	v27 =	vmul.f32 v25, v25  }
0x194: {  	v12 =	vadd.f32 v32, v12;
	v30 =	vld [tilespmem:s5+$0xFFFFFF30];
	v10 =	vadd.f32 v26, v10;
	v26 =	vmul.f32 v31, v31  }
0x195: {  	v8 =	vadd.f32 v25, v8;
	v9 =	vadd.f32 v27, v9;
	v25 =	vld [tilespmem:s5+$0xFFFFFFA0];
	v27 =	vmul.f32 v35, v35  }
0x196: {  	v12 =	vadd.f32 v31, v12;
	v32 =	vld [tilespmem:s5+$0xFFFFFFB0];
	v10 =	vadd.f32 v26, v10;
	v26 =	vmul.f32 v28, v28  }
0x197: {  	v8 =	vadd.f32 v35, v8;
	v9 =	vadd.f32 v27, v9;
	v27 =	vld [tilespmem:s5+$0x20];
	v31 =	vmul.f32 v29, v29  }
0x198: {  	v12 =	vadd.f32 v28, v12;
	v33 =	vmul.f32 v24, v24;
	v34 =	vld [tilespmem:s5+$0x30];
	v10 =	vadd.f32 v26, v10  }
0x199: {  	v8 =	vadd.f32 v29, v8;
	v26 =	vmul.f32 v30, v30;
	v9 =	vadd.f32 v31, v9;
	v28 =	vld [tilespmem:s5+$0xA0]  }
0x19a: {  	v16 =	vadd.f32 v24, v16;
	v15 =	vadd.f32 v33, v15;
	v24 =	vmul.f32 v25, v25;
	v29 =	vld [tilespmem:s5+$0xB0]  }
0x19b: {  	v13 =	vadd.f32 v30, v13;
	v14 =	vadd.f32 v26, v14;
	v26 =	vld [tilespmem:s5+$0xFFFFFF40];
	v30 =	vmul.f32 v32, v32  }
0x19c: {  	v16 =	vadd.f32 v25, v16;
	v31 =	vld [tilespmem:s5+$0xFFFFFF50];
	v15 =	vadd.f32 v24, v15;
	v24 =	vmul.f32 v27, v27  }
0x19d: {  	v13 =	vadd.f32 v32, v13;
	v14 =	vadd.f32 v30, v14;
	v25 =	vld [tilespmem:s5+$0xFFFFFFC0];
	v30 =	vmul.f32 v34, v34  }
0x19e: {  	v16 =	vadd.f32 v27, v16;
	v32 =	vld [tilespmem:s5+$0xFFFFFFD0];
	v15 =	vadd.f32 v24, v15;
	v24 =	vmul.f32 v28, v28  }
0x19f: {  	v13 =	vadd.f32 v34, v13;
	v14 =	vadd.f32 v30, v14;
	v30 =	vld [tilespmem:s5+$0x40];
	v27 =	vmul.f32 v29, v29  }
0x1a0: {  	v16 =	vadd.f32 v28, v16;
	v33 =	vmul.f32 v26, v26;
	v34 =	vld [tilespmem:s5+$0x50];
	v15 =	vadd.f32 v24, v15  }
0x1a1: {  	v13 =	vadd.f32 v29, v13;
	v24 =	vmul.f32 v31, v31;
	v14 =	vadd.f32 v27, v14;
	v29 =	vld [tilespmem:s5+$0xC0]  }
0x1a2: {  	v20 =	vadd.f32 v26, v20;
	v19 =	vadd.f32 v33, v19;
	v26 =	vmul.f32 v25, v25;
	v33 =	vld [tilespmem:s5+$0xD0]  }
0x1a3: {  	v18 =	vadd.f32 v31, v18;
	v17 =	vadd.f32 v24, v17;
	v35 =	vld [tilespmem:s5+$0xFFFFFF60];
	v27 =	vmul.f32 v32, v32  }
0x1a4: {  	s12 =	sadd.s32 $0x4, s12;
	v20 =	vadd.f32 v25, v20;
	v24 =	vld [tilespmem:s5+$0xFFFFFF70];
	v19 =	vadd.f32 v26, v19;
	v26 =	vmul.f32 v30, v30  }
0x1a5: {  	p1 =	slt.u32 s12, $0x4C;
	v18 =	vadd.f32 v32, v18;
	v17 =	vadd.f32 v27, v17;
	v27 =	vld [tilespmem:s5+$0xFFFFFFE0];
	v28 =	vmul.f32 v34, v34  }
.Ltmp3:
0x1a6: {  	v20 =	vadd.f32 v30, v20;
	v25 =	vld [tilespmem:s5+$0xFFFFFFF0];
	v19 =	vadd.f32 v26, v19;
	v30 =	vmul.f32 v29, v29;
	(pc) =	sbr.rel @p1 .LBB2_8-.Ltmp3, $4  }
0x1a7: {  	v18 =	vadd.f32 v34, v18;
	v17 =	vadd.f32 v28, v17;
	v28 =	vld [tilespmem:s5+$0x60];
	v32 =	vmul.f32 v33, v33  }
0x1a8: {  	v20 =	vadd.f32 v29, v20;
	v34 =	vmul.f32 v35, v35;
	v26 =	vld [tilespmem:s5+$0x70];
	v19 =	vadd.f32 v30, v19  }
0x1a9: {  	v18 =	vadd.f32 v33, v18;
	v31 =	vmul.f32 v24, v24;
	v17 =	vadd.f32 v32, v17;
	v29 =	vld [tilespmem:s5+$0xE0]  }
0x1aa: {  	v32 =	vadd.f32 v35, v22;
	v23 =	vadd.f32 v34, v23;
	v33 =	vmul.f32 v27, v27;
	v30 =	vld [tilespmem:s5+$0xF0];
	s5 =	sadd.s32 $0x200, s5  }
0x1ab: {  	s5 =	smul.u32 $0x580, s8;
	_ =	sdelay $0x1  }
0x1ac: {  	s12 =	sshra.s32 s5, $0x2  }
0x1ad: {  	v22 =	vld [tilespmem:s12+$0x50]  }
0x1ae: {  	v11 =	vadd.f32 v24, v11;
	v24 =	vld [tilespmem:$0x16C80]  }
0x1af: {  	v21 =	vadd.f32 v31, v21;
	v31 =	vmul.f32 v25, v25;
	v49 =	vld [tilespmem:$0x16C90];
	v27 =	vadd.f32 v27, v32  }
0x1b0: {  	v23 =	vadd.f32 v33, v23;
	v50 =	vmul.f32 v28, v28;
	v11 =	vadd.f32 v25, v11  }
0x1b1: {  	v34 =	vld [tilespmem:$0x16CB0];
	v21 =	vadd.f32 v31, v21;
	v25 =	vmul.f32 v26, v26;
	v27 =	vadd.f32 v28, v27  }
0x1b2: {  	v28 =	vld [tilespmem:$0x16CA0];
	v23 =	vadd.f32 v50, v23;
	v31 =	vmul.f32 v29, v29;
	v51 =	vbroadcast v22, $0x0  }
0x1b3: {  	v11 =	vadd.f32 v26, v11;
	v21 =	vadd.f32 v25, v21;
	v25 =	vmul.f32 v30, v30  }
0x1b4: {  	v26 =	vadd.f32 v29, v27;
	v29 =	vld [tilespmem:$0x16CC0];
	v24 =	vmul.f32 v24, v51;
	v27 =	vmul.f32 v49, v51  }
0x1b5: {  	v23 =	vadd.f32 v31, v23;
	v11 =	vadd.f32 v30, v11;
	v30 =	vld [tilespmem:$0x16CD0]  }
0x1b6: {  	v21 =	vadd.f32 v25, v21;
	v25 =	vmul.f32 v24, v24;
	v31 =	vmul.f32 v27, v27  }
0x1b7: {  	v12 =	vadd.f32 v24, v12;
	v24 =	vmul.f32 v28, v51;
	v28 =	vmul.f32 v34, v51  }
0x1b8: {  	v52 =	vld [tilespmem:$0x16CE0];
	v8 =	vadd.f32 v27, v8;
	v10 =	vadd.f32 v25, v10  }
0x1b9: {  	v9 =	vadd.f32 v31, v9;
	v27 =	vmul.f32 v24, v24;
	v31 =	vmul.f32 v28, v28  }
0x1ba: {  	v25 =	vld [tilespmem:$0x16CF0];
	v16 =	vadd.f32 v24, v16;
	v24 =	vmul.f32 v29, v51;
	v29 =	vmul.f32 v30, v51  }
0x1bb: {  	v30 =	vld [tilespmem:$0x16D00];
	v13 =	vadd.f32 v28, v13;
	v15 =	vadd.f32 v27, v15  }
0x1bc: {  	v27 =	vld [tilespmem:$0x16D10];
	v14 =	vadd.f32 v31, v14;
	v28 =	vmul.f32 v24, v24;
	v31 =	vmul.f32 v29, v29  }
0x1bd: {  	v20 =	vadd.f32 v24, v20;
	v24 =	vmul.f32 v52, v51;
	v18 =	vadd.f32 v29, v18;
	v29 =	vld [tilespmem:$0x16D30]  }
0x1be: {  	v53 =	vld [tilespmem:$0x16D20];
	v19 =	vadd.f32 v28, v19;
	v28 =	vbroadcast v22, $0x1  }
0x1bf: {  	v17 =	vadd.f32 v31, v17;
	v31 =	vmul.f32 v24, v24;
	v25 =	vmul.f32 v25, v51  }
0x1c0: {  	v24 =	vadd.f32 v24, v26  }
0x1c1: {  	v26 =	vmul.f32 v30, v28;
	v30 =	vld [tilespmem:$0x16D40];
	v23 =	vadd.f32 v31, v23;
	v33 =	vmul.f32 v25, v25  }
0x1c2: {  	v27 =	vmul.f32 v27, v28;
	v11 =	vadd.f32 v25, v11;
	v29 =	vmul.f32 v29, v28  }
0x1c3: {  	v25 =	vld [tilespmem:$0x16D50];
	v31 =	vmul.f32 v26, v26;
	v12 =	vadd.f32 v26, v12;
	v26 =	vmul.f32 v53, v28  }
0x1c4: {  	v21 =	vadd.f32 v33, v21;
	v54 =	vmul.f32 v27, v27;
	v8 =	vadd.f32 v27, v8;
	v27 =	vld [tilespmem:$0x16D60]  }
0x1c5: {  	v56 =	vld [tilespmem:$0x16D70];
	v55 =	vmul.f32 v29, v29;
	v13 =	vadd.f32 v29, v13;
	v10 =	vadd.f32 v31, v10  }
0x1c6: {  	v31 =	vmul.f32 v26, v26;
	v16 =	vadd.f32 v26, v16;
	v26 =	vmul.f32 v30, v28;
	v30 =	vld [tilespmem:$0x16D80]  }
0x1c7: {  	v29 =	vld [tilespmem:$0x16D90];
	v9 =	vadd.f32 v54, v9;
	v14 =	vadd.f32 v55, v14  }
0x1c8: {  	v25 =	vmul.f32 v25, v28;
	v15 =	vadd.f32 v31, v15;
	v31 =	vmul.f32 v26, v26  }
0x1c9: {  	v58 =	vld [tilespmem:$0x16DA0];
	v20 =	vadd.f32 v26, v20;
	v26 =	vmul.f32 v27, v28;
	v27 =	vbroadcast v22, $0x2  }
0x1ca: {  	v57 =	vmul.f32 v25, v25;
	v18 =	vadd.f32 v25, v18;
	v25 =	vmul.f32 v56, v28  }
0x1cb: {  	v28 =	vld [tilespmem:$0x16DB0];
	v19 =	vadd.f32 v31, v19;
	v31 =	vmul.f32 v26, v26;
	v30 =	vmul.f32 v30, v27  }
0x1cc: {  	v59 =	vld [tilespmem:$0x16DC0];
	v24 =	vadd.f32 v26, v24;
	v26 =	vmul.f32 v25, v25;
	v29 =	vmul.f32 v29, v27  }
0x1cd: {  	v11 =	vadd.f32 v25, v11;
	v23 =	vadd.f32 v31, v23;
	v25 =	vmul.f32 v30, v30  }
0x1ce: {  	v60 =	vld [tilespmem:$0x16DD0];
	v21 =	vadd.f32 v26, v21;
	v26 =	vmul.f32 v29, v29;
	v31 =	vmul.f32 v58, v27  }
0x1cf: {  	v17 =	vadd.f32 v57, v17;
	v10 =	vadd.f32 v25, v10  }
0x1d0: {  	v25 =	vmul.f32 v28, v27;
	v28 =	vld [tilespmem:$0x16DE0];
	v9 =	vadd.f32 v26, v9;
	v26 =	vmul.f32 v31, v31  }
0x1d1: {  	v8 =	vadd.f32 v29, v8;
	v29 =	vld [tilespmem:$0x16DF0];
	v16 =	vadd.f32 v31, v16;
	v31 =	vmul.f32 v59, v27  }
0x1d2: {  	v61 =	vld [tilespmem:$0x16E00];
	v12 =	vadd.f32 v30, v12;
	v30 =	vmul.f32 v25, v25;
	v15 =	vadd.f32 v26, v15  }
0x1d3: {  	v13 =	vadd.f32 v25, v13;
	v25 =	vmul.f32 v31, v31;
	v26 =	vmul.f32 v60, v27  }
0x1d4: {  	v22 =	vbroadcast v22, $0x3;
	v20 =	vadd.f32 v31, v20;
	v31 =	vld [tilespmem:$0x16E20];
	v14 =	vadd.f32 v30, v14  }
0x1d5: {  	v30 =	vld [tilespmem:$0x16E10];
	v19 =	vadd.f32 v25, v19;
	v25 =	vmul.f32 v26, v26;
	v28 =	vmul.f32 v28, v27  }
0x1d6: {  	v62 =	vld [tilespmem:$0x16E30];
	v18 =	vadd.f32 v26, v18;
	v27 =	vmul.f32 v29, v27  }
0x1d7: {  	v29 =	vmul.f32 v61, v22;
	v17 =	vadd.f32 v25, v17;
	v26 =	vmul.f32 v28, v28  }
0x1d8: {  	v24 =	vadd.f32 v28, v24;
	v25 =	vmul.f32 v27, v27;
	v11 =	vadd.f32 v27, v11  }
0x1d9: {  	v12 =	vadd.f32 v29, v12;
	v27 =	vld [tilespmem:$0x16E50];
	v23 =	vadd.f32 v26, v23;
	v26 =	vmul.f32 v29, v29  }
0x1da: {  	v28 =	vmul.f32 v30, v22;
	v30 =	vld [tilespmem:$0x16E40];
	v21 =	vadd.f32 v25, v21;
	v25 =	vmul.f32 v31, v22  }
0x1db: {  	v29 =	vmul.f32 v62, v22;
	v12 =	vmul.f32 v12, v12  }
0x1dc: {  	v10 =	vadd.f32 v26, v10;
	v26 =	vmul.f32 v28, v28;
	v8 =	vadd.f32 v28, v8  }
0x1dd: {  	v28 =	vmul.f32 v25, v25;
	v16 =	vadd.f32 v25, v16;
	v25 =	vmul.f32 v29, v29  }
0x1de: {  	v13 =	vadd.f32 v29, v13;
	v9 =	vadd.f32 v26, v9;
	v8 =	vmul.f32 v8, v8  }
0x1df: {  	v27 =	vmul.f32 v27, v22;
	v15 =	vadd.f32 v28, v15;
	v26 =	vmul.f32 v30, v22  }
0x1e0: {  	v28 =	vld [tilespmem:$0x16E60];
	v10 =	vsub.f32 v12, v10;
	v8 =	vsub.f32 v8, v9;
	v9 =	vmul.f32 v16, v16  }
0x1e1: {  	v14 =	vadd.f32 v25, v14;
	v25 =	vmul.f32 v26, v26;
	v12 =	vadd.f32 v26, v20  }
0x1e2: {  	v8 =	vadd.f32 v8, v10;
	v9 =	vsub.f32 v9, v15;
	v10 =	vmul.f32 v13, v13  }
0x1e3: {  	v29 =	vld [tilespmem:$0x16E70];
	v16 =	vadd.f32 v25, v19;
	v19 =	vmul.f32 v27, v27  }
0x1e4: {  	v8 =	vadd.f32 v9, v8;
	v9 =	vsub.f32 v10, v14;
	v10 =	vmul.f32 v12, v12  }
0x1e5: {  	v13 =	vadd.f32 v27, v18;
	v15 =	vadd.f32 v19, v17;
	v17 =	vmul.f32 v28, v22  }
0x1e6: {  	v8 =	vadd.f32 v9, v8;
	v9 =	vsub.f32 v10, v16  }
0x1e7: {  	v10 =	vmul.f32 v13, v13;
	v14 =	vmul.f32 v17, v17  }
0x1e8: {  	v12 =	vadd.f32 v17, v24;
	v17 =	vmul.f32 v29, v22;
	v8 =	vadd.f32 v9, v8  }
0x1e9: {  	v9 =	vsub.f32 v10, v15;
	v13 =	vadd.f32 v14, v23  }
0x1ea: {  	v11 =	vadd.f32 v17, v11;
	v14 =	vmul.f32 v17, v17;
	v10 =	vmul.f32 v12, v12  }
0x1eb: {  	v8 =	vadd.f32 v9, v8  }
0x1ec: {  	v12 =	vadd.f32 v14, v21;
	v9 =	vsub.f32 v10, v13;
	v10 =	vmul.f32 v11, v11;
	_ =	sdelay $0x1  }
0x1ed: {  	v8 =	vadd.f32 v9, v8;
	v9 =	vsub.f32 v10, v12;
	_ =	sdelay $0x1  }
0x1ee: {  	s15 =	sshll.u32 s8, $0x6;
	v8 =	vadd.f32 v9, v8  }
0x1ef: {  	p1 =	seq.s32 s8, $0x1F;
	s5 =	sand.u32 $0x3FFFFFC0, s15  }
0x1f0: {  	s11 =	simm.s32 @!p1 $0x50;
	s15 =	simm.s32 @!p1 $0x2C80;
	[tilespmem:s5+$0x16E80] =	vst v8;
	s5 =	sadd.s32 @!p1 $0x160, s12  }
0x1f1: {  	[tilespmem:s15], [sflag:$0x1] =	stream.indirect.gather @!p1 [hbm4b:s4+s11], $0x80, s5, s11, $0xb8;
	[tilespmem:$0x17B00] =	vst v63  }
0x1f2: {  	_ =	swait.ge [sflag:s25], $0x2800  }
0x1f3: {  	[sflag:s25] =	ssyncset.done $0x0  }
0x1f4: {  	s11 =	simm.s32 $0x5580;
	[sflag:s25] =	ssyncadd.s32 $0xFFFFD800  }
0x1f5: {  	v8 =	vld [tilespmem:s11+$0xFFFFFF00]  }
0x1f6: {  	v9 =	vld [tilespmem:s11+$0xFFFFFF10]  }
0x1f7: {  	v10 =	vld [tilespmem:s11+$0xFFFFFF80]  }
0x1f8: {  	v30 =	vld [tilespmem:s11+$0xFFFFFF60]  }
0x1f9: {  	v12 =	vld [tilespmem:s11+$0xFFFFFF90]  }
0x1fa: {  	v13 =	vld [tilespmem:s11+$0x0]  }
0x1fb: {  	v11 =	vimm.f32 $0.0e+00;
	v15 =	vld [tilespmem:s11+$0x10];
	v14 =	vmul.f32 v8, v8  }
0x1fc: {  	v19 =	vld [tilespmem:s11+$0x90];
	v16 =	vmul.f32 v9, v9;
	v8 =	vadd.f32 v8, v11;
	v9 =	vadd.f32 v9, v11  }
0x1fd: {  	v17 =	vld [tilespmem:s11+$0x80];
	v18 =	vmul.f32 v10, v10;
	v32 =	vadd.f32 v30, v11;
	v14 =	vadd.f32 v14, v11  }
0x1fe: {  	v20 =	vld [tilespmem:s11+$0xFFFFFF20];
	v21 =	vmul.f32 v12, v12;
	v16 =	vadd.f32 v16, v11;
	v8 =	vadd.f32 v10, v8  }
0x1ff: {  	v22 =	vld [tilespmem:s11+$0xFFFFFF30];
	v9 =	vadd.f32 v12, v9;
	v10 =	vadd.f32 v18, v14;
	v14 =	vmul.f32 v13, v13  }
0x200: {  	v12 =	vadd.f32 v21, v16;
	v16 =	vld [tilespmem:s11+$0xFFFFFFA0];
	v18 =	vmul.f32 v15, v15;
	v8 =	vadd.f32 v13, v8  }
0x201: {  	v13 =	vld [tilespmem:s11+$0xFFFFFFB0];
	v9 =	vadd.f32 v15, v9;
	v21 =	vmul.f32 v19, v19;
	v10 =	vadd.f32 v14, v10  }
0x202: {  	v14 =	vmul.f32 v17, v17;
	v15 =	vadd.f32 v18, v12;
	v18 =	vld [tilespmem:s11+$0x20];
	v12 =	vadd.f32 v17, v8  }
0x203: {  	v23 =	vld [tilespmem:s11+$0x30];
	v17 =	vmul.f32 v20, v20;
	v8 =	vadd.f32 v19, v9;
	v19 =	vadd.f32 v20, v11  }
0x204: {  	v24 =	vld [tilespmem:s11+$0xFFFFFF40];
	v10 =	vadd.f32 v14, v10;
	v14 =	vmul.f32 v22, v22;
	v9 =	vadd.f32 v21, v15  }
0x205: {  	v15 =	vld [tilespmem:s11+$0xA0];
	v17 =	vadd.f32 v17, v11;
	v22 =	vadd.f32 v22, v11;
	v20 =	vmul.f32 v16, v16  }
0x206: {  	v21 =	vld [tilespmem:s11+$0xB0];
	v25 =	vmul.f32 v13, v13;
	v16 =	vadd.f32 v16, v19;
	v14 =	vadd.f32 v14, v11  }
0x207: {  	v19 =	vld [tilespmem:s11+$0xFFFFFF50];
	v13 =	vadd.f32 v13, v22;
	v17 =	vadd.f32 v20, v17;
	v20 =	vmul.f32 v18, v18  }
0x208: {  	v22 =	vld [tilespmem:s11+$0xFFFFFFC0];
	v16 =	vadd.f32 v18, v16;
	v14 =	vadd.f32 v25, v14;
	v25 =	vmul.f32 v23, v23  }
0x209: {  	v26 =	vmul.f32 v24, v24;
	v18 =	vld [tilespmem:s11+$0xFFFFFFD0];
	v13 =	vadd.f32 v23, v13;
	v17 =	vadd.f32 v20, v17  }
0x20a: {  	v23 =	vld [tilespmem:s11+$0x40];
	v20 =	vmul.f32 v15, v15;
	v16 =	vadd.f32 v15, v16;
	v14 =	vadd.f32 v25, v14  }
0x20b: {  	v25 =	vmul.f32 v21, v21;
	v13 =	vadd.f32 v21, v13;
	v21 =	vadd.f32 v24, v11  }
0x20c: {  	v28 =	vld [tilespmem:s11+$0x50];
	v15 =	vadd.f32 v20, v17;
	v17 =	vmul.f32 v19, v19;
	v19 =	vadd.f32 v19, v11  }
0x20d: {  	v20 =	vld [tilespmem:s11+$0xC0];
	v14 =	vadd.f32 v25, v14;
	v25 =	vadd.f32 v26, v11;
	v26 =	vmul.f32 v22, v22  }
0x20e: {  	v29 =	vld [tilespmem:s11+$0xD0];
	v27 =	vmul.f32 v18, v18;
	v21 =	vadd.f32 v22, v21;
	v17 =	vadd.f32 v17, v11  }
0x20f: {  	v24 =	vld [tilespmem:s11+$0xFFFFFF70];
	v18 =	vadd.f32 v18, v19;
	v22 =	vadd.f32 v26, v25;
	v26 =	vmul.f32 v23, v23  }
0x210: {  	v21 =	vadd.f32 v23, v21;
	v17 =	vadd.f32 v27, v17;
	v27 =	vld [tilespmem:s11+$0xFFFFFFE0]  }
0x211: {  	v19 =	vmul.f32 v28, v28;
	v25 =	vld [tilespmem:s11+$0xFFFFFFF0];
	v18 =	vadd.f32 v28, v18;
	v22 =	vadd.f32 v26, v22  }
0x212: {  	v28 =	vld [tilespmem:s11+$0x60];
	v23 =	vmul.f32 v20, v20;
	v20 =	vadd.f32 v20, v21;
	v21 =	vmul.f32 v30, v30  }
0x213: {  	v63 =	vmul.f32 v29, v29;
	v26 =	vld [tilespmem:s11+$0x70];
	v17 =	vadd.f32 v19, v17;
	v18 =	vadd.f32 v29, v18  }
0x214: {  	v31 =	vmul.f32 v24, v24;
	v29 =	vld [tilespmem:s11+$0xE0];
	v19 =	vadd.f32 v23, v22;
	v23 =	vadd.f32 v21, v11  }
0x215: {  	s15 =	sor.u32 $0x1, s13;
	s5 =	simm.s32 $0x0;
	v30 =	vld [tilespmem:s11+$0xF0];
	s11 =	simm.s32 $0x5780;
	v21 =	vimm.f32 $0.0e+00;
	v17 =	vadd.f32 v63, v17;
	v33 =	vmul.f32 v27, v27  }
.LBB2_10:
0x216: {  	v34 =	vld [tilespmem:s11+$0xFFFFFF00];
	v11 =	vadd.f32 v24, v11;
	v21 =	vadd.f32 v31, v21;
	v22 =	vmul.f32 v25, v25  }
0x217: {  	v24 =	vld [tilespmem:s11+$0xFFFFFF10];
	v27 =	vadd.f32 v27, v32;
	v23 =	vadd.f32 v33, v23;
	v31 =	vmul.f32 v28, v28  }
0x218: {  	v32 =	vld [tilespmem:s11+$0xFFFFFF80];
	v11 =	vadd.f32 v25, v11;
	v21 =	vadd.f32 v22, v21;
	v22 =	vmul.f32 v26, v26  }
0x219: {  	v25 =	vld [tilespmem:s11+$0xFFFFFF90];
	v27 =	vadd.f32 v28, v27;
	v23 =	vadd.f32 v31, v23;
	v28 =	vmul.f32 v29, v29  }
0x21a: {  	v31 =	vld [tilespmem:s11+$0x0];
	v11 =	vadd.f32 v26, v11;
	v21 =	vadd.f32 v22, v21;
	v26 =	vmul.f32 v30, v30  }
0x21b: {  	v33 =	vmul.f32 v34, v34;
	v35 =	vld [tilespmem:s11+$0x10];
	v22 =	vadd.f32 v29, v27;
	v23 =	vadd.f32 v28, v23  }
0x21c: {  	v27 =	vmul.f32 v24, v24;
	v28 =	vld [tilespmem:s11+$0x80];
	v11 =	vadd.f32 v30, v11;
	v21 =	vadd.f32 v26, v21  }
0x21d: {  	v12 =	vadd.f32 v34, v12;
	v10 =	vadd.f32 v33, v10;
	v26 =	vmul.f32 v32, v32;
	v29 =	vld [tilespmem:s11+$0x90]  }
0x21e: {  	v8 =	vadd.f32 v24, v8;
	v9 =	vadd.f32 v27, v9;
	v24 =	vld [tilespmem:s11+$0xFFFFFF20];
	v27 =	vmul.f32 v25, v25  }
0x21f: {  	v12 =	vadd.f32 v32, v12;
	v30 =	vld [tilespmem:s11+$0xFFFFFF30];
	v10 =	vadd.f32 v26, v10;
	v26 =	vmul.f32 v31, v31  }
0x220: {  	v8 =	vadd.f32 v25, v8;
	v9 =	vadd.f32 v27, v9;
	v25 =	vld [tilespmem:s11+$0xFFFFFFA0];
	v27 =	vmul.f32 v35, v35  }
0x221: {  	v12 =	vadd.f32 v31, v12;
	v32 =	vld [tilespmem:s11+$0xFFFFFFB0];
	v10 =	vadd.f32 v26, v10;
	v26 =	vmul.f32 v28, v28  }
0x222: {  	v8 =	vadd.f32 v35, v8;
	v9 =	vadd.f32 v27, v9;
	v27 =	vld [tilespmem:s11+$0x20];
	v31 =	vmul.f32 v29, v29  }
0x223: {  	v12 =	vadd.f32 v28, v12;
	v33 =	vmul.f32 v24, v24;
	v34 =	vld [tilespmem:s11+$0x30];
	v10 =	vadd.f32 v26, v10  }
0x224: {  	v8 =	vadd.f32 v29, v8;
	v26 =	vmul.f32 v30, v30;
	v9 =	vadd.f32 v31, v9;
	v28 =	vld [tilespmem:s11+$0xA0]  }
0x225: {  	v16 =	vadd.f32 v24, v16;
	v15 =	vadd.f32 v33, v15;
	v24 =	vmul.f32 v25, v25;
	v29 =	vld [tilespmem:s11+$0xB0]  }
0x226: {  	v13 =	vadd.f32 v30, v13;
	v14 =	vadd.f32 v26, v14;
	v26 =	vld [tilespmem:s11+$0xFFFFFF40];
	v30 =	vmul.f32 v32, v32  }
0x227: {  	v16 =	vadd.f32 v25, v16;
	v31 =	vld [tilespmem:s11+$0xFFFFFF50];
	v15 =	vadd.f32 v24, v15;
	v24 =	vmul.f32 v27, v27  }
0x228: {  	v13 =	vadd.f32 v32, v13;
	v14 =	vadd.f32 v30, v14;
	v25 =	vld [tilespmem:s11+$0xFFFFFFC0];
	v30 =	vmul.f32 v34, v34  }
0x229: {  	v16 =	vadd.f32 v27, v16;
	v32 =	vld [tilespmem:s11+$0xFFFFFFD0];
	v15 =	vadd.f32 v24, v15;
	v24 =	vmul.f32 v28, v28  }
0x22a: {  	v13 =	vadd.f32 v34, v13;
	v14 =	vadd.f32 v30, v14;
	v30 =	vld [tilespmem:s11+$0x40];
	v27 =	vmul.f32 v29, v29  }
0x22b: {  	v16 =	vadd.f32 v28, v16;
	v33 =	vmul.f32 v26, v26;
	v34 =	vld [tilespmem:s11+$0x50];
	v15 =	vadd.f32 v24, v15  }
0x22c: {  	v13 =	vadd.f32 v29, v13;
	v24 =	vmul.f32 v31, v31;
	v14 =	vadd.f32 v27, v14;
	v29 =	vld [tilespmem:s11+$0xC0]  }
0x22d: {  	v20 =	vadd.f32 v26, v20;
	v19 =	vadd.f32 v33, v19;
	v26 =	vmul.f32 v25, v25;
	v33 =	vld [tilespmem:s11+$0xD0]  }
0x22e: {  	v18 =	vadd.f32 v31, v18;
	v17 =	vadd.f32 v24, v17;
	v35 =	vld [tilespmem:s11+$0xFFFFFF60];
	v27 =	vmul.f32 v32, v32  }
0x22f: {  	s5 =	sadd.s32 $0x4, s5;
	v20 =	vadd.f32 v25, v20;
	v24 =	vld [tilespmem:s11+$0xFFFFFF70];
	v19 =	vadd.f32 v26, v19;
	v26 =	vmul.f32 v30, v30  }
0x230: {  	p2 =	slt.u32 s5, $0x4C;
	v18 =	vadd.f32 v32, v18;
	v17 =	vadd.f32 v27, v17;
	v27 =	vld [tilespmem:s11+$0xFFFFFFE0];
	v28 =	vmul.f32 v34, v34  }
.Ltmp4:
0x231: {  	v20 =	vadd.f32 v30, v20;
	v25 =	vld [tilespmem:s11+$0xFFFFFFF0];
	v19 =	vadd.f32 v26, v19;
	v30 =	vmul.f32 v29, v29;
	(pc) =	sbr.rel @p2 .LBB2_10-.Ltmp4, $4  }
0x232: {  	v18 =	vadd.f32 v34, v18;
	v17 =	vadd.f32 v28, v17;
	v28 =	vld [tilespmem:s11+$0x60];
	v32 =	vmul.f32 v33, v33  }
0x233: {  	v20 =	vadd.f32 v29, v20;
	v34 =	vmul.f32 v35, v35;
	v26 =	vld [tilespmem:s11+$0x70];
	v19 =	vadd.f32 v30, v19  }
0x234: {  	v18 =	vadd.f32 v33, v18;
	v31 =	vmul.f32 v24, v24;
	v17 =	vadd.f32 v32, v17;
	v29 =	vld [tilespmem:s11+$0xE0]  }
0x235: {  	v32 =	vadd.f32 v35, v22;
	v23 =	vadd.f32 v34, v23;
	v33 =	vmul.f32 v27, v27;
	v30 =	vld [tilespmem:s11+$0xF0];
	s11 =	sadd.s32 $0x200, s11  }
0x236: {  	s5 =	smul.u32 $0x160, s15;
	_ =	sdelay $0x1  }
0x237: {  	s5 =	sshra.s32 s5, $0x2  }
0x238: {  	v22 =	vld [tilespmem:s5+$0x50]  }
0x239: {  	v11 =	vadd.f32 v24, v11;
	v24 =	vld [tilespmem:$0x16C80]  }
0x23a: {  	v21 =	vadd.f32 v31, v21;
	v31 =	vmul.f32 v25, v25;
	v49 =	vld [tilespmem:$0x16C90];
	v27 =	vadd.f32 v27, v32  }
0x23b: {  	v23 =	vadd.f32 v33, v23;
	v50 =	vmul.f32 v28, v28;
	v11 =	vadd.f32 v25, v11  }
0x23c: {  	v34 =	vld [tilespmem:$0x16CB0];
	v21 =	vadd.f32 v31, v21;
	v25 =	vmul.f32 v26, v26;
	v27 =	vadd.f32 v28, v27  }
0x23d: {  	v28 =	vld [tilespmem:$0x16CA0];
	v23 =	vadd.f32 v50, v23;
	v31 =	vmul.f32 v29, v29;
	v51 =	vbroadcast v22, $0x0  }
0x23e: {  	v11 =	vadd.f32 v26, v11;
	v21 =	vadd.f32 v25, v21;
	v25 =	vmul.f32 v30, v30  }
0x23f: {  	v26 =	vadd.f32 v29, v27;
	v29 =	vld [tilespmem:$0x16CC0];
	v24 =	vmul.f32 v24, v51;
	v27 =	vmul.f32 v49, v51  }
0x240: {  	v23 =	vadd.f32 v31, v23;
	v11 =	vadd.f32 v30, v11;
	v30 =	vld [tilespmem:$0x16CD0]  }
0x241: {  	v21 =	vadd.f32 v25, v21;
	v25 =	vmul.f32 v24, v24;
	v31 =	vmul.f32 v27, v27  }
0x242: {  	v12 =	vadd.f32 v24, v12;
	v24 =	vmul.f32 v28, v51;
	v28 =	vmul.f32 v34, v51  }
0x243: {  	v52 =	vld [tilespmem:$0x16CE0];
	v8 =	vadd.f32 v27, v8;
	v10 =	vadd.f32 v25, v10  }
0x244: {  	v9 =	vadd.f32 v31, v9;
	v27 =	vmul.f32 v24, v24;
	v31 =	vmul.f32 v28, v28  }
0x245: {  	v25 =	vld [tilespmem:$0x16CF0];
	v16 =	vadd.f32 v24, v16;
	v24 =	vmul.f32 v29, v51;
	v29 =	vmul.f32 v30, v51  }
0x246: {  	v30 =	vld [tilespmem:$0x16D00];
	v13 =	vadd.f32 v28, v13;
	v15 =	vadd.f32 v27, v15  }
0x247: {  	v27 =	vld [tilespmem:$0x16D10];
	v14 =	vadd.f32 v31, v14;
	v28 =	vmul.f32 v24, v24;
	v31 =	vmul.f32 v29, v29  }
0x248: {  	v20 =	vadd.f32 v24, v20;
	v24 =	vmul.f32 v52, v51;
	v18 =	vadd.f32 v29, v18;
	v29 =	vld [tilespmem:$0x16D30]  }
0x249: {  	v53 =	vld [tilespmem:$0x16D20];
	v19 =	vadd.f32 v28, v19;
	v28 =	vbroadcast v22, $0x1  }
0x24a: {  	v17 =	vadd.f32 v31, v17;
	v31 =	vmul.f32 v24, v24;
	v25 =	vmul.f32 v25, v51  }
0x24b: {  	v24 =	vadd.f32 v24, v26  }
0x24c: {  	v26 =	vmul.f32 v30, v28;
	v30 =	vld [tilespmem:$0x16D40];
	v23 =	vadd.f32 v31, v23;
	v33 =	vmul.f32 v25, v25  }
0x24d: {  	v27 =	vmul.f32 v27, v28;
	v11 =	vadd.f32 v25, v11;
	v29 =	vmul.f32 v29, v28  }
0x24e: {  	v25 =	vld [tilespmem:$0x16D50];
	v31 =	vmul.f32 v26, v26;
	v12 =	vadd.f32 v26, v12;
	v26 =	vmul.f32 v53, v28  }
0x24f: {  	v21 =	vadd.f32 v33, v21;
	v54 =	vmul.f32 v27, v27;
	v8 =	vadd.f32 v27, v8;
	v27 =	vld [tilespmem:$0x16D60]  }
0x250: {  	v56 =	vld [tilespmem:$0x16D70];
	v55 =	vmul.f32 v29, v29;
	v13 =	vadd.f32 v29, v13;
	v10 =	vadd.f32 v31, v10  }
0x251: {  	v31 =	vmul.f32 v26, v26;
	v16 =	vadd.f32 v26, v16;
	v26 =	vmul.f32 v30, v28;
	v30 =	vld [tilespmem:$0x16D80]  }
0x252: {  	v29 =	vld [tilespmem:$0x16D90];
	v9 =	vadd.f32 v54, v9;
	v14 =	vadd.f32 v55, v14  }
0x253: {  	v25 =	vmul.f32 v25, v28;
	v15 =	vadd.f32 v31, v15;
	v31 =	vmul.f32 v26, v26  }
0x254: {  	v58 =	vld [tilespmem:$0x16DA0];
	v20 =	vadd.f32 v26, v20;
	v26 =	vmul.f32 v27, v28;
	v27 =	vbroadcast v22, $0x2  }
0x255: {  	v57 =	vmul.f32 v25, v25;
	v18 =	vadd.f32 v25, v18;
	v25 =	vmul.f32 v56, v28  }
0x256: {  	v28 =	vld [tilespmem:$0x16DB0];
	v19 =	vadd.f32 v31, v19;
	v31 =	vmul.f32 v26, v26;
	v30 =	vmul.f32 v30, v27  }
0x257: {  	v59 =	vld [tilespmem:$0x16DC0];
	v24 =	vadd.f32 v26, v24;
	v26 =	vmul.f32 v25, v25;
	v29 =	vmul.f32 v29, v27  }
0x258: {  	v11 =	vadd.f32 v25, v11;
	v23 =	vadd.f32 v31, v23;
	v25 =	vmul.f32 v30, v30  }
0x259: {  	v60 =	vld [tilespmem:$0x16DD0];
	v21 =	vadd.f32 v26, v21;
	v26 =	vmul.f32 v29, v29;
	v31 =	vmul.f32 v58, v27  }
0x25a: {  	v17 =	vadd.f32 v57, v17;
	v10 =	vadd.f32 v25, v10  }
0x25b: {  	v25 =	vmul.f32 v28, v27;
	v28 =	vld [tilespmem:$0x16DE0];
	v9 =	vadd.f32 v26, v9;
	v26 =	vmul.f32 v31, v31  }
0x25c: {  	v8 =	vadd.f32 v29, v8;
	v29 =	vld [tilespmem:$0x16DF0];
	v16 =	vadd.f32 v31, v16;
	v31 =	vmul.f32 v59, v27  }
0x25d: {  	v61 =	vld [tilespmem:$0x16E00];
	v12 =	vadd.f32 v30, v12;
	v30 =	vmul.f32 v25, v25;
	v15 =	vadd.f32 v26, v15  }
0x25e: {  	v13 =	vadd.f32 v25, v13;
	v25 =	vmul.f32 v31, v31;
	v26 =	vmul.f32 v60, v27  }
0x25f: {  	v22 =	vbroadcast v22, $0x3;
	v20 =	vadd.f32 v31, v20;
	v31 =	vld [tilespmem:$0x16E20];
	v14 =	vadd.f32 v30, v14  }
0x260: {  	v30 =	vld [tilespmem:$0x16E10];
	v19 =	vadd.f32 v25, v19;
	v25 =	vmul.f32 v26, v26;
	v28 =	vmul.f32 v28, v27  }
0x261: {  	v62 =	vld [tilespmem:$0x16E30];
	v18 =	vadd.f32 v26, v18;
	v27 =	vmul.f32 v29, v27  }
0x262: {  	v29 =	vmul.f32 v61, v22;
	v17 =	vadd.f32 v25, v17;
	v26 =	vmul.f32 v28, v28  }
0x263: {  	v24 =	vadd.f32 v28, v24;
	v25 =	vmul.f32 v27, v27;
	v11 =	vadd.f32 v27, v11  }
0x264: {  	v12 =	vadd.f32 v29, v12;
	v27 =	vld [tilespmem:$0x16E50];
	v23 =	vadd.f32 v26, v23;
	v26 =	vmul.f32 v29, v29  }
0x265: {  	v28 =	vmul.f32 v30, v22;
	v30 =	vld [tilespmem:$0x16E40];
	v21 =	vadd.f32 v25, v21;
	v25 =	vmul.f32 v31, v22  }
0x266: {  	v29 =	vmul.f32 v62, v22;
	v12 =	vmul.f32 v12, v12  }
0x267: {  	v10 =	vadd.f32 v26, v10;
	v26 =	vmul.f32 v28, v28;
	v8 =	vadd.f32 v28, v8  }
0x268: {  	v28 =	vmul.f32 v25, v25;
	v16 =	vadd.f32 v25, v16;
	v25 =	vmul.f32 v29, v29  }
0x269: {  	v13 =	vadd.f32 v29, v13;
	v9 =	vadd.f32 v26, v9;
	v8 =	vmul.f32 v8, v8  }
0x26a: {  	v27 =	vmul.f32 v27, v22;
	v15 =	vadd.f32 v28, v15;
	v26 =	vmul.f32 v30, v22  }
0x26b: {  	v28 =	vld [tilespmem:$0x16E60];
	v10 =	vsub.f32 v12, v10;
	v8 =	vsub.f32 v8, v9;
	v9 =	vmul.f32 v16, v16  }
0x26c: {  	v14 =	vadd.f32 v25, v14;
	v25 =	vmul.f32 v26, v26;
	v12 =	vadd.f32 v26, v20  }
0x26d: {  	v8 =	vadd.f32 v8, v10;
	v9 =	vsub.f32 v9, v15;
	v10 =	vmul.f32 v13, v13  }
0x26e: {  	v29 =	vld [tilespmem:$0x16E70];
	v16 =	vadd.f32 v25, v19;
	v19 =	vmul.f32 v27, v27  }
0x26f: {  	v8 =	vadd.f32 v9, v8;
	v9 =	vsub.f32 v10, v14;
	v10 =	vmul.f32 v12, v12  }
0x270: {  	v13 =	vadd.f32 v27, v18;
	v15 =	vadd.f32 v19, v17;
	v17 =	vmul.f32 v28, v22  }
0x271: {  	v8 =	vadd.f32 v9, v8;
	v9 =	vsub.f32 v10, v16  }
0x272: {  	v10 =	vmul.f32 v13, v13;
	v14 =	vmul.f32 v17, v17  }
0x273: {  	v12 =	vadd.f32 v17, v24;
	v17 =	vmul.f32 v29, v22;
	v8 =	vadd.f32 v9, v8  }
0x274: {  	v9 =	vsub.f32 v10, v15;
	v13 =	vadd.f32 v14, v23  }
0x275: {  	v11 =	vadd.f32 v17, v11;
	v14 =	vmul.f32 v17, v17;
	v10 =	vmul.f32 v12, v12  }
0x276: {  	v8 =	vadd.f32 v9, v8  }
0x277: {  	v12 =	vadd.f32 v14, v21;
	v9 =	vsub.f32 v10, v13;
	v10 =	vmul.f32 v11, v11;
	_ =	sdelay $0x1  }
0x278: {  	v8 =	vadd.f32 v9, v8;
	v9 =	vsub.f32 v10, v12;
	_ =	sdelay $0x1  }
0x279: {  	s11 =	sshll.u32 s15, $0x4;
	v8 =	vadd.f32 v9, v8  }
0x27a: {  	s5 =	sand.u32 $0x3FFFFFF0, s11  }
0x27b: {  	s15 =	simm.s32 @!p1 $0x5480;
	s11 =	simm.s32 @!p1 $0x50;
	[tilespmem:s5+$0x16E80] =	vst v8;
	s5 =	sadd.s32 @!p1 $0x1B8, s12  }
0x27c: {  	[tilespmem:s15], [sflag:$0x2] =	stream.indirect.gather @!p1 [hbm4b:s4+s11], $0x80, s5, s11, $0xb8;
	[tilespmem:$0x17B00] =	vst v63  }
0x27d: {  	_ =	swait.ge [sflag:s26], $0x2800  }
0x27e: {  	[sflag:s26] =	ssyncset.done $0x0  }
0x27f: {  	s15 =	simm.s32 $0x7D80;
	[sflag:s26] =	ssyncadd.s32 $0xFFFFD800  }
0x280: {  	v8 =	vld [tilespmem:s15+$0xFFFFFF00]  }
0x281: {  	v9 =	vld [tilespmem:s15+$0xFFFFFF10]  }
0x282: {  	v10 =	vld [tilespmem:s15+$0xFFFFFF80]  }
0x283: {  	v30 =	vld [tilespmem:s15+$0xFFFFFF60]  }
0x284: {  	v12 =	vld [tilespmem:s15+$0xFFFFFF90]  }
0x285: {  	v13 =	vld [tilespmem:s15+$0x0]  }
0x286: {  	v11 =	vimm.f32 $0.0e+00;
	v15 =	vld [tilespmem:s15+$0x10];
	v14 =	vmul.f32 v8, v8  }
0x287: {  	v19 =	vld [tilespmem:s15+$0x90];
	v16 =	vmul.f32 v9, v9;
	v8 =	vadd.f32 v8, v11;
	v9 =	vadd.f32 v9, v11  }
0x288: {  	v17 =	vld [tilespmem:s15+$0x80];
	v18 =	vmul.f32 v10, v10;
	v32 =	vadd.f32 v30, v11;
	v14 =	vadd.f32 v14, v11  }
0x289: {  	v20 =	vld [tilespmem:s15+$0xFFFFFF20];
	v21 =	vmul.f32 v12, v12;
	v16 =	vadd.f32 v16, v11;
	v8 =	vadd.f32 v10, v8  }
0x28a: {  	v22 =	vld [tilespmem:s15+$0xFFFFFF30];
	v9 =	vadd.f32 v12, v9;
	v10 =	vadd.f32 v18, v14;
	v14 =	vmul.f32 v13, v13  }
0x28b: {  	v12 =	vadd.f32 v21, v16;
	v16 =	vld [tilespmem:s15+$0xFFFFFFA0];
	v18 =	vmul.f32 v15, v15;
	v8 =	vadd.f32 v13, v8  }
0x28c: {  	v13 =	vld [tilespmem:s15+$0xFFFFFFB0];
	v9 =	vadd.f32 v15, v9;
	v21 =	vmul.f32 v19, v19;
	v10 =	vadd.f32 v14, v10  }
0x28d: {  	v14 =	vmul.f32 v17, v17;
	v15 =	vadd.f32 v18, v12;
	v18 =	vld [tilespmem:s15+$0x20];
	v12 =	vadd.f32 v17, v8  }
0x28e: {  	v23 =	vld [tilespmem:s15+$0x30];
	v17 =	vmul.f32 v20, v20;
	v8 =	vadd.f32 v19, v9;
	v19 =	vadd.f32 v20, v11  }
0x28f: {  	v24 =	vld [tilespmem:s15+$0xFFFFFF40];
	v10 =	vadd.f32 v14, v10;
	v14 =	vmul.f32 v22, v22;
	v9 =	vadd.f32 v21, v15  }
0x290: {  	v15 =	vld [tilespmem:s15+$0xA0];
	v17 =	vadd.f32 v17, v11;
	v22 =	vadd.f32 v22, v11;
	v20 =	vmul.f32 v16, v16  }
0x291: {  	v21 =	vld [tilespmem:s15+$0xB0];
	v25 =	vmul.f32 v13, v13;
	v16 =	vadd.f32 v16, v19;
	v14 =	vadd.f32 v14, v11  }
0x292: {  	v19 =	vld [tilespmem:s15+$0xFFFFFF50];
	v13 =	vadd.f32 v13, v22;
	v17 =	vadd.f32 v20, v17;
	v20 =	vmul.f32 v18, v18  }
0x293: {  	v22 =	vld [tilespmem:s15+$0xFFFFFFC0];
	v16 =	vadd.f32 v18, v16;
	v14 =	vadd.f32 v25, v14;
	v25 =	vmul.f32 v23, v23  }
0x294: {  	v26 =	vmul.f32 v24, v24;
	v18 =	vld [tilespmem:s15+$0xFFFFFFD0];
	v13 =	vadd.f32 v23, v13;
	v17 =	vadd.f32 v20, v17  }
0x295: {  	v23 =	vld [tilespmem:s15+$0x40];
	v20 =	vmul.f32 v15, v15;
	v16 =	vadd.f32 v15, v16;
	v14 =	vadd.f32 v25, v14  }
0x296: {  	v25 =	vmul.f32 v21, v21;
	v13 =	vadd.f32 v21, v13;
	v21 =	vadd.f32 v24, v11  }
0x297: {  	v28 =	vld [tilespmem:s15+$0x50];
	v15 =	vadd.f32 v20, v17;
	v17 =	vmul.f32 v19, v19;
	v19 =	vadd.f32 v19, v11  }
0x298: {  	v20 =	vld [tilespmem:s15+$0xC0];
	v14 =	vadd.f32 v25, v14;
	v25 =	vadd.f32 v26, v11;
	v26 =	vmul.f32 v22, v22  }
0x299: {  	v29 =	vld [tilespmem:s15+$0xD0];
	v27 =	vmul.f32 v18, v18;
	v21 =	vadd.f32 v22, v21;
	v17 =	vadd.f32 v17, v11  }
0x29a: {  	v24 =	vld [tilespmem:s15+$0xFFFFFF70];
	v18 =	vadd.f32 v18, v19;
	v22 =	vadd.f32 v26, v25;
	v26 =	vmul.f32 v23, v23  }
0x29b: {  	v21 =	vadd.f32 v23, v21;
	v17 =	vadd.f32 v27, v17;
	v27 =	vld [tilespmem:s15+$0xFFFFFFE0]  }
0x29c: {  	v19 =	vmul.f32 v28, v28;
	v25 =	vld [tilespmem:s15+$0xFFFFFFF0];
	v18 =	vadd.f32 v28, v18;
	v22 =	vadd.f32 v26, v22  }
0x29d: {  	v28 =	vld [tilespmem:s15+$0x60];
	v23 =	vmul.f32 v20, v20;
	v20 =	vadd.f32 v20, v21;
	v21 =	vmul.f32 v30, v30  }
0x29e: {  	v63 =	vmul.f32 v29, v29;
	v26 =	vld [tilespmem:s15+$0x70];
	v17 =	vadd.f32 v19, v17;
	v18 =	vadd.f32 v29, v18  }
0x29f: {  	v31 =	vmul.f32 v24, v24;
	v29 =	vld [tilespmem:s15+$0xE0];
	v19 =	vadd.f32 v23, v22;
	v23 =	vadd.f32 v21, v11  }
0x2a0: {  	s13 =	sor.u32 $0x2, s13;
	s5 =	simm.s32 $0x0;
	s11 =	simm.s32 $0x7F80;
	v30 =	vld [tilespmem:s15+$0xF0];
	v21 =	vimm.f32 $0.0e+00;
	v17 =	vadd.f32 v63, v17;
	v33 =	vmul.f32 v27, v27  }
.LBB2_12:
0x2a1: {  	v34 =	vld [tilespmem:s11+$0xFFFFFF00];
	v11 =	vadd.f32 v24, v11;
	v21 =	vadd.f32 v31, v21;
	v22 =	vmul.f32 v25, v25  }
0x2a2: {  	v24 =	vld [tilespmem:s11+$0xFFFFFF10];
	v27 =	vadd.f32 v27, v32;
	v23 =	vadd.f32 v33, v23;
	v31 =	vmul.f32 v28, v28  }
0x2a3: {  	v32 =	vld [tilespmem:s11+$0xFFFFFF80];
	v11 =	vadd.f32 v25, v11;
	v21 =	vadd.f32 v22, v21;
	v22 =	vmul.f32 v26, v26  }
0x2a4: {  	v25 =	vld [tilespmem:s11+$0xFFFFFF90];
	v27 =	vadd.f32 v28, v27;
	v23 =	vadd.f32 v31, v23;
	v28 =	vmul.f32 v29, v29  }
0x2a5: {  	v31 =	vld [tilespmem:s11+$0x0];
	v11 =	vadd.f32 v26, v11;
	v21 =	vadd.f32 v22, v21;
	v26 =	vmul.f32 v30, v30  }
0x2a6: {  	v33 =	vmul.f32 v34, v34;
	v35 =	vld [tilespmem:s11+$0x10];
	v22 =	vadd.f32 v29, v27;
	v23 =	vadd.f32 v28, v23  }
0x2a7: {  	v27 =	vmul.f32 v24, v24;
	v28 =	vld [tilespmem:s11+$0x80];
	v11 =	vadd.f32 v30, v11;
	v21 =	vadd.f32 v26, v21  }
0x2a8: {  	v12 =	vadd.f32 v34, v12;
	v10 =	vadd.f32 v33, v10;
	v26 =	vmul.f32 v32, v32;
	v29 =	vld [tilespmem:s11+$0x90]  }
0x2a9: {  	v8 =	vadd.f32 v24, v8;
	v9 =	vadd.f32 v27, v9;
	v24 =	vld [tilespmem:s11+$0xFFFFFF20];
	v27 =	vmul.f32 v25, v25  }
0x2aa: {  	v12 =	vadd.f32 v32, v12;
	v30 =	vld [tilespmem:s11+$0xFFFFFF30];
	v10 =	vadd.f32 v26, v10;
	v26 =	vmul.f32 v31, v31  }
0x2ab: {  	v8 =	vadd.f32 v25, v8;
	v9 =	vadd.f32 v27, v9;
	v25 =	vld [tilespmem:s11+$0xFFFFFFA0];
	v27 =	vmul.f32 v35, v35  }
0x2ac: {  	v12 =	vadd.f32 v31, v12;
	v32 =	vld [tilespmem:s11+$0xFFFFFFB0];
	v10 =	vadd.f32 v26, v10;
	v26 =	vmul.f32 v28, v28  }
0x2ad: {  	v8 =	vadd.f32 v35, v8;
	v9 =	vadd.f32 v27, v9;
	v27 =	vld [tilespmem:s11+$0x20];
	v31 =	vmul.f32 v29, v29  }
0x2ae: {  	v12 =	vadd.f32 v28, v12;
	v33 =	vmul.f32 v24, v24;
	v34 =	vld [tilespmem:s11+$0x30];
	v10 =	vadd.f32 v26, v10  }
0x2af: {  	v8 =	vadd.f32 v29, v8;
	v26 =	vmul.f32 v30, v30;
	v9 =	vadd.f32 v31, v9;
	v28 =	vld [tilespmem:s11+$0xA0]  }
0x2b0: {  	v16 =	vadd.f32 v24, v16;
	v15 =	vadd.f32 v33, v15;
	v24 =	vmul.f32 v25, v25;
	v29 =	vld [tilespmem:s11+$0xB0]  }
0x2b1: {  	v13 =	vadd.f32 v30, v13;
	v14 =	vadd.f32 v26, v14;
	v26 =	vld [tilespmem:s11+$0xFFFFFF40];
	v30 =	vmul.f32 v32, v32  }
0x2b2: {  	v16 =	vadd.f32 v25, v16;
	v31 =	vld [tilespmem:s11+$0xFFFFFF50];
	v15 =	vadd.f32 v24, v15;
	v24 =	vmul.f32 v27, v27  }
0x2b3: {  	v13 =	vadd.f32 v32, v13;
	v14 =	vadd.f32 v30, v14;
	v25 =	vld [tilespmem:s11+$0xFFFFFFC0];
	v30 =	vmul.f32 v34, v34  }
0x2b4: {  	v16 =	vadd.f32 v27, v16;
	v32 =	vld [tilespmem:s11+$0xFFFFFFD0];
	v15 =	vadd.f32 v24, v15;
	v24 =	vmul.f32 v28, v28  }
0x2b5: {  	v13 =	vadd.f32 v34, v13;
	v14 =	vadd.f32 v30, v14;
	v30 =	vld [tilespmem:s11+$0x40];
	v27 =	vmul.f32 v29, v29  }
0x2b6: {  	v16 =	vadd.f32 v28, v16;
	v33 =	vmul.f32 v26, v26;
	v34 =	vld [tilespmem:s11+$0x50];
	v15 =	vadd.f32 v24, v15  }
0x2b7: {  	v13 =	vadd.f32 v29, v13;
	v24 =	vmul.f32 v31, v31;
	v14 =	vadd.f32 v27, v14;
	v29 =	vld [tilespmem:s11+$0xC0]  }
0x2b8: {  	v20 =	vadd.f32 v26, v20;
	v19 =	vadd.f32 v33, v19;
	v26 =	vmul.f32 v25, v25;
	v33 =	vld [tilespmem:s11+$0xD0]  }
0x2b9: {  	v18 =	vadd.f32 v31, v18;
	v17 =	vadd.f32 v24, v17;
	v35 =	vld [tilespmem:s11+$0xFFFFFF60];
	v27 =	vmul.f32 v32, v32  }
0x2ba: {  	s5 =	sadd.s32 $0x4, s5;
	v20 =	vadd.f32 v25, v20;
	v24 =	vld [tilespmem:s11+$0xFFFFFF70];
	v19 =	vadd.f32 v26, v19;
	v26 =	vmul.f32 v30, v30  }
0x2bb: {  	p2 =	slt.u32 s5, $0x4C;
	v18 =	vadd.f32 v32, v18;
	v17 =	vadd.f32 v27, v17;
	v27 =	vld [tilespmem:s11+$0xFFFFFFE0];
	v28 =	vmul.f32 v34, v34  }
.Ltmp5:
0x2bc: {  	v20 =	vadd.f32 v30, v20;
	v25 =	vld [tilespmem:s11+$0xFFFFFFF0];
	v19 =	vadd.f32 v26, v19;
	v30 =	vmul.f32 v29, v29;
	(pc) =	sbr.rel @p2 .LBB2_12-.Ltmp5, $4  }
0x2bd: {  	v18 =	vadd.f32 v34, v18;
	v17 =	vadd.f32 v28, v17;
	v28 =	vld [tilespmem:s11+$0x60];
	v32 =	vmul.f32 v33, v33  }
0x2be: {  	v20 =	vadd.f32 v29, v20;
	v34 =	vmul.f32 v35, v35;
	v26 =	vld [tilespmem:s11+$0x70];
	v19 =	vadd.f32 v30, v19  }
0x2bf: {  	v18 =	vadd.f32 v33, v18;
	v31 =	vmul.f32 v24, v24;
	v17 =	vadd.f32 v32, v17;
	v29 =	vld [tilespmem:s11+$0xE0]  }
0x2c0: {  	v32 =	vadd.f32 v35, v22;
	v23 =	vadd.f32 v34, v23;
	v33 =	vmul.f32 v27, v27;
	v30 =	vld [tilespmem:s11+$0xF0];
	s11 =	sadd.s32 $0x200, s11  }
0x2c1: {  	s5 =	smul.u32 $0x160, s13;
	_ =	sdelay $0x1  }
0x2c2: {  	s5 =	sshra.s32 s5, $0x2  }
0x2c3: {  	v22 =	vld [tilespmem:s5+$0x50]  }
0x2c4: {  	v11 =	vadd.f32 v24, v11;
	v24 =	vld [tilespmem:$0x16C80]  }
0x2c5: {  	v21 =	vadd.f32 v31, v21;
	v31 =	vmul.f32 v25, v25;
	v49 =	vld [tilespmem:$0x16C90];
	v27 =	vadd.f32 v27, v32  }
0x2c6: {  	v23 =	vadd.f32 v33, v23;
	v50 =	vmul.f32 v28, v28;
	v11 =	vadd.f32 v25, v11  }
0x2c7: {  	v34 =	vld [tilespmem:$0x16CB0];
	v21 =	vadd.f32 v31, v21;
	v25 =	vmul.f32 v26, v26;
	v27 =	vadd.f32 v28, v27  }
0x2c8: {  	v28 =	vld [tilespmem:$0x16CA0];
	v23 =	vadd.f32 v50, v23;
	v31 =	vmul.f32 v29, v29;
	v51 =	vbroadcast v22, $0x0  }
0x2c9: {  	v11 =	vadd.f32 v26, v11;
	v21 =	vadd.f32 v25, v21;
	v25 =	vmul.f32 v30, v30  }
0x2ca: {  	v26 =	vadd.f32 v29, v27;
	v29 =	vld [tilespmem:$0x16CC0];
	v24 =	vmul.f32 v24, v51;
	v27 =	vmul.f32 v49, v51  }
0x2cb: {  	v23 =	vadd.f32 v31, v23;
	v11 =	vadd.f32 v30, v11;
	v30 =	vld [tilespmem:$0x16CD0]  }
0x2cc: {  	v21 =	vadd.f32 v25, v21;
	v25 =	vmul.f32 v24, v24;
	v31 =	vmul.f32 v27, v27  }
0x2cd: {  	v12 =	vadd.f32 v24, v12;
	v24 =	vmul.f32 v28, v51;
	v28 =	vmul.f32 v34, v51  }
0x2ce: {  	v52 =	vld [tilespmem:$0x16CE0];
	v8 =	vadd.f32 v27, v8;
	v10 =	vadd.f32 v25, v10  }
0x2cf: {  	v9 =	vadd.f32 v31, v9;
	v27 =	vmul.f32 v24, v24;
	v31 =	vmul.f32 v28, v28  }
0x2d0: {  	v25 =	vld [tilespmem:$0x16CF0];
	v16 =	vadd.f32 v24, v16;
	v24 =	vmul.f32 v29, v51;
	v29 =	vmul.f32 v30, v51  }
0x2d1: {  	v30 =	vld [tilespmem:$0x16D00];
	v13 =	vadd.f32 v28, v13;
	v15 =	vadd.f32 v27, v15  }
0x2d2: {  	v27 =	vld [tilespmem:$0x16D10];
	v14 =	vadd.f32 v31, v14;
	v28 =	vmul.f32 v24, v24;
	v31 =	vmul.f32 v29, v29  }
0x2d3: {  	v20 =	vadd.f32 v24, v20;
	v24 =	vmul.f32 v52, v51;
	v18 =	vadd.f32 v29, v18;
	v29 =	vld [tilespmem:$0x16D30]  }
0x2d4: {  	v53 =	vld [tilespmem:$0x16D20];
	v19 =	vadd.f32 v28, v19;
	v28 =	vbroadcast v22, $0x1  }
0x2d5: {  	v17 =	vadd.f32 v31, v17;
	v31 =	vmul.f32 v24, v24;
	v25 =	vmul.f32 v25, v51  }
0x2d6: {  	v24 =	vadd.f32 v24, v26  }
0x2d7: {  	v26 =	vmul.f32 v30, v28;
	v30 =	vld [tilespmem:$0x16D40];
	v23 =	vadd.f32 v31, v23;
	v33 =	vmul.f32 v25, v25  }
0x2d8: {  	v27 =	vmul.f32 v27, v28;
	v11 =	vadd.f32 v25, v11;
	v29 =	vmul.f32 v29, v28  }
0x2d9: {  	v25 =	vld [tilespmem:$0x16D50];
	v31 =	vmul.f32 v26, v26;
	v12 =	vadd.f32 v26, v12;
	v26 =	vmul.f32 v53, v28  }
0x2da: {  	v21 =	vadd.f32 v33, v21;
	v54 =	vmul.f32 v27, v27;
	v8 =	vadd.f32 v27, v8;
	v27 =	vld [tilespmem:$0x16D60]  }
0x2db: {  	v56 =	vld [tilespmem:$0x16D70];
	v55 =	vmul.f32 v29, v29;
	v13 =	vadd.f32 v29, v13;
	v10 =	vadd.f32 v31, v10  }
0x2dc: {  	v31 =	vmul.f32 v26, v26;
	v16 =	vadd.f32 v26, v16;
	v26 =	vmul.f32 v30, v28;
	v30 =	vld [tilespmem:$0x16D80]  }
0x2dd: {  	v29 =	vld [tilespmem:$0x16D90];
	v9 =	vadd.f32 v54, v9;
	v14 =	vadd.f32 v55, v14  }
0x2de: {  	v25 =	vmul.f32 v25, v28;
	v15 =	vadd.f32 v31, v15;
	v31 =	vmul.f32 v26, v26  }
0x2df: {  	v58 =	vld [tilespmem:$0x16DA0];
	v20 =	vadd.f32 v26, v20;
	v26 =	vmul.f32 v27, v28;
	v27 =	vbroadcast v22, $0x2  }
0x2e0: {  	v57 =	vmul.f32 v25, v25;
	v18 =	vadd.f32 v25, v18;
	v25 =	vmul.f32 v56, v28  }
0x2e1: {  	v28 =	vld [tilespmem:$0x16DB0];
	v19 =	vadd.f32 v31, v19;
	v31 =	vmul.f32 v26, v26;
	v30 =	vmul.f32 v30, v27  }
0x2e2: {  	v59 =	vld [tilespmem:$0x16DC0];
	v24 =	vadd.f32 v26, v24;
	v26 =	vmul.f32 v25, v25;
	v29 =	vmul.f32 v29, v27  }
0x2e3: {  	v11 =	vadd.f32 v25, v11;
	v23 =	vadd.f32 v31, v23;
	v25 =	vmul.f32 v30, v30  }
0x2e4: {  	v60 =	vld [tilespmem:$0x16DD0];
	v21 =	vadd.f32 v26, v21;
	v26 =	vmul.f32 v29, v29;
	v31 =	vmul.f32 v58, v27  }
0x2e5: {  	v17 =	vadd.f32 v57, v17;
	v10 =	vadd.f32 v25, v10  }
0x2e6: {  	v25 =	vmul.f32 v28, v27;
	v28 =	vld [tilespmem:$0x16DE0];
	v9 =	vadd.f32 v26, v9;
	v26 =	vmul.f32 v31, v31  }
0x2e7: {  	v8 =	vadd.f32 v29, v8;
	v29 =	vld [tilespmem:$0x16DF0];
	v16 =	vadd.f32 v31, v16;
	v31 =	vmul.f32 v59, v27  }
0x2e8: {  	v61 =	vld [tilespmem:$0x16E00];
	v12 =	vadd.f32 v30, v12;
	v30 =	vmul.f32 v25, v25;
	v15 =	vadd.f32 v26, v15  }
0x2e9: {  	v13 =	vadd.f32 v25, v13;
	v25 =	vmul.f32 v31, v31;
	v26 =	vmul.f32 v60, v27  }
0x2ea: {  	v22 =	vbroadcast v22, $0x3;
	v20 =	vadd.f32 v31, v20;
	v31 =	vld [tilespmem:$0x16E20];
	v14 =	vadd.f32 v30, v14  }
0x2eb: {  	v30 =	vld [tilespmem:$0x16E10];
	v19 =	vadd.f32 v25, v19;
	v25 =	vmul.f32 v26, v26;
	v28 =	vmul.f32 v28, v27  }
0x2ec: {  	v62 =	vld [tilespmem:$0x16E30];
	v18 =	vadd.f32 v26, v18;
	v27 =	vmul.f32 v29, v27  }
0x2ed: {  	v29 =	vmul.f32 v61, v22;
	v17 =	vadd.f32 v25, v17;
	v26 =	vmul.f32 v28, v28  }
0x2ee: {  	v24 =	vadd.f32 v28, v24;
	v25 =	vmul.f32 v27, v27;
	v11 =	vadd.f32 v27, v11  }
0x2ef: {  	v12 =	vadd.f32 v29, v12;
	v27 =	vld [tilespmem:$0x16E50];
	v23 =	vadd.f32 v26, v23;
	v26 =	vmul.f32 v29, v29  }
0x2f0: {  	v28 =	vmul.f32 v30, v22;
	v30 =	vld [tilespmem:$0x16E40];
	v21 =	vadd.f32 v25, v21;
	v25 =	vmul.f32 v31, v22  }
0x2f1: {  	v29 =	vmul.f32 v62, v22;
	v12 =	vmul.f32 v12, v12  }
0x2f2: {  	v10 =	vadd.f32 v26, v10;
	v26 =	vmul.f32 v28, v28;
	v8 =	vadd.f32 v28, v8  }
0x2f3: {  	v28 =	vmul.f32 v25, v25;
	v16 =	vadd.f32 v25, v16;
	v25 =	vmul.f32 v29, v29  }
0x2f4: {  	v13 =	vadd.f32 v29, v13;
	v9 =	vadd.f32 v26, v9;
	v8 =	vmul.f32 v8, v8  }
0x2f5: {  	v27 =	vmul.f32 v27, v22;
	v15 =	vadd.f32 v28, v15;
	v26 =	vmul.f32 v30, v22  }
0x2f6: {  	v28 =	vld [tilespmem:$0x16E60];
	v10 =	vsub.f32 v12, v10;
	v8 =	vsub.f32 v8, v9;
	v9 =	vmul.f32 v16, v16  }
0x2f7: {  	v14 =	vadd.f32 v25, v14;
	v25 =	vmul.f32 v26, v26;
	v12 =	vadd.f32 v26, v20  }
0x2f8: {  	v8 =	vadd.f32 v8, v10;
	v9 =	vsub.f32 v9, v15;
	v10 =	vmul.f32 v13, v13  }
0x2f9: {  	v29 =	vld [tilespmem:$0x16E70];
	v16 =	vadd.f32 v25, v19;
	v19 =	vmul.f32 v27, v27  }
0x2fa: {  	v8 =	vadd.f32 v9, v8;
	v9 =	vsub.f32 v10, v14;
	v10 =	vmul.f32 v12, v12  }
0x2fb: {  	v13 =	vadd.f32 v27, v18;
	v15 =	vadd.f32 v19, v17;
	v17 =	vmul.f32 v28, v22  }
0x2fc: {  	v8 =	vadd.f32 v9, v8;
	v9 =	vsub.f32 v10, v16  }
0x2fd: {  	v10 =	vmul.f32 v13, v13;
	v14 =	vmul.f32 v17, v17  }
0x2fe: {  	v12 =	vadd.f32 v17, v24;
	v17 =	vmul.f32 v29, v22;
	v8 =	vadd.f32 v9, v8  }
0x2ff: {  	v9 =	vsub.f32 v10, v15;
	v13 =	vadd.f32 v14, v23  }
0x300: {  	v11 =	vadd.f32 v17, v11;
	v14 =	vmul.f32 v17, v17;
	v10 =	vmul.f32 v12, v12  }
0x301: {  	v8 =	vadd.f32 v9, v8  }
0x302: {  	v12 =	vadd.f32 v14, v21;
	v9 =	vsub.f32 v10, v13;
	v10 =	vmul.f32 v11, v11;
	_ =	sdelay $0x1  }
0x303: {  	v8 =	vadd.f32 v9, v8;
	v9 =	vsub.f32 v10, v12;
	_ =	sdelay $0x1  }
0x304: {  	s13 =	sshll.u32 s13, $0x4;
	v8 =	vadd.f32 v9, v8  }
0x305: {  	s5 =	sand.u32 $0x3FFFFFF0, s13  }
0x306: {  	s11 =	simm.s32 @!p1 $0x50;
	[tilespmem:s5+$0x16E80] =	vst v8;
	s5 =	sadd.s32 @!p1 $0x210, s12;
	s12 =	simm.s32 @!p1 $0x7C80  }
0x307: {  	[tilespmem:s12], [sflag:$0x3] =	stream.indirect.gather @!p1 [hbm4b:s4+s11], $0x80, s5, s11, $0xb8;
	[tilespmem:$0x17B00] =	vst v63  }
0x308: {  	_ =	swait.ge [sflag:s28], $0x2800  }
0x309: {  	[sflag:s28] =	ssyncset.done $0x0  }
0x30a: {  	s15 =	simm.s32 $0xA580;
	[sflag:s28] =	ssyncadd.s32 $0xFFFFD800  }
0x30b: {  	v8 =	vld [tilespmem:s15+$0xFFFFFF00]  }
0x30c: {  	v9 =	vld [tilespmem:s15+$0xFFFFFF10]  }
0x30d: {  	v10 =	vld [tilespmem:s15+$0xFFFFFF80]  }
0x30e: {  	v30 =	vld [tilespmem:s15+$0xFFFFFF60]  }
0x30f: {  	v12 =	vld [tilespmem:s15+$0xFFFFFF90]  }
0x310: {  	v13 =	vld [tilespmem:s15+$0x0]  }
0x311: {  	v11 =	vimm.f32 $0.0e+00;
	v15 =	vld [tilespmem:s15+$0x10];
	v14 =	vmul.f32 v8, v8  }
0x312: {  	v19 =	vld [tilespmem:s15+$0x90];
	v16 =	vmul.f32 v9, v9;
	v8 =	vadd.f32 v8, v11;
	v9 =	vadd.f32 v9, v11  }
0x313: {  	v17 =	vld [tilespmem:s15+$0x80];
	v18 =	vmul.f32 v10, v10;
	v32 =	vadd.f32 v30, v11;
	v14 =	vadd.f32 v14, v11  }
0x314: {  	v20 =	vld [tilespmem:s15+$0xFFFFFF20];
	v21 =	vmul.f32 v12, v12;
	v16 =	vadd.f32 v16, v11;
	v8 =	vadd.f32 v10, v8  }
0x315: {  	v22 =	vld [tilespmem:s15+$0xFFFFFF30];
	v9 =	vadd.f32 v12, v9;
	v10 =	vadd.f32 v18, v14;
	v14 =	vmul.f32 v13, v13  }
0x316: {  	v12 =	vadd.f32 v21, v16;
	v16 =	vld [tilespmem:s15+$0xFFFFFFA0];
	v18 =	vmul.f32 v15, v15;
	v8 =	vadd.f32 v13, v8  }
0x317: {  	v13 =	vld [tilespmem:s15+$0xFFFFFFB0];
	v9 =	vadd.f32 v15, v9;
	v21 =	vmul.f32 v19, v19;
	v10 =	vadd.f32 v14, v10  }
0x318: {  	v14 =	vmul.f32 v17, v17;
	v15 =	vadd.f32 v18, v12;
	v18 =	vld [tilespmem:s15+$0x20];
	v12 =	vadd.f32 v17, v8  }
0x319: {  	v23 =	vld [tilespmem:s15+$0x30];
	v17 =	vmul.f32 v20, v20;
	v8 =	vadd.f32 v19, v9;
	v19 =	vadd.f32 v20, v11  }
0x31a: {  	v24 =	vld [tilespmem:s15+$0xFFFFFF40];
	v10 =	vadd.f32 v14, v10;
	v14 =	vmul.f32 v22, v22;
	v9 =	vadd.f32 v21, v15  }
0x31b: {  	v15 =	vld [tilespmem:s15+$0xA0];
	v17 =	vadd.f32 v17, v11;
	v22 =	vadd.f32 v22, v11;
	v20 =	vmul.f32 v16, v16  }
0x31c: {  	v21 =	vld [tilespmem:s15+$0xB0];
	v25 =	vmul.f32 v13, v13;
	v16 =	vadd.f32 v16, v19;
	v14 =	vadd.f32 v14, v11  }
0x31d: {  	v19 =	vld [tilespmem:s15+$0xFFFFFF50];
	v13 =	vadd.f32 v13, v22;
	v17 =	vadd.f32 v20, v17;
	v20 =	vmul.f32 v18, v18  }
0x31e: {  	v22 =	vld [tilespmem:s15+$0xFFFFFFC0];
	v16 =	vadd.f32 v18, v16;
	v14 =	vadd.f32 v25, v14;
	v25 =	vmul.f32 v23, v23  }
0x31f: {  	v26 =	vmul.f32 v24, v24;
	v18 =	vld [tilespmem:s15+$0xFFFFFFD0];
	v13 =	vadd.f32 v23, v13;
	v17 =	vadd.f32 v20, v17  }
0x320: {  	v23 =	vld [tilespmem:s15+$0x40];
	v20 =	vmul.f32 v15, v15;
	v16 =	vadd.f32 v15, v16;
	v14 =	vadd.f32 v25, v14  }
0x321: {  	v25 =	vmul.f32 v21, v21;
	v13 =	vadd.f32 v21, v13;
	v21 =	vadd.f32 v24, v11  }
0x322: {  	v28 =	vld [tilespmem:s15+$0x50];
	v15 =	vadd.f32 v20, v17;
	v17 =	vmul.f32 v19, v19;
	v19 =	vadd.f32 v19, v11  }
0x323: {  	v20 =	vld [tilespmem:s15+$0xC0];
	v14 =	vadd.f32 v25, v14;
	v25 =	vadd.f32 v26, v11;
	v26 =	vmul.f32 v22, v22  }
0x324: {  	v29 =	vld [tilespmem:s15+$0xD0];
	v27 =	vmul.f32 v18, v18;
	v21 =	vadd.f32 v22, v21;
	v17 =	vadd.f32 v17, v11  }
0x325: {  	v24 =	vld [tilespmem:s15+$0xFFFFFF70];
	v18 =	vadd.f32 v18, v19;
	v22 =	vadd.f32 v26, v25;
	v26 =	vmul.f32 v23, v23  }
0x326: {  	v21 =	vadd.f32 v23, v21;
	v17 =	vadd.f32 v27, v17;
	v27 =	vld [tilespmem:s15+$0xFFFFFFE0]  }
0x327: {  	v19 =	vmul.f32 v28, v28;
	v25 =	vld [tilespmem:s15+$0xFFFFFFF0];
	v18 =	vadd.f32 v28, v18;
	v22 =	vadd.f32 v26, v22  }
0x328: {  	v28 =	vld [tilespmem:s15+$0x60];
	v23 =	vmul.f32 v20, v20;
	v20 =	vadd.f32 v20, v21;
	v21 =	vmul.f32 v30, v30  }
0x329: {  	v63 =	vmul.f32 v29, v29;
	v26 =	vld [tilespmem:s15+$0x70];
	v17 =	vadd.f32 v19, v17;
	v18 =	vadd.f32 v29, v18  }
0x32a: {  	v31 =	vmul.f32 v24, v24;
	v29 =	vld [tilespmem:s15+$0xE0];
	v19 =	vadd.f32 v23, v22;
	v23 =	vadd.f32 v21, v11  }
0x32b: {  	s5 =	simm.s32 $0x0;
	s11 =	simm.s32 $0xA780;
	v30 =	vld [tilespmem:s15+$0xF0];
	v21 =	vimm.f32 $0.0e+00;
	v17 =	vadd.f32 v63, v17;
	v33 =	vmul.f32 v27, v27  }
.LBB2_14:
0x32c: {  	v34 =	vld [tilespmem:s11+$0xFFFFFF00];
	v11 =	vadd.f32 v24, v11;
	v21 =	vadd.f32 v31, v21;
	v22 =	vmul.f32 v25, v25  }
0x32d: {  	v24 =	vld [tilespmem:s11+$0xFFFFFF10];
	v27 =	vadd.f32 v27, v32;
	v23 =	vadd.f32 v33, v23;
	v31 =	vmul.f32 v28, v28  }
0x32e: {  	v32 =	vld [tilespmem:s11+$0xFFFFFF80];
	v11 =	vadd.f32 v25, v11;
	v21 =	vadd.f32 v22, v21;
	v22 =	vmul.f32 v26, v26  }
0x32f: {  	v25 =	vld [tilespmem:s11+$0xFFFFFF90];
	v27 =	vadd.f32 v28, v27;
	v23 =	vadd.f32 v31, v23;
	v28 =	vmul.f32 v29, v29  }
0x330: {  	v31 =	vld [tilespmem:s11+$0x0];
	v11 =	vadd.f32 v26, v11;
	v21 =	vadd.f32 v22, v21;
	v26 =	vmul.f32 v30, v30  }
0x331: {  	v33 =	vmul.f32 v34, v34;
	v35 =	vld [tilespmem:s11+$0x10];
	v22 =	vadd.f32 v29, v27;
	v23 =	vadd.f32 v28, v23  }
0x332: {  	v27 =	vmul.f32 v24, v24;
	v28 =	vld [tilespmem:s11+$0x80];
	v11 =	vadd.f32 v30, v11;
	v21 =	vadd.f32 v26, v21  }
0x333: {  	v12 =	vadd.f32 v34, v12;
	v10 =	vadd.f32 v33, v10;
	v26 =	vmul.f32 v32, v32;
	v29 =	vld [tilespmem:s11+$0x90]  }
0x334: {  	v8 =	vadd.f32 v24, v8;
	v9 =	vadd.f32 v27, v9;
	v24 =	vld [tilespmem:s11+$0xFFFFFF20];
	v27 =	vmul.f32 v25, v25  }
0x335: {  	v12 =	vadd.f32 v32, v12;
	v30 =	vld [tilespmem:s11+$0xFFFFFF30];
	v10 =	vadd.f32 v26, v10;
	v26 =	vmul.f32 v31, v31  }
0x336: {  	v8 =	vadd.f32 v25, v8;
	v9 =	vadd.f32 v27, v9;
	v25 =	vld [tilespmem:s11+$0xFFFFFFA0];
	v27 =	vmul.f32 v35, v35  }
0x337: {  	v12 =	vadd.f32 v31, v12;
	v32 =	vld [tilespmem:s11+$0xFFFFFFB0];
	v10 =	vadd.f32 v26, v10;
	v26 =	vmul.f32 v28, v28  }
0x338: {  	v8 =	vadd.f32 v35, v8;
	v9 =	vadd.f32 v27, v9;
	v27 =	vld [tilespmem:s11+$0x20];
	v31 =	vmul.f32 v29, v29  }
0x339: {  	v12 =	vadd.f32 v28, v12;
	v33 =	vmul.f32 v24, v24;
	v34 =	vld [tilespmem:s11+$0x30];
	v10 =	vadd.f32 v26, v10  }
0x33a: {  	v8 =	vadd.f32 v29, v8;
	v26 =	vmul.f32 v30, v30;
	v9 =	vadd.f32 v31, v9;
	v28 =	vld [tilespmem:s11+$0xA0]  }
0x33b: {  	v16 =	vadd.f32 v24, v16;
	v15 =	vadd.f32 v33, v15;
	v24 =	vmul.f32 v25, v25;
	v29 =	vld [tilespmem:s11+$0xB0]  }
0x33c: {  	v13 =	vadd.f32 v30, v13;
	v14 =	vadd.f32 v26, v14;
	v26 =	vld [tilespmem:s11+$0xFFFFFF40];
	v30 =	vmul.f32 v32, v32  }
0x33d: {  	v16 =	vadd.f32 v25, v16;
	v31 =	vld [tilespmem:s11+$0xFFFFFF50];
	v15 =	vadd.f32 v24, v15;
	v24 =	vmul.f32 v27, v27  }
0x33e: {  	v13 =	vadd.f32 v32, v13;
	v14 =	vadd.f32 v30, v14;
	v25 =	vld [tilespmem:s11+$0xFFFFFFC0];
	v30 =	vmul.f32 v34, v34  }
0x33f: {  	v16 =	vadd.f32 v27, v16;
	v32 =	vld [tilespmem:s11+$0xFFFFFFD0];
	v15 =	vadd.f32 v24, v15;
	v24 =	vmul.f32 v28, v28  }
0x340: {  	v13 =	vadd.f32 v34, v13;
	v14 =	vadd.f32 v30, v14;
	v30 =	vld [tilespmem:s11+$0x40];
	v27 =	vmul.f32 v29, v29  }
0x341: {  	v16 =	vadd.f32 v28, v16;
	v33 =	vmul.f32 v26, v26;
	v34 =	vld [tilespmem:s11+$0x50];
	v15 =	vadd.f32 v24, v15  }
0x342: {  	v13 =	vadd.f32 v29, v13;
	v24 =	vmul.f32 v31, v31;
	v14 =	vadd.f32 v27, v14;
	v29 =	vld [tilespmem:s11+$0xC0]  }
0x343: {  	v20 =	vadd.f32 v26, v20;
	v19 =	vadd.f32 v33, v19;
	v26 =	vmul.f32 v25, v25;
	v33 =	vld [tilespmem:s11+$0xD0]  }
0x344: {  	v18 =	vadd.f32 v31, v18;
	v17 =	vadd.f32 v24, v17;
	v35 =	vld [tilespmem:s11+$0xFFFFFF60];
	v27 =	vmul.f32 v32, v32  }
0x345: {  	s5 =	sadd.s32 $0x4, s5;
	v20 =	vadd.f32 v25, v20;
	v24 =	vld [tilespmem:s11+$0xFFFFFF70];
	v19 =	vadd.f32 v26, v19;
	v26 =	vmul.f32 v30, v30  }
0x346: {  	p1 =	slt.u32 s5, $0x4C;
	v18 =	vadd.f32 v32, v18;
	v17 =	vadd.f32 v27, v17;
	v27 =	vld [tilespmem:s11+$0xFFFFFFE0];
	v28 =	vmul.f32 v34, v34  }
.Ltmp6:
0x347: {  	v20 =	vadd.f32 v30, v20;
	v25 =	vld [tilespmem:s11+$0xFFFFFFF0];
	v19 =	vadd.f32 v26, v19;
	v30 =	vmul.f32 v29, v29;
	(pc) =	sbr.rel @p1 .LBB2_14-.Ltmp6, $4  }
0x348: {  	v18 =	vadd.f32 v34, v18;
	v17 =	vadd.f32 v28, v17;
	v28 =	vld [tilespmem:s11+$0x60];
	v32 =	vmul.f32 v33, v33  }
0x349: {  	v20 =	vadd.f32 v29, v20;
	v34 =	vmul.f32 v35, v35;
	v26 =	vld [tilespmem:s11+$0x70];
	v19 =	vadd.f32 v30, v19  }
0x34a: {  	v18 =	vadd.f32 v33, v18;
	v31 =	vmul.f32 v24, v24;
	v17 =	vadd.f32 v32, v17;
	v29 =	vld [tilespmem:s11+$0xE0]  }
0x34b: {  	v32 =	vadd.f32 v35, v22;
	v23 =	vadd.f32 v34, v23;
	v33 =	vmul.f32 v27, v27;
	v30 =	vld [tilespmem:s11+$0xF0];
	s11 =	sadd.s32 $0x200, s11  }
0x34c: {  	v22 =	vld [tilespmem:s10+$0x50]  }
0x34d: {  	v40 =	vld [tilespmem:$0x16C80]  }
0x34e: {  	v42 =	vld [tilespmem:$0x16C90]  }
0x34f: {  	v45 =	vld [tilespmem:$0x16CA0]  }
0x350: {  	v34 =	vld [tilespmem:$0x16CB0]  }
0x351: {  	v11 =	vadd.f32 v24, v11;
	v21 =	vadd.f32 v31, v21;
	v41 =	vmul.f32 v25, v25;
	v51 =	vld [tilespmem:$0x16CC0]  }
0x352: {  	v52 =	vld [tilespmem:$0x16CD0];
	v27 =	vadd.f32 v27, v32;
	v23 =	vadd.f32 v33, v23  }
0x353: {  	v57 =	vld [tilespmem:$0x16CE0];
	v43 =	vmul.f32 v28, v28;
	v11 =	vadd.f32 v25, v11;
	v21 =	vadd.f32 v41, v21  }
0x354: {  	v58 =	vld [tilespmem:$0x16CF0];
	v44 =	vmul.f32 v26, v26;
	v27 =	vadd.f32 v28, v27;
	v47 =	vbroadcast v22, $0x0  }
0x355: {  	v63 =	vld [tilespmem:$0x16D00];
	v23 =	vadd.f32 v43, v23;
	v46 =	vmul.f32 v29, v29;
	v48 =	vmul.f32 v30, v30  }
0x356: {  	v36 =	vld [tilespmem:$0x16D10];
	v11 =	vadd.f32 v26, v11;
	v41 =	vbroadcast v22, $0x1;
	v24 =	vmul.f32 v40, v47  }
0x357: {  	v21 =	vadd.f32 v44, v21;
	v50 =	vmul.f32 v42, v47;
	v55 =	vmul.f32 v45, v47  }
0x358: {  	v49 =	vadd.f32 v29, v27;
	v56 =	vmul.f32 v34, v47;
	v61 =	vmul.f32 v51, v47  }
0x359: {  	v23 =	vadd.f32 v46, v23;
	v62 =	vmul.f32 v52, v47;
	v39 =	vmul.f32 v57, v47  }
0x35a: {  	v11 =	vadd.f32 v30, v11;
	v25 =	vmul.f32 v58, v47;
	v44 =	vmul.f32 v63, v41  }
0x35b: {  	v21 =	vadd.f32 v48, v21;
	v27 =	vmul.f32 v36, v41;
	v53 =	vmul.f32 v24, v24  }
0x35c: {  	v54 =	vmul.f32 v50, v50;
	v12 =	vadd.f32 v24, v12;
	v8 =	vadd.f32 v50, v8  }
0x35d: {  	v59 =	vmul.f32 v55, v55;
	v60 =	vmul.f32 v56, v56;
	v16 =	vadd.f32 v55, v16  }
0x35e: {  	v46 =	vld [tilespmem:$0x16D50];
	v13 =	vadd.f32 v56, v13;
	v37 =	vmul.f32 v61, v61;
	v38 =	vmul.f32 v62, v62  }
0x35f: {  	v40 =	vld [tilespmem:$0x16D20];
	v20 =	vadd.f32 v61, v20;
	v18 =	vadd.f32 v62, v18;
	v43 =	vmul.f32 v39, v39  }
0x360: {  	v42 =	vld [tilespmem:$0x16D30];
	v33 =	vmul.f32 v25, v25;
	v24 =	vadd.f32 v39, v49;
	v11 =	vadd.f32 v25, v11  }
0x361: {  	v45 =	vld [tilespmem:$0x16D40];
	v47 =	vmul.f32 v44, v44;
	v10 =	vadd.f32 v53, v10;
	v9 =	vadd.f32 v54, v9  }
0x362: {  	v48 =	vmul.f32 v27, v27;
	v15 =	vadd.f32 v59, v15;
	v14 =	vadd.f32 v60, v14  }
0x363: {  	v63 =	vld [tilespmem:$0x16DB0];
	v25 =	vmul.f32 v46, v41;
	v19 =	vadd.f32 v37, v19;
	v17 =	vadd.f32 v38, v17  }
0x364: {  	v50 =	vld [tilespmem:$0x16D60];
	v23 =	vadd.f32 v43, v23;
	v21 =	vadd.f32 v33, v21;
	v60 =	vbroadcast v22, $0x2  }
0x365: {  	v55 =	vld [tilespmem:$0x16D80];
	v12 =	vadd.f32 v44, v12;
	v22 =	vbroadcast v22, $0x3;
	v49 =	vmul.f32 v40, v41  }
0x366: {  	v56 =	vld [tilespmem:$0x16D90];
	v8 =	vadd.f32 v27, v8;
	v29 =	vmul.f32 v42, v41;
	v54 =	vmul.f32 v45, v41  }
0x367: {  	v46 =	vld [tilespmem:$0x16DF0];
	v58 =	vmul.f32 v25, v25;
	v18 =	vadd.f32 v25, v18;
	v10 =	vadd.f32 v47, v10  }
0x368: {  	v53 =	vld [tilespmem:$0x16D70];
	v9 =	vadd.f32 v48, v9;
	v43 =	vmul.f32 v63, v60;
	v51 =	vmul.f32 v49, v49  }
0x369: {  	v61 =	vld [tilespmem:$0x16DA0];
	v52 =	vmul.f32 v29, v29;
	v16 =	vadd.f32 v49, v16;
	v13 =	vadd.f32 v29, v13  }
0x36a: {  	v38 =	vld [tilespmem:$0x16DC0];
	v57 =	vmul.f32 v54, v54;
	v20 =	vadd.f32 v54, v20;
	v59 =	vmul.f32 v50, v41  }
0x36b: {  	v44 =	vld [tilespmem:$0x16DE0];
	v17 =	vadd.f32 v58, v17;
	v30 =	vmul.f32 v55, v60;
	v29 =	vmul.f32 v56, v60  }
0x36c: {  	v42 =	vld [tilespmem:$0x16DD0];
	v47 =	vmul.f32 v43, v43;
	v27 =	vmul.f32 v46, v60;
	v15 =	vadd.f32 v51, v15  }
0x36d: {  	v14 =	vadd.f32 v52, v14;
	v19 =	vadd.f32 v57, v19;
	v62 =	vmul.f32 v53, v41  }
0x36e: {  	v36 =	vmul.f32 v59, v59;
	v24 =	vadd.f32 v59, v24;
	v39 =	vmul.f32 v30, v30  }
0x36f: {  	v40 =	vmul.f32 v29, v29;
	v41 =	vmul.f32 v61, v60;
	v12 =	vadd.f32 v30, v12  }
0x370: {  	v33 =	vld [tilespmem:$0x16E50];
	v8 =	vadd.f32 v29, v8;
	v48 =	vmul.f32 v38, v60;
	v28 =	vmul.f32 v44, v60  }
0x371: {  	v49 =	vld [tilespmem:$0x16E00];
	v13 =	vadd.f32 v43, v13;
	v51 =	vmul.f32 v42, v60;
	v58 =	vmul.f32 v27, v27  }
0x372: {  	v52 =	vld [tilespmem:$0x16E10];
	v37 =	vmul.f32 v62, v62;
	v23 =	vadd.f32 v36, v23;
	v11 =	vadd.f32 v62, v11  }
0x373: {  	v53 =	vld [tilespmem:$0x16E20];
	v10 =	vadd.f32 v39, v10;
	v9 =	vadd.f32 v40, v9;
	v45 =	vmul.f32 v41, v41  }
0x374: {  	v57 =	vld [tilespmem:$0x16E30];
	v16 =	vadd.f32 v41, v16;
	v14 =	vadd.f32 v47, v14;
	v50 =	vmul.f32 v48, v48  }
0x375: {  	v61 =	vld [tilespmem:$0x16E40];
	v20 =	vadd.f32 v48, v20;
	v55 =	vmul.f32 v28, v28;
	v24 =	vadd.f32 v28, v24  }
0x376: {  	v38 =	vld [tilespmem:$0x16E60];
	v54 =	vmul.f32 v51, v51;
	v18 =	vadd.f32 v51, v18;
	v21 =	vadd.f32 v37, v21  }
0x377: {  	v56 =	vmul.f32 v49, v22;
	v15 =	vadd.f32 v45, v15;
	v19 =	vadd.f32 v50, v19  }
0x378: {  	v23 =	vadd.f32 v55, v23;
	v11 =	vadd.f32 v27, v11;
	v27 =	vmul.f32 v33, v22  }
0x379: {  	v17 =	vadd.f32 v54, v17;
	v59 =	vmul.f32 v56, v56;
	v60 =	vmul.f32 v52, v22  }
0x37a: {  	v62 =	vmul.f32 v53, v22;
	v12 =	vadd.f32 v56, v12;
	v35 =	vmul.f32 v57, v22  }
0x37b: {  	v37 =	vmul.f32 v61, v22;
	v48 =	vmul.f32 v38, v22;
	v21 =	vadd.f32 v58, v21  }
0x37c: {  	v46 =	vadd.f32 v27, v18;
	v63 =	vmul.f32 v60, v60;
	v8 =	vadd.f32 v60, v8  }
0x37d: {  	v10 =	vadd.f32 v59, v10;
	v34 =	vmul.f32 v62, v62;
	v16 =	vadd.f32 v62, v16  }
0x37e: {  	v12 =	vmul.f32 v12, v12;
	v9 =	vadd.f32 v63, v9;
	v8 =	vmul.f32 v8, v8  }
0x37f: {  	v36 =	vmul.f32 v35, v35;
	v13 =	vadd.f32 v35, v13;
	v15 =	vadd.f32 v34, v15  }
0x380: {  	v40 =	vld [tilespmem:$0x16E70];
	v10 =	vsub.f32 v12, v10;
	v41 =	vmul.f32 v16, v16;
	v8 =	vsub.f32 v8, v9  }
0x381: {  	v39 =	vmul.f32 v37, v37;
	v42 =	vadd.f32 v37, v20;
	v14 =	vadd.f32 v36, v14  }
0x382: {  	v45 =	vmul.f32 v13, v13;
	v9 =	vsub.f32 v41, v15;
	v8 =	vadd.f32 v8, v10  }
0x383: {  	v44 =	vmul.f32 v27, v27;
	v51 =	vadd.f32 v48, v24;
	v43 =	vadd.f32 v39, v19  }
0x384: {  	v50 =	vmul.f32 v42, v42;
	v49 =	vsub.f32 v45, v14;
	v8 =	vadd.f32 v9, v8  }
0x385: {  	v52 =	vmul.f32 v48, v48;
	v53 =	vmul.f32 v40, v22;
	v47 =	vadd.f32 v44, v17  }
0x386: {  	v55 =	vmul.f32 v46, v46;
	v54 =	vsub.f32 v50, v43;
	v8 =	vadd.f32 v49, v8  }
0x387: {  	v56 =	vadd.f32 v52, v23;
	v11 =	vadd.f32 v53, v11;
	v57 =	vmul.f32 v53, v53  }
0x388: {  	v59 =	vmul.f32 v51, v51;
	v58 =	vsub.f32 v55, v47;
	v8 =	vadd.f32 v54, v8  }
0x389: {  	v60 =	vadd.f32 v57, v21  }
0x38a: {  	s8 =	sadd.s32 $0x1, s8;
	v61 =	vsub.f32 v59, v56;
	v62 =	vmul.f32 v11, v11;
	v8 =	vadd.f32 v58, v8  }
0x38b: {  	p1 =	sne.s32 s8, $0x20  }
.Ltmp7:
0x38c: {  	v63 =	vsub.f32 v62, v60;
	v8 =	vadd.f32 v61, v8;
	(pc) =	sbr.rel @p1 .LBB2_7-.Ltmp7, $4  }
0x38d: {  	_ = 	snop  }
0x38e: {  	s5 =	sshll.u32 s9, $0x4;
	v8 =	vadd.f32 v63, v8  }
0x38f: {  	s5 =	sand.u32 $0x3FFFFFF0, s5  }
0x390: {  	[tilespmem:s5+$0x16E80] =	vst v8  }
0x391: {  	v9 =	vand.u32 $0x7, v3  }
0x392: {  	v8 =	vmul.u32 $0x10, v3;
	v10 =	vmul.u32 $0x10, v9  }
0x393: {  	s5 =	simm.s32 $0x0  }
0x394: {  	v11 =	vor.u32 s5, v8;
	v12 =	vor.u32 $0xFFFFFF80, v10  }
0x395: {  	v11 =	vand.u32 v12, v11  }
0x396: {  	v13 =	vor.u32 $0x1, v8  }
0x397: {  	v14 =	vor.u32 s5, v13  }
0x398: {  	v10 =	vor.u32 $0x2, v8  }
0x399: {  	v15 =	vor.u32 s5, v10  }
0x39a: {  	v16 =	vld.idx.msk [tilespmem:v11+s6+$0x0], $0xffff;
	v11 =	vor.u32 $0x3, v8  }
0x39b: {  	v17 =	vor.u32 s5, v11  }
0x39c: {  	v18 =	vld.idx.msk [tilespmem:v14+s6+$0x0], $0xffff;
	v14 =	vor.u32 $0x4, v8  }
0x39d: {  	v19 =	vor.u32 s5, v14  }
0x39e: {  	v20 =	vld.idx.msk [tilespmem:v15+s6+$0x0], $0xffff;
	v15 =	vor.u32 $0x5, v8  }
0x39f: {  	v21 =	vor.u32 s5, v15;
	v22 =	vadd.f32 $0.0e+00, v16  }
0x3a0: {  	v16 =	vor.u32 $0x6, v8;
	v23 =	vld.idx.msk [tilespmem:v17+s6+$0x0], $0xffff  }
0x3a1: {  	v24 =	vor.u32 s5, v16;
	v18 =	vadd.f32 v18, v22  }
0x3a2: {  	v17 =	vor.u32 $0x7, v8;
	v22 =	vld.idx.msk [tilespmem:v19+s6+$0x0], $0xffff  }
0x3a3: {  	v25 =	vor.u32 s5, v17;
	v19 =	vadd.f32 v20, v18  }
0x3a4: {  	v21 =	vld.idx.msk [tilespmem:v21+s6+$0x0], $0xffff;
	v18 =	vor.u32 $0x8, v8  }
0x3a5: {  	v26 =	vor.u32 s5, v18;
	v20 =	vadd.f32 v23, v19  }
0x3a6: {  	v23 =	vld.idx.msk [tilespmem:v24+s6+$0x0], $0xffff;
	v19 =	vor.u32 $0x9, v8  }
0x3a7: {  	v24 =	vor.u32 s5, v19;
	v22 =	vadd.f32 v22, v20  }
0x3a8: {  	v25 =	vld.idx.msk [tilespmem:v25+s6+$0x0], $0xffff;
	v20 =	vor.u32 $0xA, v8  }
0x3a9: {  	v27 =	vor.u32 s5, v20;
	v22 =	vadd.f32 v21, v22  }
0x3aa: {  	v26 =	vld.idx.msk [tilespmem:v26+s6+$0x0], $0xffff;
	v21 =	vor.u32 $0xB, v8  }
0x3ab: {  	v28 =	vor.u32 s5, v21;
	v23 =	vadd.f32 v23, v22  }
0x3ac: {  	v29 =	vld.idx.msk [tilespmem:v24+s6+$0x0], $0xffff;
	v22 =	vor.u32 $0xC, v8  }
0x3ad: {  	v30 =	vor.u32 s5, v22;
	v24 =	vadd.f32 v25, v23  }
0x3ae: {  	v27 =	vld.idx.msk [tilespmem:v27+s6+$0x0], $0xffff;
	v23 =	vor.u32 $0xD, v8  }
0x3af: {  	v31 =	vor.u32 s5, v23;
	v25 =	vadd.f32 v26, v24  }
0x3b0: {  	v26 =	vld.idx.msk [tilespmem:v28+s6+$0x0], $0xffff;
	v24 =	vor.u32 $0xE, v8  }
0x3b1: {  	v28 =	vor.u32 s5, v24;
	v29 =	vadd.f32 v29, v25  }
0x3b2: {  	v30 =	vld.idx.msk [tilespmem:v30+s6+$0x0], $0xffff;
	v25 =	vor.u32 $0xF, v8  }
0x3b3: {  	v32 =	vor.u32 s5, v25;
	v27 =	vadd.f32 v27, v29  }
0x3b4: {  	v29 =	vld.idx.msk [tilespmem:v31+s6+$0x0], $0xffff  }
0x3b5: {  	v26 =	vadd.f32 v26, v27  }
0x3b6: {  	v27 =	vld.idx.msk [tilespmem:v28+s6+$0x0], $0xffff  }
0x3b7: {  	v26 =	vadd.f32 v30, v26  }
0x3b8: {  	v28 =	vld.idx.msk [tilespmem:v32+s6+$0x0], $0xffff  }
0x3b9: {  	v26 =	vadd.f32 v29, v26;
	_ =	sdelay $0x1  }
0x3ba: {  	s8 =	simm.s32 $0x100;
	v26 =	vadd.f32 v27, v26  }
0x3bb: {  	v27 =	vor.u32 s8, v8  }
0x3bc: {  	v27 =	vand.u32 v12, v27;
	v26 =	vadd.f32 v28, v26;
	_ =	sdelay $0x1  }
0x3bd: {  	v28 =	vor.u32 s8, v13;
	v26 =	vmul.f32 $5.000000000e-01, v26  }
0x3be: {  	s5 =	simm.s32 $0x17680  }
0x3bf: {  	v29 =	vor.u32 s8, v10;
	[tilespmem:s5+$0x0] =	vst v26  }
0x3c0: {  	v26 =	vld.idx.msk [tilespmem:v27+s6+$0x0], $0xffff  }
0x3c1: {  	v27 =	vor.u32 s8, v11  }
0x3c2: {  	v28 =	vld.idx.msk [tilespmem:v28+s6+$0x0], $0xffff  }
0x3c3: {  	v30 =	vor.u32 s8, v14  }
0x3c4: {  	v29 =	vld.idx.msk [tilespmem:v29+s6+$0x0], $0xffff  }
0x3c5: {  	v31 =	vor.u32 s8, v15;
	v26 =	vadd.f32 $0.0e+00, v26  }
0x3c6: {  	v27 =	vld.idx.msk [tilespmem:v27+s6+$0x0], $0xffff  }
0x3c7: {  	v61 =	vor.u32 s8, v16;
	v26 =	vadd.f32 v28, v26  }
0x3c8: {  	v28 =	vld.idx.msk [tilespmem:v30+s6+$0x0], $0xffff  }
0x3c9: {  	v30 =	vor.u32 s8, v17;
	v26 =	vadd.f32 v29, v26  }
0x3ca: {  	v29 =	vld.idx.msk [tilespmem:v31+s6+$0x0], $0xffff  }
0x3cb: {  	v31 =	vor.u32 s8, v18;
	v26 =	vadd.f32 v27, v26  }
0x3cc: {  	v27 =	vld.idx.msk [tilespmem:v61+s6+$0x0], $0xffff  }
0x3cd: {  	v62 =	vor.u32 s8, v19;
	v26 =	vadd.f32 v28, v26  }
0x3ce: {  	v28 =	vld.idx.msk [tilespmem:v30+s6+$0x0], $0xffff  }
0x3cf: {  	v30 =	vor.u32 s8, v20;
	v26 =	vadd.f32 v29, v26  }
0x3d0: {  	v29 =	vld.idx.msk [tilespmem:v31+s6+$0x0], $0xffff  }
0x3d1: {  	v31 =	vor.u32 s8, v21;
	v26 =	vadd.f32 v27, v26  }
0x3d2: {  	v27 =	vld.idx.msk [tilespmem:v62+s6+$0x0], $0xffff  }
0x3d3: {  	v63 =	vor.u32 s8, v22;
	v26 =	vadd.f32 v28, v26  }
0x3d4: {  	v28 =	vld.idx.msk [tilespmem:v30+s6+$0x0], $0xffff  }
0x3d5: {  	v26 =	vadd.f32 v29, v26  }
0x3d6: {  	v30 =	vor.u32 s8, v23;
	v29 =	vld.idx.msk [tilespmem:v31+s6+$0x0], $0xffff  }
0x3d7: {  	v26 =	vadd.f32 v27, v26  }
0x3d8: {  	v31 =	vor.u32 s8, v24;
	v27 =	vld.idx.msk [tilespmem:v63+s6+$0x0], $0xffff  }
0x3d9: {  	v26 =	vadd.f32 v28, v26  }
0x3da: {  	v28 =	vor.u32 s8, v25  }
0x3db: {  	v30 =	vld.idx.msk [tilespmem:v30+s6+$0x0], $0xffff;
	v26 =	vadd.f32 v29, v26;
	_ =	sdelay $0x1  }
0x3dc: {  	v29 =	vadd.f32 v27, v26;
	v27 =	vld.idx.msk [tilespmem:v31+s6+$0x0], $0xffff;
	_ =	sdelay $0x1  }
0x3dd: {  	v26 =	vld.idx.msk [tilespmem:v28+s6+$0x0], $0xffff  }
0x3de: {  	s9 =	simm.s32 $0x300;
	s8 =	simm.s32 $0x200;
	v28 =	vadd.f32 v30, v29  }
.LBB2_17:
0x3df: {  	p1 =	sne.s32 s9, $0x700;
	v29 =	vmul.u32 $0x10, v9  }
0x3e0: {  	v27 =	vadd.f32 v27, v28  }
0x3e1: {  	v28 =	vor.u32 s8, v8;
	v29 =	vor.u32 $0xFFFFFF80, v29  }
0x3e2: {  	v28 =	vand.u32 v29, v28;
	v26 =	vadd.f32 v26, v27;
	_ =	sdelay $0x1  }
0x3e3: {  	v27 =	vor.u32 s8, v13;
	v26 =	vmul.f32 $5.000000000e-01, v26  }
0x3e4: {  	s5 =	sadd.s32 $0x10, s5  }
0x3e5: {  	v29 =	vor.u32 s8, v10;
	[tilespmem:s5+$0x0] =	vst v26  }
0x3e6: {  	v26 =	vld.idx.msk [tilespmem:v28+s6+$0x0], $0xffff  }
0x3e7: {  	v28 =	vor.u32 s8, v11  }
0x3e8: {  	v27 =	vld.idx.msk [tilespmem:v27+s6+$0x0], $0xffff  }
0x3e9: {  	v30 =	vor.u32 s8, v14  }
0x3ea: {  	v29 =	vld.idx.msk [tilespmem:v29+s6+$0x0], $0xffff  }
0x3eb: {  	v31 =	vor.u32 s8, v15  }
0x3ec: {  	v26 =	vadd.f32 $0.0e+00, v26;
	v28 =	vld.idx.msk [tilespmem:v28+s6+$0x0], $0xffff  }
0x3ed: {  	v32 =	vor.u32 s8, v16  }
0x3ee: {  	v26 =	vadd.f32 v27, v26;
	v27 =	vld.idx.msk [tilespmem:v30+s6+$0x0], $0xffff  }
0x3ef: {  	v30 =	vor.u32 s8, v17  }
0x3f0: {  	v26 =	vadd.f32 v29, v26;
	v29 =	vld.idx.msk [tilespmem:v31+s6+$0x0], $0xffff  }
0x3f1: {  	v31 =	vor.u32 s8, v18  }
0x3f2: {  	v26 =	vadd.f32 v28, v26;
	v28 =	vld.idx.msk [tilespmem:v32+s6+$0x0], $0xffff  }
0x3f3: {  	v32 =	vor.u32 s8, v19  }
0x3f4: {  	v26 =	vadd.f32 v27, v26;
	v27 =	vld.idx.msk [tilespmem:v30+s6+$0x0], $0xffff  }
0x3f5: {  	v30 =	vor.u32 s8, v20  }
0x3f6: {  	v26 =	vadd.f32 v29, v26;
	v29 =	vld.idx.msk [tilespmem:v31+s6+$0x0], $0xffff  }
0x3f7: {  	v31 =	vor.u32 s8, v21  }
0x3f8: {  	v26 =	vadd.f32 v28, v26;
	v28 =	vld.idx.msk [tilespmem:v32+s6+$0x0], $0xffff  }
0x3f9: {  	v32 =	vor.u32 s8, v22  }
0x3fa: {  	v26 =	vadd.f32 v27, v26;
	v27 =	vld.idx.msk [tilespmem:v30+s6+$0x0], $0xffff  }
0x3fb: {  	v30 =	vor.u32 s8, v23  }
0x3fc: {  	v26 =	vadd.f32 v29, v26;
	v29 =	vld.idx.msk [tilespmem:v31+s6+$0x0], $0xffff  }
0x3fd: {  	v31 =	vor.u32 s8, v24  }
0x3fe: {  	v26 =	vadd.f32 v28, v26;
	v28 =	vld.idx.msk [tilespmem:v32+s6+$0x0], $0xffff  }
0x3ff: {  	v32 =	vor.u32 s8, v25;
	s8 =	smov.u32 s9  }
0x400: {  	v26 =	vadd.f32 v27, v26;
	v30 =	vld.idx.msk [tilespmem:v30+s6+$0x0], $0xffff;
	_ =	sdelay $0x1  }
.Ltmp8:
0x401: {  	v26 =	vadd.f32 v29, v26;
	v27 =	vld.idx.msk [tilespmem:v31+s6+$0x0], $0xffff;
	(pc) =	sbr.rel @p1 .LBB2_17-.Ltmp8, $3  }
0x402: {  	_ = 	snop  }
0x403: {  	v28 =	vadd.f32 v28, v26;
	v26 =	vld.idx.msk [tilespmem:v32+s6+$0x0], $0xffff;
	_ =	sdelay $0x1  }
0x404: {  	s9 =	sadd.s32 $0x100, s9;
	v28 =	vadd.f32 v30, v28  }
0x405: {  	_ = 	snop  }
0x406: {  	v9 =	vadd.f32 v27, v28  }
0x407: {  	v8 =	vor.u32 s8, v8  }
0x408: {  	v8 =	vand.u32 v12, v8;
	v9 =	vadd.f32 v26, v9;
	_ =	sdelay $0x1  }
0x409: {  	v37 =	vor.u32 s8, v13;
	v9 =	vmul.f32 $5.000000000e-01, v9  }
0x40a: {  	s5 =	sadd.s32 $0x10, s5  }
0x40b: {  	v10 =	vor.u32 s8, v10;
	[tilespmem:s5+$0x0] =	vst v9  }
0x40c: {  	v8 =	vld.idx.msk [tilespmem:v8+s6+$0x0], $0xffff  }
0x40d: {  	v38 =	vor.u32 s8, v11  }
0x40e: {  	v39 =	vld.idx.msk [tilespmem:v37+s6+$0x0], $0xffff  }
0x40f: {  	v40 =	vor.u32 s8, v14  }
0x410: {  	v10 =	vld.idx.msk [tilespmem:v10+s6+$0x0], $0xffff  }
0x411: {  	v41 =	vor.u32 s8, v15;
	v8 =	vadd.f32 $0.0e+00, v8  }
0x412: {  	v9 =	vld.idx.msk [tilespmem:v38+s6+$0x0], $0xffff  }
0x413: {  	v42 =	vor.u32 s8, v16;
	v8 =	vadd.f32 v39, v8  }
0x414: {  	v43 =	vld.idx.msk [tilespmem:v40+s6+$0x0], $0xffff  }
0x415: {  	v44 =	vor.u32 s8, v17;
	v8 =	vadd.f32 v10, v8  }
0x416: {  	v45 =	vld.idx.msk [tilespmem:v41+s6+$0x0], $0xffff  }
0x417: {  	v46 =	vor.u32 s8, v18;
	v8 =	vadd.f32 v9, v8  }
0x418: {  	v47 =	vld.idx.msk [tilespmem:v42+s6+$0x0], $0xffff  }
0x419: {  	v48 =	vor.u32 s8, v19;
	v8 =	vadd.f32 v43, v8  }
0x41a: {  	v49 =	vld.idx.msk [tilespmem:v44+s6+$0x0], $0xffff  }
0x41b: {  	v50 =	vor.u32 s8, v20;
	v8 =	vadd.f32 v45, v8  }
0x41c: {  	v51 =	vld.idx.msk [tilespmem:v46+s6+$0x0], $0xffff  }
0x41d: {  	v52 =	vor.u32 s8, v21;
	v8 =	vadd.f32 v47, v8  }
0x41e: {  	v53 =	vld.idx.msk [tilespmem:v48+s6+$0x0], $0xffff  }
0x41f: {  	v54 =	vor.u32 s8, v22;
	v8 =	vadd.f32 v49, v8  }
0x420: {  	v55 =	vld.idx.msk [tilespmem:v50+s6+$0x0], $0xffff  }
0x421: {  	v56 =	vor.u32 s8, v23;
	v8 =	vadd.f32 v51, v8  }
0x422: {  	v57 =	vld.idx.msk [tilespmem:v52+s6+$0x0], $0xffff  }
0x423: {  	v58 =	vor.u32 s8, v24;
	v8 =	vadd.f32 v53, v8  }
0x424: {  	v59 =	vld.idx.msk [tilespmem:v54+s6+$0x0], $0xffff  }
0x425: {  	v60 =	vor.u32 s8, v25;
	v8 =	vadd.f32 v55, v8  }
0x426: {  	v61 =	vld.idx.msk [tilespmem:v56+s6+$0x0], $0xffff  }
0x427: {  	v8 =	vadd.f32 v57, v8  }
0x428: {  	v62 =	vld.idx.msk [tilespmem:v58+s6+$0x0], $0xffff  }
0x429: {  	v8 =	vadd.f32 v59, v8  }
0x42a: {  	v63 =	vld.idx.msk [tilespmem:v60+s6+$0x0], $0xffff  }
0x42b: {  	v8 =	vadd.f32 v61, v8;
	_ =	sdelay $0x1  }
0x42c: {  	v8 =	vadd.f32 v62, v8;
	_ =	sdelay $0x1  }
0x42d: {  	v8 =	vadd.f32 v63, v8;
	_ =	sdelay $0x1  }
0x42e: {  	s7 =	sadd.s32 $0x1, s7;
	v8 =	vmul.f32 $5.000000000e-01, v8  }
0x42f: {  	p1 =	sne.s32 s7, s2;
	s5 =	sadd.s32 $0x10, s5  }
.Ltmp9:
0x430: {  	s13 =	rddreg [dreg:$0x12];
	s15 =	simm.s32 $0x17680;
	[tilespmem:s5+$0x0] =	vst v8;
	(pc) =	sbr.rel @p1 .LBB2_1-.Ltmp9, $4  }
0x431: {  	[hbm4b:s13+s3] =	stream.linear.scatter [tilespmem:s15], [sflag:$0x9], $0x80, $0x38;
	[tilespmem:$0x17B00] =	vst v63  }
0x432: {  	_ =	swait.ge [sflag:s14], $0x80  }
0x433: {  	[sflag:s14] =	ssyncset.done $0x0  }
0x434: {  	[sflag:s14] =	ssyncadd.s32 $0xFFFFFF80  }
0x435: {  	_ =	sfence.sel $0x180000  }
0x436: {  	[bflag:$0x0] =	sbarrier.arrive $0xFFFF  }
0x437: {  	_ =	strace $0x90000047  }
0x438: {  	s0 =	stileid.u32;
	[bflag:$0x2] =	sbarrier.arrive $0xFFFF  }
0x439: {  	p0 =	sne.s32 s0, $0x0;
	s0 =	rddreg [dreg:$0xb]  }
0x43a: {  	s0 =	sadd.s32 @!p0 $0x100000, s0  }
0x43b: {  	[sflag:s0] =	ssyncadd.tile.s32 @!p0 $0x1;
	_ =	shalt  }
.Lfunc_end2:
_tile_overlayer_lowered:
.L_overlay_start_2:
0x43c: {  	(tag) =	ssettag $0x2  }
0x43d: {  	s0 =	rddreg [dreg:$0x0];
	s2 =	stileid.u32  }
0x43e: {  	s1 =	rddreg [dreg:$0x1];
	p0 =	sne.s32 s2, $0x0  }
0x43f: {  	s3 =	rddreg [dreg:$0x2];
	[bflag:$0x3] =	sbarrier.arrive $0xFFFF;
	s2 =	simm.s32 @!p0 $0x1C09  }
0x440: {  	[timem:s3], [sflag:s2] =	dma.local @!p0 [hbm:s0], s1  }
0x441: {  	s0 =	simm.s32 @!p0 $0x9  }
0x442: {  	_ =	swait.ge @!p0 [sflag:s0], s1  }
0x443: {  	s1 =	ssub.s32 @!p0 $0x0, s1;
	[sflag:s0] =	ssyncset.done @!p0 $0x0  }
0x444: {  	[sflag:s0] =	ssyncadd.s32 @!p0 s1  }
0x445: {  	[bflag:$0x3] =	sbarrier.arrive $0xFFFF  }
0x446: {  	_ =	shalt  }

</sc_bundles>
